<compile_context>
chip_gen: v7x
topology: tpu7x:2x2x1
jax: 0.10.2.dev20260603
libtpu: 0.0.44.dev20260713+nightly
codegen_flags: <defaults>
</compile_context>

<pallas_src>
import functools

import jax
import jax.numpy as jnp
from jax import lax
from jax.experimental import pallas as pl
from jax.experimental.pallas import tpu as pltpu
from jax.experimental.pallas import tpu_sc as plsc

_IDS = [0, 195, 13, 182, 90, 110, 175, 6, 84, 45, 51, 129, 135, 69, 186, 3,
        9, 42, 48, 87, 93, 126, 132, 152, 192, 25, 81, 155, 159, 41, 53, 157,
        163, 184, 15, 18, 21, 30, 33, 36, 38, 57, 60, 63, 66, 72, 75, 78, 97,
        99, 102, 105, 108, 114, 117, 120, 123, 125, 142, 144, 147, 150, 165,
        167, 180, 188, 190, 1, 2, 4, 5, 7, 8, 10, 11, 12, 14, 16, 17, 19, 20,
        22, 23, 24, 26, 27, 28, 29, 31, 32, 34, 35, 37, 39, 40, 43, 44, 46,
        47, 49, 50, 52, 54, 55, 56, 58, 59, 61, 62, 64, 65, 67, 68, 70, 71,
        73, 74, 76, 77, 79, 80, 82, 83, 85, 86, 88, 89, 91, 92, 94, 95, 96,
        98, 100, 101, 103, 104, 106, 107, 109, 111, 112, 113, 115, 116, 118,
        119, 121, 122, 124, 127, 128, 130, 131, 133, 134, 136, 137, 138, 139,
        140, 141, 143, 145, 146, 148, 149, 151, 153, 154, 156, 158, 160, 161,
        162, 164, 166, 168, 169, 170, 171, 172, 173, 174, 176, 177, 178, 179,
        181, 183, 185, 187, 189, 191, 193, 194]


_NB = 4
_CH = 48
_TAIL = 16


def _sc_body(in_hbm, ids48_hbm, ids16_hbm, oidx_hbm, out_hbm,
             idx48, idx16, oidx, vbufs, vtails, gsems, wsems):
    ncores = 2
    wid = lax.axis_index("s") * ncores + lax.axis_index("c")
    pltpu.sync_copy(ids48_hbm, idx48)
    pltpu.sync_copy(ids16_hbm, idx16)
    pltpu.sync_copy(oidx_hbm, oidx)

    tasks = [(bi, c) for bi in range(_NB) for c in range(4)]

    def g_copy(t, k):
        bi, c = tasks[t]
        return pltpu.make_async_copy(
            in_hbm.at[wid * _NB + bi].at[idx48.at[c]], vbufs.at[k],
            gsems.at[k])

    def w_copy(t, k):
        bi, c = tasks[t]
        return pltpu.make_async_copy(
            vbufs.at[k],
            out_hbm.at[wid * _NB + bi, pl.ds(c * _CH, _CH), :], wsems.at[k])

    n = len(tasks)
    g_copy(0, 0).start()
    for t in range(n):
        k = t % 2
        g_copy(t, k).wait()
        w_copy(t, k).start()
        if t + 1 < n:
            k2 = (t + 1) % 2
            if t >= 1:
                w_copy(t - 1, k2).wait()
            g_copy(t + 1, k2).start()
    w_copy(n - 2, n % 2).wait()
    w_copy(n - 1, (n - 1) % 2).wait()

    def gt_copy(bi, k):
        return pltpu.make_async_copy(
            in_hbm.at[wid * _NB + bi].at[idx16], vtails.at[k], gsems.at[k])

    def wt_copy(bi, k):
        return pltpu.make_async_copy(
            vtails.at[k], out_hbm.at[wid * _NB + bi].at[oidx], wsems.at[k])

    gt_copy(0, 0).start()
    for bi in range(_NB):
        k = bi % 2
        gt_copy(bi, k).wait()
        wt_copy(bi, k).start()
        if bi + 1 < _NB:
            k2 = (bi + 1) % 2
            if bi >= 1:
                wt_copy(bi - 1, k2).wait()
            gt_copy(bi + 1, k2).start()
    wt_copy(_NB - 2, _NB % 2).wait()
    wt_copy(_NB - 1, (_NB - 1) % 2).wait()


def kernel(inputs):
    b, t, d = inputs.shape
    ids48 = jnp.asarray([_IDS[c * _CH:(c + 1) * _CH] for c in range(4)],
                        dtype=jnp.int32)
    ids16 = jnp.asarray(_IDS[t - _TAIL:], dtype=jnp.int32)
    oidx = jnp.asarray(list(range(t - _TAIL, t)), dtype=jnp.int32)
    mesh = plsc.VectorSubcoreMesh(core_axis_name="c", subcore_axis_name="s")
    run = functools.partial(
        pl.kernel,
        out_type=jax.ShapeDtypeStruct((b, t, d), inputs.dtype),
        mesh=mesh,
        scratch_types=[
            pltpu.VMEM((4, _CH), jnp.int32),
            pltpu.VMEM((_TAIL,), jnp.int32),
            pltpu.VMEM((_TAIL,), jnp.int32),
            pltpu.VMEM((2, _CH, 768), jnp.float32),
            pltpu.VMEM((2, _TAIL, 768), jnp.float32),
            pltpu.SemaphoreType.DMA((2,)),
            pltpu.SemaphoreType.DMA((2,)),
        ],
    )(_sc_body)
    return run(inputs, ids48, ids16, oidx)

# --- scband reference (transcript-rebuilt; emitter-appended) ---
"""Pipeline reference for scband-farthest-shuffler-35167192220416 (READ-ONLY COPY).

The authoritative reference and input builder live on the scoring server;
editing this copy changes nothing except your own understanding.
"""

import jax, jax.numpy as jnp
import numpy as np

IDS_SHUFFLE = jnp.array([0, 195, 13, 182, 90, 110, 175, 6, 84, 45, 51, 129, 135, 69, 186, 3, 9, 42, 48, 87, 93, 126, 132, 152, 192, 25, 81, 155, 159, 41, 53, 157, 163, 184, 15, 18, 21, 30, 33, 36, 38, 57, 60, 63, 66, 72, 75, 78, 97, 99, 102, 105, 108, 114, 117, 120, 123, 125, 142, 144, 147, 150, 165, 167, 180, 188, 190, 1, 2, 4, 5, 7, 8, 10, 11, 12, 14, 16, 17, 19, 20, 22, 23, 24, 26, 27, 28, 29, 31, 32, 34, 35, 37, 39, 40, 43, 44, 46, 47, 49, 50, 52, 54, 55, 56, 58, 59, 61, 62, 64, 65, 67, 68, 70, 71, 73, 74, 76, 77, 79, 80, 82, 83, 85, 86, 88, 89, 91, 92, 94, 95, 96, 98, 100, 101, 103, 104, 106, 107, 109, 111, 112, 113, 115, 116, 118, 119, 121, 122, 124, 127, 128, 130, 131, 133, 134, 136, 137, 138, 139, 140, 141, 143, 145, 146, 148, 149, 151, 153, 154, 156, 158, 160, 161, 162, 164, 166, 168, 169, 170, 171, 172, 173, 174, 176, 177, 178, 179, 181, 183, 185, 187, 189, 191, 193, 194], dtype=jnp.int64 if jax.config.jax_enable_x64 else jnp.int32)


def setup_inputs(seed: int = 0) -> dict:
    key = jax.random.key(seed)
    inputs = jax.random.normal(key, (128, 196, 768), dtype=jnp.float32)
    return {"inputs": inputs}


def reference(inputs):
    # FarthestShuffler.__call__: fixed gather along token axis
    outputs = jnp.take(inputs, IDS_SHUFFLE, axis=1)
    return outputs

if __name__ == "__main__":
    import jax
    _d = setup_inputs()
    print(jax.jit(kernel)(*tuple(_d.values())))

</pallas_src>

<mosaic_0001>
#map = affine_map<(d0, d1) -> (0, 0, 0)>
#map1 = affine_map<(d0, d1) -> (0, 0)>
#map2 = affine_map<(d0, d1) -> (0)>
module attributes {stable_mosaic.version = 14 : i64} {
  func.func @_sc_body(%arg0: i32, %arg1: i32, %arg2: memref<128x196x768xf32, #tpu.memory_space<hbm>>, %arg3: memref<4x48xi32, #tpu.memory_space<hbm>>, %arg4: memref<16xi32, #tpu.memory_space<hbm>>, %arg5: memref<16xi32, #tpu.memory_space<hbm>>, %arg6: memref<128x196x768xf32, #tpu.memory_space<hbm>>, %arg7: memref<4x48xi32, #tpu.memory_space<vmem>>, %arg8: memref<16xi32, #tpu.memory_space<vmem>>, %arg9: memref<16xi32, #tpu.memory_space<vmem>>, %arg10: memref<2x48x768xf32, #tpu.memory_space<vmem>>, %arg11: memref<2x16x768xf32, #tpu.memory_space<vmem>>, %arg12: memref<2x!tpu.dma_semaphore, #tpu.memory_space<semaphore_mem>>, %arg13: memref<2x!tpu.dma_semaphore, #tpu.memory_space<semaphore_mem>>) attributes {dimension_semantics = [#tpu.dimension_semantics<core_parallel>, #tpu.dimension_semantics<subcore_parallel>], iteration_bounds = array<i64: 2, 16>, scalar_prefetch = 0 : i64, scratch_operands = 7 : i64, tpu.core_type = #tpu.core_type<sc_vector_subcore>, window_params = [{transform_indices = #map}, {transform_indices = #map1}, {transform_indices = #map2}, {transform_indices = #map2}, {transform_indices = #map}]} {
    %mul3A = arith.constant 2 : i32
    %mul3A_0 = arith.muli %arg1, %mul3A : i32
    %add3A = arith.addi %mul3A_0, %arg0 : i32
    "tpu.region"() ({
      %run_scoped3A = tpu.sem_alloc : memref<!tpu.dma_semaphore, #tpu.memory_space<semaphore_mem>>
      tpu.enqueue_dma source(%arg3 : memref<4x48xi32, #tpu.memory_space<hbm>>) target(%arg7 : memref<4x48xi32, #tpu.memory_space<vmem>>) target_semaphore(%run_scoped3A : memref<!tpu.dma_semaphore, #tpu.memory_space<semaphore_mem>>)
      tpu.wait_dma2 semaphore(%run_scoped3A : memref<!tpu.dma_semaphore, #tpu.memory_space<semaphore_mem>>) src(%arg3 : memref<4x48xi32, #tpu.memory_space<hbm>>) dst(%arg7 : memref<4x48xi32, #tpu.memory_space<vmem>>)
      tpu.yield
    }) : () -> ()
    "tpu.region"() ({
      %run_scoped3A = tpu.sem_alloc : memref<!tpu.dma_semaphore, #tpu.memory_space<semaphore_mem>>
      tpu.enqueue_dma source(%arg4 : memref<16xi32, #tpu.memory_space<hbm>>) target(%arg8 : memref<16xi32, #tpu.memory_space<vmem>>) target_semaphore(%run_scoped3A : memref<!tpu.dma_semaphore, #tpu.memory_space<semaphore_mem>>)
      tpu.wait_dma2 semaphore(%run_scoped3A : memref<!tpu.dma_semaphore, #tpu.memory_space<semaphore_mem>>) src(%arg4 : memref<16xi32, #tpu.memory_space<hbm>>) dst(%arg8 : memref<16xi32, #tpu.memory_space<vmem>>)
      tpu.yield
    }) : () -> ()
    "tpu.region"() ({
      %run_scoped3A = tpu.sem_alloc : memref<!tpu.dma_semaphore, #tpu.memory_space<semaphore_mem>>
      tpu.enqueue_dma source(%arg5 : memref<16xi32, #tpu.memory_space<hbm>>) target(%arg9 : memref<16xi32, #tpu.memory_space<vmem>>) target_semaphore(%run_scoped3A : memref<!tpu.dma_semaphore, #tpu.memory_space<semaphore_mem>>)
      tpu.wait_dma2 semaphore(%run_scoped3A : memref<!tpu.dma_semaphore, #tpu.memory_space<semaphore_mem>>) src(%arg5 : memref<16xi32, #tpu.memory_space<hbm>>) dst(%arg9 : memref<16xi32, #tpu.memory_space<vmem>>)
      tpu.yield
    }) : () -> ()
    %mul3A_1 = arith.constant 4 : i32
    %mul3A_2 = arith.muli %add3A, %mul3A_1 : i32
    %add3A_3 = arith.constant 0 : i32
    %add3A_4 = arith.addi %mul3A_2, %add3A_3 : i32
    %dma_start3A = arith.constant 0 : i32
    %dma_start3A_5 = arith.constant 0 : i32
    %dma_start3A_6 = arith.constant 0 : i32
    %dma_start3A_7 = arith.constant 0 : i32
    %dma_start3A_8 = arith.constant 0 : i32
    %dma_start3A_9 = tpu.memref_slice %arg10[%dma_start3A_5, %dma_start3A_7, %dma_start3A_8] : memref<2x48x768xf32, #tpu.memory_space<vmem>> -> memref<1x48x768xf32, #tpu.memory_space<vmem>>
    %dma_start3A_10 = tpu.memref_squeeze %dma_start3A_9 : memref<1x48x768xf32, #tpu.memory_space<vmem>> -> memref<48x768xf32, #tpu.memory_space<vmem>>
    %dma_start3A_11 = arith.constant 0 : i32
    %dma_start3A_12 = tpu.memref_slice %arg7[%dma_start3A, %dma_start3A_11] : memref<4x48xi32, #tpu.memory_space<vmem>> -> memref<1x48xi32, #tpu.memory_space<vmem>>
    %dma_start3A_13 = tpu.memref_squeeze %dma_start3A_12 : memref<1x48xi32, #tpu.memory_space<vmem>> -> memref<48xi32, #tpu.memory_space<vmem>>
    %dma_start3A_14 = arith.constant 0 : i32
    %dma_start3A_15 = arith.constant 0 : i32
    %dma_start3A_16 = tpu.memref_slice %arg2[%add3A_4, %dma_start3A_14, %dma_start3A_15] : memref<128x196x768xf32, #tpu.memory_space<hbm>> -> memref<1x196x768xf32, #tpu.memory_space<hbm>>
    %dma_start3A_17 = tpu.memref_squeeze %dma_start3A_16 : memref<1x196x768xf32, #tpu.memory_space<hbm>> -> memref<196x768xf32, #tpu.memory_space<hbm>>
    %dma_start3A_18 = arith.constant 0 : i32
    %dma_start3A_19 = arith.constant 0 : i32
    %dma_start3A_20 = tpu.memref_slice %dma_start3A_17[%dma_start3A_18, %dma_start3A_19] : memref<196x768xf32, #tpu.memory_space<hbm>> -> memref<196x768xf32, #tpu.memory_space<hbm>>
    %dma_start3A_21 = tpu.memref_slice %arg12[%dma_start3A_6] : memref<2x!tpu.dma_semaphore, #tpu.memory_space<semaphore_mem>> -> memref<1x!tpu.dma_semaphore, #tpu.memory_space<semaphore_mem>>
    %dma_start3A_22 = tpu.memref_squeeze %dma_start3A_21 : memref<1x!tpu.dma_semaphore, #tpu.memory_space<semaphore_mem>> -> memref<!tpu.dma_semaphore, #tpu.memory_space<semaphore_mem>>
    tpu.enqueue_indirect_dma source(%dma_start3A_20 : memref<196x768xf32, #tpu.memory_space<hbm>>) target(%dma_start3A_10 : memref<48x768xf32, #tpu.memory_space<vmem>>) offsets(%dma_start3A_13 : memref<48xi32, #tpu.memory_space<vmem>>) semaphore(%dma_start3A_22 : memref<!tpu.dma_semaphore, #tpu.memory_space<semaphore_mem>>)
    %mul3A_23 = arith.constant 4 : i32
    %mul3A_24 = arith.muli %add3A, %mul3A_23 : i32
    %add3A_25 = arith.constant 0 : i32
    %add3A_26 = arith.addi %mul3A_24, %add3A_25 : i32
    %dma_wait3A = arith.constant 0 : i32
    %dma_wait3A_27 = arith.constant 0 : i32
    %dma_wait3A_28 = arith.constant 0 : i32
    %dma_wait3A_29 = arith.constant 0 : i32
    %dma_wait3A_30 = arith.constant 0 : i32
    %dma_wait3A_31 = tpu.memref_slice %arg10[%dma_wait3A_27, %dma_wait3A_29, %dma_wait3A_30] : memref<2x48x768xf32, #tpu.memory_space<vmem>> -> memref<1x48x768xf32, #tpu.memory_space<vmem>>
    %dma_wait3A_32 = tpu.memref_squeeze %dma_wait3A_31 : memref<1x48x768xf32, #tpu.memory_space<vmem>> -> memref<48x768xf32, #tpu.memory_space<vmem>>
    %dma_wait3A_33 = arith.constant 0 : i32
    %dma_wait3A_34 = tpu.memref_slice %arg7[%dma_wait3A, %dma_wait3A_33] : memref<4x48xi32, #tpu.memory_space<vmem>> -> memref<1x48xi32, #tpu.memory_space<vmem>>
    %dma_wait3A_35 = tpu.memref_squeeze %dma_wait3A_34 : memref<1x48xi32, #tpu.memory_space<vmem>> -> memref<48xi32, #tpu.memory_space<vmem>>
    %dma_wait3A_36 = arith.constant 0 : i32
    %dma_wait3A_37 = arith.constant 0 : i32
    %dma_wait3A_38 = tpu.memref_slice %arg2[%add3A_26, %dma_wait3A_36, %dma_wait3A_37] : memref<128x196x768xf32, #tpu.memory_space<hbm>> -> memref<1x196x768xf32, #tpu.memory_space<hbm>>
    %dma_wait3A_39 = tpu.memref_squeeze %dma_wait3A_38 : memref<1x196x768xf32, #tpu.memory_space<hbm>> -> memref<196x768xf32, #tpu.memory_space<hbm>>
    %dma_wait3A_40 = arith.constant 0 : i32
    %dma_wait3A_41 = arith.constant 0 : i32
    %dma_wait3A_42 = tpu.memref_slice %dma_wait3A_39[%dma_wait3A_40, %dma_wait3A_41] : memref<196x768xf32, #tpu.memory_space<hbm>> -> memref<196x768xf32, #tpu.memory_space<hbm>>
    %dma_wait3A_43 = tpu.memref_slice %arg12[%dma_wait3A_28] : memref<2x!tpu.dma_semaphore, #tpu.memory_space<semaphore_mem>> -> memref<1x!tpu.dma_semaphore, #tpu.memory_space<semaphore_mem>>
    %dma_wait3A_44 = tpu.memref_squeeze %dma_wait3A_43 : memref<1x!tpu.dma_semaphore, #tpu.memory_space<semaphore_mem>> -> memref<!tpu.dma_semaphore, #tpu.memory_space<semaphore_mem>>
    tpu.wait_indirect_dma semaphore(%dma_wait3A_44 : memref<!tpu.dma_semaphore, #tpu.memory_space<semaphore_mem>>) src(%dma_wait3A_42 : memref<196x768xf32, #tpu.memory_space<hbm>>) dst(%dma_wait3A_32 : memref<48x768xf32, #tpu.memory_space<vmem>>)
    %mul3A_45 = arith.constant 4 : i32
    %mul3A_46 = arith.muli %add3A, %mul3A_45 : i32
    %add3A_47 = arith.constant 0 : i32
    %add3A_48 = arith.addi %mul3A_46, %add3A_47 : i32
    %dma_start3A_49 = arith.constant 0 : i32
    %dma_start3A_50 = arith.constant 0 : i32
    %dma_start3A_51 = arith.constant 0 : i32
    %dma_start3A_52 = arith.constant 0 : i32
    %dma_start3A_53 = tpu.memref_slice %arg10[%dma_start3A_49, %dma_start3A_51, %dma_start3A_52] : memref<2x48x768xf32, #tpu.memory_space<vmem>> -> memref<1x48x768xf32, #tpu.memory_space<vmem>>
    %dma_start3A_54 = tpu.memref_squeeze %dma_start3A_53 : memref<1x48x768xf32, #tpu.memory_space<vmem>> -> memref<48x768xf32, #tpu.memory_space<vmem>>
    %dma_start3A_55 = arith.constant 0 : i32
    %dma_start3A_56 = arith.constant 0 : i32
    %dma_start3A_57 = tpu.memref_slice %arg6[%add3A_48, %dma_start3A_55, %dma_start3A_56] : memref<128x196x768xf32, #tpu.memory_space<hbm>> -> memref<1x48x768xf32, #tpu.memory_space<hbm>>
    %dma_start3A_58 = tpu.memref_squeeze %dma_start3A_57 : memref<1x48x768xf32, #tpu.memory_space<hbm>> -> memref<48x768xf32, #tpu.memory_space<hbm>>
    %dma_start3A_59 = tpu.memref_slice %arg13[%dma_start3A_50] : memref<2x!tpu.dma_semaphore, #tpu.memory_space<semaphore_mem>> -> memref<1x!tpu.dma_semaphore, #tpu.memory_space<semaphore_mem>>
    %dma_start3A_60 = tpu.memref_squeeze %dma_start3A_59 : memref<1x!tpu.dma_semaphore, #tpu.memory_space<semaphore_mem>> -> memref<!tpu.dma_semaphore, #tpu.memory_space<semaphore_mem>>
    %dma_start3A_61 = arith.constant 0 : i32
    %dma_start3A_62 = arith.constant 0 : i32
    %dma_start3A_63 = tpu.memref_slice %arg6[%add3A_48, %dma_start3A_61, %dma_start3A_62] : memref<128x196x768xf32, #tpu.memory_space<hbm>> -> memref<1x48x768xf32, #tpu.memory_space<hbm>>
    %dma_start3A_64 = tpu.memref_squeeze %dma_start3A_63 : memref<1x48x768xf32, #tpu.memory_space<hbm>> -> memref<48x768xf32, #tpu.memory_space<hbm>>
    %dma_start3A_65 = arith.constant 0 : i32
    %dma_start3A_66 = arith.constant 0 : i32
    %dma_start3A_67 = tpu.memref_slice %arg10[%dma_start3A_49, %dma_start3A_65, %dma_start3A_66] : memref<2x48x768xf32, #tpu.memory_space<vmem>> -> memref<1x48x768xf32, #tpu.memory_space<vmem>>
    %dma_start3A_68 = tpu.memref_squeeze %dma_start3A_67 : memref<1x48x768xf32, #tpu.memory_space<vmem>> -> memref<48x768xf32, #tpu.memory_space<vmem>>
    tpu.enqueue_dma source(%dma_start3A_68 : memref<48x768xf32, #tpu.memory_space<vmem>>) target(%dma_start3A_64 : memref<48x768xf32, #tpu.memory_space<hbm>>) target_semaphore(%dma_start3A_60 : memref<!tpu.dma_semaphore, #tpu.memory_space<semaphore_mem>>)
    %mul3A_69 = arith.constant 4 : i32
    %mul3A_70 = arith.muli %add3A, %mul3A_69 : i32
    %add3A_71 = arith.constant 0 : i32
    %add3A_72 = arith.addi %mul3A_70, %add3A_71 : i32
    %dma_start3A_73 = arith.constant 1 : i32
    %dma_start3A_74 = arith.constant 1 : i32
    %dma_start3A_75 = arith.constant 1 : i32
    %dma_start3A_76 = arith.constant 0 : i32
    %dma_start3A_77 = arith.constant 0 : i32
    %dma_start3A_78 = tpu.memref_slice %arg10[%dma_start3A_74, %dma_start3A_76, %dma_start3A_77] : memref<2x48x768xf32, #tpu.memory_space<vmem>> -> memref<1x48x768xf32, #tpu.memory_space<vmem>>
    %dma_start3A_79 = tpu.memref_squeeze %dma_start3A_78 : memref<1x48x768xf32, #tpu.memory_space<vmem>> -> memref<48x768xf32, #tpu.memory_space<vmem>>
    %dma_start3A_80 = arith.constant 0 : i32
    %dma_start3A_81 = tpu.memref_slice %arg7[%dma_start3A_73, %dma_start3A_80] : memref<4x48xi32, #tpu.memory_space<vmem>> -> memref<1x48xi32, #tpu.memory_space<vmem>>
    %dma_start3A_82 = tpu.memref_squeeze %dma_start3A_81 : memref<1x48xi32, #tpu.memory_space<vmem>> -> memref<48xi32, #tpu.memory_space<vmem>>
    %dma_start3A_83 = arith.constant 0 : i32
    %dma_start3A_84 = arith.constant 0 : i32
    %dma_start3A_85 = tpu.memref_slice %arg2[%add3A_72, %dma_start3A_83, %dma_start3A_84] : memref<128x196x768xf32, #tpu.memory_space<hbm>> -> memref<1x196x768xf32, #tpu.memory_space<hbm>>
    %dma_start3A_86 = tpu.memref_squeeze %dma_start3A_85 : memref<1x196x768xf32, #tpu.memory_space<hbm>> -> memref<196x768xf32, #tpu.memory_space<hbm>>
    %dma_start3A_87 = arith.constant 0 : i32
    %dma_start3A_88 = arith.constant 0 : i32
    %dma_start3A_89 = tpu.memref_slice %dma_start3A_86[%dma_start3A_87, %dma_start3A_88] : memref<196x768xf32, #tpu.memory_space<hbm>> -> memref<196x768xf32, #tpu.memory_space<hbm>>
    %dma_start3A_90 = tpu.memref_slice %arg12[%dma_start3A_75] : memref<2x!tpu.dma_semaphore, #tpu.memory_space<semaphore_mem>> -> memref<1x!tpu.dma_semaphore, #tpu.memory_space<semaphore_mem>>
    %dma_start3A_91 = tpu.memref_squeeze %dma_start3A_90 : memref<1x!tpu.dma_semaphore, #tpu.memory_space<semaphore_mem>> -> memref<!tpu.dma_semaphore, #tpu.memory_space<semaphore_mem>>
    tpu.enqueue_indirect_dma source(%dma_start3A_89 : memref<196x768xf32, #tpu.memory_space<hbm>>) target(%dma_start3A_79 : memref<48x768xf32, #tpu.memory_space<vmem>>) offsets(%dma_start3A_82 : memref<48xi32, #tpu.memory_space<vmem>>) semaphore(%dma_start3A_91 : memref<!tpu.dma_semaphore, #tpu.memory_space<semaphore_mem>>)
    %mul3A_92 = arith.constant 4 : i32
    %mul3A_93 = arith.muli %add3A, %mul3A_92 : i32
    %add3A_94 = arith.constant 0 : i32
    %add3A_95 = arith.addi %mul3A_93, %add3A_94 : i32
    %dma_wait3A_96 = arith.constant 1 : i32
    %dma_wait3A_97 = arith.constant 1 : i32
    %dma_wait3A_98 = arith.constant 1 : i32
    %dma_wait3A_99 = arith.constant 0 : i32
    %dma_wait3A_100 = arith.constant 0 : i32
    %dma_wait3A_101 = tpu.memref_slice %arg10[%dma_wait3A_97, %dma_wait3A_99, %dma_wait3A_100] : memref<2x48x768xf32, #tpu.memory_space<vmem>> -> memref<1x48x768xf32, #tpu.memory_space<vmem>>
    %dma_wait3A_102 = tpu.memref_squeeze %dma_wait3A_101 : memref<1x48x768xf32, #tpu.memory_space<vmem>> -> memref<48x768xf32, #tpu.memory_space<vmem>>
    %dma_wait3A_103 = arith.constant 0 : i32
    %dma_wait3A_104 = tpu.memref_slice %arg7[%dma_wait3A_96, %dma_wait3A_103] : memref<4x48xi32, #tpu.memory_space<vmem>> -> memref<1x48xi32, #tpu.memory_space<vmem>>
    %dma_wait3A_105 = tpu.memref_squeeze %dma_wait3A_104 : memref<1x48xi32, #tpu.memory_space<vmem>> -> memref<48xi32, #tpu.memory_space<vmem>>
    %dma_wait3A_106 = arith.constant 0 : i32
    %dma_wait3A_107 = arith.constant 0 : i32
    %dma_wait3A_108 = tpu.memref_slice %arg2[%add3A_95, %dma_wait3A_106, %dma_wait3A_107] : memref<128x196x768xf32, #tpu.memory_space<hbm>> -> memref<1x196x768xf32, #tpu.memory_space<hbm>>
    %dma_wait3A_109 = tpu.memref_squeeze %dma_wait3A_108 : memref<1x196x768xf32, #tpu.memory_space<hbm>> -> memref<196x768xf32, #tpu.memory_space<hbm>>
    %dma_wait3A_110 = arith.constant 0 : i32
    %dma_wait3A_111 = arith.constant 0 : i32
    %dma_wait3A_112 = tpu.memref_slice %dma_wait3A_109[%dma_wait3A_110, %dma_wait3A_111] : memref<196x768xf32, #tpu.memory_space<hbm>> -> memref<196x768xf32, #tpu.memory_space<hbm>>
    %dma_wait3A_113 = tpu.memref_slice %arg12[%dma_wait3A_98] : memref<2x!tpu.dma_semaphore, #tpu.memory_space<semaphore_mem>> -> memref<1x!tpu.dma_semaphore, #tpu.memory_space<semaphore_mem>>
    %dma_wait3A_114 = tpu.memref_squeeze %dma_wait3A_113 : memref<1x!tpu.dma_semaphore, #tpu.memory_space<semaphore_mem>> -> memref<!tpu.dma_semaphore, #tpu.memory_space<semaphore_mem>>
    tpu.wait_indirect_dma semaphore(%dma_wait3A_114 : memref<!tpu.dma_semaphore, #tpu.memory_space<semaphore_mem>>) src(%dma_wait3A_112 : memref<196x768xf32, #tpu.memory_space<hbm>>) dst(%dma_wait3A_102 : memref<48x768xf32, #tpu.memory_space<vmem>>)
    %mul3A_115 = arith.constant 4 : i32
    %mul3A_116 = arith.muli %add3A, %mul3A_115 : i32
    %add3A_117 = arith.constant 0 : i32
    %add3A_118 = arith.addi %mul3A_116, %add3A_117 : i32
    %dma_start3A_119 = arith.constant 1 : i32
    %dma_start3A_120 = arith.constant 1 : i32
    %dma_start3A_121 = arith.constant 0 : i32
    %dma_start3A_122 = arith.constant 0 : i32
    %dma_start3A_123 = tpu.memref_slice %arg10[%dma_start3A_119, %dma_start3A_121, %dma_start3A_122] : memref<2x48x768xf32, #tpu.memory_space<vmem>> -> memref<1x48x768xf32, #tpu.memory_space<vmem>>
    %dma_start3A_124 = tpu.memref_squeeze %dma_start3A_123 : memref<1x48x768xf32, #tpu.memory_space<vmem>> -> memref<48x768xf32, #tpu.memory_space<vmem>>
    %dma_start3A_125 = arith.constant 48 : i32
    %dma_start3A_126 = arith.constant 0 : i32
    %dma_start3A_127 = tpu.memref_slice %arg6[%add3A_118, %dma_start3A_125, %dma_start3A_126] : memref<128x196x768xf32, #tpu.memory_space<hbm>> -> memref<1x48x768xf32, #tpu.memory_space<hbm>>
    %dma_start3A_128 = tpu.memref_squeeze %dma_start3A_127 : memref<1x48x768xf32, #tpu.memory_space<hbm>> -> memref<48x768xf32, #tpu.memory_space<hbm>>
    %dma_start3A_129 = tpu.memref_slice %arg13[%dma_start3A_120] : memref<2x!tpu.dma_semaphore, #tpu.memory_space<semaphore_mem>> -> memref<1x!tpu.dma_semaphore, #tpu.memory_space<semaphore_mem>>
    %dma_start3A_130 = tpu.memref_squeeze %dma_start3A_129 : memref<1x!tpu.dma_semaphore, #tpu.memory_space<semaphore_mem>> -> memref<!tpu.dma_semaphore, #tpu.memory_space<semaphore_mem>>
    %dma_start3A_131 = arith.constant 48 : i32
    %dma_start3A_132 = arith.constant 0 : i32
    %dma_start3A_133 = tpu.memref_slice %arg6[%add3A_118, %dma_start3A_131, %dma_start3A_132] : memref<128x196x768xf32, #tpu.memory_space<hbm>> -> memref<1x48x768xf32, #tpu.memory_space<hbm>>
    %dma_start3A_134 = tpu.memref_squeeze %dma_start3A_133 : memref<1x48x768xf32, #tpu.memory_space<hbm>> -> memref<48x768xf32, #tpu.memory_space<hbm>>
    %dma_start3A_135 = arith.constant 0 : i32
    %dma_start3A_136 = arith.constant 0 : i32
    %dma_start3A_137 = tpu.memref_slice %arg10[%dma_start3A_119, %dma_start3A_135, %dma_start3A_136] : memref<2x48x768xf32, #tpu.memory_space<vmem>> -> memref<1x48x768xf32, #tpu.memory_space<vmem>>
    %dma_start3A_138 = tpu.memref_squeeze %dma_start3A_137 : memref<1x48x768xf32, #tpu.memory_space<vmem>> -> memref<48x768xf32, #tpu.memory_space<vmem>>
    tpu.enqueue_dma source(%dma_start3A_138 : memref<48x768xf32, #tpu.memory_space<vmem>>) target(%dma_start3A_134 : memref<48x768xf32, #tpu.memory_space<hbm>>) target_semaphore(%dma_start3A_130 : memref<!tpu.dma_semaphore, #tpu.memory_space<semaphore_mem>>)
    %mul3A_139 = arith.constant 4 : i32
    %mul3A_140 = arith.muli %add3A, %mul3A_139 : i32
    %add3A_141 = arith.constant 0 : i32
    %add3A_142 = arith.addi %mul3A_140, %add3A_141 : i32
    %dma_wait3A_143 = arith.constant 0 : i32
    %dma_wait3A_144 = arith.constant 0 : i32
    %dma_wait3A_145 = arith.constant 0 : i32
    %dma_wait3A_146 = arith.constant 0 : i32
    %dma_wait3A_147 = tpu.memref_slice %arg10[%dma_wait3A_143, %dma_wait3A_145, %dma_wait3A_146] : memref<2x48x768xf32, #tpu.memory_space<vmem>> -> memref<1x48x768xf32, #tpu.memory_space<vmem>>
    %dma_wait3A_148 = tpu.memref_squeeze %dma_wait3A_147 : memref<1x48x768xf32, #tpu.memory_space<vmem>> -> memref<48x768xf32, #tpu.memory_space<vmem>>
    %dma_wait3A_149 = arith.constant 0 : i32
    %dma_wait3A_150 = arith.constant 0 : i32
    %dma_wait3A_151 = tpu.memref_slice %arg6[%add3A_142, %dma_wait3A_149, %dma_wait3A_150] : memref<128x196x768xf32, #tpu.memory_space<hbm>> -> memref<1x48x768xf32, #tpu.memory_space<hbm>>
    %dma_wait3A_152 = tpu.memref_squeeze %dma_wait3A_151 : memref<1x48x768xf32, #tpu.memory_space<hbm>> -> memref<48x768xf32, #tpu.memory_space<hbm>>
    %dma_wait3A_153 = tpu.memref_slice %arg13[%dma_wait3A_144] : memref<2x!tpu.dma_semaphore, #tpu.memory_space<semaphore_mem>> -> memref<1x!tpu.dma_semaphore, #tpu.memory_space<semaphore_mem>>
    %dma_wait3A_154 = tpu.memref_squeeze %dma_wait3A_153 : memref<1x!tpu.dma_semaphore, #tpu.memory_space<semaphore_mem>> -> memref<!tpu.dma_semaphore, #tpu.memory_space<semaphore_mem>>
    %dma_wait3A_155 = arith.constant 0 : i32
    %dma_wait3A_156 = arith.constant 0 : i32
    %dma_wait3A_157 = tpu.memref_slice %arg6[%add3A_142, %dma_wait3A_155, %dma_wait3A_156] : memref<128x196x768xf32, #tpu.memory_space<hbm>> -> memref<1x48x768xf32, #tpu.memory_space<hbm>>
    %dma_wait3A_158 = tpu.memref_squeeze %dma_wait3A_157 : memref<1x48x768xf32, #tpu.memory_space<hbm>> -> memref<48x768xf32, #tpu.memory_space<hbm>>
    %dma_wait3A_159 = arith.constant 0 : i32
    %dma_wait3A_160 = arith.constant 0 : i32
    %dma_wait3A_161 = tpu.memref_slice %arg10[%dma_wait3A_143, %dma_wait3A_159, %dma_wait3A_160] : memref<2x48x768xf32, #tpu.memory_space<vmem>> -> memref<1x48x768xf32, #tpu.memory_space<vmem>>
    %dma_wait3A_162 = tpu.memref_squeeze %dma_wait3A_161 : memref<1x48x768xf32, #tpu.memory_space<vmem>> -> memref<48x768xf32, #tpu.memory_space<vmem>>
    tpu.wait_dma2 semaphore(%dma_wait3A_154 : memref<!tpu.dma_semaphore, #tpu.memory_space<semaphore_mem>>) src(%dma_wait3A_162 : memref<48x768xf32, #tpu.memory_space<vmem>>) dst(%dma_wait3A_158 : memref<48x768xf32, #tpu.memory_space<hbm>>)
    %mul3A_163 = arith.constant 4 : i32
    %mul3A_164 = arith.muli %add3A, %mul3A_163 : i32
    %add3A_165 = arith.constant 0 : i32
    %add3A_166 = arith.addi %mul3A_164, %add3A_165 : i32
    %dma_start3A_167 = arith.constant 2 : i32
    %dma_start3A_168 = arith.constant 0 : i32
    %dma_start3A_169 = arith.constant 0 : i32
    %dma_start3A_170 = arith.constant 0 : i32
    %dma_start3A_171 = arith.constant 0 : i32
    %dma_start3A_172 = tpu.memref_slice %arg10[%dma_start3A_168, %dma_start3A_170, %dma_start3A_171] : memref<2x48x768xf32, #tpu.memory_space<vmem>> -> memref<1x48x768xf32, #tpu.memory_space<vmem>>
    %dma_start3A_173 = tpu.memref_squeeze %dma_start3A_172 : memref<1x48x768xf32, #tpu.memory_space<vmem>> -> memref<48x768xf32, #tpu.memory_space<vmem>>
    %dma_start3A_174 = arith.constant 0 : i32
    %dma_start3A_175 = tpu.memref_slice %arg7[%dma_start3A_167, %dma_start3A_174] : memref<4x48xi32, #tpu.memory_space<vmem>> -> memref<1x48xi32, #tpu.memory_space<vmem>>
    %dma_start3A_176 = tpu.memref_squeeze %dma_start3A_175 : memref<1x48xi32, #tpu.memory_space<vmem>> -> memref<48xi32, #tpu.memory_space<vmem>>
    %dma_start3A_177 = arith.constant 0 : i32
    %dma_start3A_178 = arith.constant 0 : i32
    %dma_start3A_179 = tpu.memref_slice %arg2[%add3A_166, %dma_start3A_177, %dma_start3A_178] : memref<128x196x768xf32, #tpu.memory_space<hbm>> -> memref<1x196x768xf32, #tpu.memory_space<hbm>>
    %dma_start3A_180 = tpu.memref_squeeze %dma_start3A_179 : memref<1x196x768xf32, #tpu.memory_space<hbm>> -> memref<196x768xf32, #tpu.memory_space<hbm>>
    %dma_start3A_181 = arith.constant 0 : i32
    %dma_start3A_182 = arith.constant 0 : i32
    %dma_start3A_183 = tpu.memref_slice %dma_start3A_180[%dma_start3A_181, %dma_start3A_182] : memref<196x768xf32, #tpu.memory_space<hbm>> -> memref<196x768xf32, #tpu.memory_space<hbm>>
    %dma_start3A_184 = tpu.memref_slice %arg12[%dma_start3A_169] : memref<2x!tpu.dma_semaphore, #tpu.memory_space<semaphore_mem>> -> memref<1x!tpu.dma_semaphore, #tpu.memory_space<semaphore_mem>>
    %dma_start3A_185 = tpu.memref_squeeze %dma_start3A_184 : memref<1x!tpu.dma_semaphore, #tpu.memory_space<semaphore_mem>> -> memref<!tpu.dma_semaphore, #tpu.memory_space<semaphore_mem>>
    tpu.enqueue_indirect_dma source(%dma_start3A_183 : memref<196x768xf32, #tpu.memory_space<hbm>>) target(%dma_start3A_173 : memref<48x768xf32, #tpu.memory_space<vmem>>) offsets(%dma_start3A_176 : memref<48xi32, #tpu.memory_space<vmem>>) semaphore(%dma_start3A_185 : memref<!tpu.dma_semaphore, #tpu.memory_space<semaphore_mem>>)
    %mul3A_186 = arith.constant 4 : i32
    %mul3A_187 = arith.muli %add3A, %mul3A_186 : i32
    %add3A_188 = arith.constant 0 : i32
    %add3A_189 = arith.addi %mul3A_187, %add3A_188 : i32
    %dma_wait3A_190 = arith.constant 2 : i32
    %dma_wait3A_191 = arith.constant 0 : i32
    %dma_wait3A_192 = arith.constant 0 : i32
    %dma_wait3A_193 = arith.constant 0 : i32
    %dma_wait3A_194 = arith.constant 0 : i32
    %dma_wait3A_195 = tpu.memref_slice %arg10[%dma_wait3A_191, %dma_wait3A_193, %dma_wait3A_194] : memref<2x48x768xf32, #tpu.memory_space<vmem>> -> memref<1x48x768xf32, #tpu.memory_space<vmem>>
    %dma_wait3A_196 = tpu.memref_squeeze %dma_wait3A_195 : memref<1x48x768xf32, #tpu.memory_space<vmem>> -> memref<48x768xf32, #tpu.memory_space<vmem>>
    %dma_wait3A_197 = arith.constant 0 : i32
    %dma_wait3A_198 = tpu.memref_slice %arg7[%dma_wait3A_190, %dma_wait3A_197] : memref<4x48xi32, #tpu.memory_space<vmem>> -> memref<1x48xi32, #tpu.memory_space<vmem>>
    %dma_wait3A_199 = tpu.memref_squeeze %dma_wait3A_198 : memref<1x48xi32, #tpu.memory_space<vmem>> -> memref<48xi32, #tpu.memory_space<vmem>>
    %dma_wait3A_200 = arith.constant 0 : i32
    %dma_wait3A_201 = arith.constant 0 : i32
    %dma_wait3A_202 = tpu.memref_slice %arg2[%add3A_189, %dma_wait3A_200, %dma_wait3A_201] : memref<128x196x768xf32, #tpu.memory_space<hbm>> -> memref<1x196x768xf32, #tpu.memory_space<hbm>>
    %dma_wait3A_203 = tpu.memref_squeeze %dma_wait3A_202 : memref<1x196x768xf32, #tpu.memory_space<hbm>> -> memref<196x768xf32, #tpu.memory_space<hbm>>
    %dma_wait3A_204 = arith.constant 0 : i32
    %dma_wait3A_205 = arith.constant 0 : i32
    %dma_wait3A_206 = tpu.memref_slice %dma_wait3A_203[%dma_wait3A_204, %dma_wait3A_205] : memref<196x768xf32, #tpu.memory_space<hbm>> -> memref<196x768xf32, #tpu.memory_space<hbm>>
    %dma_wait3A_207 = tpu.memref_slice %arg12[%dma_wait3A_192] : memref<2x!tpu.dma_semaphore, #tpu.memory_space<semaphore_mem>> -> memref<1x!tpu.dma_semaphore, #tpu.memory_space<semaphore_mem>>
    %dma_wait3A_208 = tpu.memref_squeeze %dma_wait3A_207 : memref<1x!tpu.dma_semaphore, #tpu.memory_space<semaphore_mem>> -> memref<!tpu.dma_semaphore, #tpu.memory_space<semaphore_mem>>
    tpu.wait_indirect_dma semaphore(%dma_wait3A_208 : memref<!tpu.dma_semaphore, #tpu.memory_space<semaphore_mem>>) src(%dma_wait3A_206 : memref<196x768xf32, #tpu.memory_space<hbm>>) dst(%dma_wait3A_196 : memref<48x768xf32, #tpu.memory_space<vmem>>)
    %mul3A_209 = arith.constant 4 : i32
    %mul3A_210 = arith.muli %add3A, %mul3A_209 : i32
    %add3A_211 = arith.constant 0 : i32
    %add3A_212 = arith.addi %mul3A_210, %add3A_211 : i32
    %dma_start3A_213 = arith.constant 0 : i32
    %dma_start3A_214 = arith.constant 0 : i32
    %dma_start3A_215 = arith.constant 0 : i32
    %dma_start3A_216 = arith.constant 0 : i32
    %dma_start3A_217 = tpu.memref_slice %arg10[%dma_start3A_213, %dma_start3A_215, %dma_start3A_216] : memref<2x48x768xf32, #tpu.memory_space<vmem>> -> memref<1x48x768xf32, #tpu.memory_space<vmem>>
    %dma_start3A_218 = tpu.memref_squeeze %dma_start3A_217 : memref<1x48x768xf32, #tpu.memory_space<vmem>> -> memref<48x768xf32, #tpu.memory_space<vmem>>
    %dma_start3A_219 = arith.constant 96 : i32
    %dma_start3A_220 = arith.constant 0 : i32
    %dma_start3A_221 = tpu.memref_slice %arg6[%add3A_212, %dma_start3A_219, %dma_start3A_220] : memref<128x196x768xf32, #tpu.memory_space<hbm>> -> memref<1x48x768xf32, #tpu.memory_space<hbm>>
    %dma_start3A_222 = tpu.memref_squeeze %dma_start3A_221 : memref<1x48x768xf32, #tpu.memory_space<hbm>> -> memref<48x768xf32, #tpu.memory_space<hbm>>
    %dma_start3A_223 = tpu.memref_slice %arg13[%dma_start3A_214] : memref<2x!tpu.dma_semaphore, #tpu.memory_space<semaphore_mem>> -> memref<1x!tpu.dma_semaphore, #tpu.memory_space<semaphore_mem>>
    %dma_start3A_224 = tpu.memref_squeeze %dma_start3A_223 : memref<1x!tpu.dma_semaphore, #tpu.memory_space<semaphore_mem>> -> memref<!tpu.dma_semaphore, #tpu.memory_space<semaphore_mem>>
    %dma_start3A_225 = arith.constant 96 : i32
    %dma_start3A_226 = arith.constant 0 : i32
    %dma_start3A_227 = tpu.memref_slice %arg6[%add3A_212, %dma_start3A_225, %dma_start3A_226] : memref<128x196x768xf32, #tpu.memory_space<hbm>> -> memref<1x48x768xf32, #tpu.memory_space<hbm>>
    %dma_start3A_228 = tpu.memref_squeeze %dma_start3A_227 : memref<1x48x768xf32, #tpu.memory_space<hbm>> -> memref<48x768xf32, #tpu.memory_space<hbm>>
    %dma_start3A_229 = arith.constant 0 : i32
    %dma_start3A_230 = arith.constant 0 : i32
    %dma_start3A_231 = tpu.memref_slice %arg10[%dma_start3A_213, %dma_start3A_229, %dma_start3A_230] : memref<2x48x768xf32, #tpu.memory_space<vmem>> -> memref<1x48x768xf32, #tpu.memory_space<vmem>>
    %dma_start3A_232 = tpu.memref_squeeze %dma_start3A_231 : memref<1x48x768xf32, #tpu.memory_space<vmem>> -> memref<48x768xf32, #tpu.memory_space<vmem>>
    tpu.enqueue_dma source(%dma_start3A_232 : memref<48x768xf32, #tpu.memory_space<vmem>>) target(%dma_start3A_228 : memref<48x768xf32, #tpu.memory_space<hbm>>) target_semaphore(%dma_start3A_224 : memref<!tpu.dma_semaphore, #tpu.memory_space<semaphore_mem>>)
    %mul3A_233 = arith.constant 4 : i32
    %mul3A_234 = arith.muli %add3A, %mul3A_233 : i32
    %add3A_235 = arith.constant 0 : i32
    %add3A_236 = arith.addi %mul3A_234, %add3A_235 : i32
    %dma_wait3A_237 = arith.constant 1 : i32
    %dma_wait3A_238 = arith.constant 1 : i32
    %dma_wait3A_239 = arith.constant 0 : i32
    %dma_wait3A_240 = arith.constant 0 : i32
    %dma_wait3A_241 = tpu.memref_slice %arg10[%dma_wait3A_237, %dma_wait3A_239, %dma_wait3A_240] : memref<2x48x768xf32, #tpu.memory_space<vmem>> -> memref<1x48x768xf32, #tpu.memory_space<vmem>>
    %dma_wait3A_242 = tpu.memref_squeeze %dma_wait3A_241 : memref<1x48x768xf32, #tpu.memory_space<vmem>> -> memref<48x768xf32, #tpu.memory_space<vmem>>
    %dma_wait3A_243 = arith.constant 48 : i32
    %dma_wait3A_244 = arith.constant 0 : i32
    %dma_wait3A_245 = tpu.memref_slice %arg6[%add3A_236, %dma_wait3A_243, %dma_wait3A_244] : memref<128x196x768xf32, #tpu.memory_space<hbm>> -> memref<1x48x768xf32, #tpu.memory_space<hbm>>
    %dma_wait3A_246 = tpu.memref_squeeze %dma_wait3A_245 : memref<1x48x768xf32, #tpu.memory_space<hbm>> -> memref<48x768xf32, #tpu.memory_space<hbm>>
    %dma_wait3A_247 = tpu.memref_slice %arg13[%dma_wait3A_238] : memref<2x!tpu.dma_semaphore, #tpu.memory_space<semaphore_mem>> -> memref<1x!tpu.dma_semaphore, #tpu.memory_space<semaphore_mem>>
    %dma_wait3A_248 = tpu.memref_squeeze %dma_wait3A_247 : memref<1x!tpu.dma_semaphore, #tpu.memory_space<semaphore_mem>> -> memref<!tpu.dma_semaphore, #tpu.memory_space<semaphore_mem>>
    %dma_wait3A_249 = arith.constant 48 : i32
    %dma_wait3A_250 = arith.constant 0 : i32
    %dma_wait3A_251 = tpu.memref_slice %arg6[%add3A_236, %dma_wait3A_249, %dma_wait3A_250] : memref<128x196x768xf32, #tpu.memory_space<hbm>> -> memref<1x48x768xf32, #tpu.memory_space<hbm>>
    %dma_wait3A_252 = tpu.memref_squeeze %dma_wait3A_251 : memref<1x48x768xf32, #tpu.memory_space<hbm>> -> memref<48x768xf32, #tpu.memory_space<hbm>>
    %dma_wait3A_253 = arith.constant 0 : i32
    %dma_wait3A_254 = arith.constant 0 : i32
    %dma_wait3A_255 = tpu.memref_slice %arg10[%dma_wait3A_237, %dma_wait3A_253, %dma_wait3A_254] : memref<2x48x768xf32, #tpu.memory_space<vmem>> -> memref<1x48x768xf32, #tpu.memory_space<vmem>>
    %dma_wait3A_256 = tpu.memref_squeeze %dma_wait3A_255 : memref<1x48x768xf32, #tpu.memory_space<vmem>> -> memref<48x768xf32, #tpu.memory_space<vmem>>
    tpu.wait_dma2 semaphore(%dma_wait3A_248 : memref<!tpu.dma_semaphore, #tpu.memory_space<semaphore_mem>>) src(%dma_wait3A_256 : memref<48x768xf32, #tpu.memory_space<vmem>>) dst(%dma_wait3A_252 : memref<48x768xf32, #tpu.memory_space<hbm>>)
    %mul3A_257 = arith.constant 4 : i32
    %mul3A_258 = arith.muli %add3A, %mul3A_257 : i32
    %add3A_259 = arith.constant 0 : i32
    %add3A_260 = arith.addi %mul3A_258, %add3A_259 : i32
    %dma_start3A_261 = arith.constant 3 : i32
    %dma_start3A_262 = arith.constant 1 : i32
    %dma_start3A_263 = arith.constant 1 : i32
    %dma_start3A_264 = arith.constant 0 : i32
    %dma_start3A_265 = arith.constant 0 : i32
    %dma_start3A_266 = tpu.memref_slice %arg10[%dma_start3A_262, %dma_start3A_264, %dma_start3A_265] : memref<2x48x768xf32, #tpu.memory_space<vmem>> -> memref<1x48x768xf32, #tpu.memory_space<vmem>>
    %dma_start3A_267 = tpu.memref_squeeze %dma_start3A_266 : memref<1x48x768xf32, #tpu.memory_space<vmem>> -> memref<48x768xf32, #tpu.memory_space<vmem>>
    %dma_start3A_268 = arith.constant 0 : i32
    %dma_start3A_269 = tpu.memref_slice %arg7[%dma_start3A_261, %dma_start3A_268] : memref<4x48xi32, #tpu.memory_space<vmem>> -> memref<1x48xi32, #tpu.memory_space<vmem>>
    %dma_start3A_270 = tpu.memref_squeeze %dma_start3A_269 : memref<1x48xi32, #tpu.memory_space<vmem>> -> memref<48xi32, #tpu.memory_space<vmem>>
    %dma_start3A_271 = arith.constant 0 : i32
    %dma_start3A_272 = arith.constant 0 : i32
    %dma_start3A_273 = tpu.memref_slice %arg2[%add3A_260, %dma_start3A_271, %dma_start3A_272] : memref<128x196x768xf32, #tpu.memory_space<hbm>> -> memref<1x196x768xf32, #tpu.memory_space<hbm>>
    %dma_start3A_274 = tpu.memref_squeeze %dma_start3A_273 : memref<1x196x768xf32, #tpu.memory_space<hbm>> -> memref<196x768xf32, #tpu.memory_space<hbm>>
    %dma_start3A_275 = arith.constant 0 : i32
    %dma_start3A_276 = arith.constant 0 : i32
    %dma_start3A_277 = tpu.memref_slice %dma_start3A_274[%dma_start3A_275, %dma_start3A_276] : memref<196x768xf32, #tpu.memory_space<hbm>> -> memref<196x768xf32, #tpu.memory_space<hbm>>
    %dma_start3A_278 = tpu.memref_slice %arg12[%dma_start3A_263] : memref<2x!tpu.dma_semaphore, #tpu.memory_space<semaphore_mem>> -> memref<1x!tpu.dma_semaphore, #tpu.memory_space<semaphore_mem>>
    %dma_start3A_279 = tpu.memref_squeeze %dma_start3A_278 : memref<1x!tpu.dma_semaphore, #tpu.memory_space<semaphore_mem>> -> memref<!tpu.dma_semaphore, #tpu.memory_space<semaphore_mem>>
    tpu.enqueue_indirect_dma source(%dma_start3A_277 : memref<196x768xf32, #tpu.memory_space<hbm>>) target(%dma_start3A_267 : memref<48x768xf32, #tpu.memory_space<vmem>>) offsets(%dma_start3A_270 : memref<48xi32, #tpu.memory_space<vmem>>) semaphore(%dma_start3A_279 : memref<!tpu.dma_semaphore, #tpu.memory_space<semaphore_mem>>)
    %mul3A_280 = arith.constant 4 : i32
    %mul3A_281 = arith.muli %add3A, %mul3A_280 : i32
    %add3A_282 = arith.constant 0 : i32
    %add3A_283 = arith.addi %mul3A_281, %add3A_282 : i32
    %dma_wait3A_284 = arith.constant 3 : i32
    %dma_wait3A_285 = arith.constant 1 : i32
    %dma_wait3A_286 = arith.constant 1 : i32
    %dma_wait3A_287 = arith.constant 0 : i32
    %dma_wait3A_288 = arith.constant 0 : i32
    %dma_wait3A_289 = tpu.memref_slice %arg10[%dma_wait3A_285, %dma_wait3A_287, %dma_wait3A_288] : memref<2x48x768xf32, #tpu.memory_space<vmem>> -> memref<1x48x768xf32, #tpu.memory_space<vmem>>
    %dma_wait3A_290 = tpu.memref_squeeze %dma_wait3A_289 : memref<1x48x768xf32, #tpu.memory_space<vmem>> -> memref<48x768xf32, #tpu.memory_space<vmem>>
    %dma_wait3A_291 = arith.constant 0 : i32
    %dma_wait3A_292 = tpu.memref_slice %arg7[%dma_wait3A_284, %dma_wait3A_291] : memref<4x48xi32, #tpu.memory_space<vmem>> -> memref<1x48xi32, #tpu.memory_space<vmem>>
    %dma_wait3A_293 = tpu.memref_squeeze %dma_wait3A_292 : memref<1x48xi32, #tpu.memory_space<vmem>> -> memref<48xi32, #tpu.memory_space<vmem>>
    %dma_wait3A_294 = arith.constant 0 : i32
    %dma_wait3A_295 = arith.constant 0 : i32
    %dma_wait3A_296 = tpu.memref_slice %arg2[%add3A_283, %dma_wait3A_294, %dma_wait3A_295] : memref<128x196x768xf32, #tpu.memory_space<hbm>> -> memref<1x196x768xf32, #tpu.memory_space<hbm>>
    %dma_wait3A_297 = tpu.memref_squeeze %dma_wait3A_296 : memref<1x196x768xf32, #tpu.memory_space<hbm>> -> memref<196x768xf32, #tpu.memory_space<hbm>>
    %dma_wait3A_298 = arith.constant 0 : i32
    %dma_wait3A_299 = arith.constant 0 : i32
    %dma_wait3A_300 = tpu.memref_slice %dma_wait3A_297[%dma_wait3A_298, %dma_wait3A_299] : memref<196x768xf32, #tpu.memory_space<hbm>> -> memref<196x768xf32, #tpu.memory_space<hbm>>
    %dma_wait3A_301 = tpu.memref_slice %arg12[%dma_wait3A_286] : memref<2x!tpu.dma_semaphore, #tpu.memory_space<semaphore_mem>> -> memref<1x!tpu.dma_semaphore, #tpu.memory_space<semaphore_mem>>
    %dma_wait3A_302 = tpu.memref_squeeze %dma_wait3A_301 : memref<1x!tpu.dma_semaphore, #tpu.memory_space<semaphore_mem>> -> memref<!tpu.dma_semaphore, #tpu.memory_space<semaphore_mem>>
    tpu.wait_indirect_dma semaphore(%dma_wait3A_302 : memref<!tpu.dma_semaphore, #tpu.memory_space<semaphore_mem>>) src(%dma_wait3A_300 : memref<196x768xf32, #tpu.memory_space<hbm>>) dst(%dma_wait3A_290 : memref<48x768xf32, #tpu.memory_space<vmem>>)
    %mul3A_303 = arith.constant 4 : i32
    %mul3A_304 = arith.muli %add3A, %mul3A_303 : i32
    %add3A_305 = arith.constant 0 : i32
    %add3A_306 = arith.addi %mul3A_304, %add3A_305 : i32
    %dma_start3A_307 = arith.constant 1 : i32
    %dma_start3A_308 = arith.constant 1 : i32
    %dma_start3A_309 = arith.constant 0 : i32
    %dma_start3A_310 = arith.constant 0 : i32
    %dma_start3A_311 = tpu.memref_slice %arg10[%dma_start3A_307, %dma_start3A_309, %dma_start3A_310] : memref<2x48x768xf32, #tpu.memory_space<vmem>> -> memref<1x48x768xf32, #tpu.memory_space<vmem>>
    %dma_start3A_312 = tpu.memref_squeeze %dma_start3A_311 : memref<1x48x768xf32, #tpu.memory_space<vmem>> -> memref<48x768xf32, #tpu.memory_space<vmem>>
    %dma_start3A_313 = arith.constant 144 : i32
    %dma_start3A_314 = arith.constant 0 : i32
    %dma_start3A_315 = tpu.memref_slice %arg6[%add3A_306, %dma_start3A_313, %dma_start3A_314] : memref<128x196x768xf32, #tpu.memory_space<hbm>> -> memref<1x48x768xf32, #tpu.memory_space<hbm>>
    %dma_start3A_316 = tpu.memref_squeeze %dma_start3A_315 : memref<1x48x768xf32, #tpu.memory_space<hbm>> -> memref<48x768xf32, #tpu.memory_space<hbm>>
    %dma_start3A_317 = tpu.memref_slice %arg13[%dma_start3A_308] : memref<2x!tpu.dma_semaphore, #tpu.memory_space<semaphore_mem>> -> memref<1x!tpu.dma_semaphore, #tpu.memory_space<semaphore_mem>>
    %dma_start3A_318 = tpu.memref_squeeze %dma_start3A_317 : memref<1x!tpu.dma_semaphore, #tpu.memory_space<semaphore_mem>> -> memref<!tpu.dma_semaphore, #tpu.memory_space<semaphore_mem>>
    %dma_start3A_319 = arith.constant 144 : i32
    %dma_start3A_320 = arith.constant 0 : i32
    %dma_start3A_321 = tpu.memref_slice %arg6[%add3A_306, %dma_start3A_319, %dma_start3A_320] : memref<128x196x768xf32, #tpu.memory_space<hbm>> -> memref<1x48x768xf32, #tpu.memory_space<hbm>>
    %dma_start3A_322 = tpu.memref_squeeze %dma_start3A_321 : memref<1x48x768xf32, #tpu.memory_space<hbm>> -> memref<48x768xf32, #tpu.memory_space<hbm>>
    %dma_start3A_323 = arith.constant 0 : i32
    %dma_start3A_324 = arith.constant 0 : i32
    %dma_start3A_325 = tpu.memref_slice %arg10[%dma_start3A_307, %dma_start3A_323, %dma_start3A_324] : memref<2x48x768xf32, #tpu.memory_space<vmem>> -> memref<1x48x768xf32, #tpu.memory_space<vmem>>
    %dma_start3A_326 = tpu.memref_squeeze %dma_start3A_325 : memref<1x48x768xf32, #tpu.memory_space<vmem>> -> memref<48x768xf32, #tpu.memory_space<vmem>>
    tpu.enqueue_dma source(%dma_start3A_326 : memref<48x768xf32, #tpu.memory_space<vmem>>) target(%dma_start3A_322 : memref<48x768xf32, #tpu.memory_space<hbm>>) target_semaphore(%dma_start3A_318 : memref<!tpu.dma_semaphore, #tpu.memory_space<semaphore_mem>>)
    %mul3A_327 = arith.constant 4 : i32
    %mul3A_328 = arith.muli %add3A, %mul3A_327 : i32
    %add3A_329 = arith.constant 0 : i32
    %add3A_330 = arith.addi %mul3A_328, %add3A_329 : i32
    %dma_wait3A_331 = arith.constant 0 : i32
    %dma_wait3A_332 = arith.constant 0 : i32
    %dma_wait3A_333 = arith.constant 0 : i32
    %dma_wait3A_334 = arith.constant 0 : i32
    %dma_wait3A_335 = tpu.memref_slice %arg10[%dma_wait3A_331, %dma_wait3A_333, %dma_wait3A_334] : memref<2x48x768xf32, #tpu.memory_space<vmem>> -> memref<1x48x768xf32, #tpu.memory_space<vmem>>
    %dma_wait3A_336 = tpu.memref_squeeze %dma_wait3A_335 : memref<1x48x768xf32, #tpu.memory_space<vmem>> -> memref<48x768xf32, #tpu.memory_space<vmem>>
    %dma_wait3A_337 = arith.constant 96 : i32
    %dma_wait3A_338 = arith.constant 0 : i32
    %dma_wait3A_339 = tpu.memref_slice %arg6[%add3A_330, %dma_wait3A_337, %dma_wait3A_338] : memref<128x196x768xf32, #tpu.memory_space<hbm>> -> memref<1x48x768xf32, #tpu.memory_space<hbm>>
    %dma_wait3A_340 = tpu.memref_squeeze %dma_wait3A_339 : memref<1x48x768xf32, #tpu.memory_space<hbm>> -> memref<48x768xf32, #tpu.memory_space<hbm>>
    %dma_wait3A_341 = tpu.memref_slice %arg13[%dma_wait3A_332] : memref<2x!tpu.dma_semaphore, #tpu.memory_space<semaphore_mem>> -> memref<1x!tpu.dma_semaphore, #tpu.memory_space<semaphore_mem>>
    %dma_wait3A_342 = tpu.memref_squeeze %dma_wait3A_341 : memref<1x!tpu.dma_semaphore, #tpu.memory_space<semaphore_mem>> -> memref<!tpu.dma_semaphore, #tpu.memory_space<semaphore_mem>>
    %dma_wait3A_343 = arith.constant 96 : i32
    %dma_wait3A_344 = arith.constant 0 : i32
    %dma_wait3A_345 = tpu.memref_slice %arg6[%add3A_330, %dma_wait3A_343, %dma_wait3A_344] : memref<128x196x768xf32, #tpu.memory_space<hbm>> -> memref<1x48x768xf32, #tpu.memory_space<hbm>>
    %dma_wait3A_346 = tpu.memref_squeeze %dma_wait3A_345 : memref<1x48x768xf32, #tpu.memory_space<hbm>> -> memref<48x768xf32, #tpu.memory_space<hbm>>
    %dma_wait3A_347 = arith.constant 0 : i32
    %dma_wait3A_348 = arith.constant 0 : i32
    %dma_wait3A_349 = tpu.memref_slice %arg10[%dma_wait3A_331, %dma_wait3A_347, %dma_wait3A_348] : memref<2x48x768xf32, #tpu.memory_space<vmem>> -> memref<1x48x768xf32, #tpu.memory_space<vmem>>
    %dma_wait3A_350 = tpu.memref_squeeze %dma_wait3A_349 : memref<1x48x768xf32, #tpu.memory_space<vmem>> -> memref<48x768xf32, #tpu.memory_space<vmem>>
    tpu.wait_dma2 semaphore(%dma_wait3A_342 : memref<!tpu.dma_semaphore, #tpu.memory_space<semaphore_mem>>) src(%dma_wait3A_350 : memref<48x768xf32, #tpu.memory_space<vmem>>) dst(%dma_wait3A_346 : memref<48x768xf32, #tpu.memory_space<hbm>>)
    %mul3A_351 = arith.constant 4 : i32
    %mul3A_352 = arith.muli %add3A, %mul3A_351 : i32
    %add3A_353 = arith.constant 1 : i32
    %add3A_354 = arith.addi %mul3A_352, %add3A_353 : i32
    %dma_start3A_355 = arith.constant 0 : i32
    %dma_start3A_356 = arith.constant 0 : i32
    %dma_start3A_357 = arith.constant 0 : i32
    %dma_start3A_358 = arith.constant 0 : i32
    %dma_start3A_359 = arith.constant 0 : i32
    %dma_start3A_360 = tpu.memref_slice %arg10[%dma_start3A_356, %dma_start3A_358, %dma_start3A_359] : memref<2x48x768xf32, #tpu.memory_space<vmem>> -> memref<1x48x768xf32, #tpu.memory_space<vmem>>
    %dma_start3A_361 = tpu.memref_squeeze %dma_start3A_360 : memref<1x48x768xf32, #tpu.memory_space<vmem>> -> memref<48x768xf32, #tpu.memory_space<vmem>>
    %dma_start3A_362 = arith.constant 0 : i32
    %dma_start3A_363 = tpu.memref_slice %arg7[%dma_start3A_355, %dma_start3A_362] : memref<4x48xi32, #tpu.memory_space<vmem>> -> memref<1x48xi32, #tpu.memory_space<vmem>>
    %dma_start3A_364 = tpu.memref_squeeze %dma_start3A_363 : memref<1x48xi32, #tpu.memory_space<vmem>> -> memref<48xi32, #tpu.memory_space<vmem>>
    %dma_start3A_365 = arith.constant 0 : i32
    %dma_start3A_366 = arith.constant 0 : i32
    %dma_start3A_367 = tpu.memref_slice %arg2[%add3A_354, %dma_start3A_365, %dma_start3A_366] : memref<128x196x768xf32, #tpu.memory_space<hbm>> -> memref<1x196x768xf32, #tpu.memory_space<hbm>>
    %dma_start3A_368 = tpu.memref_squeeze %dma_start3A_367 : memref<1x196x768xf32, #tpu.memory_space<hbm>> -> memref<196x768xf32, #tpu.memory_space<hbm>>
    %dma_start3A_369 = arith.constant 0 : i32
    %dma_start3A_370 = arith.constant 0 : i32
    %dma_start3A_371 = tpu.memref_slice %dma_start3A_368[%dma_start3A_369, %dma_start3A_370] : memref<196x768xf32, #tpu.memory_space<hbm>> -> memref<196x768xf32, #tpu.memory_space<hbm>>
    %dma_start3A_372 = tpu.memref_slice %arg12[%dma_start3A_357] : memref<2x!tpu.dma_semaphore, #tpu.memory_space<semaphore_mem>> -> memref<1x!tpu.dma_semaphore, #tpu.memory_space<semaphore_mem>>
    %dma_start3A_373 = tpu.memref_squeeze %dma_start3A_372 : memref<1x!tpu.dma_semaphore, #tpu.memory_space<semaphore_mem>> -> memref<!tpu.dma_semaphore, #tpu.memory_space<semaphore_mem>>
    tpu.enqueue_indirect_dma source(%dma_start3A_371 : memref<196x768xf32, #tpu.memory_space<hbm>>) target(%dma_start3A_361 : memref<48x768xf32, #tpu.memory_space<vmem>>) offsets(%dma_start3A_364 : memref<48xi32, #tpu.memory_space<vmem>>) semaphore(%dma_start3A_373 : memref<!tpu.dma_semaphore, #tpu.memory_space<semaphore_mem>>)
    %mul3A_374 = arith.constant 4 : i32
    %mul3A_375 = arith.muli %add3A, %mul3A_374 : i32
    %add3A_376 = arith.constant 1 : i32
    %add3A_377 = arith.addi %mul3A_375, %add3A_376 : i32
    %dma_wait3A_378 = arith.constant 0 : i32
    %dma_wait3A_379 = arith.constant 0 : i32
    %dma_wait3A_380 = arith.constant 0 : i32
    %dma_wait3A_381 = arith.constant 0 : i32
    %dma_wait3A_382 = arith.constant 0 : i32
    %dma_wait3A_383 = tpu.memref_slice %arg10[%dma_wait3A_379, %dma_wait3A_381, %dma_wait3A_382] : memref<2x48x768xf32, #tpu.memory_space<vmem>> -> memref<1x48x768xf32, #tpu.memory_space<vmem>>
    %dma_wait3A_384 = tpu.memref_squeeze %dma_wait3A_383 : memref<1x48x768xf32, #tpu.memory_space<vmem>> -> memref<48x768xf32, #tpu.memory_space<vmem>>
    %dma_wait3A_385 = arith.constant 0 : i32
    %dma_wait3A_386 = tpu.memref_slice %arg7[%dma_wait3A_378, %dma_wait3A_385] : memref<4x48xi32, #tpu.memory_space<vmem>> -> memref<1x48xi32, #tpu.memory_space<vmem>>
    %dma_wait3A_387 = tpu.memref_squeeze %dma_wait3A_386 : memref<1x48xi32, #tpu.memory_space<vmem>> -> memref<48xi32, #tpu.memory_space<vmem>>
    %dma_wait3A_388 = arith.constant 0 : i32
    %dma_wait3A_389 = arith.constant 0 : i32
    %dma_wait3A_390 = tpu.memref_slice %arg2[%add3A_377, %dma_wait3A_388, %dma_wait3A_389] : memref<128x196x768xf32, #tpu.memory_space<hbm>> -> memref<1x196x768xf32, #tpu.memory_space<hbm>>
    %dma_wait3A_391 = tpu.memref_squeeze %dma_wait3A_390 : memref<1x196x768xf32, #tpu.memory_space<hbm>> -> memref<196x768xf32, #tpu.memory_space<hbm>>
    %dma_wait3A_392 = arith.constant 0 : i32
    %dma_wait3A_393 = arith.constant 0 : i32
    %dma_wait3A_394 = tpu.memref_slice %dma_wait3A_391[%dma_wait3A_392, %dma_wait3A_393] : memref<196x768xf32, #tpu.memory_space<hbm>> -> memref<196x768xf32, #tpu.memory_space<hbm>>
    %dma_wait3A_395 = tpu.memref_slice %arg12[%dma_wait3A_380] : memref<2x!tpu.dma_semaphore, #tpu.memory_space<semaphore_mem>> -> memref<1x!tpu.dma_semaphore, #tpu.memory_space<semaphore_mem>>
    %dma_wait3A_396 = tpu.memref_squeeze %dma_wait3A_395 : memref<1x!tpu.dma_semaphore, #tpu.memory_space<semaphore_mem>> -> memref<!tpu.dma_semaphore, #tpu.memory_space<semaphore_mem>>
    tpu.wait_indirect_dma semaphore(%dma_wait3A_396 : memref<!tpu.dma_semaphore, #tpu.memory_space<semaphore_mem>>) src(%dma_wait3A_394 : memref<196x768xf32, #tpu.memory_space<hbm>>) dst(%dma_wait3A_384 : memref<48x768xf32, #tpu.memory_space<vmem>>)
    %mul3A_397 = arith.constant 4 : i32
    %mul3A_398 = arith.muli %add3A, %mul3A_397 : i32
    %add3A_399 = arith.constant 1 : i32
    %add3A_400 = arith.addi %mul3A_398, %add3A_399 : i32
    %dma_start3A_401 = arith.constant 0 : i32
    %dma_start3A_402 = arith.constant 0 : i32
    %dma_start3A_403 = arith.constant 0 : i32
    %dma_start3A_404 = arith.constant 0 : i32
    %dma_start3A_405 = tpu.memref_slice %arg10[%dma_start3A_401, %dma_start3A_403, %dma_start3A_404] : memref<2x48x768xf32, #tpu.memory_space<vmem>> -> memref<1x48x768xf32, #tpu.memory_space<vmem>>
    %dma_start3A_406 = tpu.memref_squeeze %dma_start3A_405 : memref<1x48x768xf32, #tpu.memory_space<vmem>> -> memref<48x768xf32, #tpu.memory_space<vmem>>
    %dma_start3A_407 = arith.constant 0 : i32
    %dma_start3A_408 = arith.constant 0 : i32
    %dma_start3A_409 = tpu.memref_slice %arg6[%add3A_400, %dma_start3A_407, %dma_start3A_408] : memref<128x196x768xf32, #tpu.memory_space<hbm>> -> memref<1x48x768xf32, #tpu.memory_space<hbm>>
    %dma_start3A_410 = tpu.memref_squeeze %dma_start3A_409 : memref<1x48x768xf32, #tpu.memory_space<hbm>> -> memref<48x768xf32, #tpu.memory_space<hbm>>
    %dma_start3A_411 = tpu.memref_slice %arg13[%dma_start3A_402] : memref<2x!tpu.dma_semaphore, #tpu.memory_space<semaphore_mem>> -> memref<1x!tpu.dma_semaphore, #tpu.memory_space<semaphore_mem>>
    %dma_start3A_412 = tpu.memref_squeeze %dma_start3A_411 : memref<1x!tpu.dma_semaphore, #tpu.memory_space<semaphore_mem>> -> memref<!tpu.dma_semaphore, #tpu.memory_space<semaphore_mem>>
    %dma_start3A_413 = arith.constant 0 : i32
    %dma_start3A_414 = arith.constant 0 : i32
    %dma_start3A_415 = tpu.memref_slice %arg6[%add3A_400, %dma_start3A_413, %dma_start3A_414] : memref<128x196x768xf32, #tpu.memory_space<hbm>> -> memref<1x48x768xf32, #tpu.memory_space<hbm>>
    %dma_start3A_416 = tpu.memref_squeeze %dma_start3A_415 : memref<1x48x768xf32, #tpu.memory_space<hbm>> -> memref<48x768xf32, #tpu.memory_space<hbm>>
    %dma_start3A_417 = arith.constant 0 : i32
    %dma_start3A_418 = arith.constant 0 : i32
    %dma_start3A_419 = tpu.memref_slice %arg10[%dma_start3A_401, %dma_start3A_417, %dma_start3A_418] : memref<2x48x768xf32, #tpu.memory_space<vmem>> -> memref<1x48x768xf32, #tpu.memory_space<vmem>>
    %dma_start3A_420 = tpu.memref_squeeze %dma_start3A_419 : memref<1x48x768xf32, #tpu.memory_space<vmem>> -> memref<48x768xf32, #tpu.memory_space<vmem>>
    tpu.enqueue_dma source(%dma_start3A_420 : memref<48x768xf32, #tpu.memory_space<vmem>>) target(%dma_start3A_416 : memref<48x768xf32, #tpu.memory_space<hbm>>) target_semaphore(%dma_start3A_412 : memref<!tpu.dma_semaphore, #tpu.memory_space<semaphore_mem>>)
    %mul3A_421 = arith.constant 4 : i32
    %mul3A_422 = arith.muli %add3A, %mul3A_421 : i32
    %add3A_423 = arith.constant 0 : i32
    %add3A_424 = arith.addi %mul3A_422, %add3A_423 : i32
    %dma_wait3A_425 = arith.constant 1 : i32
    %dma_wait3A_426 = arith.constant 1 : i32
    %dma_wait3A_427 = arith.constant 0 : i32
    %dma_wait3A_428 = arith.constant 0 : i32
    %dma_wait3A_429 = tpu.memref_slice %arg10[%dma_wait3A_425, %dma_wait3A_427, %dma_wait3A_428] : memref<2x48x768xf32, #tpu.memory_space<vmem>> -> memref<1x48x768xf32, #tpu.memory_space<vmem>>
    %dma_wait3A_430 = tpu.memref_squeeze %dma_wait3A_429 : memref<1x48x768xf32, #tpu.memory_space<vmem>> -> memref<48x768xf32, #tpu.memory_space<vmem>>
    %dma_wait3A_431 = arith.constant 144 : i32
    %dma_wait3A_432 = arith.constant 0 : i32
    %dma_wait3A_433 = tpu.memref_slice %arg6[%add3A_424, %dma_wait3A_431, %dma_wait3A_432] : memref<128x196x768xf32, #tpu.memory_space<hbm>> -> memref<1x48x768xf32, #tpu.memory_space<hbm>>
    %dma_wait3A_434 = tpu.memref_squeeze %dma_wait3A_433 : memref<1x48x768xf32, #tpu.memory_space<hbm>> -> memref<48x768xf32, #tpu.memory_space<hbm>>
    %dma_wait3A_435 = tpu.memref_slice %arg13[%dma_wait3A_426] : memref<2x!tpu.dma_semaphore, #tpu.memory_space<semaphore_mem>> -> memref<1x!tpu.dma_semaphore, #tpu.memory_space<semaphore_mem>>
    %dma_wait3A_436 = tpu.memref_squeeze %dma_wait3A_435 : memref<1x!tpu.dma_semaphore, #tpu.memory_space<semaphore_mem>> -> memref<!tpu.dma_semaphore, #tpu.memory_space<semaphore_mem>>
    %dma_wait3A_437 = arith.constant 144 : i32
    %dma_wait3A_438 = arith.constant 0 : i32
    %dma_wait3A_439 = tpu.memref_slice %arg6[%add3A_424, %dma_wait3A_437, %dma_wait3A_438] : memref<128x196x768xf32, #tpu.memory_space<hbm>> -> memref<1x48x768xf32, #tpu.memory_space<hbm>>
    %dma_wait3A_440 = tpu.memref_squeeze %dma_wait3A_439 : memref<1x48x768xf32, #tpu.memory_space<hbm>> -> memref<48x768xf32, #tpu.memory_space<hbm>>
    %dma_wait3A_441 = arith.constant 0 : i32
    %dma_wait3A_442 = arith.constant 0 : i32
    %dma_wait3A_443 = tpu.memref_slice %arg10[%dma_wait3A_425, %dma_wait3A_441, %dma_wait3A_442] : memref<2x48x768xf32, #tpu.memory_space<vmem>> -> memref<1x48x768xf32, #tpu.memory_space<vmem>>
    %dma_wait3A_444 = tpu.memref_squeeze %dma_wait3A_443 : memref<1x48x768xf32, #tpu.memory_space<vmem>> -> memref<48x768xf32, #tpu.memory_space<vmem>>
    tpu.wait_dma2 semaphore(%dma_wait3A_436 : memref<!tpu.dma_semaphore, #tpu.memory_space<semaphore_mem>>) src(%dma_wait3A_444 : memref<48x768xf32, #tpu.memory_space<vmem>>) dst(%dma_wait3A_440 : memref<48x768xf32, #tpu.memory_space<hbm>>)
    %mul3A_445 = arith.constant 4 : i32
    %mul3A_446 = arith.muli %add3A, %mul3A_445 : i32
    %add3A_447 = arith.constant 1 : i32
    %add3A_448 = arith.addi %mul3A_446, %add3A_447 : i32
    %dma_start3A_449 = arith.constant 1 : i32
    %dma_start3A_450 = arith.constant 1 : i32
    %dma_start3A_451 = arith.constant 1 : i32
    %dma_start3A_452 = arith.constant 0 : i32
    %dma_start3A_453 = arith.constant 0 : i32
    %dma_start3A_454 = tpu.memref_slice %arg10[%dma_start3A_450, %dma_start3A_452, %dma_start3A_453] : memref<2x48x768xf32, #tpu.memory_space<vmem>> -> memref<1x48x768xf32, #tpu.memory_space<vmem>>
    %dma_start3A_455 = tpu.memref_squeeze %dma_start3A_454 : memref<1x48x768xf32, #tpu.memory_space<vmem>> -> memref<48x768xf32, #tpu.memory_space<vmem>>
    %dma_start3A_456 = arith.constant 0 : i32
    %dma_start3A_457 = tpu.memref_slice %arg7[%dma_start3A_449, %dma_start3A_456] : memref<4x48xi32, #tpu.memory_space<vmem>> -> memref<1x48xi32, #tpu.memory_space<vmem>>
    %dma_start3A_458 = tpu.memref_squeeze %dma_start3A_457 : memref<1x48xi32, #tpu.memory_space<vmem>> -> memref<48xi32, #tpu.memory_space<vmem>>
    %dma_start3A_459 = arith.constant 0 : i32
    %dma_start3A_460 = arith.constant 0 : i32
    %dma_start3A_461 = tpu.memref_slice %arg2[%add3A_448, %dma_start3A_459, %dma_start3A_460] : memref<128x196x768xf32, #tpu.memory_space<hbm>> -> memref<1x196x768xf32, #tpu.memory_space<hbm>>
    %dma_start3A_462 = tpu.memref_squeeze %dma_start3A_461 : memref<1x196x768xf32, #tpu.memory_space<hbm>> -> memref<196x768xf32, #tpu.memory_space<hbm>>
    %dma_start3A_463 = arith.constant 0 : i32
    %dma_start3A_464 = arith.constant 0 : i32
    %dma_start3A_465 = tpu.memref_slice %dma_start3A_462[%dma_start3A_463, %dma_start3A_464] : memref<196x768xf32, #tpu.memory_space<hbm>> -> memref<196x768xf32, #tpu.memory_space<hbm>>
    %dma_start3A_466 = tpu.memref_slice %arg12[%dma_start3A_451] : memref<2x!tpu.dma_semaphore, #tpu.memory_space<semaphore_mem>> -> memref<1x!tpu.dma_semaphore, #tpu.memory_space<semaphore_mem>>
    %dma_start3A_467 = tpu.memref_squeeze %dma_start3A_466 : memref<1x!tpu.dma_semaphore, #tpu.memory_space<semaphore_mem>> -> memref<!tpu.dma_semaphore, #tpu.memory_space<semaphore_mem>>
    tpu.enqueue_indirect_dma source(%dma_start3A_465 : memref<196x768xf32, #tpu.memory_space<hbm>>) target(%dma_start3A_455 : memref<48x768xf32, #tpu.memory_space<vmem>>) offsets(%dma_start3A_458 : memref<48xi32, #tpu.memory_space<vmem>>) semaphore(%dma_start3A_467 : memref<!tpu.dma_semaphore, #tpu.memory_space<semaphore_mem>>)
    %mul3A_468 = arith.constant 4 : i32
    %mul3A_469 = arith.muli %add3A, %mul3A_468 : i32
    %add3A_470 = arith.constant 1 : i32
    %add3A_471 = arith.addi %mul3A_469, %add3A_470 : i32
    %dma_wait3A_472 = arith.constant 1 : i32
    %dma_wait3A_473 = arith.constant 1 : i32
    %dma_wait3A_474 = arith.constant 1 : i32
    %dma_wait3A_475 = arith.constant 0 : i32
    %dma_wait3A_476 = arith.constant 0 : i32
    %dma_wait3A_477 = tpu.memref_slice %arg10[%dma_wait3A_473, %dma_wait3A_475, %dma_wait3A_476] : memref<2x48x768xf32, #tpu.memory_space<vmem>> -> memref<1x48x768xf32, #tpu.memory_space<vmem>>
    %dma_wait3A_478 = tpu.memref_squeeze %dma_wait3A_477 : memref<1x48x768xf32, #tpu.memory_space<vmem>> -> memref<48x768xf32, #tpu.memory_space<vmem>>
    %dma_wait3A_479 = arith.constant 0 : i32
    %dma_wait3A_480 = tpu.memref_slice %arg7[%dma_wait3A_472, %dma_wait3A_479] : memref<4x48xi32, #tpu.memory_space<vmem>> -> memref<1x48xi32, #tpu.memory_space<vmem>>
    %dma_wait3A_481 = tpu.memref_squeeze %dma_wait3A_480 : memref<1x48xi32, #tpu.memory_space<vmem>> -> memref<48xi32, #tpu.memory_space<vmem>>
    %dma_wait3A_482 = arith.constant 0 : i32
    %dma_wait3A_483 = arith.constant 0 : i32
    %dma_wait3A_484 = tpu.memref_slice %arg2[%add3A_471, %dma_wait3A_482, %dma_wait3A_483] : memref<128x196x768xf32, #tpu.memory_space<hbm>> -> memref<1x196x768xf32, #tpu.memory_space<hbm>>
    %dma_wait3A_485 = tpu.memref_squeeze %dma_wait3A_484 : memref<1x196x768xf32, #tpu.memory_space<hbm>> -> memref<196x768xf32, #tpu.memory_space<hbm>>
    %dma_wait3A_486 = arith.constant 0 : i32
    %dma_wait3A_487 = arith.constant 0 : i32
    %dma_wait3A_488 = tpu.memref_slice %dma_wait3A_485[%dma_wait3A_486, %dma_wait3A_487] : memref<196x768xf32, #tpu.memory_space<hbm>> -> memref<196x768xf32, #tpu.memory_space<hbm>>
    %dma_wait3A_489 = tpu.memref_slice %arg12[%dma_wait3A_474] : memref<2x!tpu.dma_semaphore, #tpu.memory_space<semaphore_mem>> -> memref<1x!tpu.dma_semaphore, #tpu.memory_space<semaphore_mem>>
    %dma_wait3A_490 = tpu.memref_squeeze %dma_wait3A_489 : memref<1x!tpu.dma_semaphore, #tpu.memory_space<semaphore_mem>> -> memref<!tpu.dma_semaphore, #tpu.memory_space<semaphore_mem>>
    tpu.wait_indirect_dma semaphore(%dma_wait3A_490 : memref<!tpu.dma_semaphore, #tpu.memory_space<semaphore_mem>>) src(%dma_wait3A_488 : memref<196x768xf32, #tpu.memory_space<hbm>>) dst(%dma_wait3A_478 : memref<48x768xf32, #tpu.memory_space<vmem>>)
    %mul3A_491 = arith.constant 4 : i32
    %mul3A_492 = arith.muli %add3A, %mul3A_491 : i32
    %add3A_493 = arith.constant 1 : i32
    %add3A_494 = arith.addi %mul3A_492, %add3A_493 : i32
    %dma_start3A_495 = arith.constant 1 : i32
    %dma_start3A_496 = arith.constant 1 : i32
    %dma_start3A_497 = arith.constant 0 : i32
    %dma_start3A_498 = arith.constant 0 : i32
    %dma_start3A_499 = tpu.memref_slice %arg10[%dma_start3A_495, %dma_start3A_497, %dma_start3A_498] : memref<2x48x768xf32, #tpu.memory_space<vmem>> -> memref<1x48x768xf32, #tpu.memory_space<vmem>>
    %dma_start3A_500 = tpu.memref_squeeze %dma_start3A_499 : memref<1x48x768xf32, #tpu.memory_space<vmem>> -> memref<48x768xf32, #tpu.memory_space<vmem>>
    %dma_start3A_501 = arith.constant 48 : i32
    %dma_start3A_502 = arith.constant 0 : i32
    %dma_start3A_503 = tpu.memref_slice %arg6[%add3A_494, %dma_start3A_501, %dma_start3A_502] : memref<128x196x768xf32, #tpu.memory_space<hbm>> -> memref<1x48x768xf32, #tpu.memory_space<hbm>>
    %dma_start3A_504 = tpu.memref_squeeze %dma_start3A_503 : memref<1x48x768xf32, #tpu.memory_space<hbm>> -> memref<48x768xf32, #tpu.memory_space<hbm>>
    %dma_start3A_505 = tpu.memref_slice %arg13[%dma_start3A_496] : memref<2x!tpu.dma_semaphore, #tpu.memory_space<semaphore_mem>> -> memref<1x!tpu.dma_semaphore, #tpu.memory_space<semaphore_mem>>
    %dma_start3A_506 = tpu.memref_squeeze %dma_start3A_505 : memref<1x!tpu.dma_semaphore, #tpu.memory_space<semaphore_mem>> -> memref<!tpu.dma_semaphore, #tpu.memory_space<semaphore_mem>>
    %dma_start3A_507 = arith.constant 48 : i32
    %dma_start3A_508 = arith.constant 0 : i32
    %dma_start3A_509 = tpu.memref_slice %arg6[%add3A_494, %dma_start3A_507, %dma_start3A_508] : memref<128x196x768xf32, #tpu.memory_space<hbm>> -> memref<1x48x768xf32, #tpu.memory_space<hbm>>
    %dma_start3A_510 = tpu.memref_squeeze %dma_start3A_509 : memref<1x48x768xf32, #tpu.memory_space<hbm>> -> memref<48x768xf32, #tpu.memory_space<hbm>>
    %dma_start3A_511 = arith.constant 0 : i32
    %dma_start3A_512 = arith.constant 0 : i32
    %dma_start3A_513 = tpu.memref_slice %arg10[%dma_start3A_495, %dma_start3A_511, %dma_start3A_512] : memref<2x48x768xf32, #tpu.memory_space<vmem>> -> memref<1x48x768xf32, #tpu.memory_space<vmem>>
    %dma_start3A_514 = tpu.memref_squeeze %dma_start3A_513 : memref<1x48x768xf32, #tpu.memory_space<vmem>> -> memref<48x768xf32, #tpu.memory_space<vmem>>
    tpu.enqueue_dma source(%dma_start3A_514 : memref<48x768xf32, #tpu.memory_space<vmem>>) target(%dma_start3A_510 : memref<48x768xf32, #tpu.memory_space<hbm>>) target_semaphore(%dma_start3A_506 : memref<!tpu.dma_semaphore, #tpu.memory_space<semaphore_mem>>)
    %mul3A_515 = arith.constant 4 : i32
    %mul3A_516 = arith.muli %add3A, %mul3A_515 : i32
    %add3A_517 = arith.constant 1 : i32
    %add3A_518 = arith.addi %mul3A_516, %add3A_517 : i32
    %dma_wait3A_519 = arith.constant 0 : i32
    %dma_wait3A_520 = arith.constant 0 : i32
    %dma_wait3A_521 = arith.constant 0 : i32
    %dma_wait3A_522 = arith.constant 0 : i32
    %dma_wait3A_523 = tpu.memref_slice %arg10[%dma_wait3A_519, %dma_wait3A_521, %dma_wait3A_522] : memref<2x48x768xf32, #tpu.memory_space<vmem>> -> memref<1x48x768xf32, #tpu.memory_space<vmem>>
    %dma_wait3A_524 = tpu.memref_squeeze %dma_wait3A_523 : memref<1x48x768xf32, #tpu.memory_space<vmem>> -> memref<48x768xf32, #tpu.memory_space<vmem>>
    %dma_wait3A_525 = arith.constant 0 : i32
    %dma_wait3A_526 = arith.constant 0 : i32
    %dma_wait3A_527 = tpu.memref_slice %arg6[%add3A_518, %dma_wait3A_525, %dma_wait3A_526] : memref<128x196x768xf32, #tpu.memory_space<hbm>> -> memref<1x48x768xf32, #tpu.memory_space<hbm>>
    %dma_wait3A_528 = tpu.memref_squeeze %dma_wait3A_527 : memref<1x48x768xf32, #tpu.memory_space<hbm>> -> memref<48x768xf32, #tpu.memory_space<hbm>>
    %dma_wait3A_529 = tpu.memref_slice %arg13[%dma_wait3A_520] : memref<2x!tpu.dma_semaphore, #tpu.memory_space<semaphore_mem>> -> memref<1x!tpu.dma_semaphore, #tpu.memory_space<semaphore_mem>>
    %dma_wait3A_530 = tpu.memref_squeeze %dma_wait3A_529 : memref<1x!tpu.dma_semaphore, #tpu.memory_space<semaphore_mem>> -> memref<!tpu.dma_semaphore, #tpu.memory_space<semaphore_mem>>
    %dma_wait3A_531 = arith.constant 0 : i32
    %dma_wait3A_532 = arith.constant 0 : i32
    %dma_wait3A_533 = tpu.memref_slice %arg6[%add3A_518, %dma_wait3A_531, %dma_wait3A_532] : memref<128x196x768xf32, #tpu.memory_space<hbm>> -> memref<1x48x768xf32, #tpu.memory_space<hbm>>
    %dma_wait3A_534 = tpu.memref_squeeze %dma_wait3A_533 : memref<1x48x768xf32, #tpu.memory_space<hbm>> -> memref<48x768xf32, #tpu.memory_space<hbm>>
    %dma_wait3A_535 = arith.constant 0 : i32
    %dma_wait3A_536 = arith.constant 0 : i32
    %dma_wait3A_537 = tpu.memref_slice %arg10[%dma_wait3A_519, %dma_wait3A_535, %dma_wait3A_536] : memref<2x48x768xf32, #tpu.memory_space<vmem>> -> memref<1x48x768xf32, #tpu.memory_space<vmem>>
    %dma_wait3A_538 = tpu.memref_squeeze %dma_wait3A_537 : memref<1x48x768xf32, #tpu.memory_space<vmem>> -> memref<48x768xf32, #tpu.memory_space<vmem>>
    tpu.wait_dma2 semaphore(%dma_wait3A_530 : memref<!tpu.dma_semaphore, #tpu.memory_space<semaphore_mem>>) src(%dma_wait3A_538 : memref<48x768xf32, #tpu.memory_space<vmem>>) dst(%dma_wait3A_534 : memref<48x768xf32, #tpu.memory_space<hbm>>)
    %mul3A_539 = arith.constant 4 : i32
    %mul3A_540 = arith.muli %add3A, %mul3A_539 : i32
    %add3A_541 = arith.constant 1 : i32
    %add3A_542 = arith.addi %mul3A_540, %add3A_541 : i32
    %dma_start3A_543 = arith.constant 2 : i32
    %dma_start3A_544 = arith.constant 0 : i32
    %dma_start3A_545 = arith.constant 0 : i32
    %dma_start3A_546 = arith.constant 0 : i32
    %dma_start3A_547 = arith.constant 0 : i32
    %dma_start3A_548 = tpu.memref_slice %arg10[%dma_start3A_544, %dma_start3A_546, %dma_start3A_547] : memref<2x48x768xf32, #tpu.memory_space<vmem>> -> memref<1x48x768xf32, #tpu.memory_space<vmem>>
    %dma_start3A_549 = tpu.memref_squeeze %dma_start3A_548 : memref<1x48x768xf32, #tpu.memory_space<vmem>> -> memref<48x768xf32, #tpu.memory_space<vmem>>
    %dma_start3A_550 = arith.constant 0 : i32
    %dma_start3A_551 = tpu.memref_slice %arg7[%dma_start3A_543, %dma_start3A_550] : memref<4x48xi32, #tpu.memory_space<vmem>> -> memref<1x48xi32, #tpu.memory_space<vmem>>
    %dma_start3A_552 = tpu.memref_squeeze %dma_start3A_551 : memref<1x48xi32, #tpu.memory_space<vmem>> -> memref<48xi32, #tpu.memory_space<vmem>>
    %dma_start3A_553 = arith.constant 0 : i32
    %dma_start3A_554 = arith.constant 0 : i32
    %dma_start3A_555 = tpu.memref_slice %arg2[%add3A_542, %dma_start3A_553, %dma_start3A_554] : memref<128x196x768xf32, #tpu.memory_space<hbm>> -> memref<1x196x768xf32, #tpu.memory_space<hbm>>
    %dma_start3A_556 = tpu.memref_squeeze %dma_start3A_555 : memref<1x196x768xf32, #tpu.memory_space<hbm>> -> memref<196x768xf32, #tpu.memory_space<hbm>>
    %dma_start3A_557 = arith.constant 0 : i32
    %dma_start3A_558 = arith.constant 0 : i32
    %dma_start3A_559 = tpu.memref_slice %dma_start3A_556[%dma_start3A_557, %dma_start3A_558] : memref<196x768xf32, #tpu.memory_space<hbm>> -> memref<196x768xf32, #tpu.memory_space<hbm>>
    %dma_start3A_560 = tpu.memref_slice %arg12[%dma_start3A_545] : memref<2x!tpu.dma_semaphore, #tpu.memory_space<semaphore_mem>> -> memref<1x!tpu.dma_semaphore, #tpu.memory_space<semaphore_mem>>
    %dma_start3A_561 = tpu.memref_squeeze %dma_start3A_560 : memref<1x!tpu.dma_semaphore, #tpu.memory_space<semaphore_mem>> -> memref<!tpu.dma_semaphore, #tpu.memory_space<semaphore_mem>>
    tpu.enqueue_indirect_dma source(%dma_start3A_559 : memref<196x768xf32, #tpu.memory_space<hbm>>) target(%dma_start3A_549 : memref<48x768xf32, #tpu.memory_space<vmem>>) offsets(%dma_start3A_552 : memref<48xi32, #tpu.memory_space<vmem>>) semaphore(%dma_start3A_561 : memref<!tpu.dma_semaphore, #tpu.memory_space<semaphore_mem>>)
    %mul3A_562 = arith.constant 4 : i32
    %mul3A_563 = arith.muli %add3A, %mul3A_562 : i32
    %add3A_564 = arith.constant 1 : i32
    %add3A_565 = arith.addi %mul3A_563, %add3A_564 : i32
    %dma_wait3A_566 = arith.constant 2 : i32
    %dma_wait3A_567 = arith.constant 0 : i32
    %dma_wait3A_568 = arith.constant 0 : i32
    %dma_wait3A_569 = arith.constant 0 : i32
    %dma_wait3A_570 = arith.constant 0 : i32
    %dma_wait3A_571 = tpu.memref_slice %arg10[%dma_wait3A_567, %dma_wait3A_569, %dma_wait3A_570] : memref<2x48x768xf32, #tpu.memory_space<vmem>> -> memref<1x48x768xf32, #tpu.memory_space<vmem>>
    %dma_wait3A_572 = tpu.memref_squeeze %dma_wait3A_571 : memref<1x48x768xf32, #tpu.memory_space<vmem>> -> memref<48x768xf32, #tpu.memory_space<vmem>>
    %dma_wait3A_573 = arith.constant 0 : i32
    %dma_wait3A_574 = tpu.memref_slice %arg7[%dma_wait3A_566, %dma_wait3A_573] : memref<4x48xi32, #tpu.memory_space<vmem>> -> memref<1x48xi32, #tpu.memory_space<vmem>>
    %dma_wait3A_575 = tpu.memref_squeeze %dma_wait3A_574 : memref<1x48xi32, #tpu.memory_space<vmem>> -> memref<48xi32, #tpu.memory_space<vmem>>
    %dma_wait3A_576 = arith.constant 0 : i32
    %dma_wait3A_577 = arith.constant 0 : i32
    %dma_wait3A_578 = tpu.memref_slice %arg2[%add3A_565, %dma_wait3A_576, %dma_wait3A_577] : memref<128x196x768xf32, #tpu.memory_space<hbm>> -> memref<1x196x768xf32, #tpu.memory_space<hbm>>
    %dma_wait3A_579 = tpu.memref_squeeze %dma_wait3A_578 : memref<1x196x768xf32, #tpu.memory_space<hbm>> -> memref<196x768xf32, #tpu.memory_space<hbm>>
    %dma_wait3A_580 = arith.constant 0 : i32
    %dma_wait3A_581 = arith.constant 0 : i32
    %dma_wait3A_582 = tpu.memref_slice %dma_wait3A_579[%dma_wait3A_580, %dma_wait3A_581] : memref<196x768xf32, #tpu.memory_space<hbm>> -> memref<196x768xf32, #tpu.memory_space<hbm>>
    %dma_wait3A_583 = tpu.memref_slice %arg12[%dma_wait3A_568] : memref<2x!tpu.dma_semaphore, #tpu.memory_space<semaphore_mem>> -> memref<1x!tpu.dma_semaphore, #tpu.memory_space<semaphore_mem>>
    %dma_wait3A_584 = tpu.memref_squeeze %dma_wait3A_583 : memref<1x!tpu.dma_semaphore, #tpu.memory_space<semaphore_mem>> -> memref<!tpu.dma_semaphore, #tpu.memory_space<semaphore_mem>>
    tpu.wait_indirect_dma semaphore(%dma_wait3A_584 : memref<!tpu.dma_semaphore, #tpu.memory_space<semaphore_mem>>) src(%dma_wait3A_582 : memref<196x768xf32, #tpu.memory_space<hbm>>) dst(%dma_wait3A_572 : memref<48x768xf32, #tpu.memory_space<vmem>>)
    %mul3A_585 = arith.constant 4 : i32
    %mul3A_586 = arith.muli %add3A, %mul3A_585 : i32
    %add3A_587 = arith.constant 1 : i32
    %add3A_588 = arith.addi %mul3A_586, %add3A_587 : i32
    %dma_start3A_589 = arith.constant 0 : i32
    %dma_start3A_590 = arith.constant 0 : i32
    %dma_start3A_591 = arith.constant 0 : i32
    %dma_start3A_592 = arith.constant 0 : i32
    %dma_start3A_593 = tpu.memref_slice %arg10[%dma_start3A_589, %dma_start3A_591, %dma_start3A_592] : memref<2x48x768xf32, #tpu.memory_space<vmem>> -> memref<1x48x768xf32, #tpu.memory_space<vmem>>
    %dma_start3A_594 = tpu.memref_squeeze %dma_start3A_593 : memref<1x48x768xf32, #tpu.memory_space<vmem>> -> memref<48x768xf32, #tpu.memory_space<vmem>>
    %dma_start3A_595 = arith.constant 96 : i32
    %dma_start3A_596 = arith.constant 0 : i32
    %dma_start3A_597 = tpu.memref_slice %arg6[%add3A_588, %dma_start3A_595, %dma_start3A_596] : memref<128x196x768xf32, #tpu.memory_space<hbm>> -> memref<1x48x768xf32, #tpu.memory_space<hbm>>
    %dma_start3A_598 = tpu.memref_squeeze %dma_start3A_597 : memref<1x48x768xf32, #tpu.memory_space<hbm>> -> memref<48x768xf32, #tpu.memory_space<hbm>>
    %dma_start3A_599 = tpu.memref_slice %arg13[%dma_start3A_590] : memref<2x!tpu.dma_semaphore, #tpu.memory_space<semaphore_mem>> -> memref<1x!tpu.dma_semaphore, #tpu.memory_space<semaphore_mem>>
    %dma_start3A_600 = tpu.memref_squeeze %dma_start3A_599 : memref<1x!tpu.dma_semaphore, #tpu.memory_space<semaphore_mem>> -> memref<!tpu.dma_semaphore, #tpu.memory_space<semaphore_mem>>
    %dma_start3A_601 = arith.constant 96 : i32
    %dma_start3A_602 = arith.constant 0 : i32
    %dma_start3A_603 = tpu.memref_slice %arg6[%add3A_588, %dma_start3A_601, %dma_start3A_602] : memref<128x196x768xf32, #tpu.memory_space<hbm>> -> memref<1x48x768xf32, #tpu.memory_space<hbm>>
    %dma_start3A_604 = tpu.memref_squeeze %dma_start3A_603 : memref<1x48x768xf32, #tpu.memory_space<hbm>> -> memref<48x768xf32, #tpu.memory_space<hbm>>
    %dma_start3A_605 = arith.constant 0 : i32
    %dma_start3A_606 = arith.constant 0 : i32
    %dma_start3A_607 = tpu.memref_slice %arg10[%dma_start3A_589, %dma_start3A_605, %dma_start3A_606] : memref<2x48x768xf32, #tpu.memory_space<vmem>> -> memref<1x48x768xf32, #tpu.memory_space<vmem>>
    %dma_start3A_608 = tpu.memref_squeeze %dma_start3A_607 : memref<1x48x768xf32, #tpu.memory_space<vmem>> -> memref<48x768xf32, #tpu.memory_space<vmem>>
    tpu.enqueue_dma source(%dma_start3A_608 : memref<48x768xf32, #tpu.memory_space<vmem>>) target(%dma_start3A_604 : memref<48x768xf32, #tpu.memory_space<hbm>>) target_semaphore(%dma_start3A_600 : memref<!tpu.dma_semaphore, #tpu.memory_space<semaphore_mem>>)
    %mul3A_609 = arith.constant 4 : i32
    %mul3A_610 = arith.muli %add3A, %mul3A_609 : i32
    %add3A_611 = arith.constant 1 : i32
    %add3A_612 = arith.addi %mul3A_610, %add3A_611 : i32
    %dma_wait3A_613 = arith.constant 1 : i32
    %dma_wait3A_614 = arith.constant 1 : i32
    %dma_wait3A_615 = arith.constant 0 : i32
    %dma_wait3A_616 = arith.constant 0 : i32
    %dma_wait3A_617 = tpu.memref_slice %arg10[%dma_wait3A_613, %dma_wait3A_615, %dma_wait3A_616] : memref<2x48x768xf32, #tpu.memory_space<vmem>> -> memref<1x48x768xf32, #tpu.memory_space<vmem>>
    %dma_wait3A_618 = tpu.memref_squeeze %dma_wait3A_617 : memref<1x48x768xf32, #tpu.memory_space<vmem>> -> memref<48x768xf32, #tpu.memory_space<vmem>>
    %dma_wait3A_619 = arith.constant 48 : i32
    %dma_wait3A_620 = arith.constant 0 : i32
    %dma_wait3A_621 = tpu.memref_slice %arg6[%add3A_612, %dma_wait3A_619, %dma_wait3A_620] : memref<128x196x768xf32, #tpu.memory_space<hbm>> -> memref<1x48x768xf32, #tpu.memory_space<hbm>>
    %dma_wait3A_622 = tpu.memref_squeeze %dma_wait3A_621 : memref<1x48x768xf32, #tpu.memory_space<hbm>> -> memref<48x768xf32, #tpu.memory_space<hbm>>
    %dma_wait3A_623 = tpu.memref_slice %arg13[%dma_wait3A_614] : memref<2x!tpu.dma_semaphore, #tpu.memory_space<semaphore_mem>> -> memref<1x!tpu.dma_semaphore, #tpu.memory_space<semaphore_mem>>
    %dma_wait3A_624 = tpu.memref_squeeze %dma_wait3A_623 : memref<1x!tpu.dma_semaphore, #tpu.memory_space<semaphore_mem>> -> memref<!tpu.dma_semaphore, #tpu.memory_space<semaphore_mem>>
    %dma_wait3A_625 = arith.constant 48 : i32
    %dma_wait3A_626 = arith.constant 0 : i32
    %dma_wait3A_627 = tpu.memref_slice %arg6[%add3A_612, %dma_wait3A_625, %dma_wait3A_626] : memref<128x196x768xf32, #tpu.memory_space<hbm>> -> memref<1x48x768xf32, #tpu.memory_space<hbm>>
    %dma_wait3A_628 = tpu.memref_squeeze %dma_wait3A_627 : memref<1x48x768xf32, #tpu.memory_space<hbm>> -> memref<48x768xf32, #tpu.memory_space<hbm>>
    %dma_wait3A_629 = arith.constant 0 : i32
    %dma_wait3A_630 = arith.constant 0 : i32
    %dma_wait3A_631 = tpu.memref_slice %arg10[%dma_wait3A_613, %dma_wait3A_629, %dma_wait3A_630] : memref<2x48x768xf32, #tpu.memory_space<vmem>> -> memref<1x48x768xf32, #tpu.memory_space<vmem>>
    %dma_wait3A_632 = tpu.memref_squeeze %dma_wait3A_631 : memref<1x48x768xf32, #tpu.memory_space<vmem>> -> memref<48x768xf32, #tpu.memory_space<vmem>>
    tpu.wait_dma2 semaphore(%dma_wait3A_624 : memref<!tpu.dma_semaphore, #tpu.memory_space<semaphore_mem>>) src(%dma_wait3A_632 : memref<48x768xf32, #tpu.memory_space<vmem>>) dst(%dma_wait3A_628 : memref<48x768xf32, #tpu.memory_space<hbm>>)
    %mul3A_633 = arith.constant 4 : i32
    %mul3A_634 = arith.muli %add3A, %mul3A_633 : i32
    %add3A_635 = arith.constant 1 : i32
    %add3A_636 = arith.addi %mul3A_634, %add3A_635 : i32
    %dma_start3A_637 = arith.constant 3 : i32
    %dma_start3A_638 = arith.constant 1 : i32
    %dma_start3A_639 = arith.constant 1 : i32
    %dma_start3A_640 = arith.constant 0 : i32
    %dma_start3A_641 = arith.constant 0 : i32
    %dma_start3A_642 = tpu.memref_slice %arg10[%dma_start3A_638, %dma_start3A_640, %dma_start3A_641] : memref<2x48x768xf32, #tpu.memory_space<vmem>> -> memref<1x48x768xf32, #tpu.memory_space<vmem>>
    %dma_start3A_643 = tpu.memref_squeeze %dma_start3A_642 : memref<1x48x768xf32, #tpu.memory_space<vmem>> -> memref<48x768xf32, #tpu.memory_space<vmem>>
    %dma_start3A_644 = arith.constant 0 : i32
    %dma_start3A_645 = tpu.memref_slice %arg7[%dma_start3A_637, %dma_start3A_644] : memref<4x48xi32, #tpu.memory_space<vmem>> -> memref<1x48xi32, #tpu.memory_space<vmem>>
    %dma_start3A_646 = tpu.memref_squeeze %dma_start3A_645 : memref<1x48xi32, #tpu.memory_space<vmem>> -> memref<48xi32, #tpu.memory_space<vmem>>
    %dma_start3A_647 = arith.constant 0 : i32
    %dma_start3A_648 = arith.constant 0 : i32
    %dma_start3A_649 = tpu.memref_slice %arg2[%add3A_636, %dma_start3A_647, %dma_start3A_648] : memref<128x196x768xf32, #tpu.memory_space<hbm>> -> memref<1x196x768xf32, #tpu.memory_space<hbm>>
    %dma_start3A_650 = tpu.memref_squeeze %dma_start3A_649 : memref<1x196x768xf32, #tpu.memory_space<hbm>> -> memref<196x768xf32, #tpu.memory_space<hbm>>
    %dma_start3A_651 = arith.constant 0 : i32
    %dma_start3A_652 = arith.constant 0 : i32
    %dma_start3A_653 = tpu.memref_slice %dma_start3A_650[%dma_start3A_651, %dma_start3A_652] : memref<196x768xf32, #tpu.memory_space<hbm>> -> memref<196x768xf32, #tpu.memory_space<hbm>>
    %dma_start3A_654 = tpu.memref_slice %arg12[%dma_start3A_639] : memref<2x!tpu.dma_semaphore, #tpu.memory_space<semaphore_mem>> -> memref<1x!tpu.dma_semaphore, #tpu.memory_space<semaphore_mem>>
    %dma_start3A_655 = tpu.memref_squeeze %dma_start3A_654 : memref<1x!tpu.dma_semaphore, #tpu.memory_space<semaphore_mem>> -> memref<!tpu.dma_semaphore, #tpu.memory_space<semaphore_mem>>
    tpu.enqueue_indirect_dma source(%dma_start3A_653 : memref<196x768xf32, #tpu.memory_space<hbm>>) target(%dma_start3A_643 : memref<48x768xf32, #tpu.memory_space<vmem>>) offsets(%dma_start3A_646 : memref<48xi32, #tpu.memory_space<vmem>>) semaphore(%dma_start3A_655 : memref<!tpu.dma_semaphore, #tpu.memory_space<semaphore_mem>>)
    %mul3A_656 = arith.constant 4 : i32
    %mul3A_657 = arith.muli %add3A, %mul3A_656 : i32
    %add3A_658 = arith.constant 1 : i32
    %add3A_659 = arith.addi %mul3A_657, %add3A_658 : i32
    %dma_wait3A_660 = arith.constant 3 : i32
    %dma_wait3A_661 = arith.constant 1 : i32
    %dma_wait3A_662 = arith.constant 1 : i32
    %dma_wait3A_663 = arith.constant 0 : i32
    %dma_wait3A_664 = arith.constant 0 : i32
    %dma_wait3A_665 = tpu.memref_slice %arg10[%dma_wait3A_661, %dma_wait3A_663, %dma_wait3A_664] : memref<2x48x768xf32, #tpu.memory_space<vmem>> -> memref<1x48x768xf32, #tpu.memory_space<vmem>>
    %dma_wait3A_666 = tpu.memref_squeeze %dma_wait3A_665 : memref<1x48x768xf32, #tpu.memory_space<vmem>> -> memref<48x768xf32, #tpu.memory_space<vmem>>
    %dma_wait3A_667 = arith.constant 0 : i32
    %dma_wait3A_668 = tpu.memref_slice %arg7[%dma_wait3A_660, %dma_wait3A_667] : memref<4x48xi32, #tpu.memory_space<vmem>> -> memref<1x48xi32, #tpu.memory_space<vmem>>
    %dma_wait3A_669 = tpu.memref_squeeze %dma_wait3A_668 : memref<1x48xi32, #tpu.memory_space<vmem>> -> memref<48xi32, #tpu.memory_space<vmem>>
    %dma_wait3A_670 = arith.constant 0 : i32
    %dma_wait3A_671 = arith.constant 0 : i32
    %dma_wait3A_672 = tpu.memref_slice %arg2[%add3A_659, %dma_wait3A_670, %dma_wait3A_671] : memref<128x196x768xf32, #tpu.memory_space<hbm>> -> memref<1x196x768xf32, #tpu.memory_space<hbm>>
    %dma_wait3A_673 = tpu.memref_squeeze %dma_wait3A_672 : memref<1x196x768xf32, #tpu.memory_space<hbm>> -> memref<196x768xf32, #tpu.memory_space<hbm>>
    %dma_wait3A_674 = arith.constant 0 : i32
    %dma_wait3A_675 = arith.constant 0 : i32
    %dma_wait3A_676 = tpu.memref_slice %dma_wait3A_673[%dma_wait3A_674, %dma_wait3A_675] : memref<196x768xf32, #tpu.memory_space<hbm>> -> memref<196x768xf32, #tpu.memory_space<hbm>>
    %dma_wait3A_677 = tpu.memref_slice %arg12[%dma_wait3A_662] : memref<2x!tpu.dma_semaphore, #tpu.memory_space<semaphore_mem>> -> memref<1x!tpu.dma_semaphore, #tpu.memory_space<semaphore_mem>>
    %dma_wait3A_678 = tpu.memref_squeeze %dma_wait3A_677 : memref<1x!tpu.dma_semaphore, #tpu.memory_space<semaphore_mem>> -> memref<!tpu.dma_semaphore, #tpu.memory_space<semaphore_mem>>
    tpu.wait_indirect_dma semaphore(%dma_wait3A_678 : memref<!tpu.dma_semaphore, #tpu.memory_space<semaphore_mem>>) src(%dma_wait3A_676 : memref<196x768xf32, #tpu.memory_space<hbm>>) dst(%dma_wait3A_666 : memref<48x768xf32, #tpu.memory_space<vmem>>)
    %mul3A_679 = arith.constant 4 : i32
    %mul3A_680 = arith.muli %add3A, %mul3A_679 : i32
    %add3A_681 = arith.constant 1 : i32
    %add3A_682 = arith.addi %mul3A_680, %add3A_681 : i32
    %dma_start3A_683 = arith.constant 1 : i32
    %dma_start3A_684 = arith.constant 1 : i32
    %dma_start3A_685 = arith.constant 0 : i32
    %dma_start3A_686 = arith.constant 0 : i32
    %dma_start3A_687 = tpu.memref_slice %arg10[%dma_start3A_683, %dma_start3A_685, %dma_start3A_686] : memref<2x48x768xf32, #tpu.memory_space<vmem>> -> memref<1x48x768xf32, #tpu.memory_space<vmem>>
    %dma_start3A_688 = tpu.memref_squeeze %dma_start3A_687 : memref<1x48x768xf32, #tpu.memory_space<vmem>> -> memref<48x768xf32, #tpu.memory_space<vmem>>
    %dma_start3A_689 = arith.constant 144 : i32
    %dma_start3A_690 = arith.constant 0 : i32
    %dma_start3A_691 = tpu.memref_slice %arg6[%add3A_682, %dma_start3A_689, %dma_start3A_690] : memref<128x196x768xf32, #tpu.memory_space<hbm>> -> memref<1x48x768xf32, #tpu.memory_space<hbm>>
    %dma_start3A_692 = tpu.memref_squeeze %dma_start3A_691 : memref<1x48x768xf32, #tpu.memory_space<hbm>> -> memref<48x768xf32, #tpu.memory_space<hbm>>
    %dma_start3A_693 = tpu.memref_slice %arg13[%dma_start3A_684] : memref<2x!tpu.dma_semaphore, #tpu.memory_space<semaphore_mem>> -> memref<1x!tpu.dma_semaphore, #tpu.memory_space<semaphore_mem>>
    %dma_start3A_694 = tpu.memref_squeeze %dma_start3A_693 : memref<1x!tpu.dma_semaphore, #tpu.memory_space<semaphore_mem>> -> memref<!tpu.dma_semaphore, #tpu.memory_space<semaphore_mem>>
    %dma_start3A_695 = arith.constant 144 : i32
    %dma_start3A_696 = arith.constant 0 : i32
    %dma_start3A_697 = tpu.memref_slice %arg6[%add3A_682, %dma_start3A_695, %dma_start3A_696] : memref<128x196x768xf32, #tpu.memory_space<hbm>> -> memref<1x48x768xf32, #tpu.memory_space<hbm>>
    %dma_start3A_698 = tpu.memref_squeeze %dma_start3A_697 : memref<1x48x768xf32, #tpu.memory_space<hbm>> -> memref<48x768xf32, #tpu.memory_space<hbm>>
    %dma_start3A_699 = arith.constant 0 : i32
    %dma_start3A_700 = arith.constant 0 : i32
    %dma_start3A_701 = tpu.memref_slice %arg10[%dma_start3A_683, %dma_start3A_699, %dma_start3A_700] : memref<2x48x768xf32, #tpu.memory_space<vmem>> -> memref<1x48x768xf32, #tpu.memory_space<vmem>>
    %dma_start3A_702 = tpu.memref_squeeze %dma_start3A_701 : memref<1x48x768xf32, #tpu.memory_space<vmem>> -> memref<48x768xf32, #tpu.memory_space<vmem>>
    tpu.enqueue_dma source(%dma_start3A_702 : memref<48x768xf32, #tpu.memory_space<vmem>>) target(%dma_start3A_698 : memref<48x768xf32, #tpu.memory_space<hbm>>) target_semaphore(%dma_start3A_694 : memref<!tpu.dma_semaphore, #tpu.memory_space<semaphore_mem>>)
    %mul3A_703 = arith.constant 4 : i32
    %mul3A_704 = arith.muli %add3A, %mul3A_703 : i32
    %add3A_705 = arith.constant 1 : i32
    %add3A_706 = arith.addi %mul3A_704, %add3A_705 : i32
    %dma_wait3A_707 = arith.constant 0 : i32
    %dma_wait3A_708 = arith.constant 0 : i32
    %dma_wait3A_709 = arith.constant 0 : i32
    %dma_wait3A_710 = arith.constant 0 : i32
    %dma_wait3A_711 = tpu.memref_slice %arg10[%dma_wait3A_707, %dma_wait3A_709, %dma_wait3A_710] : memref<2x48x768xf32, #tpu.memory_space<vmem>> -> memref<1x48x768xf32, #tpu.memory_space<vmem>>
    %dma_wait3A_712 = tpu.memref_squeeze %dma_wait3A_711 : memref<1x48x768xf32, #tpu.memory_space<vmem>> -> memref<48x768xf32, #tpu.memory_space<vmem>>
    %dma_wait3A_713 = arith.constant 96 : i32
    %dma_wait3A_714 = arith.constant 0 : i32
    %dma_wait3A_715 = tpu.memref_slice %arg6[%add3A_706, %dma_wait3A_713, %dma_wait3A_714] : memref<128x196x768xf32, #tpu.memory_space<hbm>> -> memref<1x48x768xf32, #tpu.memory_space<hbm>>
    %dma_wait3A_716 = tpu.memref_squeeze %dma_wait3A_715 : memref<1x48x768xf32, #tpu.memory_space<hbm>> -> memref<48x768xf32, #tpu.memory_space<hbm>>
    %dma_wait3A_717 = tpu.memref_slice %arg13[%dma_wait3A_708] : memref<2x!tpu.dma_semaphore, #tpu.memory_space<semaphore_mem>> -> memref<1x!tpu.dma_semaphore, #tpu.memory_space<semaphore_mem>>
    %dma_wait3A_718 = tpu.memref_squeeze %dma_wait3A_717 : memref<1x!tpu.dma_semaphore, #tpu.memory_space<semaphore_mem>> -> memref<!tpu.dma_semaphore, #tpu.memory_space<semaphore_mem>>
    %dma_wait3A_719 = arith.constant 96 : i32
    %dma_wait3A_720 = arith.constant 0 : i32
    %dma_wait3A_721 = tpu.memref_slice %arg6[%add3A_706, %dma_wait3A_719, %dma_wait3A_720] : memref<128x196x768xf32, #tpu.memory_space<hbm>> -> memref<1x48x768xf32, #tpu.memory_space<hbm>>
    %dma_wait3A_722 = tpu.memref_squeeze %dma_wait3A_721 : memref<1x48x768xf32, #tpu.memory_space<hbm>> -> memref<48x768xf32, #tpu.memory_space<hbm>>
    %dma_wait3A_723 = arith.constant 0 : i32
    %dma_wait3A_724 = arith.constant 0 : i32
    %dma_wait3A_725 = tpu.memref_slice %arg10[%dma_wait3A_707, %dma_wait3A_723, %dma_wait3A_724] : memref<2x48x768xf32, #tpu.memory_space<vmem>> -> memref<1x48x768xf32, #tpu.memory_space<vmem>>
    %dma_wait3A_726 = tpu.memref_squeeze %dma_wait3A_725 : memref<1x48x768xf32, #tpu.memory_space<vmem>> -> memref<48x768xf32, #tpu.memory_space<vmem>>
    tpu.wait_dma2 semaphore(%dma_wait3A_718 : memref<!tpu.dma_semaphore, #tpu.memory_space<semaphore_mem>>) src(%dma_wait3A_726 : memref<48x768xf32, #tpu.memory_space<vmem>>) dst(%dma_wait3A_722 : memref<48x768xf32, #tpu.memory_space<hbm>>)
    %mul3A_727 = arith.constant 4 : i32
    %mul3A_728 = arith.muli %add3A, %mul3A_727 : i32
    %add3A_729 = arith.constant 2 : i32
    %add3A_730 = arith.addi %mul3A_728, %add3A_729 : i32
    %dma_start3A_731 = arith.constant 0 : i32
    %dma_start3A_732 = arith.constant 0 : i32
    %dma_start3A_733 = arith.constant 0 : i32
    %dma_start3A_734 = arith.constant 0 : i32
    %dma_start3A_735 = arith.constant 0 : i32
    %dma_start3A_736 = tpu.memref_slice %arg10[%dma_start3A_732, %dma_start3A_734, %dma_start3A_735] : memref<2x48x768xf32, #tpu.memory_space<vmem>> -> memref<1x48x768xf32, #tpu.memory_space<vmem>>
    %dma_start3A_737 = tpu.memref_squeeze %dma_start3A_736 : memref<1x48x768xf32, #tpu.memory_space<vmem>> -> memref<48x768xf32, #tpu.memory_space<vmem>>
    %dma_start3A_738 = arith.constant 0 : i32
    %dma_start3A_739 = tpu.memref_slice %arg7[%dma_start3A_731, %dma_start3A_738] : memref<4x48xi32, #tpu.memory_space<vmem>> -> memref<1x48xi32, #tpu.memory_space<vmem>>
    %dma_start3A_740 = tpu.memref_squeeze %dma_start3A_739 : memref<1x48xi32, #tpu.memory_space<vmem>> -> memref<48xi32, #tpu.memory_space<vmem>>
    %dma_start3A_741 = arith.constant 0 : i32
    %dma_start3A_742 = arith.constant 0 : i32
    %dma_start3A_743 = tpu.memref_slice %arg2[%add3A_730, %dma_start3A_741, %dma_start3A_742] : memref<128x196x768xf32, #tpu.memory_space<hbm>> -> memref<1x196x768xf32, #tpu.memory_space<hbm>>
    %dma_start3A_744 = tpu.memref_squeeze %dma_start3A_743 : memref<1x196x768xf32, #tpu.memory_space<hbm>> -> memref<196x768xf32, #tpu.memory_space<hbm>>
    %dma_start3A_745 = arith.constant 0 : i32
    %dma_start3A_746 = arith.constant 0 : i32
    %dma_start3A_747 = tpu.memref_slice %dma_start3A_744[%dma_start3A_745, %dma_start3A_746] : memref<196x768xf32, #tpu.memory_space<hbm>> -> memref<196x768xf32, #tpu.memory_space<hbm>>
    %dma_start3A_748 = tpu.memref_slice %arg12[%dma_start3A_733] : memref<2x!tpu.dma_semaphore, #tpu.memory_space<semaphore_mem>> -> memref<1x!tpu.dma_semaphore, #tpu.memory_space<semaphore_mem>>
    %dma_start3A_749 = tpu.memref_squeeze %dma_start3A_748 : memref<1x!tpu.dma_semaphore, #tpu.memory_space<semaphore_mem>> -> memref<!tpu.dma_semaphore, #tpu.memory_space<semaphore_mem>>
    tpu.enqueue_indirect_dma source(%dma_start3A_747 : memref<196x768xf32, #tpu.memory_space<hbm>>) target(%dma_start3A_737 : memref<48x768xf32, #tpu.memory_space<vmem>>) offsets(%dma_start3A_740 : memref<48xi32, #tpu.memory_space<vmem>>) semaphore(%dma_start3A_749 : memref<!tpu.dma_semaphore, #tpu.memory_space<semaphore_mem>>)
    %mul3A_750 = arith.constant 4 : i32
    %mul3A_751 = arith.muli %add3A, %mul3A_750 : i32
    %add3A_752 = arith.constant 2 : i32
    %add3A_753 = arith.addi %mul3A_751, %add3A_752 : i32
    %dma_wait3A_754 = arith.constant 0 : i32
    %dma_wait3A_755 = arith.constant 0 : i32
    %dma_wait3A_756 = arith.constant 0 : i32
    %dma_wait3A_757 = arith.constant 0 : i32
    %dma_wait3A_758 = arith.constant 0 : i32
    %dma_wait3A_759 = tpu.memref_slice %arg10[%dma_wait3A_755, %dma_wait3A_757, %dma_wait3A_758] : memref<2x48x768xf32, #tpu.memory_space<vmem>> -> memref<1x48x768xf32, #tpu.memory_space<vmem>>
    %dma_wait3A_760 = tpu.memref_squeeze %dma_wait3A_759 : memref<1x48x768xf32, #tpu.memory_space<vmem>> -> memref<48x768xf32, #tpu.memory_space<vmem>>
    %dma_wait3A_761 = arith.constant 0 : i32
    %dma_wait3A_762 = tpu.memref_slice %arg7[%dma_wait3A_754, %dma_wait3A_761] : memref<4x48xi32, #tpu.memory_space<vmem>> -> memref<1x48xi32, #tpu.memory_space<vmem>>
    %dma_wait3A_763 = tpu.memref_squeeze %dma_wait3A_762 : memref<1x48xi32, #tpu.memory_space<vmem>> -> memref<48xi32, #tpu.memory_space<vmem>>
    %dma_wait3A_764 = arith.constant 0 : i32
    %dma_wait3A_765 = arith.constant 0 : i32
    %dma_wait3A_766 = tpu.memref_slice %arg2[%add3A_753, %dma_wait3A_764, %dma_wait3A_765] : memref<128x196x768xf32, #tpu.memory_space<hbm>> -> memref<1x196x768xf32, #tpu.memory_space<hbm>>
    %dma_wait3A_767 = tpu.memref_squeeze %dma_wait3A_766 : memref<1x196x768xf32, #tpu.memory_space<hbm>> -> memref<196x768xf32, #tpu.memory_space<hbm>>
    %dma_wait3A_768 = arith.constant 0 : i32
    %dma_wait3A_769 = arith.constant 0 : i32
    %dma_wait3A_770 = tpu.memref_slice %dma_wait3A_767[%dma_wait3A_768, %dma_wait3A_769] : memref<196x768xf32, #tpu.memory_space<hbm>> -> memref<196x768xf32, #tpu.memory_space<hbm>>
    %dma_wait3A_771 = tpu.memref_slice %arg12[%dma_wait3A_756] : memref<2x!tpu.dma_semaphore, #tpu.memory_space<semaphore_mem>> -> memref<1x!tpu.dma_semaphore, #tpu.memory_space<semaphore_mem>>
    %dma_wait3A_772 = tpu.memref_squeeze %dma_wait3A_771 : memref<1x!tpu.dma_semaphore, #tpu.memory_space<semaphore_mem>> -> memref<!tpu.dma_semaphore, #tpu.memory_space<semaphore_mem>>
    tpu.wait_indirect_dma semaphore(%dma_wait3A_772 : memref<!tpu.dma_semaphore, #tpu.memory_space<semaphore_mem>>) src(%dma_wait3A_770 : memref<196x768xf32, #tpu.memory_space<hbm>>) dst(%dma_wait3A_760 : memref<48x768xf32, #tpu.memory_space<vmem>>)
    %mul3A_773 = arith.constant 4 : i32
    %mul3A_774 = arith.muli %add3A, %mul3A_773 : i32
    %add3A_775 = arith.constant 2 : i32
    %add3A_776 = arith.addi %mul3A_774, %add3A_775 : i32
    %dma_start3A_777 = arith.constant 0 : i32
    %dma_start3A_778 = arith.constant 0 : i32
    %dma_start3A_779 = arith.constant 0 : i32
    %dma_start3A_780 = arith.constant 0 : i32
    %dma_start3A_781 = tpu.memref_slice %arg10[%dma_start3A_777, %dma_start3A_779, %dma_start3A_780] : memref<2x48x768xf32, #tpu.memory_space<vmem>> -> memref<1x48x768xf32, #tpu.memory_space<vmem>>
    %dma_start3A_782 = tpu.memref_squeeze %dma_start3A_781 : memref<1x48x768xf32, #tpu.memory_space<vmem>> -> memref<48x768xf32, #tpu.memory_space<vmem>>
    %dma_start3A_783 = arith.constant 0 : i32
    %dma_start3A_784 = arith.constant 0 : i32
    %dma_start3A_785 = tpu.memref_slice %arg6[%add3A_776, %dma_start3A_783, %dma_start3A_784] : memref<128x196x768xf32, #tpu.memory_space<hbm>> -> memref<1x48x768xf32, #tpu.memory_space<hbm>>
    %dma_start3A_786 = tpu.memref_squeeze %dma_start3A_785 : memref<1x48x768xf32, #tpu.memory_space<hbm>> -> memref<48x768xf32, #tpu.memory_space<hbm>>
    %dma_start3A_787 = tpu.memref_slice %arg13[%dma_start3A_778] : memref<2x!tpu.dma_semaphore, #tpu.memory_space<semaphore_mem>> -> memref<1x!tpu.dma_semaphore, #tpu.memory_space<semaphore_mem>>
    %dma_start3A_788 = tpu.memref_squeeze %dma_start3A_787 : memref<1x!tpu.dma_semaphore, #tpu.memory_space<semaphore_mem>> -> memref<!tpu.dma_semaphore, #tpu.memory_space<semaphore_mem>>
    %dma_start3A_789 = arith.constant 0 : i32
    %dma_start3A_790 = arith.constant 0 : i32
    %dma_start3A_791 = tpu.memref_slice %arg6[%add3A_776, %dma_start3A_789, %dma_start3A_790] : memref<128x196x768xf32, #tpu.memory_space<hbm>> -> memref<1x48x768xf32, #tpu.memory_space<hbm>>
    %dma_start3A_792 = tpu.memref_squeeze %dma_start3A_791 : memref<1x48x768xf32, #tpu.memory_space<hbm>> -> memref<48x768xf32, #tpu.memory_space<hbm>>
    %dma_start3A_793 = arith.constant 0 : i32
    %dma_start3A_794 = arith.constant 0 : i32
    %dma_start3A_795 = tpu.memref_slice %arg10[%dma_start3A_777, %dma_start3A_793, %dma_start3A_794] : memref<2x48x768xf32, #tpu.memory_space<vmem>> -> memref<1x48x768xf32, #tpu.memory_space<vmem>>
    %dma_start3A_796 = tpu.memref_squeeze %dma_start3A_795 : memref<1x48x768xf32, #tpu.memory_space<vmem>> -> memref<48x768xf32, #tpu.memory_space<vmem>>
    tpu.enqueue_dma source(%dma_start3A_796 : memref<48x768xf32, #tpu.memory_space<vmem>>) target(%dma_start3A_792 : memref<48x768xf32, #tpu.memory_space<hbm>>) target_semaphore(%dma_start3A_788 : memref<!tpu.dma_semaphore, #tpu.memory_space<semaphore_mem>>)
    %mul3A_797 = arith.constant 4 : i32
    %mul3A_798 = arith.muli %add3A, %mul3A_797 : i32
    %add3A_799 = arith.constant 1 : i32
    %add3A_800 = arith.addi %mul3A_798, %add3A_799 : i32
    %dma_wait3A_801 = arith.constant 1 : i32
    %dma_wait3A_802 = arith.constant 1 : i32
    %dma_wait3A_803 = arith.constant 0 : i32
    %dma_wait3A_804 = arith.constant 0 : i32
    %dma_wait3A_805 = tpu.memref_slice %arg10[%dma_wait3A_801, %dma_wait3A_803, %dma_wait3A_804] : memref<2x48x768xf32, #tpu.memory_space<vmem>> -> memref<1x48x768xf32, #tpu.memory_space<vmem>>
    %dma_wait3A_806 = tpu.memref_squeeze %dma_wait3A_805 : memref<1x48x768xf32, #tpu.memory_space<vmem>> -> memref<48x768xf32, #tpu.memory_space<vmem>>
    %dma_wait3A_807 = arith.constant 144 : i32
    %dma_wait3A_808 = arith.constant 0 : i32
    %dma_wait3A_809 = tpu.memref_slice %arg6[%add3A_800, %dma_wait3A_807, %dma_wait3A_808] : memref<128x196x768xf32, #tpu.memory_space<hbm>> -> memref<1x48x768xf32, #tpu.memory_space<hbm>>
    %dma_wait3A_810 = tpu.memref_squeeze %dma_wait3A_809 : memref<1x48x768xf32, #tpu.memory_space<hbm>> -> memref<48x768xf32, #tpu.memory_space<hbm>>
    %dma_wait3A_811 = tpu.memref_slice %arg13[%dma_wait3A_802] : memref<2x!tpu.dma_semaphore, #tpu.memory_space<semaphore_mem>> -> memref<1x!tpu.dma_semaphore, #tpu.memory_space<semaphore_mem>>
    %dma_wait3A_812 = tpu.memref_squeeze %dma_wait3A_811 : memref<1x!tpu.dma_semaphore, #tpu.memory_space<semaphore_mem>> -> memref<!tpu.dma_semaphore, #tpu.memory_space<semaphore_mem>>
    %dma_wait3A_813 = arith.constant 144 : i32
    %dma_wait3A_814 = arith.constant 0 : i32
    %dma_wait3A_815 = tpu.memref_slice %arg6[%add3A_800, %dma_wait3A_813, %dma_wait3A_814] : memref<128x196x768xf32, #tpu.memory_space<hbm>> -> memref<1x48x768xf32, #tpu.memory_space<hbm>>
    %dma_wait3A_816 = tpu.memref_squeeze %dma_wait3A_815 : memref<1x48x768xf32, #tpu.memory_space<hbm>> -> memref<48x768xf32, #tpu.memory_space<hbm>>
    %dma_wait3A_817 = arith.constant 0 : i32
    %dma_wait3A_818 = arith.constant 0 : i32
    %dma_wait3A_819 = tpu.memref_slice %arg10[%dma_wait3A_801, %dma_wait3A_817, %dma_wait3A_818] : memref<2x48x768xf32, #tpu.memory_space<vmem>> -> memref<1x48x768xf32, #tpu.memory_space<vmem>>
    %dma_wait3A_820 = tpu.memref_squeeze %dma_wait3A_819 : memref<1x48x768xf32, #tpu.memory_space<vmem>> -> memref<48x768xf32, #tpu.memory_space<vmem>>
    tpu.wait_dma2 semaphore(%dma_wait3A_812 : memref<!tpu.dma_semaphore, #tpu.memory_space<semaphore_mem>>) src(%dma_wait3A_820 : memref<48x768xf32, #tpu.memory_space<vmem>>) dst(%dma_wait3A_816 : memref<48x768xf32, #tpu.memory_space<hbm>>)
    %mul3A_821 = arith.constant 4 : i32
    %mul3A_822 = arith.muli %add3A, %mul3A_821 : i32
    %add3A_823 = arith.constant 2 : i32
    %add3A_824 = arith.addi %mul3A_822, %add3A_823 : i32
    %dma_start3A_825 = arith.constant 1 : i32
    %dma_start3A_826 = arith.constant 1 : i32
    %dma_start3A_827 = arith.constant 1 : i32
    %dma_start3A_828 = arith.constant 0 : i32
    %dma_start3A_829 = arith.constant 0 : i32
    %dma_start3A_830 = tpu.memref_slice %arg10[%dma_start3A_826, %dma_start3A_828, %dma_start3A_829] : memref<2x48x768xf32, #tpu.memory_space<vmem>> -> memref<1x48x768xf32, #tpu.memory_space<vmem>>
    %dma_start3A_831 = tpu.memref_squeeze %dma_start3A_830 : memref<1x48x768xf32, #tpu.memory_space<vmem>> -> memref<48x768xf32, #tpu.memory_space<vmem>>
    %dma_start3A_832 = arith.constant 0 : i32
    %dma_start3A_833 = tpu.memref_slice %arg7[%dma_start3A_825, %dma_start3A_832] : memref<4x48xi32, #tpu.memory_space<vmem>> -> memref<1x48xi32, #tpu.memory_space<vmem>>
    %dma_start3A_834 = tpu.memref_squeeze %dma_start3A_833 : memref<1x48xi32, #tpu.memory_space<vmem>> -> memref<48xi32, #tpu.memory_space<vmem>>
    %dma_start3A_835 = arith.constant 0 : i32
    %dma_start3A_836 = arith.constant 0 : i32
    %dma_start3A_837 = tpu.memref_slice %arg2[%add3A_824, %dma_start3A_835, %dma_start3A_836] : memref<128x196x768xf32, #tpu.memory_space<hbm>> -> memref<1x196x768xf32, #tpu.memory_space<hbm>>
    %dma_start3A_838 = tpu.memref_squeeze %dma_start3A_837 : memref<1x196x768xf32, #tpu.memory_space<hbm>> -> memref<196x768xf32, #tpu.memory_space<hbm>>
    %dma_start3A_839 = arith.constant 0 : i32
    %dma_start3A_840 = arith.constant 0 : i32
    %dma_start3A_841 = tpu.memref_slice %dma_start3A_838[%dma_start3A_839, %dma_start3A_840] : memref<196x768xf32, #tpu.memory_space<hbm>> -> memref<196x768xf32, #tpu.memory_space<hbm>>
    %dma_start3A_842 = tpu.memref_slice %arg12[%dma_start3A_827] : memref<2x!tpu.dma_semaphore, #tpu.memory_space<semaphore_mem>> -> memref<1x!tpu.dma_semaphore, #tpu.memory_space<semaphore_mem>>
    %dma_start3A_843 = tpu.memref_squeeze %dma_start3A_842 : memref<1x!tpu.dma_semaphore, #tpu.memory_space<semaphore_mem>> -> memref<!tpu.dma_semaphore, #tpu.memory_space<semaphore_mem>>
    tpu.enqueue_indirect_dma source(%dma_start3A_841 : memref<196x768xf32, #tpu.memory_space<hbm>>) target(%dma_start3A_831 : memref<48x768xf32, #tpu.memory_space<vmem>>) offsets(%dma_start3A_834 : memref<48xi32, #tpu.memory_space<vmem>>) semaphore(%dma_start3A_843 : memref<!tpu.dma_semaphore, #tpu.memory_space<semaphore_mem>>)
    %mul3A_844 = arith.constant 4 : i32
    %mul3A_845 = arith.muli %add3A, %mul3A_844 : i32
    %add3A_846 = arith.constant 2 : i32
    %add3A_847 = arith.addi %mul3A_845, %add3A_846 : i32
    %dma_wait3A_848 = arith.constant 1 : i32
    %dma_wait3A_849 = arith.constant 1 : i32
    %dma_wait3A_850 = arith.constant 1 : i32
    %dma_wait3A_851 = arith.constant 0 : i32
    %dma_wait3A_852 = arith.constant 0 : i32
    %dma_wait3A_853 = tpu.memref_slice %arg10[%dma_wait3A_849, %dma_wait3A_851, %dma_wait3A_852] : memref<2x48x768xf32, #tpu.memory_space<vmem>> -> memref<1x48x768xf32, #tpu.memory_space<vmem>>
    %dma_wait3A_854 = tpu.memref_squeeze %dma_wait3A_853 : memref<1x48x768xf32, #tpu.memory_space<vmem>> -> memref<48x768xf32, #tpu.memory_space<vmem>>
    %dma_wait3A_855 = arith.constant 0 : i32
    %dma_wait3A_856 = tpu.memref_slice %arg7[%dma_wait3A_848, %dma_wait3A_855] : memref<4x48xi32, #tpu.memory_space<vmem>> -> memref<1x48xi32, #tpu.memory_space<vmem>>
    %dma_wait3A_857 = tpu.memref_squeeze %dma_wait3A_856 : memref<1x48xi32, #tpu.memory_space<vmem>> -> memref<48xi32, #tpu.memory_space<vmem>>
    %dma_wait3A_858 = arith.constant 0 : i32
    %dma_wait3A_859 = arith.constant 0 : i32
    %dma_wait3A_860 = tpu.memref_slice %arg2[%add3A_847, %dma_wait3A_858, %dma_wait3A_859] : memref<128x196x768xf32, #tpu.memory_space<hbm>> -> memref<1x196x768xf32, #tpu.memory_space<hbm>>
    %dma_wait3A_861 = tpu.memref_squeeze %dma_wait3A_860 : memref<1x196x768xf32, #tpu.memory_space<hbm>> -> memref<196x768xf32, #tpu.memory_space<hbm>>
    %dma_wait3A_862 = arith.constant 0 : i32
    %dma_wait3A_863 = arith.constant 0 : i32
    %dma_wait3A_864 = tpu.memref_slice %dma_wait3A_861[%dma_wait3A_862, %dma_wait3A_863] : memref<196x768xf32, #tpu.memory_space<hbm>> -> memref<196x768xf32, #tpu.memory_space<hbm>>
    %dma_wait3A_865 = tpu.memref_slice %arg12[%dma_wait3A_850] : memref<2x!tpu.dma_semaphore, #tpu.memory_space<semaphore_mem>> -> memref<1x!tpu.dma_semaphore, #tpu.memory_space<semaphore_mem>>
    %dma_wait3A_866 = tpu.memref_squeeze %dma_wait3A_865 : memref<1x!tpu.dma_semaphore, #tpu.memory_space<semaphore_mem>> -> memref<!tpu.dma_semaphore, #tpu.memory_space<semaphore_mem>>
    tpu.wait_indirect_dma semaphore(%dma_wait3A_866 : memref<!tpu.dma_semaphore, #tpu.memory_space<semaphore_mem>>) src(%dma_wait3A_864 : memref<196x768xf32, #tpu.memory_space<hbm>>) dst(%dma_wait3A_854 : memref<48x768xf32, #tpu.memory_space<vmem>>)
    %mul3A_867 = arith.constant 4 : i32
    %mul3A_868 = arith.muli %add3A, %mul3A_867 : i32
    %add3A_869 = arith.constant 2 : i32
    %add3A_870 = arith.addi %mul3A_868, %add3A_869 : i32
    %dma_start3A_871 = arith.constant 1 : i32
    %dma_start3A_872 = arith.constant 1 : i32
    %dma_start3A_873 = arith.constant 0 : i32
    %dma_start3A_874 = arith.constant 0 : i32
    %dma_start3A_875 = tpu.memref_slice %arg10[%dma_start3A_871, %dma_start3A_873, %dma_start3A_874] : memref<2x48x768xf32, #tpu.memory_space<vmem>> -> memref<1x48x768xf32, #tpu.memory_space<vmem>>
    %dma_start3A_876 = tpu.memref_squeeze %dma_start3A_875 : memref<1x48x768xf32, #tpu.memory_space<vmem>> -> memref<48x768xf32, #tpu.memory_space<vmem>>
    %dma_start3A_877 = arith.constant 48 : i32
    %dma_start3A_878 = arith.constant 0 : i32
    %dma_start3A_879 = tpu.memref_slice %arg6[%add3A_870, %dma_start3A_877, %dma_start3A_878] : memref<128x196x768xf32, #tpu.memory_space<hbm>> -> memref<1x48x768xf32, #tpu.memory_space<hbm>>
    %dma_start3A_880 = tpu.memref_squeeze %dma_start3A_879 : memref<1x48x768xf32, #tpu.memory_space<hbm>> -> memref<48x768xf32, #tpu.memory_space<hbm>>
    %dma_start3A_881 = tpu.memref_slice %arg13[%dma_start3A_872] : memref<2x!tpu.dma_semaphore, #tpu.memory_space<semaphore_mem>> -> memref<1x!tpu.dma_semaphore, #tpu.memory_space<semaphore_mem>>
    %dma_start3A_882 = tpu.memref_squeeze %dma_start3A_881 : memref<1x!tpu.dma_semaphore, #tpu.memory_space<semaphore_mem>> -> memref<!tpu.dma_semaphore, #tpu.memory_space<semaphore_mem>>
    %dma_start3A_883 = arith.constant 48 : i32
    %dma_start3A_884 = arith.constant 0 : i32
    %dma_start3A_885 = tpu.memref_slice %arg6[%add3A_870, %dma_start3A_883, %dma_start3A_884] : memref<128x196x768xf32, #tpu.memory_space<hbm>> -> memref<1x48x768xf32, #tpu.memory_space<hbm>>
    %dma_start3A_886 = tpu.memref_squeeze %dma_start3A_885 : memref<1x48x768xf32, #tpu.memory_space<hbm>> -> memref<48x768xf32, #tpu.memory_space<hbm>>
    %dma_start3A_887 = arith.constant 0 : i32
    %dma_start3A_888 = arith.constant 0 : i32
    %dma_start3A_889 = tpu.memref_slice %arg10[%dma_start3A_871, %dma_start3A_887, %dma_start3A_888] : memref<2x48x768xf32, #tpu.memory_space<vmem>> -> memref<1x48x768xf32, #tpu.memory_space<vmem>>
    %dma_start3A_890 = tpu.memref_squeeze %dma_start3A_889 : memref<1x48x768xf32, #tpu.memory_space<vmem>> -> memref<48x768xf32, #tpu.memory_space<vmem>>
    tpu.enqueue_dma source(%dma_start3A_890 : memref<48x768xf32, #tpu.memory_space<vmem>>) target(%dma_start3A_886 : memref<48x768xf32, #tpu.memory_space<hbm>>) target_semaphore(%dma_start3A_882 : memref<!tpu.dma_semaphore, #tpu.memory_space<semaphore_mem>>)
    %mul3A_891 = arith.constant 4 : i32
    %mul3A_892 = arith.muli %add3A, %mul3A_891 : i32
    %add3A_893 = arith.constant 2 : i32
    %add3A_894 = arith.addi %mul3A_892, %add3A_893 : i32
    %dma_wait3A_895 = arith.constant 0 : i32
    %dma_wait3A_896 = arith.constant 0 : i32
    %dma_wait3A_897 = arith.constant 0 : i32
    %dma_wait3A_898 = arith.constant 0 : i32
    %dma_wait3A_899 = tpu.memref_slice %arg10[%dma_wait3A_895, %dma_wait3A_897, %dma_wait3A_898] : memref<2x48x768xf32, #tpu.memory_space<vmem>> -> memref<1x48x768xf32, #tpu.memory_space<vmem>>
    %dma_wait3A_900 = tpu.memref_squeeze %dma_wait3A_899 : memref<1x48x768xf32, #tpu.memory_space<vmem>> -> memref<48x768xf32, #tpu.memory_space<vmem>>
    %dma_wait3A_901 = arith.constant 0 : i32
    %dma_wait3A_902 = arith.constant 0 : i32
    %dma_wait3A_903 = tpu.memref_slice %arg6[%add3A_894, %dma_wait3A_901, %dma_wait3A_902] : memref<128x196x768xf32, #tpu.memory_space<hbm>> -> memref<1x48x768xf32, #tpu.memory_space<hbm>>
    %dma_wait3A_904 = tpu.memref_squeeze %dma_wait3A_903 : memref<1x48x768xf32, #tpu.memory_space<hbm>> -> memref<48x768xf32, #tpu.memory_space<hbm>>
    %dma_wait3A_905 = tpu.memref_slice %arg13[%dma_wait3A_896] : memref<2x!tpu.dma_semaphore, #tpu.memory_space<semaphore_mem>> -> memref<1x!tpu.dma_semaphore, #tpu.memory_space<semaphore_mem>>
    %dma_wait3A_906 = tpu.memref_squeeze %dma_wait3A_905 : memref<1x!tpu.dma_semaphore, #tpu.memory_space<semaphore_mem>> -> memref<!tpu.dma_semaphore, #tpu.memory_space<semaphore_mem>>
    %dma_wait3A_907 = arith.constant 0 : i32
    %dma_wait3A_908 = arith.constant 0 : i32
    %dma_wait3A_909 = tpu.memref_slice %arg6[%add3A_894, %dma_wait3A_907, %dma_wait3A_908] : memref<128x196x768xf32, #tpu.memory_space<hbm>> -> memref<1x48x768xf32, #tpu.memory_space<hbm>>
    %dma_wait3A_910 = tpu.memref_squeeze %dma_wait3A_909 : memref<1x48x768xf32, #tpu.memory_space<hbm>> -> memref<48x768xf32, #tpu.memory_space<hbm>>
    %dma_wait3A_911 = arith.constant 0 : i32
    %dma_wait3A_912 = arith.constant 0 : i32
    %dma_wait3A_913 = tpu.memref_slice %arg10[%dma_wait3A_895, %dma_wait3A_911, %dma_wait3A_912] : memref<2x48x768xf32, #tpu.memory_space<vmem>> -> memref<1x48x768xf32, #tpu.memory_space<vmem>>
    %dma_wait3A_914 = tpu.memref_squeeze %dma_wait3A_913 : memref<1x48x768xf32, #tpu.memory_space<vmem>> -> memref<48x768xf32, #tpu.memory_space<vmem>>
    tpu.wait_dma2 semaphore(%dma_wait3A_906 : memref<!tpu.dma_semaphore, #tpu.memory_space<semaphore_mem>>) src(%dma_wait3A_914 : memref<48x768xf32, #tpu.memory_space<vmem>>) dst(%dma_wait3A_910 : memref<48x768xf32, #tpu.memory_space<hbm>>)
    %mul3A_915 = arith.constant 4 : i32
    %mul3A_916 = arith.muli %add3A, %mul3A_915 : i32
    %add3A_917 = arith.constant 2 : i32
    %add3A_918 = arith.addi %mul3A_916, %add3A_917 : i32
    %dma_start3A_919 = arith.constant 2 : i32
    %dma_start3A_920 = arith.constant 0 : i32
    %dma_start3A_921 = arith.constant 0 : i32
    %dma_start3A_922 = arith.constant 0 : i32
    %dma_start3A_923 = arith.constant 0 : i32
    %dma_start3A_924 = tpu.memref_slice %arg10[%dma_start3A_920, %dma_start3A_922, %dma_start3A_923] : memref<2x48x768xf32, #tpu.memory_space<vmem>> -> memref<1x48x768xf32, #tpu.memory_space<vmem>>
    %dma_start3A_925 = tpu.memref_squeeze %dma_start3A_924 : memref<1x48x768xf32, #tpu.memory_space<vmem>> -> memref<48x768xf32, #tpu.memory_space<vmem>>
    %dma_start3A_926 = arith.constant 0 : i32
    %dma_start3A_927 = tpu.memref_slice %arg7[%dma_start3A_919, %dma_start3A_926] : memref<4x48xi32, #tpu.memory_space<vmem>> -> memref<1x48xi32, #tpu.memory_space<vmem>>
    %dma_start3A_928 = tpu.memref_squeeze %dma_start3A_927 : memref<1x48xi32, #tpu.memory_space<vmem>> -> memref<48xi32, #tpu.memory_space<vmem>>
    %dma_start3A_929 = arith.constant 0 : i32
    %dma_start3A_930 = arith.constant 0 : i32
    %dma_start3A_931 = tpu.memref_slice %arg2[%add3A_918, %dma_start3A_929, %dma_start3A_930] : memref<128x196x768xf32, #tpu.memory_space<hbm>> -> memref<1x196x768xf32, #tpu.memory_space<hbm>>
    %dma_start3A_932 = tpu.memref_squeeze %dma_start3A_931 : memref<1x196x768xf32, #tpu.memory_space<hbm>> -> memref<196x768xf32, #tpu.memory_space<hbm>>
    %dma_start3A_933 = arith.constant 0 : i32
    %dma_start3A_934 = arith.constant 0 : i32
    %dma_start3A_935 = tpu.memref_slice %dma_start3A_932[%dma_start3A_933, %dma_start3A_934] : memref<196x768xf32, #tpu.memory_space<hbm>> -> memref<196x768xf32, #tpu.memory_space<hbm>>
    %dma_start3A_936 = tpu.memref_slice %arg12[%dma_start3A_921] : memref<2x!tpu.dma_semaphore, #tpu.memory_space<semaphore_mem>> -> memref<1x!tpu.dma_semaphore, #tpu.memory_space<semaphore_mem>>
    %dma_start3A_937 = tpu.memref_squeeze %dma_start3A_936 : memref<1x!tpu.dma_semaphore, #tpu.memory_space<semaphore_mem>> -> memref<!tpu.dma_semaphore, #tpu.memory_space<semaphore_mem>>
    tpu.enqueue_indirect_dma source(%dma_start3A_935 : memref<196x768xf32, #tpu.memory_space<hbm>>) target(%dma_start3A_925 : memref<48x768xf32, #tpu.memory_space<vmem>>) offsets(%dma_start3A_928 : memref<48xi32, #tpu.memory_space<vmem>>) semaphore(%dma_start3A_937 : memref<!tpu.dma_semaphore, #tpu.memory_space<semaphore_mem>>)
    %mul3A_938 = arith.constant 4 : i32
    %mul3A_939 = arith.muli %add3A, %mul3A_938 : i32
    %add3A_940 = arith.constant 2 : i32
    %add3A_941 = arith.addi %mul3A_939, %add3A_940 : i32
    %dma_wait3A_942 = arith.constant 2 : i32
    %dma_wait3A_943 = arith.constant 0 : i32
    %dma_wait3A_944 = arith.constant 0 : i32
    %dma_wait3A_945 = arith.constant 0 : i32
    %dma_wait3A_946 = arith.constant 0 : i32
    %dma_wait3A_947 = tpu.memref_slice %arg10[%dma_wait3A_943, %dma_wait3A_945, %dma_wait3A_946] : memref<2x48x768xf32, #tpu.memory_space<vmem>> -> memref<1x48x768xf32, #tpu.memory_space<vmem>>
    %dma_wait3A_948 = tpu.memref_squeeze %dma_wait3A_947 : memref<1x48x768xf32, #tpu.memory_space<vmem>> -> memref<48x768xf32, #tpu.memory_space<vmem>>
    %dma_wait3A_949 = arith.constant 0 : i32
    %dma_wait3A_950 = tpu.memref_slice %arg7[%dma_wait3A_942, %dma_wait3A_949] : memref<4x48xi32, #tpu.memory_space<vmem>> -> memref<1x48xi32, #tpu.memory_space<vmem>>
    %dma_wait3A_951 = tpu.memref_squeeze %dma_wait3A_950 : memref<1x48xi32, #tpu.memory_space<vmem>> -> memref<48xi32, #tpu.memory_space<vmem>>
    %dma_wait3A_952 = arith.constant 0 : i32
    %dma_wait3A_953 = arith.constant 0 : i32
    %dma_wait3A_954 = tpu.memref_slice %arg2[%add3A_941, %dma_wait3A_952, %dma_wait3A_953] : memref<128x196x768xf32, #tpu.memory_space<hbm>> -> memref<1x196x768xf32, #tpu.memory_space<hbm>>
    %dma_wait3A_955 = tpu.memref_squeeze %dma_wait3A_954 : memref<1x196x768xf32, #tpu.memory_space<hbm>> -> memref<196x768xf32, #tpu.memory_space<hbm>>
    %dma_wait3A_956 = arith.constant 0 : i32
    %dma_wait3A_957 = arith.constant 0 : i32
    %dma_wait3A_958 = tpu.memref_slice %dma_wait3A_955[%dma_wait3A_956, %dma_wait3A_957] : memref<196x768xf32, #tpu.memory_space<hbm>> -> memref<196x768xf32, #tpu.memory_space<hbm>>
    %dma_wait3A_959 = tpu.memref_slice %arg12[%dma_wait3A_944] : memref<2x!tpu.dma_semaphore, #tpu.memory_space<semaphore_mem>> -> memref<1x!tpu.dma_semaphore, #tpu.memory_space<semaphore_mem>>
    %dma_wait3A_960 = tpu.memref_squeeze %dma_wait3A_959 : memref<1x!tpu.dma_semaphore, #tpu.memory_space<semaphore_mem>> -> memref<!tpu.dma_semaphore, #tpu.memory_space<semaphore_mem>>
    tpu.wait_indirect_dma semaphore(%dma_wait3A_960 : memref<!tpu.dma_semaphore, #tpu.memory_space<semaphore_mem>>) src(%dma_wait3A_958 : memref<196x768xf32, #tpu.memory_space<hbm>>) dst(%dma_wait3A_948 : memref<48x768xf32, #tpu.memory_space<vmem>>)
    %mul3A_961 = arith.constant 4 : i32
    %mul3A_962 = arith.muli %add3A, %mul3A_961 : i32
    %add3A_963 = arith.constant 2 : i32
    %add3A_964 = arith.addi %mul3A_962, %add3A_963 : i32
    %dma_start3A_965 = arith.constant 0 : i32
    %dma_start3A_966 = arith.constant 0 : i32
    %dma_start3A_967 = arith.constant 0 : i32
    %dma_start3A_968 = arith.constant 0 : i32
    %dma_start3A_969 = tpu.memref_slice %arg10[%dma_start3A_965, %dma_start3A_967, %dma_start3A_968] : memref<2x48x768xf32, #tpu.memory_space<vmem>> -> memref<1x48x768xf32, #tpu.memory_space<vmem>>
    %dma_start3A_970 = tpu.memref_squeeze %dma_start3A_969 : memref<1x48x768xf32, #tpu.memory_space<vmem>> -> memref<48x768xf32, #tpu.memory_space<vmem>>
    %dma_start3A_971 = arith.constant 96 : i32
    %dma_start3A_972 = arith.constant 0 : i32
    %dma_start3A_973 = tpu.memref_slice %arg6[%add3A_964, %dma_start3A_971, %dma_start3A_972] : memref<128x196x768xf32, #tpu.memory_space<hbm>> -> memref<1x48x768xf32, #tpu.memory_space<hbm>>
    %dma_start3A_974 = tpu.memref_squeeze %dma_start3A_973 : memref<1x48x768xf32, #tpu.memory_space<hbm>> -> memref<48x768xf32, #tpu.memory_space<hbm>>
    %dma_start3A_975 = tpu.memref_slice %arg13[%dma_start3A_966] : memref<2x!tpu.dma_semaphore, #tpu.memory_space<semaphore_mem>> -> memref<1x!tpu.dma_semaphore, #tpu.memory_space<semaphore_mem>>
    %dma_start3A_976 = tpu.memref_squeeze %dma_start3A_975 : memref<1x!tpu.dma_semaphore, #tpu.memory_space<semaphore_mem>> -> memref<!tpu.dma_semaphore, #tpu.memory_space<semaphore_mem>>
    %dma_start3A_977 = arith.constant 96 : i32
    %dma_start3A_978 = arith.constant 0 : i32
    %dma_start3A_979 = tpu.memref_slice %arg6[%add3A_964, %dma_start3A_977, %dma_start3A_978] : memref<128x196x768xf32, #tpu.memory_space<hbm>> -> memref<1x48x768xf32, #tpu.memory_space<hbm>>
    %dma_start3A_980 = tpu.memref_squeeze %dma_start3A_979 : memref<1x48x768xf32, #tpu.memory_space<hbm>> -> memref<48x768xf32, #tpu.memory_space<hbm>>
    %dma_start3A_981 = arith.constant 0 : i32
    %dma_start3A_982 = arith.constant 0 : i32
    %dma_start3A_983 = tpu.memref_slice %arg10[%dma_start3A_965, %dma_start3A_981, %dma_start3A_982] : memref<2x48x768xf32, #tpu.memory_space<vmem>> -> memref<1x48x768xf32, #tpu.memory_space<vmem>>
    %dma_start3A_984 = tpu.memref_squeeze %dma_start3A_983 : memref<1x48x768xf32, #tpu.memory_space<vmem>> -> memref<48x768xf32, #tpu.memory_space<vmem>>
    tpu.enqueue_dma source(%dma_start3A_984 : memref<48x768xf32, #tpu.memory_space<vmem>>) target(%dma_start3A_980 : memref<48x768xf32, #tpu.memory_space<hbm>>) target_semaphore(%dma_start3A_976 : memref<!tpu.dma_semaphore, #tpu.memory_space<semaphore_mem>>)
    %mul3A_985 = arith.constant 4 : i32
    %mul3A_986 = arith.muli %add3A, %mul3A_985 : i32
    %add3A_987 = arith.constant 2 : i32
    %add3A_988 = arith.addi %mul3A_986, %add3A_987 : i32
    %dma_wait3A_989 = arith.constant 1 : i32
    %dma_wait3A_990 = arith.constant 1 : i32
    %dma_wait3A_991 = arith.constant 0 : i32
    %dma_wait3A_992 = arith.constant 0 : i32
    %dma_wait3A_993 = tpu.memref_slice %arg10[%dma_wait3A_989, %dma_wait3A_991, %dma_wait3A_992] : memref<2x48x768xf32, #tpu.memory_space<vmem>> -> memref<1x48x768xf32, #tpu.memory_space<vmem>>
    %dma_wait3A_994 = tpu.memref_squeeze %dma_wait3A_993 : memref<1x48x768xf32, #tpu.memory_space<vmem>> -> memref<48x768xf32, #tpu.memory_space<vmem>>
    %dma_wait3A_995 = arith.constant 48 : i32
    %dma_wait3A_996 = arith.constant 0 : i32
    %dma_wait3A_997 = tpu.memref_slice %arg6[%add3A_988, %dma_wait3A_995, %dma_wait3A_996] : memref<128x196x768xf32, #tpu.memory_space<hbm>> -> memref<1x48x768xf32, #tpu.memory_space<hbm>>
    %dma_wait3A_998 = tpu.memref_squeeze %dma_wait3A_997 : memref<1x48x768xf32, #tpu.memory_space<hbm>> -> memref<48x768xf32, #tpu.memory_space<hbm>>
    %dma_wait3A_999 = tpu.memref_slice %arg13[%dma_wait3A_990] : memref<2x!tpu.dma_semaphore, #tpu.memory_space<semaphore_mem>> -> memref<1x!tpu.dma_semaphore, #tpu.memory_space<semaphore_mem>>
    %dma_wait3A_1000 = tpu.memref_squeeze %dma_wait3A_999 : memref<1x!tpu.dma_semaphore, #tpu.memory_space<semaphore_mem>> -> memref<!tpu.dma_semaphore, #tpu.memory_space<semaphore_mem>>
    %dma_wait3A_1001 = arith.constant 48 : i32
    %dma_wait3A_1002 = arith.constant 0 : i32
    %dma_wait3A_1003 = tpu.memref_slice %arg6[%add3A_988, %dma_wait3A_1001, %dma_wait3A_1002] : memref<128x196x768xf32, #tpu.memory_space<hbm>> -> memref<1x48x768xf32, #tpu.memory_space<hbm>>
    %dma_wait3A_1004 = tpu.memref_squeeze %dma_wait3A_1003 : memref<1x48x768xf32, #tpu.memory_space<hbm>> -> memref<48x768xf32, #tpu.memory_space<hbm>>
    %dma_wait3A_1005 = arith.constant 0 : i32
    %dma_wait3A_1006 = arith.constant 0 : i32
    %dma_wait3A_1007 = tpu.memref_slice %arg10[%dma_wait3A_989, %dma_wait3A_1005, %dma_wait3A_1006] : memref<2x48x768xf32, #tpu.memory_space<vmem>> -> memref<1x48x768xf32, #tpu.memory_space<vmem>>
    %dma_wait3A_1008 = tpu.memref_squeeze %dma_wait3A_1007 : memref<1x48x768xf32, #tpu.memory_space<vmem>> -> memref<48x768xf32, #tpu.memory_space<vmem>>
    tpu.wait_dma2 semaphore(%dma_wait3A_1000 : memref<!tpu.dma_semaphore, #tpu.memory_space<semaphore_mem>>) src(%dma_wait3A_1008 : memref<48x768xf32, #tpu.memory_space<vmem>>) dst(%dma_wait3A_1004 : memref<48x768xf32, #tpu.memory_space<hbm>>)
    %mul3A_1009 = arith.constant 4 : i32
    %mul3A_1010 = arith.muli %add3A, %mul3A_1009 : i32
    %add3A_1011 = arith.constant 2 : i32
    %add3A_1012 = arith.addi %mul3A_1010, %add3A_1011 : i32
    %dma_start3A_1013 = arith.constant 3 : i32
    %dma_start3A_1014 = arith.constant 1 : i32
    %dma_start3A_1015 = arith.constant 1 : i32
    %dma_start3A_1016 = arith.constant 0 : i32
    %dma_start3A_1017 = arith.constant 0 : i32
    %dma_start3A_1018 = tpu.memref_slice %arg10[%dma_start3A_1014, %dma_start3A_1016, %dma_start3A_1017] : memref<2x48x768xf32, #tpu.memory_space<vmem>> -> memref<1x48x768xf32, #tpu.memory_space<vmem>>
    %dma_start3A_1019 = tpu.memref_squeeze %dma_start3A_1018 : memref<1x48x768xf32, #tpu.memory_space<vmem>> -> memref<48x768xf32, #tpu.memory_space<vmem>>
    %dma_start3A_1020 = arith.constant 0 : i32
    %dma_start3A_1021 = tpu.memref_slice %arg7[%dma_start3A_1013, %dma_start3A_1020] : memref<4x48xi32, #tpu.memory_space<vmem>> -> memref<1x48xi32, #tpu.memory_space<vmem>>
    %dma_start3A_1022 = tpu.memref_squeeze %dma_start3A_1021 : memref<1x48xi32, #tpu.memory_space<vmem>> -> memref<48xi32, #tpu.memory_space<vmem>>
    %dma_start3A_1023 = arith.constant 0 : i32
    %dma_start3A_1024 = arith.constant 0 : i32
    %dma_start3A_1025 = tpu.memref_slice %arg2[%add3A_1012, %dma_start3A_1023, %dma_start3A_1024] : memref<128x196x768xf32, #tpu.memory_space<hbm>> -> memref<1x196x768xf32, #tpu.memory_space<hbm>>
    %dma_start3A_1026 = tpu.memref_squeeze %dma_start3A_1025 : memref<1x196x768xf32, #tpu.memory_space<hbm>> -> memref<196x768xf32, #tpu.memory_space<hbm>>
    %dma_start3A_1027 = arith.constant 0 : i32
    %dma_start3A_1028 = arith.constant 0 : i32
    %dma_start3A_1029 = tpu.memref_slice %dma_start3A_1026[%dma_start3A_1027, %dma_start3A_1028] : memref<196x768xf32, #tpu.memory_space<hbm>> -> memref<196x768xf32, #tpu.memory_space<hbm>>
    %dma_start3A_1030 = tpu.memref_slice %arg12[%dma_start3A_1015] : memref<2x!tpu.dma_semaphore, #tpu.memory_space<semaphore_mem>> -> memref<1x!tpu.dma_semaphore, #tpu.memory_space<semaphore_mem>>
    %dma_start3A_1031 = tpu.memref_squeeze %dma_start3A_1030 : memref<1x!tpu.dma_semaphore, #tpu.memory_space<semaphore_mem>> -> memref<!tpu.dma_semaphore, #tpu.memory_space<semaphore_mem>>
    tpu.enqueue_indirect_dma source(%dma_start3A_1029 : memref<196x768xf32, #tpu.memory_space<hbm>>) target(%dma_start3A_1019 : memref<48x768xf32, #tpu.memory_space<vmem>>) offsets(%dma_start3A_1022 : memref<48xi32, #tpu.memory_space<vmem>>) semaphore(%dma_start3A_1031 : memref<!tpu.dma_semaphore, #tpu.memory_space<semaphore_mem>>)
    %mul3A_1032 = arith.constant 4 : i32
    %mul3A_1033 = arith.muli %add3A, %mul3A_1032 : i32
    %add3A_1034 = arith.constant 2 : i32
    %add3A_1035 = arith.addi %mul3A_1033, %add3A_1034 : i32
    %dma_wait3A_1036 = arith.constant 3 : i32
    %dma_wait3A_1037 = arith.constant 1 : i32
    %dma_wait3A_1038 = arith.constant 1 : i32
    %dma_wait3A_1039 = arith.constant 0 : i32
    %dma_wait3A_1040 = arith.constant 0 : i32
    %dma_wait3A_1041 = tpu.memref_slice %arg10[%dma_wait3A_1037, %dma_wait3A_1039, %dma_wait3A_1040] : memref<2x48x768xf32, #tpu.memory_space<vmem>> -> memref<1x48x768xf32, #tpu.memory_space<vmem>>
    %dma_wait3A_1042 = tpu.memref_squeeze %dma_wait3A_1041 : memref<1x48x768xf32, #tpu.memory_space<vmem>> -> memref<48x768xf32, #tpu.memory_space<vmem>>
    %dma_wait3A_1043 = arith.constant 0 : i32
    %dma_wait3A_1044 = tpu.memref_slice %arg7[%dma_wait3A_1036, %dma_wait3A_1043] : memref<4x48xi32, #tpu.memory_space<vmem>> -> memref<1x48xi32, #tpu.memory_space<vmem>>
    %dma_wait3A_1045 = tpu.memref_squeeze %dma_wait3A_1044 : memref<1x48xi32, #tpu.memory_space<vmem>> -> memref<48xi32, #tpu.memory_space<vmem>>
    %dma_wait3A_1046 = arith.constant 0 : i32
    %dma_wait3A_1047 = arith.constant 0 : i32
    %dma_wait3A_1048 = tpu.memref_slice %arg2[%add3A_1035, %dma_wait3A_1046, %dma_wait3A_1047] : memref<128x196x768xf32, #tpu.memory_space<hbm>> -> memref<1x196x768xf32, #tpu.memory_space<hbm>>
    %dma_wait3A_1049 = tpu.memref_squeeze %dma_wait3A_1048 : memref<1x196x768xf32, #tpu.memory_space<hbm>> -> memref<196x768xf32, #tpu.memory_space<hbm>>
    %dma_wait3A_1050 = arith.constant 0 : i32
    %dma_wait3A_1051 = arith.constant 0 : i32
    %dma_wait3A_1052 = tpu.memref_slice %dma_wait3A_1049[%dma_wait3A_1050, %dma_wait3A_1051] : memref<196x768xf32, #tpu.memory_space<hbm>> -> memref<196x768xf32, #tpu.memory_space<hbm>>
    %dma_wait3A_1053 = tpu.memref_slice %arg12[%dma_wait3A_1038] : memref<2x!tpu.dma_semaphore, #tpu.memory_space<semaphore_mem>> -> memref<1x!tpu.dma_semaphore, #tpu.memory_space<semaphore_mem>>
    %dma_wait3A_1054 = tpu.memref_squeeze %dma_wait3A_1053 : memref<1x!tpu.dma_semaphore, #tpu.memory_space<semaphore_mem>> -> memref<!tpu.dma_semaphore, #tpu.memory_space<semaphore_mem>>
    tpu.wait_indirect_dma semaphore(%dma_wait3A_1054 : memref<!tpu.dma_semaphore, #tpu.memory_space<semaphore_mem>>) src(%dma_wait3A_1052 : memref<196x768xf32, #tpu.memory_space<hbm>>) dst(%dma_wait3A_1042 : memref<48x768xf32, #tpu.memory_space<vmem>>)
    %mul3A_1055 = arith.constant 4 : i32
    %mul3A_1056 = arith.muli %add3A, %mul3A_1055 : i32
    %add3A_1057 = arith.constant 2 : i32
    %add3A_1058 = arith.addi %mul3A_1056, %add3A_1057 : i32
    %dma_start3A_1059 = arith.constant 1 : i32
    %dma_start3A_1060 = arith.constant 1 : i32
    %dma_start3A_1061 = arith.constant 0 : i32
    %dma_start3A_1062 = arith.constant 0 : i32
    %dma_start3A_1063 = tpu.memref_slice %arg10[%dma_start3A_1059, %dma_start3A_1061, %dma_start3A_1062] : memref<2x48x768xf32, #tpu.memory_space<vmem>> -> memref<1x48x768xf32, #tpu.memory_space<vmem>>
    %dma_start3A_1064 = tpu.memref_squeeze %dma_start3A_1063 : memref<1x48x768xf32, #tpu.memory_space<vmem>> -> memref<48x768xf32, #tpu.memory_space<vmem>>
    %dma_start3A_1065 = arith.constant 144 : i32
    %dma_start3A_1066 = arith.constant 0 : i32
    %dma_start3A_1067 = tpu.memref_slice %arg6[%add3A_1058, %dma_start3A_1065, %dma_start3A_1066] : memref<128x196x768xf32, #tpu.memory_space<hbm>> -> memref<1x48x768xf32, #tpu.memory_space<hbm>>
    %dma_start3A_1068 = tpu.memref_squeeze %dma_start3A_1067 : memref<1x48x768xf32, #tpu.memory_space<hbm>> -> memref<48x768xf32, #tpu.memory_space<hbm>>
    %dma_start3A_1069 = tpu.memref_slice %arg13[%dma_start3A_1060] : memref<2x!tpu.dma_semaphore, #tpu.memory_space<semaphore_mem>> -> memref<1x!tpu.dma_semaphore, #tpu.memory_space<semaphore_mem>>
    %dma_start3A_1070 = tpu.memref_squeeze %dma_start3A_1069 : memref<1x!tpu.dma_semaphore, #tpu.memory_space<semaphore_mem>> -> memref<!tpu.dma_semaphore, #tpu.memory_space<semaphore_mem>>
    %dma_start3A_1071 = arith.constant 144 : i32
    %dma_start3A_1072 = arith.constant 0 : i32
    %dma_start3A_1073 = tpu.memref_slice %arg6[%add3A_1058, %dma_start3A_1071, %dma_start3A_1072] : memref<128x196x768xf32, #tpu.memory_space<hbm>> -> memref<1x48x768xf32, #tpu.memory_space<hbm>>
    %dma_start3A_1074 = tpu.memref_squeeze %dma_start3A_1073 : memref<1x48x768xf32, #tpu.memory_space<hbm>> -> memref<48x768xf32, #tpu.memory_space<hbm>>
    %dma_start3A_1075 = arith.constant 0 : i32
    %dma_start3A_1076 = arith.constant 0 : i32
    %dma_start3A_1077 = tpu.memref_slice %arg10[%dma_start3A_1059, %dma_start3A_1075, %dma_start3A_1076] : memref<2x48x768xf32, #tpu.memory_space<vmem>> -> memref<1x48x768xf32, #tpu.memory_space<vmem>>
    %dma_start3A_1078 = tpu.memref_squeeze %dma_start3A_1077 : memref<1x48x768xf32, #tpu.memory_space<vmem>> -> memref<48x768xf32, #tpu.memory_space<vmem>>
    tpu.enqueue_dma source(%dma_start3A_1078 : memref<48x768xf32, #tpu.memory_space<vmem>>) target(%dma_start3A_1074 : memref<48x768xf32, #tpu.memory_space<hbm>>) target_semaphore(%dma_start3A_1070 : memref<!tpu.dma_semaphore, #tpu.memory_space<semaphore_mem>>)
    %mul3A_1079 = arith.constant 4 : i32
    %mul3A_1080 = arith.muli %add3A, %mul3A_1079 : i32
    %add3A_1081 = arith.constant 2 : i32
    %add3A_1082 = arith.addi %mul3A_1080, %add3A_1081 : i32
    %dma_wait3A_1083 = arith.constant 0 : i32
    %dma_wait3A_1084 = arith.constant 0 : i32
    %dma_wait3A_1085 = arith.constant 0 : i32
    %dma_wait3A_1086 = arith.constant 0 : i32
    %dma_wait3A_1087 = tpu.memref_slice %arg10[%dma_wait3A_1083, %dma_wait3A_1085, %dma_wait3A_1086] : memref<2x48x768xf32, #tpu.memory_space<vmem>> -> memref<1x48x768xf32, #tpu.memory_space<vmem>>
    %dma_wait3A_1088 = tpu.memref_squeeze %dma_wait3A_1087 : memref<1x48x768xf32, #tpu.memory_space<vmem>> -> memref<48x768xf32, #tpu.memory_space<vmem>>
    %dma_wait3A_1089 = arith.constant 96 : i32
    %dma_wait3A_1090 = arith.constant 0 : i32
    %dma_wait3A_1091 = tpu.memref_slice %arg6[%add3A_1082, %dma_wait3A_1089, %dma_wait3A_1090] : memref<128x196x768xf32, #tpu.memory_space<hbm>> -> memref<1x48x768xf32, #tpu.memory_space<hbm>>
    %dma_wait3A_1092 = tpu.memref_squeeze %dma_wait3A_1091 : memref<1x48x768xf32, #tpu.memory_space<hbm>> -> memref<48x768xf32, #tpu.memory_space<hbm>>
    %dma_wait3A_1093 = tpu.memref_slice %arg13[%dma_wait3A_1084] : memref<2x!tpu.dma_semaphore, #tpu.memory_space<semaphore_mem>> -> memref<1x!tpu.dma_semaphore, #tpu.memory_space<semaphore_mem>>
    %dma_wait3A_1094 = tpu.memref_squeeze %dma_wait3A_1093 : memref<1x!tpu.dma_semaphore, #tpu.memory_space<semaphore_mem>> -> memref<!tpu.dma_semaphore, #tpu.memory_space<semaphore_mem>>
    %dma_wait3A_1095 = arith.constant 96 : i32
    %dma_wait3A_1096 = arith.constant 0 : i32
    %dma_wait3A_1097 = tpu.memref_slice %arg6[%add3A_1082, %dma_wait3A_1095, %dma_wait3A_1096] : memref<128x196x768xf32, #tpu.memory_space<hbm>> -> memref<1x48x768xf32, #tpu.memory_space<hbm>>
    %dma_wait3A_1098 = tpu.memref_squeeze %dma_wait3A_1097 : memref<1x48x768xf32, #tpu.memory_space<hbm>> -> memref<48x768xf32, #tpu.memory_space<hbm>>
    %dma_wait3A_1099 = arith.constant 0 : i32
    %dma_wait3A_1100 = arith.constant 0 : i32
    %dma_wait3A_1101 = tpu.memref_slice %arg10[%dma_wait3A_1083, %dma_wait3A_1099, %dma_wait3A_1100] : memref<2x48x768xf32, #tpu.memory_space<vmem>> -> memref<1x48x768xf32, #tpu.memory_space<vmem>>
    %dma_wait3A_1102 = tpu.memref_squeeze %dma_wait3A_1101 : memref<1x48x768xf32, #tpu.memory_space<vmem>> -> memref<48x768xf32, #tpu.memory_space<vmem>>
    tpu.wait_dma2 semaphore(%dma_wait3A_1094 : memref<!tpu.dma_semaphore, #tpu.memory_space<semaphore_mem>>) src(%dma_wait3A_1102 : memref<48x768xf32, #tpu.memory_space<vmem>>) dst(%dma_wait3A_1098 : memref<48x768xf32, #tpu.memory_space<hbm>>)
    %mul3A_1103 = arith.constant 4 : i32
    %mul3A_1104 = arith.muli %add3A, %mul3A_1103 : i32
    %add3A_1105 = arith.constant 3 : i32
    %add3A_1106 = arith.addi %mul3A_1104, %add3A_1105 : i32
    %dma_start3A_1107 = arith.constant 0 : i32
    %dma_start3A_1108 = arith.constant 0 : i32
    %dma_start3A_1109 = arith.constant 0 : i32
    %dma_start3A_1110 = arith.constant 0 : i32
    %dma_start3A_1111 = arith.constant 0 : i32
    %dma_start3A_1112 = tpu.memref_slice %arg10[%dma_start3A_1108, %dma_start3A_1110, %dma_start3A_1111] : memref<2x48x768xf32, #tpu.memory_space<vmem>> -> memref<1x48x768xf32, #tpu.memory_space<vmem>>
    %dma_start3A_1113 = tpu.memref_squeeze %dma_start3A_1112 : memref<1x48x768xf32, #tpu.memory_space<vmem>> -> memref<48x768xf32, #tpu.memory_space<vmem>>
    %dma_start3A_1114 = arith.constant 0 : i32
    %dma_start3A_1115 = tpu.memref_slice %arg7[%dma_start3A_1107, %dma_start3A_1114] : memref<4x48xi32, #tpu.memory_space<vmem>> -> memref<1x48xi32, #tpu.memory_space<vmem>>
    %dma_start3A_1116 = tpu.memref_squeeze %dma_start3A_1115 : memref<1x48xi32, #tpu.memory_space<vmem>> -> memref<48xi32, #tpu.memory_space<vmem>>
    %dma_start3A_1117 = arith.constant 0 : i32
    %dma_start3A_1118 = arith.constant 0 : i32
    %dma_start3A_1119 = tpu.memref_slice %arg2[%add3A_1106, %dma_start3A_1117, %dma_start3A_1118] : memref<128x196x768xf32, #tpu.memory_space<hbm>> -> memref<1x196x768xf32, #tpu.memory_space<hbm>>
    %dma_start3A_1120 = tpu.memref_squeeze %dma_start3A_1119 : memref<1x196x768xf32, #tpu.memory_space<hbm>> -> memref<196x768xf32, #tpu.memory_space<hbm>>
    %dma_start3A_1121 = arith.constant 0 : i32
    %dma_start3A_1122 = arith.constant 0 : i32
    %dma_start3A_1123 = tpu.memref_slice %dma_start3A_1120[%dma_start3A_1121, %dma_start3A_1122] : memref<196x768xf32, #tpu.memory_space<hbm>> -> memref<196x768xf32, #tpu.memory_space<hbm>>
    %dma_start3A_1124 = tpu.memref_slice %arg12[%dma_start3A_1109] : memref<2x!tpu.dma_semaphore, #tpu.memory_space<semaphore_mem>> -> memref<1x!tpu.dma_semaphore, #tpu.memory_space<semaphore_mem>>
    %dma_start3A_1125 = tpu.memref_squeeze %dma_start3A_1124 : memref<1x!tpu.dma_semaphore, #tpu.memory_space<semaphore_mem>> -> memref<!tpu.dma_semaphore, #tpu.memory_space<semaphore_mem>>
    tpu.enqueue_indirect_dma source(%dma_start3A_1123 : memref<196x768xf32, #tpu.memory_space<hbm>>) target(%dma_start3A_1113 : memref<48x768xf32, #tpu.memory_space<vmem>>) offsets(%dma_start3A_1116 : memref<48xi32, #tpu.memory_space<vmem>>) semaphore(%dma_start3A_1125 : memref<!tpu.dma_semaphore, #tpu.memory_space<semaphore_mem>>)
    %mul3A_1126 = arith.constant 4 : i32
    %mul3A_1127 = arith.muli %add3A, %mul3A_1126 : i32
    %add3A_1128 = arith.constant 3 : i32
    %add3A_1129 = arith.addi %mul3A_1127, %add3A_1128 : i32
    %dma_wait3A_1130 = arith.constant 0 : i32
    %dma_wait3A_1131 = arith.constant 0 : i32
    %dma_wait3A_1132 = arith.constant 0 : i32
    %dma_wait3A_1133 = arith.constant 0 : i32
    %dma_wait3A_1134 = arith.constant 0 : i32
    %dma_wait3A_1135 = tpu.memref_slice %arg10[%dma_wait3A_1131, %dma_wait3A_1133, %dma_wait3A_1134] : memref<2x48x768xf32, #tpu.memory_space<vmem>> -> memref<1x48x768xf32, #tpu.memory_space<vmem>>
    %dma_wait3A_1136 = tpu.memref_squeeze %dma_wait3A_1135 : memref<1x48x768xf32, #tpu.memory_space<vmem>> -> memref<48x768xf32, #tpu.memory_space<vmem>>
    %dma_wait3A_1137 = arith.constant 0 : i32
    %dma_wait3A_1138 = tpu.memref_slice %arg7[%dma_wait3A_1130, %dma_wait3A_1137] : memref<4x48xi32, #tpu.memory_space<vmem>> -> memref<1x48xi32, #tpu.memory_space<vmem>>
    %dma_wait3A_1139 = tpu.memref_squeeze %dma_wait3A_1138 : memref<1x48xi32, #tpu.memory_space<vmem>> -> memref<48xi32, #tpu.memory_space<vmem>>
    %dma_wait3A_1140 = arith.constant 0 : i32
    %dma_wait3A_1141 = arith.constant 0 : i32
    %dma_wait3A_1142 = tpu.memref_slice %arg2[%add3A_1129, %dma_wait3A_1140, %dma_wait3A_1141] : memref<128x196x768xf32, #tpu.memory_space<hbm>> -> memref<1x196x768xf32, #tpu.memory_space<hbm>>
    %dma_wait3A_1143 = tpu.memref_squeeze %dma_wait3A_1142 : memref<1x196x768xf32, #tpu.memory_space<hbm>> -> memref<196x768xf32, #tpu.memory_space<hbm>>
    %dma_wait3A_1144 = arith.constant 0 : i32
    %dma_wait3A_1145 = arith.constant 0 : i32
    %dma_wait3A_1146 = tpu.memref_slice %dma_wait3A_1143[%dma_wait3A_1144, %dma_wait3A_1145] : memref<196x768xf32, #tpu.memory_space<hbm>> -> memref<196x768xf32, #tpu.memory_space<hbm>>
    %dma_wait3A_1147 = tpu.memref_slice %arg12[%dma_wait3A_1132] : memref<2x!tpu.dma_semaphore, #tpu.memory_space<semaphore_mem>> -> memref<1x!tpu.dma_semaphore, #tpu.memory_space<semaphore_mem>>
    %dma_wait3A_1148 = tpu.memref_squeeze %dma_wait3A_1147 : memref<1x!tpu.dma_semaphore, #tpu.memory_space<semaphore_mem>> -> memref<!tpu.dma_semaphore, #tpu.memory_space<semaphore_mem>>
    tpu.wait_indirect_dma semaphore(%dma_wait3A_1148 : memref<!tpu.dma_semaphore, #tpu.memory_space<semaphore_mem>>) src(%dma_wait3A_1146 : memref<196x768xf32, #tpu.memory_space<hbm>>) dst(%dma_wait3A_1136 : memref<48x768xf32, #tpu.memory_space<vmem>>)
    %mul3A_1149 = arith.constant 4 : i32
    %mul3A_1150 = arith.muli %add3A, %mul3A_1149 : i32
    %add3A_1151 = arith.constant 3 : i32
    %add3A_1152 = arith.addi %mul3A_1150, %add3A_1151 : i32
    %dma_start3A_1153 = arith.constant 0 : i32
    %dma_start3A_1154 = arith.constant 0 : i32
    %dma_start3A_1155 = arith.constant 0 : i32
    %dma_start3A_1156 = arith.constant 0 : i32
    %dma_start3A_1157 = tpu.memref_slice %arg10[%dma_start3A_1153, %dma_start3A_1155, %dma_start3A_1156] : memref<2x48x768xf32, #tpu.memory_space<vmem>> -> memref<1x48x768xf32, #tpu.memory_space<vmem>>
    %dma_start3A_1158 = tpu.memref_squeeze %dma_start3A_1157 : memref<1x48x768xf32, #tpu.memory_space<vmem>> -> memref<48x768xf32, #tpu.memory_space<vmem>>
    %dma_start3A_1159 = arith.constant 0 : i32
    %dma_start3A_1160 = arith.constant 0 : i32
    %dma_start3A_1161 = tpu.memref_slice %arg6[%add3A_1152, %dma_start3A_1159, %dma_start3A_1160] : memref<128x196x768xf32, #tpu.memory_space<hbm>> -> memref<1x48x768xf32, #tpu.memory_space<hbm>>
    %dma_start3A_1162 = tpu.memref_squeeze %dma_start3A_1161 : memref<1x48x768xf32, #tpu.memory_space<hbm>> -> memref<48x768xf32, #tpu.memory_space<hbm>>
    %dma_start3A_1163 = tpu.memref_slice %arg13[%dma_start3A_1154] : memref<2x!tpu.dma_semaphore, #tpu.memory_space<semaphore_mem>> -> memref<1x!tpu.dma_semaphore, #tpu.memory_space<semaphore_mem>>
    %dma_start3A_1164 = tpu.memref_squeeze %dma_start3A_1163 : memref<1x!tpu.dma_semaphore, #tpu.memory_space<semaphore_mem>> -> memref<!tpu.dma_semaphore, #tpu.memory_space<semaphore_mem>>
    %dma_start3A_1165 = arith.constant 0 : i32
    %dma_start3A_1166 = arith.constant 0 : i32
    %dma_start3A_1167 = tpu.memref_slice %arg6[%add3A_1152, %dma_start3A_1165, %dma_start3A_1166] : memref<128x196x768xf32, #tpu.memory_space<hbm>> -> memref<1x48x768xf32, #tpu.memory_space<hbm>>
    %dma_start3A_1168 = tpu.memref_squeeze %dma_start3A_1167 : memref<1x48x768xf32, #tpu.memory_space<hbm>> -> memref<48x768xf32, #tpu.memory_space<hbm>>
    %dma_start3A_1169 = arith.constant 0 : i32
    %dma_start3A_1170 = arith.constant 0 : i32
    %dma_start3A_1171 = tpu.memref_slice %arg10[%dma_start3A_1153, %dma_start3A_1169, %dma_start3A_1170] : memref<2x48x768xf32, #tpu.memory_space<vmem>> -> memref<1x48x768xf32, #tpu.memory_space<vmem>>
    %dma_start3A_1172 = tpu.memref_squeeze %dma_start3A_1171 : memref<1x48x768xf32, #tpu.memory_space<vmem>> -> memref<48x768xf32, #tpu.memory_space<vmem>>
    tpu.enqueue_dma source(%dma_start3A_1172 : memref<48x768xf32, #tpu.memory_space<vmem>>) target(%dma_start3A_1168 : memref<48x768xf32, #tpu.memory_space<hbm>>) target_semaphore(%dma_start3A_1164 : memref<!tpu.dma_semaphore, #tpu.memory_space<semaphore_mem>>)
    %mul3A_1173 = arith.constant 4 : i32
    %mul3A_1174 = arith.muli %add3A, %mul3A_1173 : i32
    %add3A_1175 = arith.constant 2 : i32
    %add3A_1176 = arith.addi %mul3A_1174, %add3A_1175 : i32
    %dma_wait3A_1177 = arith.constant 1 : i32
    %dma_wait3A_1178 = arith.constant 1 : i32
    %dma_wait3A_1179 = arith.constant 0 : i32
    %dma_wait3A_1180 = arith.constant 0 : i32
    %dma_wait3A_1181 = tpu.memref_slice %arg10[%dma_wait3A_1177, %dma_wait3A_1179, %dma_wait3A_1180] : memref<2x48x768xf32, #tpu.memory_space<vmem>> -> memref<1x48x768xf32, #tpu.memory_space<vmem>>
    %dma_wait3A_1182 = tpu.memref_squeeze %dma_wait3A_1181 : memref<1x48x768xf32, #tpu.memory_space<vmem>> -> memref<48x768xf32, #tpu.memory_space<vmem>>
    %dma_wait3A_1183 = arith.constant 144 : i32
    %dma_wait3A_1184 = arith.constant 0 : i32
    %dma_wait3A_1185 = tpu.memref_slice %arg6[%add3A_1176, %dma_wait3A_1183, %dma_wait3A_1184] : memref<128x196x768xf32, #tpu.memory_space<hbm>> -> memref<1x48x768xf32, #tpu.memory_space<hbm>>
    %dma_wait3A_1186 = tpu.memref_squeeze %dma_wait3A_1185 : memref<1x48x768xf32, #tpu.memory_space<hbm>> -> memref<48x768xf32, #tpu.memory_space<hbm>>
    %dma_wait3A_1187 = tpu.memref_slice %arg13[%dma_wait3A_1178] : memref<2x!tpu.dma_semaphore, #tpu.memory_space<semaphore_mem>> -> memref<1x!tpu.dma_semaphore, #tpu.memory_space<semaphore_mem>>
    %dma_wait3A_1188 = tpu.memref_squeeze %dma_wait3A_1187 : memref<1x!tpu.dma_semaphore, #tpu.memory_space<semaphore_mem>> -> memref<!tpu.dma_semaphore, #tpu.memory_space<semaphore_mem>>
    %dma_wait3A_1189 = arith.constant 144 : i32
    %dma_wait3A_1190 = arith.constant 0 : i32
    %dma_wait3A_1191 = tpu.memref_slice %arg6[%add3A_1176, %dma_wait3A_1189, %dma_wait3A_1190] : memref<128x196x768xf32, #tpu.memory_space<hbm>> -> memref<1x48x768xf32, #tpu.memory_space<hbm>>
    %dma_wait3A_1192 = tpu.memref_squeeze %dma_wait3A_1191 : memref<1x48x768xf32, #tpu.memory_space<hbm>> -> memref<48x768xf32, #tpu.memory_space<hbm>>
    %dma_wait3A_1193 = arith.constant 0 : i32
    %dma_wait3A_1194 = arith.constant 0 : i32
    %dma_wait3A_1195 = tpu.memref_slice %arg10[%dma_wait3A_1177, %dma_wait3A_1193, %dma_wait3A_1194] : memref<2x48x768xf32, #tpu.memory_space<vmem>> -> memref<1x48x768xf32, #tpu.memory_space<vmem>>
    %dma_wait3A_1196 = tpu.memref_squeeze %dma_wait3A_1195 : memref<1x48x768xf32, #tpu.memory_space<vmem>> -> memref<48x768xf32, #tpu.memory_space<vmem>>
    tpu.wait_dma2 semaphore(%dma_wait3A_1188 : memref<!tpu.dma_semaphore, #tpu.memory_space<semaphore_mem>>) src(%dma_wait3A_1196 : memref<48x768xf32, #tpu.memory_space<vmem>>) dst(%dma_wait3A_1192 : memref<48x768xf32, #tpu.memory_space<hbm>>)
    %mul3A_1197 = arith.constant 4 : i32
    %mul3A_1198 = arith.muli %add3A, %mul3A_1197 : i32
    %add3A_1199 = arith.constant 3 : i32
    %add3A_1200 = arith.addi %mul3A_1198, %add3A_1199 : i32
    %dma_start3A_1201 = arith.constant 1 : i32
    %dma_start3A_1202 = arith.constant 1 : i32
    %dma_start3A_1203 = arith.constant 1 : i32
    %dma_start3A_1204 = arith.constant 0 : i32
    %dma_start3A_1205 = arith.constant 0 : i32
    %dma_start3A_1206 = tpu.memref_slice %arg10[%dma_start3A_1202, %dma_start3A_1204, %dma_start3A_1205] : memref<2x48x768xf32, #tpu.memory_space<vmem>> -> memref<1x48x768xf32, #tpu.memory_space<vmem>>
    %dma_start3A_1207 = tpu.memref_squeeze %dma_start3A_1206 : memref<1x48x768xf32, #tpu.memory_space<vmem>> -> memref<48x768xf32, #tpu.memory_space<vmem>>
    %dma_start3A_1208 = arith.constant 0 : i32
    %dma_start3A_1209 = tpu.memref_slice %arg7[%dma_start3A_1201, %dma_start3A_1208] : memref<4x48xi32, #tpu.memory_space<vmem>> -> memref<1x48xi32, #tpu.memory_space<vmem>>
    %dma_start3A_1210 = tpu.memref_squeeze %dma_start3A_1209 : memref<1x48xi32, #tpu.memory_space<vmem>> -> memref<48xi32, #tpu.memory_space<vmem>>
    %dma_start3A_1211 = arith.constant 0 : i32
    %dma_start3A_1212 = arith.constant 0 : i32
    %dma_start3A_1213 = tpu.memref_slice %arg2[%add3A_1200, %dma_start3A_1211, %dma_start3A_1212] : memref<128x196x768xf32, #tpu.memory_space<hbm>> -> memref<1x196x768xf32, #tpu.memory_space<hbm>>
    %dma_start3A_1214 = tpu.memref_squeeze %dma_start3A_1213 : memref<1x196x768xf32, #tpu.memory_space<hbm>> -> memref<196x768xf32, #tpu.memory_space<hbm>>
    %dma_start3A_1215 = arith.constant 0 : i32
    %dma_start3A_1216 = arith.constant 0 : i32
    %dma_start3A_1217 = tpu.memref_slice %dma_start3A_1214[%dma_start3A_1215, %dma_start3A_1216] : memref<196x768xf32, #tpu.memory_space<hbm>> -> memref<196x768xf32, #tpu.memory_space<hbm>>
    %dma_start3A_1218 = tpu.memref_slice %arg12[%dma_start3A_1203] : memref<2x!tpu.dma_semaphore, #tpu.memory_space<semaphore_mem>> -> memref<1x!tpu.dma_semaphore, #tpu.memory_space<semaphore_mem>>
    %dma_start3A_1219 = tpu.memref_squeeze %dma_start3A_1218 : memref<1x!tpu.dma_semaphore, #tpu.memory_space<semaphore_mem>> -> memref<!tpu.dma_semaphore, #tpu.memory_space<semaphore_mem>>
    tpu.enqueue_indirect_dma source(%dma_start3A_1217 : memref<196x768xf32, #tpu.memory_space<hbm>>) target(%dma_start3A_1207 : memref<48x768xf32, #tpu.memory_space<vmem>>) offsets(%dma_start3A_1210 : memref<48xi32, #tpu.memory_space<vmem>>) semaphore(%dma_start3A_1219 : memref<!tpu.dma_semaphore, #tpu.memory_space<semaphore_mem>>)
    %mul3A_1220 = arith.constant 4 : i32
    %mul3A_1221 = arith.muli %add3A, %mul3A_1220 : i32
    %add3A_1222 = arith.constant 3 : i32
    %add3A_1223 = arith.addi %mul3A_1221, %add3A_1222 : i32
    %dma_wait3A_1224 = arith.constant 1 : i32
    %dma_wait3A_1225 = arith.constant 1 : i32
    %dma_wait3A_1226 = arith.constant 1 : i32
    %dma_wait3A_1227 = arith.constant 0 : i32
    %dma_wait3A_1228 = arith.constant 0 : i32
    %dma_wait3A_1229 = tpu.memref_slice %arg10[%dma_wait3A_1225, %dma_wait3A_1227, %dma_wait3A_1228] : memref<2x48x768xf32, #tpu.memory_space<vmem>> -> memref<1x48x768xf32, #tpu.memory_space<vmem>>
    %dma_wait3A_1230 = tpu.memref_squeeze %dma_wait3A_1229 : memref<1x48x768xf32, #tpu.memory_space<vmem>> -> memref<48x768xf32, #tpu.memory_space<vmem>>
    %dma_wait3A_1231 = arith.constant 0 : i32
    %dma_wait3A_1232 = tpu.memref_slice %arg7[%dma_wait3A_1224, %dma_wait3A_1231] : memref<4x48xi32, #tpu.memory_space<vmem>> -> memref<1x48xi32, #tpu.memory_space<vmem>>
    %dma_wait3A_1233 = tpu.memref_squeeze %dma_wait3A_1232 : memref<1x48xi32, #tpu.memory_space<vmem>> -> memref<48xi32, #tpu.memory_space<vmem>>
    %dma_wait3A_1234 = arith.constant 0 : i32
    %dma_wait3A_1235 = arith.constant 0 : i32
    %dma_wait3A_1236 = tpu.memref_slice %arg2[%add3A_1223, %dma_wait3A_1234, %dma_wait3A_1235] : memref<128x196x768xf32, #tpu.memory_space<hbm>> -> memref<1x196x768xf32, #tpu.memory_space<hbm>>
    %dma_wait3A_1237 = tpu.memref_squeeze %dma_wait3A_1236 : memref<1x196x768xf32, #tpu.memory_space<hbm>> -> memref<196x768xf32, #tpu.memory_space<hbm>>
    %dma_wait3A_1238 = arith.constant 0 : i32
    %dma_wait3A_1239 = arith.constant 0 : i32
    %dma_wait3A_1240 = tpu.memref_slice %dma_wait3A_1237[%dma_wait3A_1238, %dma_wait3A_1239] : memref<196x768xf32, #tpu.memory_space<hbm>> -> memref<196x768xf32, #tpu.memory_space<hbm>>
    %dma_wait3A_1241 = tpu.memref_slice %arg12[%dma_wait3A_1226] : memref<2x!tpu.dma_semaphore, #tpu.memory_space<semaphore_mem>> -> memref<1x!tpu.dma_semaphore, #tpu.memory_space<semaphore_mem>>
    %dma_wait3A_1242 = tpu.memref_squeeze %dma_wait3A_1241 : memref<1x!tpu.dma_semaphore, #tpu.memory_space<semaphore_mem>> -> memref<!tpu.dma_semaphore, #tpu.memory_space<semaphore_mem>>
    tpu.wait_indirect_dma semaphore(%dma_wait3A_1242 : memref<!tpu.dma_semaphore, #tpu.memory_space<semaphore_mem>>) src(%dma_wait3A_1240 : memref<196x768xf32, #tpu.memory_space<hbm>>) dst(%dma_wait3A_1230 : memref<48x768xf32, #tpu.memory_space<vmem>>)
    %mul3A_1243 = arith.constant 4 : i32
    %mul3A_1244 = arith.muli %add3A, %mul3A_1243 : i32
    %add3A_1245 = arith.constant 3 : i32
    %add3A_1246 = arith.addi %mul3A_1244, %add3A_1245 : i32
    %dma_start3A_1247 = arith.constant 1 : i32
    %dma_start3A_1248 = arith.constant 1 : i32
    %dma_start3A_1249 = arith.constant 0 : i32
    %dma_start3A_1250 = arith.constant 0 : i32
    %dma_start3A_1251 = tpu.memref_slice %arg10[%dma_start3A_1247, %dma_start3A_1249, %dma_start3A_1250] : memref<2x48x768xf32, #tpu.memory_space<vmem>> -> memref<1x48x768xf32, #tpu.memory_space<vmem>>
    %dma_start3A_1252 = tpu.memref_squeeze %dma_start3A_1251 : memref<1x48x768xf32, #tpu.memory_space<vmem>> -> memref<48x768xf32, #tpu.memory_space<vmem>>
    %dma_start3A_1253 = arith.constant 48 : i32
    %dma_start3A_1254 = arith.constant 0 : i32
    %dma_start3A_1255 = tpu.memref_slice %arg6[%add3A_1246, %dma_start3A_1253, %dma_start3A_1254] : memref<128x196x768xf32, #tpu.memory_space<hbm>> -> memref<1x48x768xf32, #tpu.memory_space<hbm>>
    %dma_start3A_1256 = tpu.memref_squeeze %dma_start3A_1255 : memref<1x48x768xf32, #tpu.memory_space<hbm>> -> memref<48x768xf32, #tpu.memory_space<hbm>>
    %dma_start3A_1257 = tpu.memref_slice %arg13[%dma_start3A_1248] : memref<2x!tpu.dma_semaphore, #tpu.memory_space<semaphore_mem>> -> memref<1x!tpu.dma_semaphore, #tpu.memory_space<semaphore_mem>>
    %dma_start3A_1258 = tpu.memref_squeeze %dma_start3A_1257 : memref<1x!tpu.dma_semaphore, #tpu.memory_space<semaphore_mem>> -> memref<!tpu.dma_semaphore, #tpu.memory_space<semaphore_mem>>
    %dma_start3A_1259 = arith.constant 48 : i32
    %dma_start3A_1260 = arith.constant 0 : i32
    %dma_start3A_1261 = tpu.memref_slice %arg6[%add3A_1246, %dma_start3A_1259, %dma_start3A_1260] : memref<128x196x768xf32, #tpu.memory_space<hbm>> -> memref<1x48x768xf32, #tpu.memory_space<hbm>>
    %dma_start3A_1262 = tpu.memref_squeeze %dma_start3A_1261 : memref<1x48x768xf32, #tpu.memory_space<hbm>> -> memref<48x768xf32, #tpu.memory_space<hbm>>
    %dma_start3A_1263 = arith.constant 0 : i32
    %dma_start3A_1264 = arith.constant 0 : i32
    %dma_start3A_1265 = tpu.memref_slice %arg10[%dma_start3A_1247, %dma_start3A_1263, %dma_start3A_1264] : memref<2x48x768xf32, #tpu.memory_space<vmem>> -> memref<1x48x768xf32, #tpu.memory_space<vmem>>
    %dma_start3A_1266 = tpu.memref_squeeze %dma_start3A_1265 : memref<1x48x768xf32, #tpu.memory_space<vmem>> -> memref<48x768xf32, #tpu.memory_space<vmem>>
    tpu.enqueue_dma source(%dma_start3A_1266 : memref<48x768xf32, #tpu.memory_space<vmem>>) target(%dma_start3A_1262 : memref<48x768xf32, #tpu.memory_space<hbm>>) target_semaphore(%dma_start3A_1258 : memref<!tpu.dma_semaphore, #tpu.memory_space<semaphore_mem>>)
    %mul3A_1267 = arith.constant 4 : i32
    %mul3A_1268 = arith.muli %add3A, %mul3A_1267 : i32
    %add3A_1269 = arith.constant 3 : i32
    %add3A_1270 = arith.addi %mul3A_1268, %add3A_1269 : i32
    %dma_wait3A_1271 = arith.constant 0 : i32
    %dma_wait3A_1272 = arith.constant 0 : i32
    %dma_wait3A_1273 = arith.constant 0 : i32
    %dma_wait3A_1274 = arith.constant 0 : i32
    %dma_wait3A_1275 = tpu.memref_slice %arg10[%dma_wait3A_1271, %dma_wait3A_1273, %dma_wait3A_1274] : memref<2x48x768xf32, #tpu.memory_space<vmem>> -> memref<1x48x768xf32, #tpu.memory_space<vmem>>
    %dma_wait3A_1276 = tpu.memref_squeeze %dma_wait3A_1275 : memref<1x48x768xf32, #tpu.memory_space<vmem>> -> memref<48x768xf32, #tpu.memory_space<vmem>>
    %dma_wait3A_1277 = arith.constant 0 : i32
    %dma_wait3A_1278 = arith.constant 0 : i32
    %dma_wait3A_1279 = tpu.memref_slice %arg6[%add3A_1270, %dma_wait3A_1277, %dma_wait3A_1278] : memref<128x196x768xf32, #tpu.memory_space<hbm>> -> memref<1x48x768xf32, #tpu.memory_space<hbm>>
    %dma_wait3A_1280 = tpu.memref_squeeze %dma_wait3A_1279 : memref<1x48x768xf32, #tpu.memory_space<hbm>> -> memref<48x768xf32, #tpu.memory_space<hbm>>
    %dma_wait3A_1281 = tpu.memref_slice %arg13[%dma_wait3A_1272] : memref<2x!tpu.dma_semaphore, #tpu.memory_space<semaphore_mem>> -> memref<1x!tpu.dma_semaphore, #tpu.memory_space<semaphore_mem>>
    %dma_wait3A_1282 = tpu.memref_squeeze %dma_wait3A_1281 : memref<1x!tpu.dma_semaphore, #tpu.memory_space<semaphore_mem>> -> memref<!tpu.dma_semaphore, #tpu.memory_space<semaphore_mem>>
    %dma_wait3A_1283 = arith.constant 0 : i32
    %dma_wait3A_1284 = arith.constant 0 : i32
    %dma_wait3A_1285 = tpu.memref_slice %arg6[%add3A_1270, %dma_wait3A_1283, %dma_wait3A_1284] : memref<128x196x768xf32, #tpu.memory_space<hbm>> -> memref<1x48x768xf32, #tpu.memory_space<hbm>>
    %dma_wait3A_1286 = tpu.memref_squeeze %dma_wait3A_1285 : memref<1x48x768xf32, #tpu.memory_space<hbm>> -> memref<48x768xf32, #tpu.memory_space<hbm>>
    %dma_wait3A_1287 = arith.constant 0 : i32
    %dma_wait3A_1288 = arith.constant 0 : i32
    %dma_wait3A_1289 = tpu.memref_slice %arg10[%dma_wait3A_1271, %dma_wait3A_1287, %dma_wait3A_1288] : memref<2x48x768xf32, #tpu.memory_space<vmem>> -> memref<1x48x768xf32, #tpu.memory_space<vmem>>
    %dma_wait3A_1290 = tpu.memref_squeeze %dma_wait3A_1289 : memref<1x48x768xf32, #tpu.memory_space<vmem>> -> memref<48x768xf32, #tpu.memory_space<vmem>>
    tpu.wait_dma2 semaphore(%dma_wait3A_1282 : memref<!tpu.dma_semaphore, #tpu.memory_space<semaphore_mem>>) src(%dma_wait3A_1290 : memref<48x768xf32, #tpu.memory_space<vmem>>) dst(%dma_wait3A_1286 : memref<48x768xf32, #tpu.memory_space<hbm>>)
    %mul3A_1291 = arith.constant 4 : i32
    %mul3A_1292 = arith.muli %add3A, %mul3A_1291 : i32
    %add3A_1293 = arith.constant 3 : i32
    %add3A_1294 = arith.addi %mul3A_1292, %add3A_1293 : i32
    %dma_start3A_1295 = arith.constant 2 : i32
    %dma_start3A_1296 = arith.constant 0 : i32
    %dma_start3A_1297 = arith.constant 0 : i32
    %dma_start3A_1298 = arith.constant 0 : i32
    %dma_start3A_1299 = arith.constant 0 : i32
    %dma_start3A_1300 = tpu.memref_slice %arg10[%dma_start3A_1296, %dma_start3A_1298, %dma_start3A_1299] : memref<2x48x768xf32, #tpu.memory_space<vmem>> -> memref<1x48x768xf32, #tpu.memory_space<vmem>>
    %dma_start3A_1301 = tpu.memref_squeeze %dma_start3A_1300 : memref<1x48x768xf32, #tpu.memory_space<vmem>> -> memref<48x768xf32, #tpu.memory_space<vmem>>
    %dma_start3A_1302 = arith.constant 0 : i32
    %dma_start3A_1303 = tpu.memref_slice %arg7[%dma_start3A_1295, %dma_start3A_1302] : memref<4x48xi32, #tpu.memory_space<vmem>> -> memref<1x48xi32, #tpu.memory_space<vmem>>
    %dma_start3A_1304 = tpu.memref_squeeze %dma_start3A_1303 : memref<1x48xi32, #tpu.memory_space<vmem>> -> memref<48xi32, #tpu.memory_space<vmem>>
    %dma_start3A_1305 = arith.constant 0 : i32
    %dma_start3A_1306 = arith.constant 0 : i32
    %dma_start3A_1307 = tpu.memref_slice %arg2[%add3A_1294, %dma_start3A_1305, %dma_start3A_1306] : memref<128x196x768xf32, #tpu.memory_space<hbm>> -> memref<1x196x768xf32, #tpu.memory_space<hbm>>
    %dma_start3A_1308 = tpu.memref_squeeze %dma_start3A_1307 : memref<1x196x768xf32, #tpu.memory_space<hbm>> -> memref<196x768xf32, #tpu.memory_space<hbm>>
    %dma_start3A_1309 = arith.constant 0 : i32
    %dma_start3A_1310 = arith.constant 0 : i32
    %dma_start3A_1311 = tpu.memref_slice %dma_start3A_1308[%dma_start3A_1309, %dma_start3A_1310] : memref<196x768xf32, #tpu.memory_space<hbm>> -> memref<196x768xf32, #tpu.memory_space<hbm>>
    %dma_start3A_1312 = tpu.memref_slice %arg12[%dma_start3A_1297] : memref<2x!tpu.dma_semaphore, #tpu.memory_space<semaphore_mem>> -> memref<1x!tpu.dma_semaphore, #tpu.memory_space<semaphore_mem>>
    %dma_start3A_1313 = tpu.memref_squeeze %dma_start3A_1312 : memref<1x!tpu.dma_semaphore, #tpu.memory_space<semaphore_mem>> -> memref<!tpu.dma_semaphore, #tpu.memory_space<semaphore_mem>>
    tpu.enqueue_indirect_dma source(%dma_start3A_1311 : memref<196x768xf32, #tpu.memory_space<hbm>>) target(%dma_start3A_1301 : memref<48x768xf32, #tpu.memory_space<vmem>>) offsets(%dma_start3A_1304 : memref<48xi32, #tpu.memory_space<vmem>>) semaphore(%dma_start3A_1313 : memref<!tpu.dma_semaphore, #tpu.memory_space<semaphore_mem>>)
    %mul3A_1314 = arith.constant 4 : i32
    %mul3A_1315 = arith.muli %add3A, %mul3A_1314 : i32
    %add3A_1316 = arith.constant 3 : i32
    %add3A_1317 = arith.addi %mul3A_1315, %add3A_1316 : i32
    %dma_wait3A_1318 = arith.constant 2 : i32
    %dma_wait3A_1319 = arith.constant 0 : i32
    %dma_wait3A_1320 = arith.constant 0 : i32
    %dma_wait3A_1321 = arith.constant 0 : i32
    %dma_wait3A_1322 = arith.constant 0 : i32
    %dma_wait3A_1323 = tpu.memref_slice %arg10[%dma_wait3A_1319, %dma_wait3A_1321, %dma_wait3A_1322] : memref<2x48x768xf32, #tpu.memory_space<vmem>> -> memref<1x48x768xf32, #tpu.memory_space<vmem>>
    %dma_wait3A_1324 = tpu.memref_squeeze %dma_wait3A_1323 : memref<1x48x768xf32, #tpu.memory_space<vmem>> -> memref<48x768xf32, #tpu.memory_space<vmem>>
    %dma_wait3A_1325 = arith.constant 0 : i32
    %dma_wait3A_1326 = tpu.memref_slice %arg7[%dma_wait3A_1318, %dma_wait3A_1325] : memref<4x48xi32, #tpu.memory_space<vmem>> -> memref<1x48xi32, #tpu.memory_space<vmem>>
    %dma_wait3A_1327 = tpu.memref_squeeze %dma_wait3A_1326 : memref<1x48xi32, #tpu.memory_space<vmem>> -> memref<48xi32, #tpu.memory_space<vmem>>
    %dma_wait3A_1328 = arith.constant 0 : i32
    %dma_wait3A_1329 = arith.constant 0 : i32
    %dma_wait3A_1330 = tpu.memref_slice %arg2[%add3A_1317, %dma_wait3A_1328, %dma_wait3A_1329] : memref<128x196x768xf32, #tpu.memory_space<hbm>> -> memref<1x196x768xf32, #tpu.memory_space<hbm>>
    %dma_wait3A_1331 = tpu.memref_squeeze %dma_wait3A_1330 : memref<1x196x768xf32, #tpu.memory_space<hbm>> -> memref<196x768xf32, #tpu.memory_space<hbm>>
    %dma_wait3A_1332 = arith.constant 0 : i32
    %dma_wait3A_1333 = arith.constant 0 : i32
    %dma_wait3A_1334 = tpu.memref_slice %dma_wait3A_1331[%dma_wait3A_1332, %dma_wait3A_1333] : memref<196x768xf32, #tpu.memory_space<hbm>> -> memref<196x768xf32, #tpu.memory_space<hbm>>
    %dma_wait3A_1335 = tpu.memref_slice %arg12[%dma_wait3A_1320] : memref<2x!tpu.dma_semaphore, #tpu.memory_space<semaphore_mem>> -> memref<1x!tpu.dma_semaphore, #tpu.memory_space<semaphore_mem>>
    %dma_wait3A_1336 = tpu.memref_squeeze %dma_wait3A_1335 : memref<1x!tpu.dma_semaphore, #tpu.memory_space<semaphore_mem>> -> memref<!tpu.dma_semaphore, #tpu.memory_space<semaphore_mem>>
    tpu.wait_indirect_dma semaphore(%dma_wait3A_1336 : memref<!tpu.dma_semaphore, #tpu.memory_space<semaphore_mem>>) src(%dma_wait3A_1334 : memref<196x768xf32, #tpu.memory_space<hbm>>) dst(%dma_wait3A_1324 : memref<48x768xf32, #tpu.memory_space<vmem>>)
    %mul3A_1337 = arith.constant 4 : i32
    %mul3A_1338 = arith.muli %add3A, %mul3A_1337 : i32
    %add3A_1339 = arith.constant 3 : i32
    %add3A_1340 = arith.addi %mul3A_1338, %add3A_1339 : i32
    %dma_start3A_1341 = arith.constant 0 : i32
    %dma_start3A_1342 = arith.constant 0 : i32
    %dma_start3A_1343 = arith.constant 0 : i32
    %dma_start3A_1344 = arith.constant 0 : i32
    %dma_start3A_1345 = tpu.memref_slice %arg10[%dma_start3A_1341, %dma_start3A_1343, %dma_start3A_1344] : memref<2x48x768xf32, #tpu.memory_space<vmem>> -> memref<1x48x768xf32, #tpu.memory_space<vmem>>
    %dma_start3A_1346 = tpu.memref_squeeze %dma_start3A_1345 : memref<1x48x768xf32, #tpu.memory_space<vmem>> -> memref<48x768xf32, #tpu.memory_space<vmem>>
    %dma_start3A_1347 = arith.constant 96 : i32
    %dma_start3A_1348 = arith.constant 0 : i32
    %dma_start3A_1349 = tpu.memref_slice %arg6[%add3A_1340, %dma_start3A_1347, %dma_start3A_1348] : memref<128x196x768xf32, #tpu.memory_space<hbm>> -> memref<1x48x768xf32, #tpu.memory_space<hbm>>
    %dma_start3A_1350 = tpu.memref_squeeze %dma_start3A_1349 : memref<1x48x768xf32, #tpu.memory_space<hbm>> -> memref<48x768xf32, #tpu.memory_space<hbm>>
    %dma_start3A_1351 = tpu.memref_slice %arg13[%dma_start3A_1342] : memref<2x!tpu.dma_semaphore, #tpu.memory_space<semaphore_mem>> -> memref<1x!tpu.dma_semaphore, #tpu.memory_space<semaphore_mem>>
    %dma_start3A_1352 = tpu.memref_squeeze %dma_start3A_1351 : memref<1x!tpu.dma_semaphore, #tpu.memory_space<semaphore_mem>> -> memref<!tpu.dma_semaphore, #tpu.memory_space<semaphore_mem>>
    %dma_start3A_1353 = arith.constant 96 : i32
    %dma_start3A_1354 = arith.constant 0 : i32
    %dma_start3A_1355 = tpu.memref_slice %arg6[%add3A_1340, %dma_start3A_1353, %dma_start3A_1354] : memref<128x196x768xf32, #tpu.memory_space<hbm>> -> memref<1x48x768xf32, #tpu.memory_space<hbm>>
    %dma_start3A_1356 = tpu.memref_squeeze %dma_start3A_1355 : memref<1x48x768xf32, #tpu.memory_space<hbm>> -> memref<48x768xf32, #tpu.memory_space<hbm>>
    %dma_start3A_1357 = arith.constant 0 : i32
    %dma_start3A_1358 = arith.constant 0 : i32
    %dma_start3A_1359 = tpu.memref_slice %arg10[%dma_start3A_1341, %dma_start3A_1357, %dma_start3A_1358] : memref<2x48x768xf32, #tpu.memory_space<vmem>> -> memref<1x48x768xf32, #tpu.memory_space<vmem>>
    %dma_start3A_1360 = tpu.memref_squeeze %dma_start3A_1359 : memref<1x48x768xf32, #tpu.memory_space<vmem>> -> memref<48x768xf32, #tpu.memory_space<vmem>>
    tpu.enqueue_dma source(%dma_start3A_1360 : memref<48x768xf32, #tpu.memory_space<vmem>>) target(%dma_start3A_1356 : memref<48x768xf32, #tpu.memory_space<hbm>>) target_semaphore(%dma_start3A_1352 : memref<!tpu.dma_semaphore, #tpu.memory_space<semaphore_mem>>)
    %mul3A_1361 = arith.constant 4 : i32
    %mul3A_1362 = arith.muli %add3A, %mul3A_1361 : i32
    %add3A_1363 = arith.constant 3 : i32
    %add3A_1364 = arith.addi %mul3A_1362, %add3A_1363 : i32
    %dma_wait3A_1365 = arith.constant 1 : i32
    %dma_wait3A_1366 = arith.constant 1 : i32
    %dma_wait3A_1367 = arith.constant 0 : i32
    %dma_wait3A_1368 = arith.constant 0 : i32
    %dma_wait3A_1369 = tpu.memref_slice %arg10[%dma_wait3A_1365, %dma_wait3A_1367, %dma_wait3A_1368] : memref<2x48x768xf32, #tpu.memory_space<vmem>> -> memref<1x48x768xf32, #tpu.memory_space<vmem>>
    %dma_wait3A_1370 = tpu.memref_squeeze %dma_wait3A_1369 : memref<1x48x768xf32, #tpu.memory_space<vmem>> -> memref<48x768xf32, #tpu.memory_space<vmem>>
    %dma_wait3A_1371 = arith.constant 48 : i32
    %dma_wait3A_1372 = arith.constant 0 : i32
    %dma_wait3A_1373 = tpu.memref_slice %arg6[%add3A_1364, %dma_wait3A_1371, %dma_wait3A_1372] : memref<128x196x768xf32, #tpu.memory_space<hbm>> -> memref<1x48x768xf32, #tpu.memory_space<hbm>>
    %dma_wait3A_1374 = tpu.memref_squeeze %dma_wait3A_1373 : memref<1x48x768xf32, #tpu.memory_space<hbm>> -> memref<48x768xf32, #tpu.memory_space<hbm>>
    %dma_wait3A_1375 = tpu.memref_slice %arg13[%dma_wait3A_1366] : memref<2x!tpu.dma_semaphore, #tpu.memory_space<semaphore_mem>> -> memref<1x!tpu.dma_semaphore, #tpu.memory_space<semaphore_mem>>
    %dma_wait3A_1376 = tpu.memref_squeeze %dma_wait3A_1375 : memref<1x!tpu.dma_semaphore, #tpu.memory_space<semaphore_mem>> -> memref<!tpu.dma_semaphore, #tpu.memory_space<semaphore_mem>>
    %dma_wait3A_1377 = arith.constant 48 : i32
    %dma_wait3A_1378 = arith.constant 0 : i32
    %dma_wait3A_1379 = tpu.memref_slice %arg6[%add3A_1364, %dma_wait3A_1377, %dma_wait3A_1378] : memref<128x196x768xf32, #tpu.memory_space<hbm>> -> memref<1x48x768xf32, #tpu.memory_space<hbm>>
    %dma_wait3A_1380 = tpu.memref_squeeze %dma_wait3A_1379 : memref<1x48x768xf32, #tpu.memory_space<hbm>> -> memref<48x768xf32, #tpu.memory_space<hbm>>
    %dma_wait3A_1381 = arith.constant 0 : i32
    %dma_wait3A_1382 = arith.constant 0 : i32
    %dma_wait3A_1383 = tpu.memref_slice %arg10[%dma_wait3A_1365, %dma_wait3A_1381, %dma_wait3A_1382] : memref<2x48x768xf32, #tpu.memory_space<vmem>> -> memref<1x48x768xf32, #tpu.memory_space<vmem>>
    %dma_wait3A_1384 = tpu.memref_squeeze %dma_wait3A_1383 : memref<1x48x768xf32, #tpu.memory_space<vmem>> -> memref<48x768xf32, #tpu.memory_space<vmem>>
    tpu.wait_dma2 semaphore(%dma_wait3A_1376 : memref<!tpu.dma_semaphore, #tpu.memory_space<semaphore_mem>>) src(%dma_wait3A_1384 : memref<48x768xf32, #tpu.memory_space<vmem>>) dst(%dma_wait3A_1380 : memref<48x768xf32, #tpu.memory_space<hbm>>)
    %mul3A_1385 = arith.constant 4 : i32
    %mul3A_1386 = arith.muli %add3A, %mul3A_1385 : i32
    %add3A_1387 = arith.constant 3 : i32
    %add3A_1388 = arith.addi %mul3A_1386, %add3A_1387 : i32
    %dma_start3A_1389 = arith.constant 3 : i32
    %dma_start3A_1390 = arith.constant 1 : i32
    %dma_start3A_1391 = arith.constant 1 : i32
    %dma_start3A_1392 = arith.constant 0 : i32
    %dma_start3A_1393 = arith.constant 0 : i32
    %dma_start3A_1394 = tpu.memref_slice %arg10[%dma_start3A_1390, %dma_start3A_1392, %dma_start3A_1393] : memref<2x48x768xf32, #tpu.memory_space<vmem>> -> memref<1x48x768xf32, #tpu.memory_space<vmem>>
    %dma_start3A_1395 = tpu.memref_squeeze %dma_start3A_1394 : memref<1x48x768xf32, #tpu.memory_space<vmem>> -> memref<48x768xf32, #tpu.memory_space<vmem>>
    %dma_start3A_1396 = arith.constant 0 : i32
    %dma_start3A_1397 = tpu.memref_slice %arg7[%dma_start3A_1389, %dma_start3A_1396] : memref<4x48xi32, #tpu.memory_space<vmem>> -> memref<1x48xi32, #tpu.memory_space<vmem>>
    %dma_start3A_1398 = tpu.memref_squeeze %dma_start3A_1397 : memref<1x48xi32, #tpu.memory_space<vmem>> -> memref<48xi32, #tpu.memory_space<vmem>>
    %dma_start3A_1399 = arith.constant 0 : i32
    %dma_start3A_1400 = arith.constant 0 : i32
    %dma_start3A_1401 = tpu.memref_slice %arg2[%add3A_1388, %dma_start3A_1399, %dma_start3A_1400] : memref<128x196x768xf32, #tpu.memory_space<hbm>> -> memref<1x196x768xf32, #tpu.memory_space<hbm>>
    %dma_start3A_1402 = tpu.memref_squeeze %dma_start3A_1401 : memref<1x196x768xf32, #tpu.memory_space<hbm>> -> memref<196x768xf32, #tpu.memory_space<hbm>>
    %dma_start3A_1403 = arith.constant 0 : i32
    %dma_start3A_1404 = arith.constant 0 : i32
    %dma_start3A_1405 = tpu.memref_slice %dma_start3A_1402[%dma_start3A_1403, %dma_start3A_1404] : memref<196x768xf32, #tpu.memory_space<hbm>> -> memref<196x768xf32, #tpu.memory_space<hbm>>
    %dma_start3A_1406 = tpu.memref_slice %arg12[%dma_start3A_1391] : memref<2x!tpu.dma_semaphore, #tpu.memory_space<semaphore_mem>> -> memref<1x!tpu.dma_semaphore, #tpu.memory_space<semaphore_mem>>
    %dma_start3A_1407 = tpu.memref_squeeze %dma_start3A_1406 : memref<1x!tpu.dma_semaphore, #tpu.memory_space<semaphore_mem>> -> memref<!tpu.dma_semaphore, #tpu.memory_space<semaphore_mem>>
    tpu.enqueue_indirect_dma source(%dma_start3A_1405 : memref<196x768xf32, #tpu.memory_space<hbm>>) target(%dma_start3A_1395 : memref<48x768xf32, #tpu.memory_space<vmem>>) offsets(%dma_start3A_1398 : memref<48xi32, #tpu.memory_space<vmem>>) semaphore(%dma_start3A_1407 : memref<!tpu.dma_semaphore, #tpu.memory_space<semaphore_mem>>)
    %mul3A_1408 = arith.constant 4 : i32
    %mul3A_1409 = arith.muli %add3A, %mul3A_1408 : i32
    %add3A_1410 = arith.constant 3 : i32
    %add3A_1411 = arith.addi %mul3A_1409, %add3A_1410 : i32
    %dma_wait3A_1412 = arith.constant 3 : i32
    %dma_wait3A_1413 = arith.constant 1 : i32
    %dma_wait3A_1414 = arith.constant 1 : i32
    %dma_wait3A_1415 = arith.constant 0 : i32
    %dma_wait3A_1416 = arith.constant 0 : i32
    %dma_wait3A_1417 = tpu.memref_slice %arg10[%dma_wait3A_1413, %dma_wait3A_1415, %dma_wait3A_1416] : memref<2x48x768xf32, #tpu.memory_space<vmem>> -> memref<1x48x768xf32, #tpu.memory_space<vmem>>
    %dma_wait3A_1418 = tpu.memref_squeeze %dma_wait3A_1417 : memref<1x48x768xf32, #tpu.memory_space<vmem>> -> memref<48x768xf32, #tpu.memory_space<vmem>>
    %dma_wait3A_1419 = arith.constant 0 : i32
    %dma_wait3A_1420 = tpu.memref_slice %arg7[%dma_wait3A_1412, %dma_wait3A_1419] : memref<4x48xi32, #tpu.memory_space<vmem>> -> memref<1x48xi32, #tpu.memory_space<vmem>>
    %dma_wait3A_1421 = tpu.memref_squeeze %dma_wait3A_1420 : memref<1x48xi32, #tpu.memory_space<vmem>> -> memref<48xi32, #tpu.memory_space<vmem>>
    %dma_wait3A_1422 = arith.constant 0 : i32
    %dma_wait3A_1423 = arith.constant 0 : i32
    %dma_wait3A_1424 = tpu.memref_slice %arg2[%add3A_1411, %dma_wait3A_1422, %dma_wait3A_1423] : memref<128x196x768xf32, #tpu.memory_space<hbm>> -> memref<1x196x768xf32, #tpu.memory_space<hbm>>
    %dma_wait3A_1425 = tpu.memref_squeeze %dma_wait3A_1424 : memref<1x196x768xf32, #tpu.memory_space<hbm>> -> memref<196x768xf32, #tpu.memory_space<hbm>>
    %dma_wait3A_1426 = arith.constant 0 : i32
    %dma_wait3A_1427 = arith.constant 0 : i32
    %dma_wait3A_1428 = tpu.memref_slice %dma_wait3A_1425[%dma_wait3A_1426, %dma_wait3A_1427] : memref<196x768xf32, #tpu.memory_space<hbm>> -> memref<196x768xf32, #tpu.memory_space<hbm>>
    %dma_wait3A_1429 = tpu.memref_slice %arg12[%dma_wait3A_1414] : memref<2x!tpu.dma_semaphore, #tpu.memory_space<semaphore_mem>> -> memref<1x!tpu.dma_semaphore, #tpu.memory_space<semaphore_mem>>
    %dma_wait3A_1430 = tpu.memref_squeeze %dma_wait3A_1429 : memref<1x!tpu.dma_semaphore, #tpu.memory_space<semaphore_mem>> -> memref<!tpu.dma_semaphore, #tpu.memory_space<semaphore_mem>>
    tpu.wait_indirect_dma semaphore(%dma_wait3A_1430 : memref<!tpu.dma_semaphore, #tpu.memory_space<semaphore_mem>>) src(%dma_wait3A_1428 : memref<196x768xf32, #tpu.memory_space<hbm>>) dst(%dma_wait3A_1418 : memref<48x768xf32, #tpu.memory_space<vmem>>)
    %mul3A_1431 = arith.constant 4 : i32
    %mul3A_1432 = arith.muli %add3A, %mul3A_1431 : i32
    %add3A_1433 = arith.constant 3 : i32
    %add3A_1434 = arith.addi %mul3A_1432, %add3A_1433 : i32
    %dma_start3A_1435 = arith.constant 1 : i32
    %dma_start3A_1436 = arith.constant 1 : i32
    %dma_start3A_1437 = arith.constant 0 : i32
    %dma_start3A_1438 = arith.constant 0 : i32
    %dma_start3A_1439 = tpu.memref_slice %arg10[%dma_start3A_1435, %dma_start3A_1437, %dma_start3A_1438] : memref<2x48x768xf32, #tpu.memory_space<vmem>> -> memref<1x48x768xf32, #tpu.memory_space<vmem>>
    %dma_start3A_1440 = tpu.memref_squeeze %dma_start3A_1439 : memref<1x48x768xf32, #tpu.memory_space<vmem>> -> memref<48x768xf32, #tpu.memory_space<vmem>>
    %dma_start3A_1441 = arith.constant 144 : i32
    %dma_start3A_1442 = arith.constant 0 : i32
    %dma_start3A_1443 = tpu.memref_slice %arg6[%add3A_1434, %dma_start3A_1441, %dma_start3A_1442] : memref<128x196x768xf32, #tpu.memory_space<hbm>> -> memref<1x48x768xf32, #tpu.memory_space<hbm>>
    %dma_start3A_1444 = tpu.memref_squeeze %dma_start3A_1443 : memref<1x48x768xf32, #tpu.memory_space<hbm>> -> memref<48x768xf32, #tpu.memory_space<hbm>>
    %dma_start3A_1445 = tpu.memref_slice %arg13[%dma_start3A_1436] : memref<2x!tpu.dma_semaphore, #tpu.memory_space<semaphore_mem>> -> memref<1x!tpu.dma_semaphore, #tpu.memory_space<semaphore_mem>>
    %dma_start3A_1446 = tpu.memref_squeeze %dma_start3A_1445 : memref<1x!tpu.dma_semaphore, #tpu.memory_space<semaphore_mem>> -> memref<!tpu.dma_semaphore, #tpu.memory_space<semaphore_mem>>
    %dma_start3A_1447 = arith.constant 144 : i32
    %dma_start3A_1448 = arith.constant 0 : i32
    %dma_start3A_1449 = tpu.memref_slice %arg6[%add3A_1434, %dma_start3A_1447, %dma_start3A_1448] : memref<128x196x768xf32, #tpu.memory_space<hbm>> -> memref<1x48x768xf32, #tpu.memory_space<hbm>>
    %dma_start3A_1450 = tpu.memref_squeeze %dma_start3A_1449 : memref<1x48x768xf32, #tpu.memory_space<hbm>> -> memref<48x768xf32, #tpu.memory_space<hbm>>
    %dma_start3A_1451 = arith.constant 0 : i32
    %dma_start3A_1452 = arith.constant 0 : i32
    %dma_start3A_1453 = tpu.memref_slice %arg10[%dma_start3A_1435, %dma_start3A_1451, %dma_start3A_1452] : memref<2x48x768xf32, #tpu.memory_space<vmem>> -> memref<1x48x768xf32, #tpu.memory_space<vmem>>
    %dma_start3A_1454 = tpu.memref_squeeze %dma_start3A_1453 : memref<1x48x768xf32, #tpu.memory_space<vmem>> -> memref<48x768xf32, #tpu.memory_space<vmem>>
    tpu.enqueue_dma source(%dma_start3A_1454 : memref<48x768xf32, #tpu.memory_space<vmem>>) target(%dma_start3A_1450 : memref<48x768xf32, #tpu.memory_space<hbm>>) target_semaphore(%dma_start3A_1446 : memref<!tpu.dma_semaphore, #tpu.memory_space<semaphore_mem>>)
    %mul3A_1455 = arith.constant 4 : i32
    %mul3A_1456 = arith.muli %add3A, %mul3A_1455 : i32
    %add3A_1457 = arith.constant 3 : i32
    %add3A_1458 = arith.addi %mul3A_1456, %add3A_1457 : i32
    %dma_wait3A_1459 = arith.constant 0 : i32
    %dma_wait3A_1460 = arith.constant 0 : i32
    %dma_wait3A_1461 = arith.constant 0 : i32
    %dma_wait3A_1462 = arith.constant 0 : i32
    %dma_wait3A_1463 = tpu.memref_slice %arg10[%dma_wait3A_1459, %dma_wait3A_1461, %dma_wait3A_1462] : memref<2x48x768xf32, #tpu.memory_space<vmem>> -> memref<1x48x768xf32, #tpu.memory_space<vmem>>
    %dma_wait3A_1464 = tpu.memref_squeeze %dma_wait3A_1463 : memref<1x48x768xf32, #tpu.memory_space<vmem>> -> memref<48x768xf32, #tpu.memory_space<vmem>>
    %dma_wait3A_1465 = arith.constant 96 : i32
    %dma_wait3A_1466 = arith.constant 0 : i32
    %dma_wait3A_1467 = tpu.memref_slice %arg6[%add3A_1458, %dma_wait3A_1465, %dma_wait3A_1466] : memref<128x196x768xf32, #tpu.memory_space<hbm>> -> memref<1x48x768xf32, #tpu.memory_space<hbm>>
    %dma_wait3A_1468 = tpu.memref_squeeze %dma_wait3A_1467 : memref<1x48x768xf32, #tpu.memory_space<hbm>> -> memref<48x768xf32, #tpu.memory_space<hbm>>
    %dma_wait3A_1469 = tpu.memref_slice %arg13[%dma_wait3A_1460] : memref<2x!tpu.dma_semaphore, #tpu.memory_space<semaphore_mem>> -> memref<1x!tpu.dma_semaphore, #tpu.memory_space<semaphore_mem>>
    %dma_wait3A_1470 = tpu.memref_squeeze %dma_wait3A_1469 : memref<1x!tpu.dma_semaphore, #tpu.memory_space<semaphore_mem>> -> memref<!tpu.dma_semaphore, #tpu.memory_space<semaphore_mem>>
    %dma_wait3A_1471 = arith.constant 96 : i32
    %dma_wait3A_1472 = arith.constant 0 : i32
    %dma_wait3A_1473 = tpu.memref_slice %arg6[%add3A_1458, %dma_wait3A_1471, %dma_wait3A_1472] : memref<128x196x768xf32, #tpu.memory_space<hbm>> -> memref<1x48x768xf32, #tpu.memory_space<hbm>>
    %dma_wait3A_1474 = tpu.memref_squeeze %dma_wait3A_1473 : memref<1x48x768xf32, #tpu.memory_space<hbm>> -> memref<48x768xf32, #tpu.memory_space<hbm>>
    %dma_wait3A_1475 = arith.constant 0 : i32
    %dma_wait3A_1476 = arith.constant 0 : i32
    %dma_wait3A_1477 = tpu.memref_slice %arg10[%dma_wait3A_1459, %dma_wait3A_1475, %dma_wait3A_1476] : memref<2x48x768xf32, #tpu.memory_space<vmem>> -> memref<1x48x768xf32, #tpu.memory_space<vmem>>
    %dma_wait3A_1478 = tpu.memref_squeeze %dma_wait3A_1477 : memref<1x48x768xf32, #tpu.memory_space<vmem>> -> memref<48x768xf32, #tpu.memory_space<vmem>>
    tpu.wait_dma2 semaphore(%dma_wait3A_1470 : memref<!tpu.dma_semaphore, #tpu.memory_space<semaphore_mem>>) src(%dma_wait3A_1478 : memref<48x768xf32, #tpu.memory_space<vmem>>) dst(%dma_wait3A_1474 : memref<48x768xf32, #tpu.memory_space<hbm>>)
    %mul3A_1479 = arith.constant 4 : i32
    %mul3A_1480 = arith.muli %add3A, %mul3A_1479 : i32
    %add3A_1481 = arith.constant 3 : i32
    %add3A_1482 = arith.addi %mul3A_1480, %add3A_1481 : i32
    %dma_wait3A_1483 = arith.constant 1 : i32
    %dma_wait3A_1484 = arith.constant 1 : i32
    %dma_wait3A_1485 = arith.constant 0 : i32
    %dma_wait3A_1486 = arith.constant 0 : i32
    %dma_wait3A_1487 = tpu.memref_slice %arg10[%dma_wait3A_1483, %dma_wait3A_1485, %dma_wait3A_1486] : memref<2x48x768xf32, #tpu.memory_space<vmem>> -> memref<1x48x768xf32, #tpu.memory_space<vmem>>
    %dma_wait3A_1488 = tpu.memref_squeeze %dma_wait3A_1487 : memref<1x48x768xf32, #tpu.memory_space<vmem>> -> memref<48x768xf32, #tpu.memory_space<vmem>>
    %dma_wait3A_1489 = arith.constant 144 : i32
    %dma_wait3A_1490 = arith.constant 0 : i32
    %dma_wait3A_1491 = tpu.memref_slice %arg6[%add3A_1482, %dma_wait3A_1489, %dma_wait3A_1490] : memref<128x196x768xf32, #tpu.memory_space<hbm>> -> memref<1x48x768xf32, #tpu.memory_space<hbm>>
    %dma_wait3A_1492 = tpu.memref_squeeze %dma_wait3A_1491 : memref<1x48x768xf32, #tpu.memory_space<hbm>> -> memref<48x768xf32, #tpu.memory_space<hbm>>
    %dma_wait3A_1493 = tpu.memref_slice %arg13[%dma_wait3A_1484] : memref<2x!tpu.dma_semaphore, #tpu.memory_space<semaphore_mem>> -> memref<1x!tpu.dma_semaphore, #tpu.memory_space<semaphore_mem>>
    %dma_wait3A_1494 = tpu.memref_squeeze %dma_wait3A_1493 : memref<1x!tpu.dma_semaphore, #tpu.memory_space<semaphore_mem>> -> memref<!tpu.dma_semaphore, #tpu.memory_space<semaphore_mem>>
    %dma_wait3A_1495 = arith.constant 144 : i32
    %dma_wait3A_1496 = arith.constant 0 : i32
    %dma_wait3A_1497 = tpu.memref_slice %arg6[%add3A_1482, %dma_wait3A_1495, %dma_wait3A_1496] : memref<128x196x768xf32, #tpu.memory_space<hbm>> -> memref<1x48x768xf32, #tpu.memory_space<hbm>>
    %dma_wait3A_1498 = tpu.memref_squeeze %dma_wait3A_1497 : memref<1x48x768xf32, #tpu.memory_space<hbm>> -> memref<48x768xf32, #tpu.memory_space<hbm>>
    %dma_wait3A_1499 = arith.constant 0 : i32
    %dma_wait3A_1500 = arith.constant 0 : i32
    %dma_wait3A_1501 = tpu.memref_slice %arg10[%dma_wait3A_1483, %dma_wait3A_1499, %dma_wait3A_1500] : memref<2x48x768xf32, #tpu.memory_space<vmem>> -> memref<1x48x768xf32, #tpu.memory_space<vmem>>
    %dma_wait3A_1502 = tpu.memref_squeeze %dma_wait3A_1501 : memref<1x48x768xf32, #tpu.memory_space<vmem>> -> memref<48x768xf32, #tpu.memory_space<vmem>>
    tpu.wait_dma2 semaphore(%dma_wait3A_1494 : memref<!tpu.dma_semaphore, #tpu.memory_space<semaphore_mem>>) src(%dma_wait3A_1502 : memref<48x768xf32, #tpu.memory_space<vmem>>) dst(%dma_wait3A_1498 : memref<48x768xf32, #tpu.memory_space<hbm>>)
    %mul3A_1503 = arith.constant 4 : i32
    %mul3A_1504 = arith.muli %add3A, %mul3A_1503 : i32
    %add3A_1505 = arith.constant 0 : i32
    %add3A_1506 = arith.addi %mul3A_1504, %add3A_1505 : i32
    %dma_start3A_1507 = arith.constant 0 : i32
    %dma_start3A_1508 = arith.constant 0 : i32
    %dma_start3A_1509 = arith.constant 0 : i32
    %dma_start3A_1510 = arith.constant 0 : i32
    %dma_start3A_1511 = tpu.memref_slice %arg11[%dma_start3A_1507, %dma_start3A_1509, %dma_start3A_1510] : memref<2x16x768xf32, #tpu.memory_space<vmem>> -> memref<1x16x768xf32, #tpu.memory_space<vmem>>
    %dma_start3A_1512 = tpu.memref_squeeze %dma_start3A_1511 : memref<1x16x768xf32, #tpu.memory_space<vmem>> -> memref<16x768xf32, #tpu.memory_space<vmem>>
    %dma_start3A_1513 = arith.constant 0 : i32
    %dma_start3A_1514 = arith.constant 0 : i32
    %dma_start3A_1515 = tpu.memref_slice %arg2[%add3A_1506, %dma_start3A_1513, %dma_start3A_1514] : memref<128x196x768xf32, #tpu.memory_space<hbm>> -> memref<1x196x768xf32, #tpu.memory_space<hbm>>
    %dma_start3A_1516 = tpu.memref_squeeze %dma_start3A_1515 : memref<1x196x768xf32, #tpu.memory_space<hbm>> -> memref<196x768xf32, #tpu.memory_space<hbm>>
    %dma_start3A_1517 = arith.constant 0 : i32
    %dma_start3A_1518 = arith.constant 0 : i32
    %dma_start3A_1519 = tpu.memref_slice %dma_start3A_1516[%dma_start3A_1517, %dma_start3A_1518] : memref<196x768xf32, #tpu.memory_space<hbm>> -> memref<196x768xf32, #tpu.memory_space<hbm>>
    %dma_start3A_1520 = tpu.memref_slice %arg12[%dma_start3A_1508] : memref<2x!tpu.dma_semaphore, #tpu.memory_space<semaphore_mem>> -> memref<1x!tpu.dma_semaphore, #tpu.memory_space<semaphore_mem>>
    %dma_start3A_1521 = tpu.memref_squeeze %dma_start3A_1520 : memref<1x!tpu.dma_semaphore, #tpu.memory_space<semaphore_mem>> -> memref<!tpu.dma_semaphore, #tpu.memory_space<semaphore_mem>>
    tpu.enqueue_indirect_dma source(%dma_start3A_1519 : memref<196x768xf32, #tpu.memory_space<hbm>>) target(%dma_start3A_1512 : memref<16x768xf32, #tpu.memory_space<vmem>>) offsets(%arg8 : memref<16xi32, #tpu.memory_space<vmem>>) semaphore(%dma_start3A_1521 : memref<!tpu.dma_semaphore, #tpu.memory_space<semaphore_mem>>)
    %mul3A_1522 = arith.constant 4 : i32
    %mul3A_1523 = arith.muli %add3A, %mul3A_1522 : i32
    %add3A_1524 = arith.constant 0 : i32
    %add3A_1525 = arith.addi %mul3A_1523, %add3A_1524 : i32
    %dma_wait3A_1526 = arith.constant 0 : i32
    %dma_wait3A_1527 = arith.constant 0 : i32
    %dma_wait3A_1528 = arith.constant 0 : i32
    %dma_wait3A_1529 = arith.constant 0 : i32
    %dma_wait3A_1530 = tpu.memref_slice %arg11[%dma_wait3A_1526, %dma_wait3A_1528, %dma_wait3A_1529] : memref<2x16x768xf32, #tpu.memory_space<vmem>> -> memref<1x16x768xf32, #tpu.memory_space<vmem>>
    %dma_wait3A_1531 = tpu.memref_squeeze %dma_wait3A_1530 : memref<1x16x768xf32, #tpu.memory_space<vmem>> -> memref<16x768xf32, #tpu.memory_space<vmem>>
    %dma_wait3A_1532 = arith.constant 0 : i32
    %dma_wait3A_1533 = arith.constant 0 : i32
    %dma_wait3A_1534 = tpu.memref_slice %arg2[%add3A_1525, %dma_wait3A_1532, %dma_wait3A_1533] : memref<128x196x768xf32, #tpu.memory_space<hbm>> -> memref<1x196x768xf32, #tpu.memory_space<hbm>>
    %dma_wait3A_1535 = tpu.memref_squeeze %dma_wait3A_1534 : memref<1x196x768xf32, #tpu.memory_space<hbm>> -> memref<196x768xf32, #tpu.memory_space<hbm>>
    %dma_wait3A_1536 = arith.constant 0 : i32
    %dma_wait3A_1537 = arith.constant 0 : i32
    %dma_wait3A_1538 = tpu.memref_slice %dma_wait3A_1535[%dma_wait3A_1536, %dma_wait3A_1537] : memref<196x768xf32, #tpu.memory_space<hbm>> -> memref<196x768xf32, #tpu.memory_space<hbm>>
    %dma_wait3A_1539 = tpu.memref_slice %arg12[%dma_wait3A_1527] : memref<2x!tpu.dma_semaphore, #tpu.memory_space<semaphore_mem>> -> memref<1x!tpu.dma_semaphore, #tpu.memory_space<semaphore_mem>>
    %dma_wait3A_1540 = tpu.memref_squeeze %dma_wait3A_1539 : memref<1x!tpu.dma_semaphore, #tpu.memory_space<semaphore_mem>> -> memref<!tpu.dma_semaphore, #tpu.memory_space<semaphore_mem>>
    tpu.wait_indirect_dma semaphore(%dma_wait3A_1540 : memref<!tpu.dma_semaphore, #tpu.memory_space<semaphore_mem>>) src(%dma_wait3A_1538 : memref<196x768xf32, #tpu.memory_space<hbm>>) dst(%dma_wait3A_1531 : memref<16x768xf32, #tpu.memory_space<vmem>>)
    %mul3A_1541 = arith.constant 4 : i32
    %mul3A_1542 = arith.muli %add3A, %mul3A_1541 : i32
    %add3A_1543 = arith.constant 0 : i32
    %add3A_1544 = arith.addi %mul3A_1542, %add3A_1543 : i32
    %dma_start3A_1545 = arith.constant 0 : i32
    %dma_start3A_1546 = arith.constant 0 : i32
    %dma_start3A_1547 = arith.constant 0 : i32
    %dma_start3A_1548 = arith.constant 0 : i32
    %dma_start3A_1549 = tpu.memref_slice %arg11[%dma_start3A_1545, %dma_start3A_1547, %dma_start3A_1548] : memref<2x16x768xf32, #tpu.memory_space<vmem>> -> memref<1x16x768xf32, #tpu.memory_space<vmem>>
    %dma_start3A_1550 = tpu.memref_squeeze %dma_start3A_1549 : memref<1x16x768xf32, #tpu.memory_space<vmem>> -> memref<16x768xf32, #tpu.memory_space<vmem>>
    %dma_start3A_1551 = arith.constant 0 : i32
    %dma_start3A_1552 = arith.constant 0 : i32
    %dma_start3A_1553 = tpu.memref_slice %arg6[%add3A_1544, %dma_start3A_1551, %dma_start3A_1552] : memref<128x196x768xf32, #tpu.memory_space<hbm>> -> memref<1x196x768xf32, #tpu.memory_space<hbm>>
    %dma_start3A_1554 = tpu.memref_squeeze %dma_start3A_1553 : memref<1x196x768xf32, #tpu.memory_space<hbm>> -> memref<196x768xf32, #tpu.memory_space<hbm>>
    %dma_start3A_1555 = arith.constant 0 : i32
    %dma_start3A_1556 = arith.constant 0 : i32
    %dma_start3A_1557 = tpu.memref_slice %dma_start3A_1554[%dma_start3A_1555, %dma_start3A_1556] : memref<196x768xf32, #tpu.memory_space<hbm>> -> memref<196x768xf32, #tpu.memory_space<hbm>>
    %dma_start3A_1558 = tpu.memref_slice %arg13[%dma_start3A_1546] : memref<2x!tpu.dma_semaphore, #tpu.memory_space<semaphore_mem>> -> memref<1x!tpu.dma_semaphore, #tpu.memory_space<semaphore_mem>>
    %dma_start3A_1559 = tpu.memref_squeeze %dma_start3A_1558 : memref<1x!tpu.dma_semaphore, #tpu.memory_space<semaphore_mem>> -> memref<!tpu.dma_semaphore, #tpu.memory_space<semaphore_mem>>
    tpu.enqueue_indirect_dma source(%dma_start3A_1550 : memref<16x768xf32, #tpu.memory_space<vmem>>) target(%dma_start3A_1557 : memref<196x768xf32, #tpu.memory_space<hbm>>) offsets(%arg9 : memref<16xi32, #tpu.memory_space<vmem>>) semaphore(%dma_start3A_1559 : memref<!tpu.dma_semaphore, #tpu.memory_space<semaphore_mem>>)
    %mul3A_1560 = arith.constant 4 : i32
    %mul3A_1561 = arith.muli %add3A, %mul3A_1560 : i32
    %add3A_1562 = arith.constant 1 : i32
    %add3A_1563 = arith.addi %mul3A_1561, %add3A_1562 : i32
    %dma_start3A_1564 = arith.constant 1 : i32
    %dma_start3A_1565 = arith.constant 1 : i32
    %dma_start3A_1566 = arith.constant 0 : i32
    %dma_start3A_1567 = arith.constant 0 : i32
    %dma_start3A_1568 = tpu.memref_slice %arg11[%dma_start3A_1564, %dma_start3A_1566, %dma_start3A_1567] : memref<2x16x768xf32, #tpu.memory_space<vmem>> -> memref<1x16x768xf32, #tpu.memory_space<vmem>>
    %dma_start3A_1569 = tpu.memref_squeeze %dma_start3A_1568 : memref<1x16x768xf32, #tpu.memory_space<vmem>> -> memref<16x768xf32, #tpu.memory_space<vmem>>
    %dma_start3A_1570 = arith.constant 0 : i32
    %dma_start3A_1571 = arith.constant 0 : i32
    %dma_start3A_1572 = tpu.memref_slice %arg2[%add3A_1563, %dma_start3A_1570, %dma_start3A_1571] : memref<128x196x768xf32, #tpu.memory_space<hbm>> -> memref<1x196x768xf32, #tpu.memory_space<hbm>>
    %dma_start3A_1573 = tpu.memref_squeeze %dma_start3A_1572 : memref<1x196x768xf32, #tpu.memory_space<hbm>> -> memref<196x768xf32, #tpu.memory_space<hbm>>
    %dma_start3A_1574 = arith.constant 0 : i32
    %dma_start3A_1575 = arith.constant 0 : i32
    %dma_start3A_1576 = tpu.memref_slice %dma_start3A_1573[%dma_start3A_1574, %dma_start3A_1575] : memref<196x768xf32, #tpu.memory_space<hbm>> -> memref<196x768xf32, #tpu.memory_space<hbm>>
    %dma_start3A_1577 = tpu.memref_slice %arg12[%dma_start3A_1565] : memref<2x!tpu.dma_semaphore, #tpu.memory_space<semaphore_mem>> -> memref<1x!tpu.dma_semaphore, #tpu.memory_space<semaphore_mem>>
    %dma_start3A_1578 = tpu.memref_squeeze %dma_start3A_1577 : memref<1x!tpu.dma_semaphore, #tpu.memory_space<semaphore_mem>> -> memref<!tpu.dma_semaphore, #tpu.memory_space<semaphore_mem>>
    tpu.enqueue_indirect_dma source(%dma_start3A_1576 : memref<196x768xf32, #tpu.memory_space<hbm>>) target(%dma_start3A_1569 : memref<16x768xf32, #tpu.memory_space<vmem>>) offsets(%arg8 : memref<16xi32, #tpu.memory_space<vmem>>) semaphore(%dma_start3A_1578 : memref<!tpu.dma_semaphore, #tpu.memory_space<semaphore_mem>>)
    %mul3A_1579 = arith.constant 4 : i32
    %mul3A_1580 = arith.muli %add3A, %mul3A_1579 : i32
    %add3A_1581 = arith.constant 1 : i32
    %add3A_1582 = arith.addi %mul3A_1580, %add3A_1581 : i32
    %dma_wait3A_1583 = arith.constant 1 : i32
    %dma_wait3A_1584 = arith.constant 1 : i32
    %dma_wait3A_1585 = arith.constant 0 : i32
    %dma_wait3A_1586 = arith.constant 0 : i32
    %dma_wait3A_1587 = tpu.memref_slice %arg11[%dma_wait3A_1583, %dma_wait3A_1585, %dma_wait3A_1586] : memref<2x16x768xf32, #tpu.memory_space<vmem>> -> memref<1x16x768xf32, #tpu.memory_space<vmem>>
    %dma_wait3A_1588 = tpu.memref_squeeze %dma_wait3A_1587 : memref<1x16x768xf32, #tpu.memory_space<vmem>> -> memref<16x768xf32, #tpu.memory_space<vmem>>
    %dma_wait3A_1589 = arith.constant 0 : i32
    %dma_wait3A_1590 = arith.constant 0 : i32
    %dma_wait3A_1591 = tpu.memref_slice %arg2[%add3A_1582, %dma_wait3A_1589, %dma_wait3A_1590] : memref<128x196x768xf32, #tpu.memory_space<hbm>> -> memref<1x196x768xf32, #tpu.memory_space<hbm>>
    %dma_wait3A_1592 = tpu.memref_squeeze %dma_wait3A_1591 : memref<1x196x768xf32, #tpu.memory_space<hbm>> -> memref<196x768xf32, #tpu.memory_space<hbm>>
    %dma_wait3A_1593 = arith.constant 0 : i32
    %dma_wait3A_1594 = arith.constant 0 : i32
    %dma_wait3A_1595 = tpu.memref_slice %dma_wait3A_1592[%dma_wait3A_1593, %dma_wait3A_1594] : memref<196x768xf32, #tpu.memory_space<hbm>> -> memref<196x768xf32, #tpu.memory_space<hbm>>
    %dma_wait3A_1596 = tpu.memref_slice %arg12[%dma_wait3A_1584] : memref<2x!tpu.dma_semaphore, #tpu.memory_space<semaphore_mem>> -> memref<1x!tpu.dma_semaphore, #tpu.memory_space<semaphore_mem>>
    %dma_wait3A_1597 = tpu.memref_squeeze %dma_wait3A_1596 : memref<1x!tpu.dma_semaphore, #tpu.memory_space<semaphore_mem>> -> memref<!tpu.dma_semaphore, #tpu.memory_space<semaphore_mem>>
    tpu.wait_indirect_dma semaphore(%dma_wait3A_1597 : memref<!tpu.dma_semaphore, #tpu.memory_space<semaphore_mem>>) src(%dma_wait3A_1595 : memref<196x768xf32, #tpu.memory_space<hbm>>) dst(%dma_wait3A_1588 : memref<16x768xf32, #tpu.memory_space<vmem>>)
    %mul3A_1598 = arith.constant 4 : i32
    %mul3A_1599 = arith.muli %add3A, %mul3A_1598 : i32
    %add3A_1600 = arith.constant 1 : i32
    %add3A_1601 = arith.addi %mul3A_1599, %add3A_1600 : i32
    %dma_start3A_1602 = arith.constant 1 : i32
    %dma_start3A_1603 = arith.constant 1 : i32
    %dma_start3A_1604 = arith.constant 0 : i32
    %dma_start3A_1605 = arith.constant 0 : i32
    %dma_start3A_1606 = tpu.memref_slice %arg11[%dma_start3A_1602, %dma_start3A_1604, %dma_start3A_1605] : memref<2x16x768xf32, #tpu.memory_space<vmem>> -> memref<1x16x768xf32, #tpu.memory_space<vmem>>
    %dma_start3A_1607 = tpu.memref_squeeze %dma_start3A_1606 : memref<1x16x768xf32, #tpu.memory_space<vmem>> -> memref<16x768xf32, #tpu.memory_space<vmem>>
    %dma_start3A_1608 = arith.constant 0 : i32
    %dma_start3A_1609 = arith.constant 0 : i32
    %dma_start3A_1610 = tpu.memref_slice %arg6[%add3A_1601, %dma_start3A_1608, %dma_start3A_1609] : memref<128x196x768xf32, #tpu.memory_space<hbm>> -> memref<1x196x768xf32, #tpu.memory_space<hbm>>
    %dma_start3A_1611 = tpu.memref_squeeze %dma_start3A_1610 : memref<1x196x768xf32, #tpu.memory_space<hbm>> -> memref<196x768xf32, #tpu.memory_space<hbm>>
    %dma_start3A_1612 = arith.constant 0 : i32
    %dma_start3A_1613 = arith.constant 0 : i32
    %dma_start3A_1614 = tpu.memref_slice %dma_start3A_1611[%dma_start3A_1612, %dma_start3A_1613] : memref<196x768xf32, #tpu.memory_space<hbm>> -> memref<196x768xf32, #tpu.memory_space<hbm>>
    %dma_start3A_1615 = tpu.memref_slice %arg13[%dma_start3A_1603] : memref<2x!tpu.dma_semaphore, #tpu.memory_space<semaphore_mem>> -> memref<1x!tpu.dma_semaphore, #tpu.memory_space<semaphore_mem>>
    %dma_start3A_1616 = tpu.memref_squeeze %dma_start3A_1615 : memref<1x!tpu.dma_semaphore, #tpu.memory_space<semaphore_mem>> -> memref<!tpu.dma_semaphore, #tpu.memory_space<semaphore_mem>>
    tpu.enqueue_indirect_dma source(%dma_start3A_1607 : memref<16x768xf32, #tpu.memory_space<vmem>>) target(%dma_start3A_1614 : memref<196x768xf32, #tpu.memory_space<hbm>>) offsets(%arg9 : memref<16xi32, #tpu.memory_space<vmem>>) semaphore(%dma_start3A_1616 : memref<!tpu.dma_semaphore, #tpu.memory_space<semaphore_mem>>)
    %mul3A_1617 = arith.constant 4 : i32
    %mul3A_1618 = arith.muli %add3A, %mul3A_1617 : i32
    %add3A_1619 = arith.constant 0 : i32
    %add3A_1620 = arith.addi %mul3A_1618, %add3A_1619 : i32
    %dma_wait3A_1621 = arith.constant 0 : i32
    %dma_wait3A_1622 = arith.constant 0 : i32
    %dma_wait3A_1623 = arith.constant 0 : i32
    %dma_wait3A_1624 = arith.constant 0 : i32
    %dma_wait3A_1625 = tpu.memref_slice %arg11[%dma_wait3A_1621, %dma_wait3A_1623, %dma_wait3A_1624] : memref<2x16x768xf32, #tpu.memory_space<vmem>> -> memref<1x16x768xf32, #tpu.memory_space<vmem>>
    %dma_wait3A_1626 = tpu.memref_squeeze %dma_wait3A_1625 : memref<1x16x768xf32, #tpu.memory_space<vmem>> -> memref<16x768xf32, #tpu.memory_space<vmem>>
    %dma_wait3A_1627 = arith.constant 0 : i32
    %dma_wait3A_1628 = arith.constant 0 : i32
    %dma_wait3A_1629 = tpu.memref_slice %arg6[%add3A_1620, %dma_wait3A_1627, %dma_wait3A_1628] : memref<128x196x768xf32, #tpu.memory_space<hbm>> -> memref<1x196x768xf32, #tpu.memory_space<hbm>>
    %dma_wait3A_1630 = tpu.memref_squeeze %dma_wait3A_1629 : memref<1x196x768xf32, #tpu.memory_space<hbm>> -> memref<196x768xf32, #tpu.memory_space<hbm>>
    %dma_wait3A_1631 = arith.constant 0 : i32
    %dma_wait3A_1632 = arith.constant 0 : i32
    %dma_wait3A_1633 = tpu.memref_slice %dma_wait3A_1630[%dma_wait3A_1631, %dma_wait3A_1632] : memref<196x768xf32, #tpu.memory_space<hbm>> -> memref<196x768xf32, #tpu.memory_space<hbm>>
    %dma_wait3A_1634 = tpu.memref_slice %arg13[%dma_wait3A_1622] : memref<2x!tpu.dma_semaphore, #tpu.memory_space<semaphore_mem>> -> memref<1x!tpu.dma_semaphore, #tpu.memory_space<semaphore_mem>>
    %dma_wait3A_1635 = tpu.memref_squeeze %dma_wait3A_1634 : memref<1x!tpu.dma_semaphore, #tpu.memory_space<semaphore_mem>> -> memref<!tpu.dma_semaphore, #tpu.memory_space<semaphore_mem>>
    tpu.wait_indirect_dma semaphore(%dma_wait3A_1635 : memref<!tpu.dma_semaphore, #tpu.memory_space<semaphore_mem>>) src(%dma_wait3A_1626 : memref<16x768xf32, #tpu.memory_space<vmem>>) dst(%dma_wait3A_1633 : memref<196x768xf32, #tpu.memory_space<hbm>>)
    %mul3A_1636 = arith.constant 4 : i32
    %mul3A_1637 = arith.muli %add3A, %mul3A_1636 : i32
    %add3A_1638 = arith.constant 2 : i32
    %add3A_1639 = arith.addi %mul3A_1637, %add3A_1638 : i32
    %dma_start3A_1640 = arith.constant 0 : i32
    %dma_start3A_1641 = arith.constant 0 : i32
    %dma_start3A_1642 = arith.constant 0 : i32
    %dma_start3A_1643 = arith.constant 0 : i32
    %dma_start3A_1644 = tpu.memref_slice %arg11[%dma_start3A_1640, %dma_start3A_1642, %dma_start3A_1643] : memref<2x16x768xf32, #tpu.memory_space<vmem>> -> memref<1x16x768xf32, #tpu.memory_space<vmem>>
    %dma_start3A_1645 = tpu.memref_squeeze %dma_start3A_1644 : memref<1x16x768xf32, #tpu.memory_space<vmem>> -> memref<16x768xf32, #tpu.memory_space<vmem>>
    %dma_start3A_1646 = arith.constant 0 : i32
    %dma_start3A_1647 = arith.constant 0 : i32
    %dma_start3A_1648 = tpu.memref_slice %arg2[%add3A_1639, %dma_start3A_1646, %dma_start3A_1647] : memref<128x196x768xf32, #tpu.memory_space<hbm>> -> memref<1x196x768xf32, #tpu.memory_space<hbm>>
    %dma_start3A_1649 = tpu.memref_squeeze %dma_start3A_1648 : memref<1x196x768xf32, #tpu.memory_space<hbm>> -> memref<196x768xf32, #tpu.memory_space<hbm>>
    %dma_start3A_1650 = arith.constant 0 : i32
    %dma_start3A_1651 = arith.constant 0 : i32
    %dma_start3A_1652 = tpu.memref_slice %dma_start3A_1649[%dma_start3A_1650, %dma_start3A_1651] : memref<196x768xf32, #tpu.memory_space<hbm>> -> memref<196x768xf32, #tpu.memory_space<hbm>>
    %dma_start3A_1653 = tpu.memref_slice %arg12[%dma_start3A_1641] : memref<2x!tpu.dma_semaphore, #tpu.memory_space<semaphore_mem>> -> memref<1x!tpu.dma_semaphore, #tpu.memory_space<semaphore_mem>>
    %dma_start3A_1654 = tpu.memref_squeeze %dma_start3A_1653 : memref<1x!tpu.dma_semaphore, #tpu.memory_space<semaphore_mem>> -> memref<!tpu.dma_semaphore, #tpu.memory_space<semaphore_mem>>
    tpu.enqueue_indirect_dma source(%dma_start3A_1652 : memref<196x768xf32, #tpu.memory_space<hbm>>) target(%dma_start3A_1645 : memref<16x768xf32, #tpu.memory_space<vmem>>) offsets(%arg8 : memref<16xi32, #tpu.memory_space<vmem>>) semaphore(%dma_start3A_1654 : memref<!tpu.dma_semaphore, #tpu.memory_space<semaphore_mem>>)
    %mul3A_1655 = arith.constant 4 : i32
    %mul3A_1656 = arith.muli %add3A, %mul3A_1655 : i32
    %add3A_1657 = arith.constant 2 : i32
    %add3A_1658 = arith.addi %mul3A_1656, %add3A_1657 : i32
    %dma_wait3A_1659 = arith.constant 0 : i32
    %dma_wait3A_1660 = arith.constant 0 : i32
    %dma_wait3A_1661 = arith.constant 0 : i32
    %dma_wait3A_1662 = arith.constant 0 : i32
    %dma_wait3A_1663 = tpu.memref_slice %arg11[%dma_wait3A_1659, %dma_wait3A_1661, %dma_wait3A_1662] : memref<2x16x768xf32, #tpu.memory_space<vmem>> -> memref<1x16x768xf32, #tpu.memory_space<vmem>>
    %dma_wait3A_1664 = tpu.memref_squeeze %dma_wait3A_1663 : memref<1x16x768xf32, #tpu.memory_space<vmem>> -> memref<16x768xf32, #tpu.memory_space<vmem>>
    %dma_wait3A_1665 = arith.constant 0 : i32
    %dma_wait3A_1666 = arith.constant 0 : i32
    %dma_wait3A_1667 = tpu.memref_slice %arg2[%add3A_1658, %dma_wait3A_1665, %dma_wait3A_1666] : memref<128x196x768xf32, #tpu.memory_space<hbm>> -> memref<1x196x768xf32, #tpu.memory_space<hbm>>
    %dma_wait3A_1668 = tpu.memref_squeeze %dma_wait3A_1667 : memref<1x196x768xf32, #tpu.memory_space<hbm>> -> memref<196x768xf32, #tpu.memory_space<hbm>>
    %dma_wait3A_1669 = arith.constant 0 : i32
    %dma_wait3A_1670 = arith.constant 0 : i32
    %dma_wait3A_1671 = tpu.memref_slice %dma_wait3A_1668[%dma_wait3A_1669, %dma_wait3A_1670] : memref<196x768xf32, #tpu.memory_space<hbm>> -> memref<196x768xf32, #tpu.memory_space<hbm>>
    %dma_wait3A_1672 = tpu.memref_slice %arg12[%dma_wait3A_1660] : memref<2x!tpu.dma_semaphore, #tpu.memory_space<semaphore_mem>> -> memref<1x!tpu.dma_semaphore, #tpu.memory_space<semaphore_mem>>
    %dma_wait3A_1673 = tpu.memref_squeeze %dma_wait3A_1672 : memref<1x!tpu.dma_semaphore, #tpu.memory_space<semaphore_mem>> -> memref<!tpu.dma_semaphore, #tpu.memory_space<semaphore_mem>>
    tpu.wait_indirect_dma semaphore(%dma_wait3A_1673 : memref<!tpu.dma_semaphore, #tpu.memory_space<semaphore_mem>>) src(%dma_wait3A_1671 : memref<196x768xf32, #tpu.memory_space<hbm>>) dst(%dma_wait3A_1664 : memref<16x768xf32, #tpu.memory_space<vmem>>)
    %mul3A_1674 = arith.constant 4 : i32
    %mul3A_1675 = arith.muli %add3A, %mul3A_1674 : i32
    %add3A_1676 = arith.constant 2 : i32
    %add3A_1677 = arith.addi %mul3A_1675, %add3A_1676 : i32
    %dma_start3A_1678 = arith.constant 0 : i32
    %dma_start3A_1679 = arith.constant 0 : i32
    %dma_start3A_1680 = arith.constant 0 : i32
    %dma_start3A_1681 = arith.constant 0 : i32
    %dma_start3A_1682 = tpu.memref_slice %arg11[%dma_start3A_1678, %dma_start3A_1680, %dma_start3A_1681] : memref<2x16x768xf32, #tpu.memory_space<vmem>> -> memref<1x16x768xf32, #tpu.memory_space<vmem>>
    %dma_start3A_1683 = tpu.memref_squeeze %dma_start3A_1682 : memref<1x16x768xf32, #tpu.memory_space<vmem>> -> memref<16x768xf32, #tpu.memory_space<vmem>>
    %dma_start3A_1684 = arith.constant 0 : i32
    %dma_start3A_1685 = arith.constant 0 : i32
    %dma_start3A_1686 = tpu.memref_slice %arg6[%add3A_1677, %dma_start3A_1684, %dma_start3A_1685] : memref<128x196x768xf32, #tpu.memory_space<hbm>> -> memref<1x196x768xf32, #tpu.memory_space<hbm>>
    %dma_start3A_1687 = tpu.memref_squeeze %dma_start3A_1686 : memref<1x196x768xf32, #tpu.memory_space<hbm>> -> memref<196x768xf32, #tpu.memory_space<hbm>>
    %dma_start3A_1688 = arith.constant 0 : i32
    %dma_start3A_1689 = arith.constant 0 : i32
    %dma_start3A_1690 = tpu.memref_slice %dma_start3A_1687[%dma_start3A_1688, %dma_start3A_1689] : memref<196x768xf32, #tpu.memory_space<hbm>> -> memref<196x768xf32, #tpu.memory_space<hbm>>
    %dma_start3A_1691 = tpu.memref_slice %arg13[%dma_start3A_1679] : memref<2x!tpu.dma_semaphore, #tpu.memory_space<semaphore_mem>> -> memref<1x!tpu.dma_semaphore, #tpu.memory_space<semaphore_mem>>
    %dma_start3A_1692 = tpu.memref_squeeze %dma_start3A_1691 : memref<1x!tpu.dma_semaphore, #tpu.memory_space<semaphore_mem>> -> memref<!tpu.dma_semaphore, #tpu.memory_space<semaphore_mem>>
    tpu.enqueue_indirect_dma source(%dma_start3A_1683 : memref<16x768xf32, #tpu.memory_space<vmem>>) target(%dma_start3A_1690 : memref<196x768xf32, #tpu.memory_space<hbm>>) offsets(%arg9 : memref<16xi32, #tpu.memory_space<vmem>>) semaphore(%dma_start3A_1692 : memref<!tpu.dma_semaphore, #tpu.memory_space<semaphore_mem>>)
    %mul3A_1693 = arith.constant 4 : i32
    %mul3A_1694 = arith.muli %add3A, %mul3A_1693 : i32
    %add3A_1695 = arith.constant 1 : i32
    %add3A_1696 = arith.addi %mul3A_1694, %add3A_1695 : i32
    %dma_wait3A_1697 = arith.constant 1 : i32
    %dma_wait3A_1698 = arith.constant 1 : i32
    %dma_wait3A_1699 = arith.constant 0 : i32
    %dma_wait3A_1700 = arith.constant 0 : i32
    %dma_wait3A_1701 = tpu.memref_slice %arg11[%dma_wait3A_1697, %dma_wait3A_1699, %dma_wait3A_1700] : memref<2x16x768xf32, #tpu.memory_space<vmem>> -> memref<1x16x768xf32, #tpu.memory_space<vmem>>
    %dma_wait3A_1702 = tpu.memref_squeeze %dma_wait3A_1701 : memref<1x16x768xf32, #tpu.memory_space<vmem>> -> memref<16x768xf32, #tpu.memory_space<vmem>>
    %dma_wait3A_1703 = arith.constant 0 : i32
    %dma_wait3A_1704 = arith.constant 0 : i32
    %dma_wait3A_1705 = tpu.memref_slice %arg6[%add3A_1696, %dma_wait3A_1703, %dma_wait3A_1704] : memref<128x196x768xf32, #tpu.memory_space<hbm>> -> memref<1x196x768xf32, #tpu.memory_space<hbm>>
    %dma_wait3A_1706 = tpu.memref_squeeze %dma_wait3A_1705 : memref<1x196x768xf32, #tpu.memory_space<hbm>> -> memref<196x768xf32, #tpu.memory_space<hbm>>
    %dma_wait3A_1707 = arith.constant 0 : i32
    %dma_wait3A_1708 = arith.constant 0 : i32
    %dma_wait3A_1709 = tpu.memref_slice %dma_wait3A_1706[%dma_wait3A_1707, %dma_wait3A_1708] : memref<196x768xf32, #tpu.memory_space<hbm>> -> memref<196x768xf32, #tpu.memory_space<hbm>>
    %dma_wait3A_1710 = tpu.memref_slice %arg13[%dma_wait3A_1698] : memref<2x!tpu.dma_semaphore, #tpu.memory_space<semaphore_mem>> -> memref<1x!tpu.dma_semaphore, #tpu.memory_space<semaphore_mem>>
    %dma_wait3A_1711 = tpu.memref_squeeze %dma_wait3A_1710 : memref<1x!tpu.dma_semaphore, #tpu.memory_space<semaphore_mem>> -> memref<!tpu.dma_semaphore, #tpu.memory_space<semaphore_mem>>
    tpu.wait_indirect_dma semaphore(%dma_wait3A_1711 : memref<!tpu.dma_semaphore, #tpu.memory_space<semaphore_mem>>) src(%dma_wait3A_1702 : memref<16x768xf32, #tpu.memory_space<vmem>>) dst(%dma_wait3A_1709 : memref<196x768xf32, #tpu.memory_space<hbm>>)
    %mul3A_1712 = arith.constant 4 : i32
    %mul3A_1713 = arith.muli %add3A, %mul3A_1712 : i32
    %add3A_1714 = arith.constant 3 : i32
    %add3A_1715 = arith.addi %mul3A_1713, %add3A_1714 : i32
    %dma_start3A_1716 = arith.constant 1 : i32
    %dma_start3A_1717 = arith.constant 1 : i32
    %dma_start3A_1718 = arith.constant 0 : i32
    %dma_start3A_1719 = arith.constant 0 : i32
    %dma_start3A_1720 = tpu.memref_slice %arg11[%dma_start3A_1716, %dma_start3A_1718, %dma_start3A_1719] : memref<2x16x768xf32, #tpu.memory_space<vmem>> -> memref<1x16x768xf32, #tpu.memory_space<vmem>>
    %dma_start3A_1721 = tpu.memref_squeeze %dma_start3A_1720 : memref<1x16x768xf32, #tpu.memory_space<vmem>> -> memref<16x768xf32, #tpu.memory_space<vmem>>
    %dma_start3A_1722 = arith.constant 0 : i32
    %dma_start3A_1723 = arith.constant 0 : i32
    %dma_start3A_1724 = tpu.memref_slice %arg2[%add3A_1715, %dma_start3A_1722, %dma_start3A_1723] : memref<128x196x768xf32, #tpu.memory_space<hbm>> -> memref<1x196x768xf32, #tpu.memory_space<hbm>>
    %dma_start3A_1725 = tpu.memref_squeeze %dma_start3A_1724 : memref<1x196x768xf32, #tpu.memory_space<hbm>> -> memref<196x768xf32, #tpu.memory_space<hbm>>
    %dma_start3A_1726 = arith.constant 0 : i32
    %dma_start3A_1727 = arith.constant 0 : i32
    %dma_start3A_1728 = tpu.memref_slice %dma_start3A_1725[%dma_start3A_1726, %dma_start3A_1727] : memref<196x768xf32, #tpu.memory_space<hbm>> -> memref<196x768xf32, #tpu.memory_space<hbm>>
    %dma_start3A_1729 = tpu.memref_slice %arg12[%dma_start3A_1717] : memref<2x!tpu.dma_semaphore, #tpu.memory_space<semaphore_mem>> -> memref<1x!tpu.dma_semaphore, #tpu.memory_space<semaphore_mem>>
    %dma_start3A_1730 = tpu.memref_squeeze %dma_start3A_1729 : memref<1x!tpu.dma_semaphore, #tpu.memory_space<semaphore_mem>> -> memref<!tpu.dma_semaphore, #tpu.memory_space<semaphore_mem>>
    tpu.enqueue_indirect_dma source(%dma_start3A_1728 : memref<196x768xf32, #tpu.memory_space<hbm>>) target(%dma_start3A_1721 : memref<16x768xf32, #tpu.memory_space<vmem>>) offsets(%arg8 : memref<16xi32, #tpu.memory_space<vmem>>) semaphore(%dma_start3A_1730 : memref<!tpu.dma_semaphore, #tpu.memory_space<semaphore_mem>>)
    %mul3A_1731 = arith.constant 4 : i32
    %mul3A_1732 = arith.muli %add3A, %mul3A_1731 : i32
    %add3A_1733 = arith.constant 3 : i32
    %add3A_1734 = arith.addi %mul3A_1732, %add3A_1733 : i32
    %dma_wait3A_1735 = arith.constant 1 : i32
    %dma_wait3A_1736 = arith.constant 1 : i32
    %dma_wait3A_1737 = arith.constant 0 : i32
    %dma_wait3A_1738 = arith.constant 0 : i32
    %dma_wait3A_1739 = tpu.memref_slice %arg11[%dma_wait3A_1735, %dma_wait3A_1737, %dma_wait3A_1738] : memref<2x16x768xf32, #tpu.memory_space<vmem>> -> memref<1x16x768xf32, #tpu.memory_space<vmem>>
    %dma_wait3A_1740 = tpu.memref_squeeze %dma_wait3A_1739 : memref<1x16x768xf32, #tpu.memory_space<vmem>> -> memref<16x768xf32, #tpu.memory_space<vmem>>
    %dma_wait3A_1741 = arith.constant 0 : i32
    %dma_wait3A_1742 = arith.constant 0 : i32
    %dma_wait3A_1743 = tpu.memref_slice %arg2[%add3A_1734, %dma_wait3A_1741, %dma_wait3A_1742] : memref<128x196x768xf32, #tpu.memory_space<hbm>> -> memref<1x196x768xf32, #tpu.memory_space<hbm>>
    %dma_wait3A_1744 = tpu.memref_squeeze %dma_wait3A_1743 : memref<1x196x768xf32, #tpu.memory_space<hbm>> -> memref<196x768xf32, #tpu.memory_space<hbm>>
    %dma_wait3A_1745 = arith.constant 0 : i32
    %dma_wait3A_1746 = arith.constant 0 : i32
    %dma_wait3A_1747 = tpu.memref_slice %dma_wait3A_1744[%dma_wait3A_1745, %dma_wait3A_1746] : memref<196x768xf32, #tpu.memory_space<hbm>> -> memref<196x768xf32, #tpu.memory_space<hbm>>
    %dma_wait3A_1748 = tpu.memref_slice %arg12[%dma_wait3A_1736] : memref<2x!tpu.dma_semaphore, #tpu.memory_space<semaphore_mem>> -> memref<1x!tpu.dma_semaphore, #tpu.memory_space<semaphore_mem>>
    %dma_wait3A_1749 = tpu.memref_squeeze %dma_wait3A_1748 : memref<1x!tpu.dma_semaphore, #tpu.memory_space<semaphore_mem>> -> memref<!tpu.dma_semaphore, #tpu.memory_space<semaphore_mem>>
    tpu.wait_indirect_dma semaphore(%dma_wait3A_1749 : memref<!tpu.dma_semaphore, #tpu.memory_space<semaphore_mem>>) src(%dma_wait3A_1747 : memref<196x768xf32, #tpu.memory_space<hbm>>) dst(%dma_wait3A_1740 : memref<16x768xf32, #tpu.memory_space<vmem>>)
    %mul3A_1750 = arith.constant 4 : i32
    %mul3A_1751 = arith.muli %add3A, %mul3A_1750 : i32
    %add3A_1752 = arith.constant 3 : i32
    %add3A_1753 = arith.addi %mul3A_1751, %add3A_1752 : i32
    %dma_start3A_1754 = arith.constant 1 : i32
    %dma_start3A_1755 = arith.constant 1 : i32
    %dma_start3A_1756 = arith.constant 0 : i32
    %dma_start3A_1757 = arith.constant 0 : i32
    %dma_start3A_1758 = tpu.memref_slice %arg11[%dma_start3A_1754, %dma_start3A_1756, %dma_start3A_1757] : memref<2x16x768xf32, #tpu.memory_space<vmem>> -> memref<1x16x768xf32, #tpu.memory_space<vmem>>
    %dma_start3A_1759 = tpu.memref_squeeze %dma_start3A_1758 : memref<1x16x768xf32, #tpu.memory_space<vmem>> -> memref<16x768xf32, #tpu.memory_space<vmem>>
    %dma_start3A_1760 = arith.constant 0 : i32
    %dma_start3A_1761 = arith.constant 0 : i32
    %dma_start3A_1762 = tpu.memref_slice %arg6[%add3A_1753, %dma_start3A_1760, %dma_start3A_1761] : memref<128x196x768xf32, #tpu.memory_space<hbm>> -> memref<1x196x768xf32, #tpu.memory_space<hbm>>
    %dma_start3A_1763 = tpu.memref_squeeze %dma_start3A_1762 : memref<1x196x768xf32, #tpu.memory_space<hbm>> -> memref<196x768xf32, #tpu.memory_space<hbm>>
    %dma_start3A_1764 = arith.constant 0 : i32
    %dma_start3A_1765 = arith.constant 0 : i32
    %dma_start3A_1766 = tpu.memref_slice %dma_start3A_1763[%dma_start3A_1764, %dma_start3A_1765] : memref<196x768xf32, #tpu.memory_space<hbm>> -> memref<196x768xf32, #tpu.memory_space<hbm>>
    %dma_start3A_1767 = tpu.memref_slice %arg13[%dma_start3A_1755] : memref<2x!tpu.dma_semaphore, #tpu.memory_space<semaphore_mem>> -> memref<1x!tpu.dma_semaphore, #tpu.memory_space<semaphore_mem>>
    %dma_start3A_1768 = tpu.memref_squeeze %dma_start3A_1767 : memref<1x!tpu.dma_semaphore, #tpu.memory_space<semaphore_mem>> -> memref<!tpu.dma_semaphore, #tpu.memory_space<semaphore_mem>>
    tpu.enqueue_indirect_dma source(%dma_start3A_1759 : memref<16x768xf32, #tpu.memory_space<vmem>>) target(%dma_start3A_1766 : memref<196x768xf32, #tpu.memory_space<hbm>>) offsets(%arg9 : memref<16xi32, #tpu.memory_space<vmem>>) semaphore(%dma_start3A_1768 : memref<!tpu.dma_semaphore, #tpu.memory_space<semaphore_mem>>)
    %mul3A_1769 = arith.constant 4 : i32
    %mul3A_1770 = arith.muli %add3A, %mul3A_1769 : i32
    %add3A_1771 = arith.constant 2 : i32
    %add3A_1772 = arith.addi %mul3A_1770, %add3A_1771 : i32
    %dma_wait3A_1773 = arith.constant 0 : i32
    %dma_wait3A_1774 = arith.constant 0 : i32
    %dma_wait3A_1775 = arith.constant 0 : i32
    %dma_wait3A_1776 = arith.constant 0 : i32
    %dma_wait3A_1777 = tpu.memref_slice %arg11[%dma_wait3A_1773, %dma_wait3A_1775, %dma_wait3A_1776] : memref<2x16x768xf32, #tpu.memory_space<vmem>> -> memref<1x16x768xf32, #tpu.memory_space<vmem>>
    %dma_wait3A_1778 = tpu.memref_squeeze %dma_wait3A_1777 : memref<1x16x768xf32, #tpu.memory_space<vmem>> -> memref<16x768xf32, #tpu.memory_space<vmem>>
    %dma_wait3A_1779 = arith.constant 0 : i32
    %dma_wait3A_1780 = arith.constant 0 : i32
    %dma_wait3A_1781 = tpu.memref_slice %arg6[%add3A_1772, %dma_wait3A_1779, %dma_wait3A_1780] : memref<128x196x768xf32, #tpu.memory_space<hbm>> -> memref<1x196x768xf32, #tpu.memory_space<hbm>>
    %dma_wait3A_1782 = tpu.memref_squeeze %dma_wait3A_1781 : memref<1x196x768xf32, #tpu.memory_space<hbm>> -> memref<196x768xf32, #tpu.memory_space<hbm>>
    %dma_wait3A_1783 = arith.constant 0 : i32
    %dma_wait3A_1784 = arith.constant 0 : i32
    %dma_wait3A_1785 = tpu.memref_slice %dma_wait3A_1782[%dma_wait3A_1783, %dma_wait3A_1784] : memref<196x768xf32, #tpu.memory_space<hbm>> -> memref<196x768xf32, #tpu.memory_space<hbm>>
    %dma_wait3A_1786 = tpu.memref_slice %arg13[%dma_wait3A_1774] : memref<2x!tpu.dma_semaphore, #tpu.memory_space<semaphore_mem>> -> memref<1x!tpu.dma_semaphore, #tpu.memory_space<semaphore_mem>>
    %dma_wait3A_1787 = tpu.memref_squeeze %dma_wait3A_1786 : memref<1x!tpu.dma_semaphore, #tpu.memory_space<semaphore_mem>> -> memref<!tpu.dma_semaphore, #tpu.memory_space<semaphore_mem>>
    tpu.wait_indirect_dma semaphore(%dma_wait3A_1787 : memref<!tpu.dma_semaphore, #tpu.memory_space<semaphore_mem>>) src(%dma_wait3A_1778 : memref<16x768xf32, #tpu.memory_space<vmem>>) dst(%dma_wait3A_1785 : memref<196x768xf32, #tpu.memory_space<hbm>>)
    %mul3A_1788 = arith.constant 4 : i32
    %mul3A_1789 = arith.muli %add3A, %mul3A_1788 : i32
    %add3A_1790 = arith.constant 3 : i32
    %add3A_1791 = arith.addi %mul3A_1789, %add3A_1790 : i32
    %dma_wait3A_1792 = arith.constant 1 : i32
    %dma_wait3A_1793 = arith.constant 1 : i32
    %dma_wait3A_1794 = arith.constant 0 : i32
    %dma_wait3A_1795 = arith.constant 0 : i32
    %dma_wait3A_1796 = tpu.memref_slice %arg11[%dma_wait3A_1792, %dma_wait3A_1794, %dma_wait3A_1795] : memref<2x16x768xf32, #tpu.memory_space<vmem>> -> memref<1x16x768xf32, #tpu.memory_space<vmem>>
    %dma_wait3A_1797 = tpu.memref_squeeze %dma_wait3A_1796 : memref<1x16x768xf32, #tpu.memory_space<vmem>> -> memref<16x768xf32, #tpu.memory_space<vmem>>
    %dma_wait3A_1798 = arith.constant 0 : i32
    %dma_wait3A_1799 = arith.constant 0 : i32
    %dma_wait3A_1800 = tpu.memref_slice %arg6[%add3A_1791, %dma_wait3A_1798, %dma_wait3A_1799] : memref<128x196x768xf32, #tpu.memory_space<hbm>> -> memref<1x196x768xf32, #tpu.memory_space<hbm>>
    %dma_wait3A_1801 = tpu.memref_squeeze %dma_wait3A_1800 : memref<1x196x768xf32, #tpu.memory_space<hbm>> -> memref<196x768xf32, #tpu.memory_space<hbm>>
    %dma_wait3A_1802 = arith.constant 0 : i32
    %dma_wait3A_1803 = arith.constant 0 : i32
    %dma_wait3A_1804 = tpu.memref_slice %dma_wait3A_1801[%dma_wait3A_1802, %dma_wait3A_1803] : memref<196x768xf32, #tpu.memory_space<hbm>> -> memref<196x768xf32, #tpu.memory_space<hbm>>
    %dma_wait3A_1805 = tpu.memref_slice %arg13[%dma_wait3A_1793] : memref<2x!tpu.dma_semaphore, #tpu.memory_space<semaphore_mem>> -> memref<1x!tpu.dma_semaphore, #tpu.memory_space<semaphore_mem>>
    %dma_wait3A_1806 = tpu.memref_squeeze %dma_wait3A_1805 : memref<1x!tpu.dma_semaphore, #tpu.memory_space<semaphore_mem>> -> memref<!tpu.dma_semaphore, #tpu.memory_space<semaphore_mem>>
    tpu.wait_indirect_dma semaphore(%dma_wait3A_1806 : memref<!tpu.dma_semaphore, #tpu.memory_space<semaphore_mem>>) src(%dma_wait3A_1797 : memref<16x768xf32, #tpu.memory_space<vmem>>) dst(%dma_wait3A_1804 : memref<196x768xf32, #tpu.memory_space<hbm>>)
    return
  }
}

</mosaic_0001>

<sc_bundles>
// kernel: kernel.3.cloned.1.call-start
scs
__scs_entry_jumppad:
0x0: {  	(pc) =	sbr.rel $0x88, $3  }
0x1: {  	(tag) =	ssettag $0x0;
	lr =	simm.s32 $0x1  }
0x2: {  	[smem:$0x3FA0] =	sst lr;
	_ =	strace $0xD0000000  }
0x3: {  	_ = 	snop  }
0x4: {  	_ = 	snop  }
0x5: {  	_ = 	snop  }
0x6: {  	_ = 	snop  }
0x7: {  	_ = 	snop  }
__scs_overlays_trampoline_lowered:
0x8: {  	[smem:$0x3FAF] =	sst s0  }
0x9: {  	[smem:$0x3FB0] =	sst s1  }
0xa: {  	[smem:$0x3FB1] =	sst s2  }
0xb: {  	[smem:$0x3FB2] =	sst s3  }
0xc: {  	[smem:$0x3FB3] =	sst s4  }
0xd: {  	[smem:$0x3FB4] =	sst s5  }
0xe: {  	[smem:$0x3FB5] =	sst s6  }
0xf: {  	[smem:$0x3FB6] =	sst s7  }
0x10: {  	[smem:$0x3FB7] =	sst s8  }
0x11: {  	[smem:$0x3FB8] =	sst s9;
	s0 =	simm.s32 @!p0 $0x0  }
0x12: {  	s1 =	sld [smem:$0x3F9E];
	s0 =	simm.s32 @p0 $0x1  }
0x13: {  	[smem:$0x3FB9] =	sst s0;
	s0 =	simm.s32 @!p1 $0x0  }
0x14: {  	s2 =	sld [smem:$0x3F9D];
	s0 =	simm.s32 @p1 $0x1  }
0x15: {  	[smem:$0x3FBA] =	sst s0;
	s0 =	simm.s32 @!p2 $0x0  }
0x16: {  	s3 =	sld [smem:$0x3FDB];
	s0 =	simm.s32 @p2 $0x1  }
0x17: {  	s4 =	simm.s32 $0x1BF5;
	[smem:$0x3FBC] =	sst s0  }
0x18: {  	s0 =	sld [smem:$0x3F9F];
	_ =	swait.ge [sflag:s4], $0x0  }
0x19: {  	s7 =	sld [smem:$0x3FA0]  }
0x1a: {  	s8 =	sadd.s32 $0xFFFFE003, lr  }
0x1b: {  	s9 =	sadd.s32 $0xFFFFFEF7, lr;
	s5 =	simm.s32 $0xFFFFFFFF;
	p2 =	slt.u32 s8, $0xFFFFF086  }
0x1c: {  	p1 =	slt.u32 s9, $0xF7A;
	s5 =	simm.s32 @!p2 $0x0  }
0x1d: {  	s5 =	simm.s32 @p1 $0x1;
	p0 =	seq.s32 s7, s2  }
0x1e: {  	s7 =	smul.u32 @!p0 $0xF7A, s2;
	p2 =	seq.s32 @!p0 s5, $0x0  }
0x1f: {  	s9 =	smul.u32 $0xF7A, s1;
	s8 =	simm.s32 @!p0 $0x1BF5;
	p2 =	por !p2, p0  }
0x20: {  	[sflag:s8] =	ssyncset.s32 @!p0 $0xFFFFF086;
	s6 =	sadd.s32 @!p0 s3, s7;
	s7 =	simm.s32 @!p0 $0x108  }
0x21: {  	s3 =	sadd.s32 s3, s9;
	s6 =	sadd.s32 @!p0 $0x88, s6;
	s7 =	simm.s32 @p2 $0x1082  }
0x22: {  	[simem:s7], [sflag:s8] =	dma.local @!p0 [hbm:s6], $0xF7A  }
0x23: {  	s9 =	sor.u32 $0xD0000000, s2;
	s6 =	simm.s32 $0x108;
	_ =	swait.ge @!p0 [sflag:s8], $0x0  }
0x24: {  	s3 =	sadd.s32 $0x88, s3;
	s6 =	simm.s32 @!p1 $0x1082;
	[sflag:s4] =	ssyncset.s32 $0xFFFFF086  }
0x25: {  	[simem:s6], [sflag:s4] =	dma.local [hbm:s3], $0xF7A  }
0x26: {  	[smem:$0x3FA0] =	sst s1;
	(tag) =	ssettag s2;
	_ =	strace s9  }
0x27: {  	s1 =	sld [smem:$0x3FB0]  }
0x28: {  	s2 =	sld [smem:$0x3FB1]  }
0x29: {  	s4 =	sld [smem:$0x3FB3]  }
0x2a: {  	p0 =	seq.s32 s5, $0x0;
	s5 =	sld [smem:$0x3FB4]  }
0x2b: {  	s6 =	sld [smem:$0x3FB5]  }
0x2c: {  	s7 =	sld [smem:$0x3FB6]  }
0x2d: {  	s3 =	simm.s32 $0x108;
	s8 =	sld [smem:$0x3FB7]  }
0x2e: {  	s3 =	simm.s32 @!p0 $0x1082;
	s9 =	sld [smem:$0x3FB8]  }
0x2f: {  	lr =	sadd.s32 s0, s3;
	s0 =	sld [smem:$0x3FAF]  }
0x30: {  	s3 =	sld [smem:$0x3FB2]  }
0x31: {  	[smem:$0x3FBB] =	sst s10  }
0x32: {  	s10 =	sld [smem:$0x3FB9];
	_ =	sdelay $0x3  }
0x33: {  	p0 =	seq.s32 s10, $0x1;
	s10 =	sld [smem:$0x3FBB];
	_ =	sdelay $0x3  }
0x34: {  	[smem:$0x3FBB] =	sst s10  }
0x35: {  	s10 =	sld [smem:$0x3FBA];
	_ =	sdelay $0x3  }
0x36: {  	p1 =	seq.s32 s10, $0x1;
	s10 =	sld [smem:$0x3FBB];
	_ =	sdelay $0x3  }
0x37: {  	[smem:$0x3FBB] =	sst s10  }
0x38: {  	s10 =	sld [smem:$0x3FBC]  }
0x39: {  	_ = 	snop;
	(pc) =	sbr.ind lr, $3  }
0x3a: {  	_ = 	snop  }
0x3b: {  	_ = 	snop  }
0x3c: {  	p2 =	seq.s32 s10, $0x1;
	s10 =	sld [smem:$0x3FBB]  }
0x3d: {  	_ =	shalt  }
0x3e: {  	_ =	shalt  }
0x3f: {  	_ =	shalt  }
0x40: {  	_ =	shalt  }
0x41: {  	_ =	shalt  }
0x42: {  	_ =	shalt  }
0x43: {  	_ =	shalt  }
0x44: {  	_ =	shalt  }
0x45: {  	_ =	shalt  }
0x46: {  	_ =	shalt  }
0x47: {  	_ =	shalt  }
0x48: {  	_ =	shalt  }
0x49: {  	_ =	shalt  }
0x4a: {  	_ =	shalt  }
0x4b: {  	_ =	shalt  }
0x4c: {  	_ =	shalt  }
0x4d: {  	_ =	shalt  }
0x4e: {  	_ =	shalt  }
0x4f: {  	_ =	shalt  }
0x50: {  	_ =	shalt  }
0x51: {  	_ =	shalt  }
0x52: {  	_ =	shalt  }
0x53: {  	_ =	shalt  }
0x54: {  	_ =	shalt  }
0x55: {  	_ =	shalt  }
0x56: {  	_ =	shalt  }
0x57: {  	_ =	shalt  }
0x58: {  	_ =	shalt  }
0x59: {  	_ =	shalt  }
0x5a: {  	_ =	shalt  }
0x5b: {  	_ =	shalt  }
0x5c: {  	_ =	shalt  }
0x5d: {  	_ =	shalt  }
0x5e: {  	_ =	shalt  }
0x5f: {  	_ =	shalt  }
0x60: {  	_ =	shalt  }
0x61: {  	_ =	shalt  }
0x62: {  	_ =	shalt  }
0x63: {  	_ =	shalt  }
0x64: {  	_ =	shalt  }
0x65: {  	_ =	shalt  }
0x66: {  	_ =	shalt  }
0x67: {  	_ =	shalt  }
0x68: {  	_ =	shalt  }
0x69: {  	_ =	shalt  }
0x6a: {  	_ =	shalt  }
0x6b: {  	_ =	shalt  }
0x6c: {  	_ =	shalt  }
0x6d: {  	_ =	shalt  }
0x6e: {  	_ =	shalt  }
0x6f: {  	_ =	shalt  }
0x70: {  	_ =	shalt  }
0x71: {  	_ =	shalt  }
0x72: {  	_ =	shalt  }
0x73: {  	_ =	shalt  }
0x74: {  	_ =	shalt  }
0x75: {  	_ =	shalt  }
0x76: {  	_ =	shalt  }
0x77: {  	_ =	shalt  }
0x78: {  	_ =	shalt  }
0x79: {  	_ =	shalt  }
0x7a: {  	_ =	shalt  }
0x7b: {  	_ =	shalt  }
0x7c: {  	_ =	shalt  }
0x7d: {  	_ =	shalt  }
0x7e: {  	_ =	shalt  }
0x7f: {  	_ =	shalt  }
0x80: {  	_ =	shalt  }
0x81: {  	_ =	shalt  }
0x82: {  	_ =	shalt  }
0x83: {  	_ =	shalt  }
0x84: {  	_ =	shalt  }
0x85: {  	_ =	shalt  }
0x86: {  	_ =	shalt  }
0x87: {  	_ =	shalt  }
.Lfunc_end0:
.L_simem_size_0:
called_computation_lowered:
.L_overlay_start_0:
0x88: {  	s2 =	sld [smem:$0x3FD9]  }
0x89: {  	s3 =	sld [smem:$0x3FFE];
	_ =	sdelay $0x1  }
0x8a: {  	s1 =	srdreg.scid  }
0x8b: {  	s0 =	sand.u32 $0x1, s1  }
0x8c: {  	s17 =	sshll.u32 s0, $0xA;
	s2 =	sadd.s32 s3, s2  }
0x8d: {  	s2 =	sadd.s32 s2, s17  }
0x8e: {  	[smem:$0x3FC7] =	sst s2  }
0x8f: {  	_ = 	snop  }
0x90: {  	s2 =	sld [smem:$0x3FD0];
	(tm) =	ssettm $0x1  }
0x91: {  	s18 =	sld [smem:$0x3FFB];
	_ =	sdelay $0x3  }
0x92: {  	_ =	strace s18  }
0x93: {  	s3 =	sld [smem:$0x3FFC];
	_ =	sdelay $0x3  }
0x94: {  	_ =	strace s3  }
0x95: {  	s3 =	sld [smem:$0x3FFD];
	_ =	sdelay $0x3  }
0x96: {  	_ =	strace s3  }
0x97: {  	_ =	strace $0x8FFFFFFF  }
0x98: {  	s19 =	sld [smem:$0x3FDB];
	_ =	sdelay $0x1  }
0x99: {  	s4 =	simm.s32 $_scs_section_size  }
0x9a: {  	s5 =	simm.s32 $_size__tile_overlayer_lowered;
	s6 =	simm.s32 $_tile_overlayer_lowered  }
0x9b: {  	s22 =	simm.s32 $0x1BFF;
	s21 =	sshll.u32 s6, $0x1;
	s3 =	sadd.s32 s4, s19  }
0x9c: {  	s7 =	simm.s32 $0x0;
	s20 =	sshll.u32 s5, $0x1;
	s5 =	sadd.s32 s21, s3  }
0x9d: {  	[timem:s7], [sflag:s22] =	dma.local [hbm:s5], s20  }
0x9e: {  	_ =	swait.ge [sflag:s22], s20  }
0x9f: {  	s4 =	ssub.s32 $0x0, s20;
	[sflag:s22] =	ssyncset.done $0x0  }
0xa0: {  	[sflag:s22] =	ssyncadd.s32 s4;
	_ =	sdelay $0x1  }
0xa1: {  	s23 =	simm.s32 $0x1B8B  }
0xa2: {  	_ =	swait.ge [sflag:s23], $0x1  }
0xa3: {  	[sflag:s23] =	ssyncset.done $0x0  }
0xa4: {  	s25 =	simm.s32 $0x1B8E;
	s24 =	sld [smem:$0x3FFE];
	[sflag:s23] =	ssyncadd.s32 $0xFFFFFFFF  }
0xa5: {  	s26 =	simm.s32 $execute0_lowered;
	[smem:$0x3FD2] =	sst s25  }
0xa6: {  	s5 =	sshll.u32 s26, $0x1;
	_ =	strace $0x80000046;
	[dreg:$0x1] =	wrdreg $0xFFFFFFFF  }
0xa7: {  	s28 =	simm.s32 $_size_execute0_lowered;
	s3 =	sadd.s32 s3, s5;
	[dreg:$0x0] =	wrdreg $0x0  }
0xa8: {  	s5 =	sshll.u32 s28, $0x1;
	[dreg:$0x2] =	wrdreg s3  }
0xa9: {  	[dreg:$0x3] =	wrdreg s5  }
0xaa: {  	[dreg:$0x4] =	wrdreg $0xC0  }
0xab: {  	_ =	task [dreg:s7], $0x5FFFF  }
0xac: {  	[dreg:$0x1] =	wrdreg $0xFFFFFFFF  }
0xad: {  	[dreg:$0x0] =	wrdreg $0x60  }
0xae: {  	[dreg:$0x2] =	wrdreg s24  }
0xaf: {  	[dreg:$0x3] =	wrdreg s2  }
0xb0: {  	[dreg:$0x4] =	wrdreg $0x9  }
0xb1: {  	_ =	task.clear_ibuf [dreg:s7], $0x5FFFF;
	_ =	strace $0x90000046  }
0xb2: {  	s29 =	simm.s32 $0x9;
	_ =	strace $0x80000048  }
0xb3: {  	_ =	swait.ge [sflag:s29], $0x1  }
0xb4: {  	[sflag:s29] =	ssyncadd.s32 $0xFFFFFFFF  }
0xb5: {  	_ =	strace $0x90000048  }
0xb6: {  	_ =	sfence  }
0xb7: {  	s30 =	sld [smem:$0x0];
	_ =	sdelay $0x2  }
0xb8: {  	s31 =	sshll.u32 s1, $0xD;
	s1 =	sshrl.u32 s1, $0x2  }
0xb9: {  	s3 =	sand.u32 $0x4000, s31;
	s1 =	sadd.s32 s1, s30  }
0xba: {  	s0 =	sor.u32 s3, s0;
	s1 =	sshll.u32 s1, $0x11  }
0xbb: {  	s0 =	sor.u32 s1, s0  }
0xbc: {  	s0 =	sadd.s32 $0x8F2B, s0  }
0xbd: {  	[sflag:s0] =	ssyncadd.remote.s32 $0x1  }
0xbe: {  	_ =	sfence.sel $0xFFFF  }
0xbf: {  	[dreg:$0x0] =	wrdreg $0xFFFFFFFF;
	(pc) =	sbr.abs _section_cstart, $3  }
0xc0: {  	[dreg:$0x1] =	wrdreg $0xFFFFFFFF  }
0xc1: {  	_ =	task.clear_ibuf [dreg:s7], $0x2FFFF;
	_ =	strace $0x9FFFFFFF  }
0xc2: {  	(tm) =	ssettm $0x7FFFFFFF  }
0xc3: {  	_ =	shalt  }
tec
execute0_lowered:
.L_overlay_start_1:
0x0: {  	(tag) =	ssettag $0x1  }
0x1: {  	s0 =	rddreg [dreg:$0x0]  }
0x2: {  	s1 =	srdreg.scid;
	s2 =	rddreg [dreg:$0x1]  }
0x3: {  	s3 =	stileid.u32;
	s1 =	sand.u32 $0x1, s1;
	[dreg:$0x3] =	wrdreg s2  }
0x4: {  	s3 =	sshll.u32 s3, $0x3;
	s2 =	simm.s32 $0x0;
	s9 =	sadd.s32 $0xA00, s0  }
0x5: {  	s12 =	sadd.s32 $0x258C00, s0;
	s10 =	sadd.s32 $0x258E00, s0;
	s4 =	sshll.u32 s1, $0x2  }
0x6: {  	s0 =	sadd.s32 $0x258A00, s0;
	[smem:$0x7FF] =	sst s2;
	s3 =	sor.u32 s4, s3  }
0x7: {  	_ =	strace $0x80000047;
	[dreg:$0x4] =	wrdreg s12;
	s3 =	smul.u32 $0x25800, s3  }
0x8: {  	s30 =	simm.s32 $0x200;
	[dreg:$0x5] =	wrdreg s0  }
0x9: {  	s31 =	simm.s32 $0x280;
	[dreg:$0x12] =	wrdreg s30;
	s11 =	sshrl.u32 s3, $0x3  }
0xa: {  	[dreg:$0x13] =	wrdreg s31;
	s3 =	sadd.s32 s10, s11  }
0xb: {  	s14 =	sadd.s32 $0x1200, s3;
	[dreg:$0x17] =	wrdreg s3  }
0xc: {  	s16 =	sadd.s32 $0x2400, s3;
	[dreg:$0x6] =	wrdreg s14  }
0xd: {  	s13 =	ssub.s32 $0x2, s1;
	s17 =	sadd.s32 $0x3600, s3;
	[dreg:$0x7] =	wrdreg s16  }
0xe: {  	s1 =	simm.s32 $0x1;
	s18 =	sadd.s32 $0x5D00, s3;
	[dreg:$0x8] =	wrdreg s17  }
0xf: {  	s6 =	sadd.s32 $0x4B00, s11;
	s19 =	sadd.s32 $0x6F00, s3;
	[dreg:$0x9] =	wrdreg s18  }
0x10: {  	s5 =	sadd.s32 s9, s6;
	s6 =	sadd.s32 s10, s6;
	[dreg:$0xa] =	wrdreg s19  }
0x11: {  	s15 =	sshrl.u32 s13, $0x1;
	s20 =	sadd.s32 $0x8100, s3;
	[dreg:$0x14] =	wrdreg s6  }
0x12: {  	s0 =	ssub.s32 s13, s15;
	s21 =	sadd.s32 $0xA800, s3;
	[dreg:$0xb] =	wrdreg s20  }
0x13: {  	s8 =	sadd.s32 $0x9600, s11;
	s22 =	sadd.s32 $0xBA00, s3;
	[dreg:$0xc] =	wrdreg s21  }
0x14: {  	s15 =	simm.s32 $0x3;
	s24 =	sadd.s32 s10, s8;
	[dreg:$0xd] =	wrdreg s22  }
0x15: {  	s4 =	sadd.s32 s9, s11;
	s23 =	sadd.s32 $0xCC00, s3;
	[dreg:$0x15] =	wrdreg s24  }
0x16: {  	s11 =	sadd.s32 $0xE100, s11;
	s25 =	sadd.s32 $0xF300, s3;
	[dreg:$0xe] =	wrdreg s23  }
0x17: {  	s7 =	sadd.s32 s9, s8;
	s26 =	sadd.s32 $0x10500, s3;
	[dreg:$0xf] =	wrdreg s25  }
0x18: {  	v2 =	vlaneseq.u32;
	s9 =	sadd.s32 s9, s11;
	s29 =	sadd.s32 s10, s11;
	[dreg:$0x10] =	wrdreg s26  }
0x19: {  	vm0 =	vmmov $0xffff;
	v1 =	vshrl.u32 v2, $0x3;
	s28 =	sadd.s32 $0x11700, s3;
	s3 =	smax.u32 s0, $0x1;
	[dreg:$0x16] =	wrdreg s29  }
0x1a: {  	v0 =	vand.u32 $0x7, v2;
	v2 =	vor.u32 $0x8, v2;
	v1 =	vmul.u32 $0x8, v1;
	[dreg:$0x11] =	wrdreg s28;
	s14 =	simm.s32 $0x2;
	s16 =	simm.s32 $0x4  }
.LBB2_1:
0x1b: {  	[dreg:$0x18] =	wrdreg s3  }
0x1c: {  	s17 =	rddreg [dreg:$0x3];
	s12 =	simm.s32 $0x5  }
0x1d: {  	[tilespmem:s2], [sflag:$0x5] =	stream.linear.gather [hbm4b:s17+s2], $0x200, $0x38;
	[tilespmem:$0x18300] =	vst v63  }
0x1e: {  	_ =	swait.ge [sflag:s12], $0x200  }
0x1f: {  	s19 =	rddreg [dreg:$0x4];
	[sflag:s12] =	ssyncset.done $0x0  }
0x20: {  	s18 =	rddreg [dreg:$0x12];
	[sflag:s12] =	ssyncadd.s32 $0xFFFFFE00  }
0x21: {  	[tilespmem:s18], [sflag:$0x5] =	stream.linear.gather [hbm4b:s19+s2], $0x80, $0x38;
	[tilespmem:$0x18300] =	vst v63  }
0x22: {  	_ =	swait.ge [sflag:s12], $0x80  }
0x23: {  	s20 =	rddreg [dreg:$0x5];
	[sflag:s12] =	ssyncset.done $0x0  }
0x24: {  	s21 =	rddreg [dreg:$0x13];
	[sflag:s12] =	ssyncadd.s32 $0xFFFFFF80  }
0x25: {  	[tilespmem:s21], [sflag:$0x5] =	stream.linear.gather [hbm4b:s20+s2], $0x80, $0x38;
	[tilespmem:$0x18300] =	vst v63  }
0x26: {  	_ =	swait.ge [sflag:s12], $0x80  }
0x27: {  	[sflag:s12] =	ssyncset.done $0x0  }
0x28: {  	[sflag:s12] =	ssyncadd.s32 $0xFFFFFF80  }
0x29: {  	v3 =	vld [tilespmem:$0x0];
	_ =	sdelay $0x4  }
0x2a: {  	v4 =	vshrl.u32 v3, $0x3  }
0x2b: {  	v4 =	vmul.u32 $0x30, v4  }
0x2c: {  	v3 =	vand.u32 $0x7, v3  }
0x2d: {  	v3 =	vor.u32 v3, v4  }
0x2e: {  	v4 =	vperm.xlane v3, v0;
	_ =	sdelay $0x1  }
0x2f: {  	v4 =	vadd.s32 v1, v4;
	_ =	sdelay $0x3  }
0x30: {  	s0 =	simm.s32 $0x300;
	v3 =	vperm.xlane v3, v2  }
0x31: {  	[tilespmem:s0], [sflag:$0x1] =	stream.indirect_vreg.gather [hbm4b:s4+s2], $0x80, v4, vm0, $0xb8;
	[tilespmem:$0x18300] =	vst v63  }
0x32: {  	s22 =	simm.s32 $0xB00;
	s17 =	sadd.s32 $0x100, s4;
	v3 =	vadd.s32 v1, v3  }
0x33: {  	[tilespmem:s22], [sflag:$0x1] =	stream.indirect_vreg.gather [hbm4b:s17+s2], $0x80, v4, vm0, $0xb8;
	[tilespmem:$0x18300] =	vst v63  }
0x34: {  	s23 =	simm.s32 $0x1300;
	s18 =	sadd.s32 $0x200, s4  }
0x35: {  	[tilespmem:s23], [sflag:$0x1] =	stream.indirect_vreg.gather [hbm4b:s18+s2], $0x80, v4, vm0, $0xb8;
	[tilespmem:$0x18300] =	vst v63  }
0x36: {  	s24 =	simm.s32 $0x1B00  }
0x37: {  	[tilespmem:s24], [sflag:$0x1] =	stream.indirect_vreg.gather [hbm4b:s4+s2], $0x80, v3, vm0, $0xb8;
	[tilespmem:$0x18300] =	vst v63  }
0x38: {  	s25 =	simm.s32 $0x2300  }
0x39: {  	[tilespmem:s25], [sflag:$0x1] =	stream.indirect_vreg.gather [hbm4b:s17+s2], $0x80, v3, vm0, $0xb8;
	[tilespmem:$0x18300] =	vst v63  }
0x3a: {  	s26 =	simm.s32 $0x2B00  }
0x3b: {  	[tilespmem:s26], [sflag:$0x1] =	stream.indirect_vreg.gather [hbm4b:s18+s2], $0x80, v3, vm0, $0xb8;
	[tilespmem:$0x18300] =	vst v63  }
0x3c: {  	v3 =	vld [tilespmem:$0x10];
	_ =	sdelay $0x4  }
0x3d: {  	v9 =	vshrl.u32 v3, $0x3  }
0x3e: {  	v4 =	vmul.u32 $0x30, v9  }
0x3f: {  	v3 =	vand.u32 $0x7, v3  }
0x40: {  	v3 =	vor.u32 v3, v4  }
0x41: {  	v4 =	vperm.xlane v3, v0;
	_ =	sdelay $0x1  }
0x42: {  	v4 =	vadd.s32 v1, v4;
	_ =	sdelay $0x3  }
0x43: {  	s28 =	simm.s32 $0x3300;
	v3 =	vperm.xlane v3, v2  }
0x44: {  	[tilespmem:s28], [sflag:$0x1] =	stream.indirect_vreg.gather [hbm4b:s4+s2], $0x80, v4, vm0, $0xb8;
	[tilespmem:$0x18300] =	vst v63  }
0x45: {  	s30 =	simm.s32 $0x3B00;
	v3 =	vadd.s32 v1, v3  }
0x46: {  	[tilespmem:s30], [sflag:$0x1] =	stream.indirect_vreg.gather [hbm4b:s17+s2], $0x80, v4, vm0, $0xb8;
	[tilespmem:$0x18300] =	vst v63  }
0x47: {  	s31 =	simm.s32 $0x4300  }
0x48: {  	[tilespmem:s31], [sflag:$0x1] =	stream.indirect_vreg.gather [hbm4b:s18+s2], $0x80, v4, vm0, $0xb8;
	[tilespmem:$0x18300] =	vst v63  }
0x49: {  	s6 =	simm.s32 $0x4B00  }
0x4a: {  	[tilespmem:s6], [sflag:$0x1] =	stream.indirect_vreg.gather [hbm4b:s4+s2], $0x80, v3, vm0, $0xb8;
	[tilespmem:$0x18300] =	vst v63  }
0x4b: {  	s8 =	simm.s32 $0x5300  }
0x4c: {  	[tilespmem:s8], [sflag:$0x1] =	stream.indirect_vreg.gather [hbm4b:s17+s2], $0x80, v3, vm0, $0xb8;
	[tilespmem:$0x18300] =	vst v63  }
0x4d: {  	s10 =	simm.s32 $0x5B00  }
0x4e: {  	[tilespmem:s10], [sflag:$0x1] =	stream.indirect_vreg.gather [hbm4b:s18+s2], $0x80, v3, vm0, $0xb8;
	[tilespmem:$0x18300] =	vst v63  }
0x4f: {  	v3 =	vld [tilespmem:$0x20];
	_ =	sdelay $0x4  }
0x50: {  	v10 =	vshrl.u32 v3, $0x3  }
0x51: {  	v4 =	vmul.u32 $0x30, v10  }
0x52: {  	v3 =	vand.u32 $0x7, v3  }
0x53: {  	v3 =	vor.u32 v3, v4  }
0x54: {  	v4 =	vperm.xlane v3, v0;
	_ =	sdelay $0x1  }
0x55: {  	v4 =	vadd.s32 v1, v4;
	_ =	sdelay $0x3  }
0x56: {  	s19 =	simm.s32 $0x6300;
	v3 =	vperm.xlane v3, v2  }
0x57: {  	[tilespmem:s19], [sflag:$0x1] =	stream.indirect_vreg.gather [hbm4b:s4+s2], $0x80, v4, vm0, $0xb8;
	[tilespmem:$0x18300] =	vst v63  }
0x58: {  	s20 =	simm.s32 $0x6B00;
	v3 =	vadd.s32 v1, v3  }
0x59: {  	[tilespmem:s20], [sflag:$0x1] =	stream.indirect_vreg.gather [hbm4b:s17+s2], $0x80, v4, vm0, $0xb8;
	[tilespmem:$0x18300] =	vst v63  }
0x5a: {  	s21 =	simm.s32 $0x7300  }
0x5b: {  	[tilespmem:s21], [sflag:$0x1] =	stream.indirect_vreg.gather [hbm4b:s18+s2], $0x80, v4, vm0, $0xb8;
	[tilespmem:$0x18300] =	vst v63  }
0x5c: {  	s22 =	simm.s32 $0x7B00  }
0x5d: {  	[tilespmem:s22], [sflag:$0x1] =	stream.indirect_vreg.gather [hbm4b:s4+s2], $0x80, v3, vm0, $0xb8;
	[tilespmem:$0x18300] =	vst v63  }
0x5e: {  	s23 =	simm.s32 $0x8300  }
0x5f: {  	[tilespmem:s23], [sflag:$0x1] =	stream.indirect_vreg.gather [hbm4b:s17+s2], $0x80, v3, vm0, $0xb8;
	[tilespmem:$0x18300] =	vst v63  }
0x60: {  	s30 =	simm.s32 $0x8B00  }
0x61: {  	[tilespmem:s30], [sflag:$0x1] =	stream.indirect_vreg.gather [hbm4b:s18+s2], $0x80, v3, vm0, $0xb8;
	[tilespmem:$0x18300] =	vst v63  }
0x62: {  	_ =	swait.ge [sflag:s1], $0x9000  }
0x63: {  	[sflag:s1] =	ssyncset.done $0x0  }
0x64: {  	s3 =	simm.s32 $0x300;
	s31 =	rddreg [dreg:$0x17];
	[sflag:s1] =	ssyncadd.s32 $0xFFFF7000  }
0x65: {  	[hbm4b:s31+s2] =	stream.linear.scatter [tilespmem:s3], [sflag:$0x3], $0x9000, $0x38;
	[tilespmem:$0x18300] =	vst v63  }
0x66: {  	v3 =	vld [tilespmem:$0x80];
	_ =	sdelay $0x4  }
0x67: {  	v11 =	vshrl.u32 v3, $0x3  }
0x68: {  	v4 =	vmul.u32 $0x30, v11  }
0x69: {  	v3 =	vand.u32 $0x7, v3  }
0x6a: {  	v3 =	vor.u32 v3, v4  }
0x6b: {  	v4 =	vperm.xlane v3, v0;
	_ =	sdelay $0x1  }
0x6c: {  	v4 =	vadd.s32 v1, v4;
	_ =	sdelay $0x3  }
0x6d: {  	s6 =	simm.s32 $0x9300;
	v3 =	vperm.xlane v3, v2  }
0x6e: {  	[tilespmem:s6], [sflag:$0x2] =	stream.indirect_vreg.gather [hbm4b:s4+s2], $0x80, v4, vm0, $0xb8;
	[tilespmem:$0x18300] =	vst v63  }
0x6f: {  	s8 =	simm.s32 $0x9B00;
	v3 =	vadd.s32 v1, v3  }
0x70: {  	[tilespmem:s8], [sflag:$0x2] =	stream.indirect_vreg.gather [hbm4b:s17+s2], $0x80, v4, vm0, $0xb8;
	[tilespmem:$0x18300] =	vst v63  }
0x71: {  	s10 =	simm.s32 $0xA300  }
0x72: {  	[tilespmem:s10], [sflag:$0x2] =	stream.indirect_vreg.gather [hbm4b:s18+s2], $0x80, v4, vm0, $0xb8;
	[tilespmem:$0x18300] =	vst v63  }
0x73: {  	s19 =	simm.s32 $0xAB00  }
0x74: {  	[tilespmem:s19], [sflag:$0x2] =	stream.indirect_vreg.gather [hbm4b:s4+s2], $0x80, v3, vm0, $0xb8;
	[tilespmem:$0x18300] =	vst v63  }
0x75: {  	s20 =	simm.s32 $0xB300  }
0x76: {  	[tilespmem:s20], [sflag:$0x2] =	stream.indirect_vreg.gather [hbm4b:s17+s2], $0x80, v3, vm0, $0xb8;
	[tilespmem:$0x18300] =	vst v63  }
0x77: {  	s21 =	simm.s32 $0xBB00  }
0x78: {  	[tilespmem:s21], [sflag:$0x2] =	stream.indirect_vreg.gather [hbm4b:s18+s2], $0x80, v3, vm0, $0xb8;
	[tilespmem:$0x18300] =	vst v63  }
0x79: {  	v3 =	vld [tilespmem:$0x90];
	_ =	sdelay $0x4  }
0x7a: {  	v12 =	vshrl.u32 v3, $0x3  }
0x7b: {  	v4 =	vmul.u32 $0x30, v12  }
0x7c: {  	v3 =	vand.u32 $0x7, v3  }
0x7d: {  	v3 =	vor.u32 v3, v4  }
0x7e: {  	v4 =	vperm.xlane v3, v0;
	_ =	sdelay $0x1  }
0x7f: {  	v4 =	vadd.s32 v1, v4;
	_ =	sdelay $0x3  }
0x80: {  	s22 =	simm.s32 $0xC300;
	v3 =	vperm.xlane v3, v2  }
0x81: {  	[tilespmem:s22], [sflag:$0x2] =	stream.indirect_vreg.gather [hbm4b:s4+s2], $0x80, v4, vm0, $0xb8;
	[tilespmem:$0x18300] =	vst v63  }
0x82: {  	s23 =	simm.s32 $0xCB00;
	v3 =	vadd.s32 v1, v3  }
0x83: {  	[tilespmem:s23], [sflag:$0x2] =	stream.indirect_vreg.gather [hbm4b:s17+s2], $0x80, v4, vm0, $0xb8;
	[tilespmem:$0x18300] =	vst v63  }
0x84: {  	s30 =	simm.s32 $0xD300  }
0x85: {  	[tilespmem:s30], [sflag:$0x2] =	stream.indirect_vreg.gather [hbm4b:s18+s2], $0x80, v4, vm0, $0xb8;
	[tilespmem:$0x18300] =	vst v63  }
0x86: {  	s31 =	simm.s32 $0xDB00  }
0x87: {  	[tilespmem:s31], [sflag:$0x2] =	stream.indirect_vreg.gather [hbm4b:s4+s2], $0x80, v3, vm0, $0xb8;
	[tilespmem:$0x18300] =	vst v63  }
0x88: {  	s0 =	simm.s32 $0xE300  }
0x89: {  	[tilespmem:s0], [sflag:$0x2] =	stream.indirect_vreg.gather [hbm4b:s17+s2], $0x80, v3, vm0, $0xb8;
	[tilespmem:$0x18300] =	vst v63  }
0x8a: {  	s8 =	simm.s32 $0xEB00  }
0x8b: {  	[tilespmem:s8], [sflag:$0x2] =	stream.indirect_vreg.gather [hbm4b:s18+s2], $0x80, v3, vm0, $0xb8;
	[tilespmem:$0x18300] =	vst v63  }
0x8c: {  	v3 =	vld [tilespmem:$0xA0];
	_ =	sdelay $0x4  }
0x8d: {  	v13 =	vshrl.u32 v3, $0x3  }
0x8e: {  	v4 =	vmul.u32 $0x30, v13  }
0x8f: {  	v3 =	vand.u32 $0x7, v3  }
0x90: {  	v3 =	vor.u32 v3, v4  }
0x91: {  	v4 =	vperm.xlane v3, v0;
	_ =	sdelay $0x1  }
0x92: {  	v4 =	vadd.s32 v1, v4;
	_ =	sdelay $0x3  }
0x93: {  	s19 =	simm.s32 $0xF300;
	v3 =	vperm.xlane v3, v2  }
0x94: {  	[tilespmem:s19], [sflag:$0x2] =	stream.indirect_vreg.gather [hbm4b:s4+s2], $0x80, v4, vm0, $0xb8;
	[tilespmem:$0x18300] =	vst v63  }
0x95: {  	s20 =	simm.s32 $0xFB00;
	v3 =	vadd.s32 v1, v3  }
0x96: {  	[tilespmem:s20], [sflag:$0x2] =	stream.indirect_vreg.gather [hbm4b:s17+s2], $0x80, v4, vm0, $0xb8;
	[tilespmem:$0x18300] =	vst v63  }
0x97: {  	s30 =	simm.s32 $0x10300  }
0x98: {  	[tilespmem:s30], [sflag:$0x2] =	stream.indirect_vreg.gather [hbm4b:s18+s2], $0x80, v4, vm0, $0xb8;
	[tilespmem:$0x18300] =	vst v63  }
0x99: {  	s31 =	simm.s32 $0x10B00  }
0x9a: {  	[tilespmem:s31], [sflag:$0x2] =	stream.indirect_vreg.gather [hbm4b:s4+s2], $0x80, v3, vm0, $0xb8;
	[tilespmem:$0x18300] =	vst v63  }
0x9b: {  	s0 =	simm.s32 $0x11300  }
0x9c: {  	[tilespmem:s0], [sflag:$0x2] =	stream.indirect_vreg.gather [hbm4b:s17+s2], $0x80, v3, vm0, $0xb8;
	[tilespmem:$0x18300] =	vst v63  }
0x9d: {  	s8 =	simm.s32 $0x11B00  }
0x9e: {  	[tilespmem:s8], [sflag:$0x2] =	stream.indirect_vreg.gather [hbm4b:s18+s2], $0x80, v3, vm0, $0xb8;
	[tilespmem:$0x18300] =	vst v63  }
0x9f: {  	_ =	swait.ge [sflag:s14], $0x9000  }
0xa0: {  	[sflag:s14] =	ssyncset.done $0x0  }
0xa1: {  	s6 =	simm.s32 $0x9300;
	s19 =	rddreg [dreg:$0x6];
	[sflag:s14] =	ssyncadd.s32 $0xFFFF7000  }
0xa2: {  	[hbm4b:s19+s2] =	stream.linear.scatter [tilespmem:s6], [sflag:$0x4], $0x9000, $0x38;
	[tilespmem:$0x18300] =	vst v63  }
0xa3: {  	_ =	swait.ge [sflag:s15], $0x9000  }
0xa4: {  	[sflag:s15] =	ssyncset.done $0x0  }
0xa5: {  	[sflag:s15] =	ssyncadd.s32 $0xFFFF7000  }
0xa6: {  	v3 =	vld [tilespmem:$0x100];
	_ =	sdelay $0x4  }
0xa7: {  	v14 =	vshrl.u32 v3, $0x3  }
0xa8: {  	v4 =	vmul.u32 $0x30, v14  }
0xa9: {  	v3 =	vand.u32 $0x7, v3  }
0xaa: {  	v3 =	vor.u32 v3, v4  }
0xab: {  	v4 =	vperm.xlane v3, v0;
	_ =	sdelay $0x1  }
0xac: {  	v4 =	vadd.s32 v1, v4;
	_ =	sdelay $0x3  }
0xad: {  	s19 =	simm.s32 $0x300;
	v3 =	vperm.xlane v3, v2  }
0xae: {  	[tilespmem:s19], [sflag:$0x1] =	stream.indirect_vreg.gather [hbm4b:s4+s2], $0x80, v4, vm0, $0xb8;
	[tilespmem:$0x18300] =	vst v63  }
0xaf: {  	s8 =	simm.s32 $0xB00;
	v3 =	vadd.s32 v1, v3  }
0xb0: {  	[tilespmem:s8], [sflag:$0x1] =	stream.indirect_vreg.gather [hbm4b:s17+s2], $0x80, v4, vm0, $0xb8;
	[tilespmem:$0x18300] =	vst v63  }
0xb1: {  	s12 =	simm.s32 $0x1300  }
0xb2: {  	[tilespmem:s12], [sflag:$0x1] =	stream.indirect_vreg.gather [hbm4b:s18+s2], $0x80, v4, vm0, $0xb8;
	[tilespmem:$0x18300] =	vst v63  }
0xb3: {  	s13 =	simm.s32 $0x1B00  }
0xb4: {  	[tilespmem:s13], [sflag:$0x1] =	stream.indirect_vreg.gather [hbm4b:s4+s2], $0x80, v3, vm0, $0xb8;
	[tilespmem:$0x18300] =	vst v63  }
0xb5: {  	s24 =	simm.s32 $0x2300  }
0xb6: {  	[tilespmem:s24], [sflag:$0x1] =	stream.indirect_vreg.gather [hbm4b:s17+s2], $0x80, v3, vm0, $0xb8;
	[tilespmem:$0x18300] =	vst v63  }
0xb7: {  	s29 =	simm.s32 $0x2B00  }
0xb8: {  	[tilespmem:s29], [sflag:$0x1] =	stream.indirect_vreg.gather [hbm4b:s18+s2], $0x80, v3, vm0, $0xb8;
	[tilespmem:$0x18300] =	vst v63  }
0xb9: {  	v3 =	vld [tilespmem:$0x110];
	_ =	sdelay $0x4  }
0xba: {  	v15 =	vshrl.u32 v3, $0x3  }
0xbb: {  	v4 =	vmul.u32 $0x30, v15  }
0xbc: {  	v3 =	vand.u32 $0x7, v3  }
0xbd: {  	v3 =	vor.u32 v3, v4  }
0xbe: {  	v4 =	vperm.xlane v3, v0;
	_ =	sdelay $0x1  }
0xbf: {  	v4 =	vadd.s32 v1, v4;
	_ =	sdelay $0x3  }
0xc0: {  	s25 =	simm.s32 $0x3300;
	v3 =	vperm.xlane v3, v2  }
0xc1: {  	[tilespmem:s25], [sflag:$0x1] =	stream.indirect_vreg.gather [hbm4b:s4+s2], $0x80, v4, vm0, $0xb8;
	[tilespmem:$0x18300] =	vst v63  }
0xc2: {  	s11 =	simm.s32 $0x3B00;
	v3 =	vadd.s32 v1, v3  }
0xc3: {  	[tilespmem:s11], [sflag:$0x1] =	stream.indirect_vreg.gather [hbm4b:s17+s2], $0x80, v4, vm0, $0xb8;
	[tilespmem:$0x18300] =	vst v63  }
0xc4: {  	s30 =	simm.s32 $0x4300  }
0xc5: {  	[tilespmem:s30], [sflag:$0x1] =	stream.indirect_vreg.gather [hbm4b:s18+s2], $0x80, v4, vm0, $0xb8;
	[tilespmem:$0x18300] =	vst v63  }
0xc6: {  	s31 =	simm.s32 $0x4B00  }
0xc7: {  	[tilespmem:s31], [sflag:$0x1] =	stream.indirect_vreg.gather [hbm4b:s4+s2], $0x80, v3, vm0, $0xb8;
	[tilespmem:$0x18300] =	vst v63  }
0xc8: {  	s11 =	simm.s32 $0x5300  }
0xc9: {  	[tilespmem:s11], [sflag:$0x1] =	stream.indirect_vreg.gather [hbm4b:s17+s2], $0x80, v3, vm0, $0xb8;
	[tilespmem:$0x18300] =	vst v63  }
0xca: {  	s26 =	simm.s32 $0x5B00  }
0xcb: {  	[tilespmem:s26], [sflag:$0x1] =	stream.indirect_vreg.gather [hbm4b:s18+s2], $0x80, v3, vm0, $0xb8;
	[tilespmem:$0x18300] =	vst v63  }
0xcc: {  	v3 =	vld [tilespmem:$0x120];
	_ =	sdelay $0x4  }
0xcd: {  	v16 =	vshrl.u32 v3, $0x3  }
0xce: {  	v4 =	vmul.u32 $0x30, v16  }
0xcf: {  	v3 =	vand.u32 $0x7, v3  }
0xd0: {  	v3 =	vor.u32 v3, v4  }
0xd1: {  	v4 =	vperm.xlane v3, v0;
	_ =	sdelay $0x1  }
0xd2: {  	v4 =	vadd.s32 v1, v4;
	_ =	sdelay $0x3  }
0xd3: {  	s28 =	simm.s32 $0x6300;
	v3 =	vperm.xlane v3, v2  }
0xd4: {  	[tilespmem:s28], [sflag:$0x1] =	stream.indirect_vreg.gather [hbm4b:s4+s2], $0x80, v4, vm0, $0xb8;
	[tilespmem:$0x18300] =	vst v63  }
0xd5: {  	s24 =	simm.s32 $0x6B00;
	v3 =	vadd.s32 v1, v3  }
0xd6: {  	[tilespmem:s24], [sflag:$0x1] =	stream.indirect_vreg.gather [hbm4b:s17+s2], $0x80, v4, vm0, $0xb8;
	[tilespmem:$0x18300] =	vst v63  }
0xd7: {  	s25 =	simm.s32 $0x7300  }
0xd8: {  	[tilespmem:s25], [sflag:$0x1] =	stream.indirect_vreg.gather [hbm4b:s18+s2], $0x80, v4, vm0, $0xb8;
	[tilespmem:$0x18300] =	vst v63  }
0xd9: {  	s26 =	simm.s32 $0x7B00  }
0xda: {  	[tilespmem:s26], [sflag:$0x1] =	stream.indirect_vreg.gather [hbm4b:s4+s2], $0x80, v3, vm0, $0xb8;
	[tilespmem:$0x18300] =	vst v63  }
0xdb: {  	s28 =	simm.s32 $0x8300  }
0xdc: {  	[tilespmem:s28], [sflag:$0x1] =	stream.indirect_vreg.gather [hbm4b:s17+s2], $0x80, v3, vm0, $0xb8;
	[tilespmem:$0x18300] =	vst v63  }
0xdd: {  	s29 =	simm.s32 $0x8B00  }
0xde: {  	[tilespmem:s29], [sflag:$0x1] =	stream.indirect_vreg.gather [hbm4b:s18+s2], $0x80, v3, vm0, $0xb8;
	[tilespmem:$0x18300] =	vst v63  }
0xdf: {  	_ =	swait.ge [sflag:s1], $0x9000  }
0xe0: {  	[sflag:s1] =	ssyncset.done $0x0  }
0xe1: {  	s12 =	rddreg [dreg:$0x7];
	[sflag:s1] =	ssyncadd.s32 $0xFFFF7000  }
0xe2: {  	[hbm4b:s12+s2] =	stream.linear.scatter [tilespmem:s19], [sflag:$0x3], $0x9000, $0x38;
	[tilespmem:$0x18300] =	vst v63  }
0xe3: {  	_ =	swait.ge [sflag:s16], $0x9000  }
0xe4: {  	[sflag:s16] =	ssyncset.done $0x0  }
0xe5: {  	[sflag:s16] =	ssyncadd.s32 $0xFFFF7000  }
0xe6: {  	v3 =	vld [tilespmem:$0x180];
	_ =	sdelay $0x4  }
0xe7: {  	v17 =	vshrl.u32 v3, $0x3  }
0xe8: {  	v4 =	vmul.u32 $0x30, v17  }
0xe9: {  	v3 =	vand.u32 $0x7, v3  }
0xea: {  	v3 =	vor.u32 v3, v4  }
0xeb: {  	v4 =	vperm.xlane v3, v0;
	_ =	sdelay $0x1  }
0xec: {  	v4 =	vadd.s32 v1, v4;
	_ =	sdelay $0x3  }
0xed: {  	v3 =	vperm.xlane v3, v2  }
0xee: {  	[tilespmem:s6], [sflag:$0x2] =	stream.indirect_vreg.gather [hbm4b:s4+s2], $0x80, v4, vm0, $0xb8;
	[tilespmem:$0x18300] =	vst v63  }
0xef: {  	s13 =	simm.s32 $0x9B00;
	v3 =	vadd.s32 v1, v3  }
0xf0: {  	[tilespmem:s13], [sflag:$0x2] =	stream.indirect_vreg.gather [hbm4b:s17+s2], $0x80, v4, vm0, $0xb8;
	[tilespmem:$0x18300] =	vst v63  }
0xf1: {  	s13 =	simm.s32 $0xA300  }
0xf2: {  	[tilespmem:s13], [sflag:$0x2] =	stream.indirect_vreg.gather [hbm4b:s18+s2], $0x80, v4, vm0, $0xb8;
	[tilespmem:$0x18300] =	vst v63  }
0xf3: {  	s19 =	simm.s32 $0xAB00  }
0xf4: {  	[tilespmem:s19], [sflag:$0x2] =	stream.indirect_vreg.gather [hbm4b:s4+s2], $0x80, v3, vm0, $0xb8;
	[tilespmem:$0x18300] =	vst v63  }
0xf5: {  	s10 =	simm.s32 $0xB300  }
0xf6: {  	[tilespmem:s10], [sflag:$0x2] =	stream.indirect_vreg.gather [hbm4b:s17+s2], $0x80, v3, vm0, $0xb8;
	[tilespmem:$0x18300] =	vst v63  }
0xf7: {  	s11 =	simm.s32 $0xBB00  }
0xf8: {  	[tilespmem:s11], [sflag:$0x2] =	stream.indirect_vreg.gather [hbm4b:s18+s2], $0x80, v3, vm0, $0xb8;
	[tilespmem:$0x18300] =	vst v63  }
0xf9: {  	v3 =	vld [tilespmem:$0x190];
	_ =	sdelay $0x4  }
0xfa: {  	v18 =	vshrl.u32 v3, $0x3  }
0xfb: {  	v4 =	vmul.u32 $0x30, v18  }
0xfc: {  	v3 =	vand.u32 $0x7, v3  }
0xfd: {  	v3 =	vor.u32 v3, v4  }
0xfe: {  	v4 =	vperm.xlane v3, v0;
	_ =	sdelay $0x1  }
0xff: {  	v4 =	vadd.s32 v1, v4;
	_ =	sdelay $0x3  }
0x100: {  	s12 =	simm.s32 $0xC300;
	v3 =	vperm.xlane v3, v2  }
0x101: {  	[tilespmem:s12], [sflag:$0x2] =	stream.indirect_vreg.gather [hbm4b:s4+s2], $0x80, v4, vm0, $0xb8;
	[tilespmem:$0x18300] =	vst v63  }
0x102: {  	s10 =	simm.s32 $0xCB00;
	v3 =	vadd.s32 v1, v3  }
0x103: {  	[tilespmem:s10], [sflag:$0x2] =	stream.indirect_vreg.gather [hbm4b:s17+s2], $0x80, v4, vm0, $0xb8;
	[tilespmem:$0x18300] =	vst v63  }
0x104: {  	s21 =	simm.s32 $0xD300  }
0x105: {  	[tilespmem:s21], [sflag:$0x2] =	stream.indirect_vreg.gather [hbm4b:s18+s2], $0x80, v4, vm0, $0xb8;
	[tilespmem:$0x18300] =	vst v63  }
0x106: {  	s22 =	simm.s32 $0xDB00  }
0x107: {  	[tilespmem:s22], [sflag:$0x2] =	stream.indirect_vreg.gather [hbm4b:s4+s2], $0x80, v3, vm0, $0xb8;
	[tilespmem:$0x18300] =	vst v63  }
0x108: {  	s23 =	simm.s32 $0xE300  }
0x109: {  	[tilespmem:s23], [sflag:$0x2] =	stream.indirect_vreg.gather [hbm4b:s17+s2], $0x80, v3, vm0, $0xb8;
	[tilespmem:$0x18300] =	vst v63  }
0x10a: {  	s22 =	simm.s32 $0xEB00  }
0x10b: {  	[tilespmem:s22], [sflag:$0x2] =	stream.indirect_vreg.gather [hbm4b:s18+s2], $0x80, v3, vm0, $0xb8;
	[tilespmem:$0x18300] =	vst v63  }
0x10c: {  	v3 =	vld [tilespmem:$0x1A0];
	_ =	sdelay $0x4  }
0x10d: {  	v19 =	vshrl.u32 v3, $0x3  }
0x10e: {  	v4 =	vmul.u32 $0x30, v19  }
0x10f: {  	v3 =	vand.u32 $0x7, v3  }
0x110: {  	v3 =	vor.u32 v3, v4  }
0x111: {  	v4 =	vperm.xlane v3, v0;
	_ =	sdelay $0x1  }
0x112: {  	v4 =	vadd.s32 v1, v4;
	_ =	sdelay $0x3  }
0x113: {  	s23 =	simm.s32 $0xF300;
	v3 =	vperm.xlane v3, v2  }
0x114: {  	[tilespmem:s23], [sflag:$0x2] =	stream.indirect_vreg.gather [hbm4b:s4+s2], $0x80, v4, vm0, $0xb8;
	[tilespmem:$0x18300] =	vst v63  }
0x115: {  	s19 =	simm.s32 $0xFB00;
	v3 =	vadd.s32 v1, v3  }
0x116: {  	[tilespmem:s19], [sflag:$0x2] =	stream.indirect_vreg.gather [hbm4b:s17+s2], $0x80, v4, vm0, $0xb8;
	[tilespmem:$0x18300] =	vst v63  }
0x117: {  	s21 =	simm.s32 $0x10300  }
0x118: {  	[tilespmem:s21], [sflag:$0x2] =	stream.indirect_vreg.gather [hbm4b:s18+s2], $0x80, v4, vm0, $0xb8;
	[tilespmem:$0x18300] =	vst v63  }
0x119: {  	s10 =	simm.s32 $0x10B00  }
0x11a: {  	[tilespmem:s10], [sflag:$0x2] =	stream.indirect_vreg.gather [hbm4b:s4+s2], $0x80, v3, vm0, $0xb8;
	[tilespmem:$0x18300] =	vst v63  }
0x11b: {  	s21 =	simm.s32 $0x11300  }
0x11c: {  	[tilespmem:s21], [sflag:$0x2] =	stream.indirect_vreg.gather [hbm4b:s17+s2], $0x80, v3, vm0, $0xb8;
	[tilespmem:$0x18300] =	vst v63  }
0x11d: {  	s20 =	simm.s32 $0x11B00  }
0x11e: {  	[tilespmem:s20], [sflag:$0x2] =	stream.indirect_vreg.gather [hbm4b:s18+s2], $0x80, v3, vm0, $0xb8;
	[tilespmem:$0x18300] =	vst v63  }
0x11f: {  	_ =	swait.ge [sflag:s14], $0x9000  }
0x120: {  	[sflag:s14] =	ssyncset.done $0x0  }
0x121: {  	s3 =	rddreg [dreg:$0x8];
	[sflag:s14] =	ssyncadd.s32 $0xFFFF7000  }
0x122: {  	[hbm4b:s3+s2] =	stream.linear.scatter [tilespmem:s6], [sflag:$0x4], $0x9000, $0x38;
	[tilespmem:$0x18300] =	vst v63  }
0x123: {  	_ =	swait.ge [sflag:s15], $0x9000  }
0x124: {  	[sflag:s15] =	ssyncset.done $0x0  }
0x125: {  	[sflag:s15] =	ssyncadd.s32 $0xFFFF7000  }
0x126: {  	v3 =	vld [tilespmem:$0x0];
	_ =	sdelay $0x4  }
0x127: {  	v20 =	vshrl.u32 v3, $0x3  }
0x128: {  	v4 =	vmul.u32 $0x30, v20  }
0x129: {  	v3 =	vand.u32 $0x7, v3  }
0x12a: {  	v3 =	vor.u32 v3, v4  }
0x12b: {  	v4 =	vperm.xlane v3, v0;
	_ =	sdelay $0x1  }
0x12c: {  	v4 =	vadd.s32 v1, v4;
	_ =	sdelay $0x3  }
0x12d: {  	s0 =	simm.s32 $0x300;
	v3 =	vperm.xlane v3, v2  }
0x12e: {  	[tilespmem:s0], [sflag:$0x1] =	stream.indirect_vreg.gather [hbm4b:s5+s2], $0x80, v4, vm0, $0xb8;
	[tilespmem:$0x18300] =	vst v63  }
0x12f: {  	s19 =	sadd.s32 $0x100, s5;
	v3 =	vadd.s32 v1, v3  }
0x130: {  	[tilespmem:s8], [sflag:$0x1] =	stream.indirect_vreg.gather [hbm4b:s19+s2], $0x80, v4, vm0, $0xb8;
	[tilespmem:$0x18300] =	vst v63  }
0x131: {  	s20 =	sadd.s32 $0x200, s5;
	s6 =	simm.s32 $0x1300  }
0x132: {  	[tilespmem:s6], [sflag:$0x1] =	stream.indirect_vreg.gather [hbm4b:s20+s2], $0x80, v4, vm0, $0xb8;
	[tilespmem:$0x18300] =	vst v63  }
0x133: {  	s8 =	simm.s32 $0x1B00  }
0x134: {  	[tilespmem:s8], [sflag:$0x1] =	stream.indirect_vreg.gather [hbm4b:s5+s2], $0x80, v3, vm0, $0xb8;
	[tilespmem:$0x18300] =	vst v63  }
0x135: {  	s6 =	simm.s32 $0x2300  }
0x136: {  	[tilespmem:s6], [sflag:$0x1] =	stream.indirect_vreg.gather [hbm4b:s19+s2], $0x80, v3, vm0, $0xb8;
	[tilespmem:$0x18300] =	vst v63  }
0x137: {  	s3 =	simm.s32 $0x2B00  }
0x138: {  	[tilespmem:s3], [sflag:$0x1] =	stream.indirect_vreg.gather [hbm4b:s20+s2], $0x80, v3, vm0, $0xb8;
	[tilespmem:$0x18300] =	vst v63  }
0x139: {  	v3 =	vld [tilespmem:$0x10];
	_ =	sdelay $0x4  }
0x13a: {  	v21 =	vshrl.u32 v3, $0x3  }
0x13b: {  	v4 =	vmul.u32 $0x30, v21  }
0x13c: {  	v3 =	vand.u32 $0x7, v3  }
0x13d: {  	v3 =	vor.u32 v3, v4  }
0x13e: {  	v4 =	vperm.xlane v3, v0;
	_ =	sdelay $0x1  }
0x13f: {  	v4 =	vadd.s32 v1, v4;
	_ =	sdelay $0x3  }
0x140: {  	s8 =	simm.s32 $0x3300;
	v3 =	vperm.xlane v3, v2  }
0x141: {  	[tilespmem:s8], [sflag:$0x1] =	stream.indirect_vreg.gather [hbm4b:s5+s2], $0x80, v4, vm0, $0xb8;
	[tilespmem:$0x18300] =	vst v63  }
0x142: {  	v3 =	vadd.s32 v1, v3;
	s8 =	simm.s32 $0x3B00  }
0x143: {  	[tilespmem:s8], [sflag:$0x1] =	stream.indirect_vreg.gather [hbm4b:s19+s2], $0x80, v4, vm0, $0xb8;
	[tilespmem:$0x18300] =	vst v63  }
0x144: {  	_ = 	snop  }
0x145: {  	[tilespmem:s30], [sflag:$0x1] =	stream.indirect_vreg.gather [hbm4b:s20+s2], $0x80, v4, vm0, $0xb8;
	[tilespmem:$0x18300] =	vst v63  }
0x146: {  	_ = 	snop  }
0x147: {  	[tilespmem:s31], [sflag:$0x1] =	stream.indirect_vreg.gather [hbm4b:s5+s2], $0x80, v3, vm0, $0xb8;
	[tilespmem:$0x18300] =	vst v63  }
0x148: {  	s8 =	simm.s32 $0x5300  }
0x149: {  	[tilespmem:s8], [sflag:$0x1] =	stream.indirect_vreg.gather [hbm4b:s19+s2], $0x80, v3, vm0, $0xb8;
	[tilespmem:$0x18300] =	vst v63  }
0x14a: {  	s8 =	simm.s32 $0x5B00  }
0x14b: {  	[tilespmem:s8], [sflag:$0x1] =	stream.indirect_vreg.gather [hbm4b:s20+s2], $0x80, v3, vm0, $0xb8;
	[tilespmem:$0x18300] =	vst v63  }
0x14c: {  	v3 =	vld [tilespmem:$0x20];
	_ =	sdelay $0x4  }
0x14d: {  	v22 =	vshrl.u32 v3, $0x3  }
0x14e: {  	v4 =	vmul.u32 $0x30, v22  }
0x14f: {  	v3 =	vand.u32 $0x7, v3  }
0x150: {  	v3 =	vor.u32 v3, v4  }
0x151: {  	v4 =	vperm.xlane v3, v0;
	_ =	sdelay $0x1  }
0x152: {  	v4 =	vadd.s32 v1, v4;
	_ =	sdelay $0x3  }
0x153: {  	s8 =	simm.s32 $0x6300;
	v3 =	vperm.xlane v3, v2  }
0x154: {  	[tilespmem:s8], [sflag:$0x1] =	stream.indirect_vreg.gather [hbm4b:s5+s2], $0x80, v4, vm0, $0xb8;
	[tilespmem:$0x18300] =	vst v63  }
0x155: {  	v3 =	vadd.s32 v1, v3  }
0x156: {  	[tilespmem:s24], [sflag:$0x1] =	stream.indirect_vreg.gather [hbm4b:s19+s2], $0x80, v4, vm0, $0xb8;
	[tilespmem:$0x18300] =	vst v63  }
0x157: {  	_ = 	snop  }
0x158: {  	[tilespmem:s25], [sflag:$0x1] =	stream.indirect_vreg.gather [hbm4b:s20+s2], $0x80, v4, vm0, $0xb8;
	[tilespmem:$0x18300] =	vst v63  }
0x159: {  	_ = 	snop  }
0x15a: {  	[tilespmem:s26], [sflag:$0x1] =	stream.indirect_vreg.gather [hbm4b:s5+s2], $0x80, v3, vm0, $0xb8;
	[tilespmem:$0x18300] =	vst v63  }
0x15b: {  	_ = 	snop  }
0x15c: {  	[tilespmem:s28], [sflag:$0x1] =	stream.indirect_vreg.gather [hbm4b:s19+s2], $0x80, v3, vm0, $0xb8;
	[tilespmem:$0x18300] =	vst v63  }
0x15d: {  	_ = 	snop  }
0x15e: {  	[tilespmem:s29], [sflag:$0x1] =	stream.indirect_vreg.gather [hbm4b:s20+s2], $0x80, v3, vm0, $0xb8;
	[tilespmem:$0x18300] =	vst v63  }
0x15f: {  	_ =	swait.ge [sflag:s1], $0x9000  }
0x160: {  	[sflag:s1] =	ssyncset.done $0x0  }
0x161: {  	s25 =	rddreg [dreg:$0x14];
	[sflag:s1] =	ssyncadd.s32 $0xFFFF7000  }
0x162: {  	[hbm4b:s25+s2] =	stream.linear.scatter [tilespmem:s0], [sflag:$0x3], $0x9000, $0x38;
	[tilespmem:$0x18300] =	vst v63  }
0x163: {  	_ =	swait.ge [sflag:s16], $0x9000  }
0x164: {  	[sflag:s16] =	ssyncset.done $0x0  }
0x165: {  	[sflag:s16] =	ssyncadd.s32 $0xFFFF7000  }
0x166: {  	v3 =	vld [tilespmem:$0x80];
	_ =	sdelay $0x4  }
0x167: {  	v23 =	vshrl.u32 v3, $0x3  }
0x168: {  	v4 =	vmul.u32 $0x30, v23  }
0x169: {  	v3 =	vand.u32 $0x7, v3  }
0x16a: {  	v3 =	vor.u32 v3, v4  }
0x16b: {  	v4 =	vperm.xlane v3, v0;
	_ =	sdelay $0x1  }
0x16c: {  	v4 =	vadd.s32 v1, v4;
	_ =	sdelay $0x3  }
0x16d: {  	s28 =	simm.s32 $0x9300;
	v3 =	vperm.xlane v3, v2  }
0x16e: {  	[tilespmem:s28], [sflag:$0x2] =	stream.indirect_vreg.gather [hbm4b:s5+s2], $0x80, v4, vm0, $0xb8;
	[tilespmem:$0x18300] =	vst v63  }
0x16f: {  	s24 =	simm.s32 $0x9B00;
	v3 =	vadd.s32 v1, v3  }
0x170: {  	[tilespmem:s24], [sflag:$0x2] =	stream.indirect_vreg.gather [hbm4b:s19+s2], $0x80, v4, vm0, $0xb8;
	[tilespmem:$0x18300] =	vst v63  }
0x171: {  	_ = 	snop  }
0x172: {  	[tilespmem:s13], [sflag:$0x2] =	stream.indirect_vreg.gather [hbm4b:s20+s2], $0x80, v4, vm0, $0xb8;
	[tilespmem:$0x18300] =	vst v63  }
0x173: {  	s29 =	simm.s32 $0xAB00  }
0x174: {  	[tilespmem:s29], [sflag:$0x2] =	stream.indirect_vreg.gather [hbm4b:s5+s2], $0x80, v3, vm0, $0xb8;
	[tilespmem:$0x18300] =	vst v63  }
0x175: {  	s8 =	simm.s32 $0xB300  }
0x176: {  	[tilespmem:s8], [sflag:$0x2] =	stream.indirect_vreg.gather [hbm4b:s19+s2], $0x80, v3, vm0, $0xb8;
	[tilespmem:$0x18300] =	vst v63  }
0x177: {  	_ = 	snop  }
0x178: {  	[tilespmem:s11], [sflag:$0x2] =	stream.indirect_vreg.gather [hbm4b:s20+s2], $0x80, v3, vm0, $0xb8;
	[tilespmem:$0x18300] =	vst v63  }
0x179: {  	v3 =	vld [tilespmem:$0x90];
	_ =	sdelay $0x4  }
0x17a: {  	v24 =	vshrl.u32 v3, $0x3  }
0x17b: {  	v4 =	vmul.u32 $0x30, v24  }
0x17c: {  	v3 =	vand.u32 $0x7, v3  }
0x17d: {  	v3 =	vor.u32 v3, v4  }
0x17e: {  	v4 =	vperm.xlane v3, v0;
	_ =	sdelay $0x1  }
0x17f: {  	v4 =	vadd.s32 v1, v4;
	_ =	sdelay $0x3  }
0x180: {  	v3 =	vperm.xlane v3, v2  }
0x181: {  	[tilespmem:s12], [sflag:$0x2] =	stream.indirect_vreg.gather [hbm4b:s5+s2], $0x80, v4, vm0, $0xb8;
	[tilespmem:$0x18300] =	vst v63  }
0x182: {  	s11 =	simm.s32 $0xCB00;
	v3 =	vadd.s32 v1, v3  }
0x183: {  	[tilespmem:s11], [sflag:$0x2] =	stream.indirect_vreg.gather [hbm4b:s19+s2], $0x80, v4, vm0, $0xb8;
	[tilespmem:$0x18300] =	vst v63  }
0x184: {  	s12 =	simm.s32 $0xD300  }
0x185: {  	[tilespmem:s12], [sflag:$0x2] =	stream.indirect_vreg.gather [hbm4b:s20+s2], $0x80, v4, vm0, $0xb8;
	[tilespmem:$0x18300] =	vst v63  }
0x186: {  	s13 =	simm.s32 $0xDB00  }
0x187: {  	[tilespmem:s13], [sflag:$0x2] =	stream.indirect_vreg.gather [hbm4b:s5+s2], $0x80, v3, vm0, $0xb8;
	[tilespmem:$0x18300] =	vst v63  }
0x188: {  	s25 =	simm.s32 $0xE300  }
0x189: {  	[tilespmem:s25], [sflag:$0x2] =	stream.indirect_vreg.gather [hbm4b:s19+s2], $0x80, v3, vm0, $0xb8;
	[tilespmem:$0x18300] =	vst v63  }
0x18a: {  	_ = 	snop  }
0x18b: {  	[tilespmem:s22], [sflag:$0x2] =	stream.indirect_vreg.gather [hbm4b:s20+s2], $0x80, v3, vm0, $0xb8;
	[tilespmem:$0x18300] =	vst v63  }
0x18c: {  	v3 =	vld [tilespmem:$0xA0];
	_ =	sdelay $0x4  }
0x18d: {  	v25 =	vshrl.u32 v3, $0x3  }
0x18e: {  	v4 =	vmul.u32 $0x30, v25  }
0x18f: {  	v3 =	vand.u32 $0x7, v3  }
0x190: {  	v3 =	vor.u32 v3, v4  }
0x191: {  	v4 =	vperm.xlane v3, v0;
	_ =	sdelay $0x1  }
0x192: {  	v4 =	vadd.s32 v1, v4;
	_ =	sdelay $0x3  }
0x193: {  	v3 =	vperm.xlane v3, v2  }
0x194: {  	[tilespmem:s23], [sflag:$0x2] =	stream.indirect_vreg.gather [hbm4b:s5+s2], $0x80, v4, vm0, $0xb8;
	[tilespmem:$0x18300] =	vst v63  }
0x195: {  	s22 =	simm.s32 $0xFB00;
	v3 =	vadd.s32 v1, v3  }
0x196: {  	[tilespmem:s22], [sflag:$0x2] =	stream.indirect_vreg.gather [hbm4b:s19+s2], $0x80, v4, vm0, $0xb8;
	[tilespmem:$0x18300] =	vst v63  }
0x197: {  	s23 =	simm.s32 $0x10300  }
0x198: {  	[tilespmem:s23], [sflag:$0x2] =	stream.indirect_vreg.gather [hbm4b:s20+s2], $0x80, v4, vm0, $0xb8;
	[tilespmem:$0x18300] =	vst v63  }
0x199: {  	_ = 	snop  }
0x19a: {  	[tilespmem:s10], [sflag:$0x2] =	stream.indirect_vreg.gather [hbm4b:s5+s2], $0x80, v3, vm0, $0xb8;
	[tilespmem:$0x18300] =	vst v63  }
0x19b: {  	_ = 	snop  }
0x19c: {  	[tilespmem:s21], [sflag:$0x2] =	stream.indirect_vreg.gather [hbm4b:s19+s2], $0x80, v3, vm0, $0xb8;
	[tilespmem:$0x18300] =	vst v63  }
0x19d: {  	s10 =	simm.s32 $0x11B00  }
0x19e: {  	[tilespmem:s10], [sflag:$0x2] =	stream.indirect_vreg.gather [hbm4b:s20+s2], $0x80, v3, vm0, $0xb8;
	[tilespmem:$0x18300] =	vst v63  }
0x19f: {  	_ =	swait.ge [sflag:s14], $0x9000  }
0x1a0: {  	[sflag:s14] =	ssyncset.done $0x0  }
0x1a1: {  	s0 =	rddreg [dreg:$0x9];
	[sflag:s14] =	ssyncadd.s32 $0xFFFF7000  }
0x1a2: {  	[hbm4b:s0+s2] =	stream.linear.scatter [tilespmem:s28], [sflag:$0x4], $0x9000, $0x38;
	[tilespmem:$0x18300] =	vst v63  }
0x1a3: {  	_ =	swait.ge [sflag:s15], $0x9000  }
0x1a4: {  	[sflag:s15] =	ssyncset.done $0x0  }
0x1a5: {  	[sflag:s15] =	ssyncadd.s32 $0xFFFF7000  }
0x1a6: {  	v3 =	vld [tilespmem:$0x100];
	_ =	sdelay $0x4  }
0x1a7: {  	v26 =	vshrl.u32 v3, $0x3  }
0x1a8: {  	v4 =	vmul.u32 $0x30, v26  }
0x1a9: {  	v3 =	vand.u32 $0x7, v3  }
0x1aa: {  	v3 =	vor.u32 v3, v4  }
0x1ab: {  	v4 =	vperm.xlane v3, v0;
	_ =	sdelay $0x1  }
0x1ac: {  	v4 =	vadd.s32 v1, v4;
	_ =	sdelay $0x3  }
0x1ad: {  	s0 =	simm.s32 $0x300;
	v3 =	vperm.xlane v3, v2  }
0x1ae: {  	[tilespmem:s0], [sflag:$0x1] =	stream.indirect_vreg.gather [hbm4b:s5+s2], $0x80, v4, vm0, $0xb8;
	[tilespmem:$0x18300] =	vst v63  }
0x1af: {  	s6 =	simm.s32 $0xB00;
	v3 =	vadd.s32 v1, v3  }
0x1b0: {  	[tilespmem:s6], [sflag:$0x1] =	stream.indirect_vreg.gather [hbm4b:s19+s2], $0x80, v4, vm0, $0xb8;
	[tilespmem:$0x18300] =	vst v63  }
0x1b1: {  	s21 =	simm.s32 $0x1300  }
0x1b2: {  	[tilespmem:s21], [sflag:$0x1] =	stream.indirect_vreg.gather [hbm4b:s20+s2], $0x80, v4, vm0, $0xb8;
	[tilespmem:$0x18300] =	vst v63  }
0x1b3: {  	s21 =	simm.s32 $0x1B00  }
0x1b4: {  	[tilespmem:s21], [sflag:$0x1] =	stream.indirect_vreg.gather [hbm4b:s5+s2], $0x80, v3, vm0, $0xb8;
	[tilespmem:$0x18300] =	vst v63  }
0x1b5: {  	s21 =	simm.s32 $0x2300  }
0x1b6: {  	[tilespmem:s21], [sflag:$0x1] =	stream.indirect_vreg.gather [hbm4b:s19+s2], $0x80, v3, vm0, $0xb8;
	[tilespmem:$0x18300] =	vst v63  }
0x1b7: {  	_ = 	snop  }
0x1b8: {  	[tilespmem:s3], [sflag:$0x1] =	stream.indirect_vreg.gather [hbm4b:s20+s2], $0x80, v3, vm0, $0xb8;
	[tilespmem:$0x18300] =	vst v63  }
0x1b9: {  	v3 =	vld [tilespmem:$0x110];
	_ =	sdelay $0x4  }
0x1ba: {  	v27 =	vshrl.u32 v3, $0x3  }
0x1bb: {  	v4 =	vmul.u32 $0x30, v27  }
0x1bc: {  	v3 =	vand.u32 $0x7, v3  }
0x1bd: {  	v3 =	vor.u32 v3, v4  }
0x1be: {  	v4 =	vperm.xlane v3, v0;
	_ =	sdelay $0x1  }
0x1bf: {  	v4 =	vadd.s32 v1, v4;
	_ =	sdelay $0x3  }
0x1c0: {  	s21 =	simm.s32 $0x3300;
	v3 =	vperm.xlane v3, v2  }
0x1c1: {  	[tilespmem:s21], [sflag:$0x1] =	stream.indirect_vreg.gather [hbm4b:s5+s2], $0x80, v4, vm0, $0xb8;
	[tilespmem:$0x18300] =	vst v63  }
0x1c2: {  	v3 =	vadd.s32 v1, v3;
	s21 =	simm.s32 $0x3B00  }
0x1c3: {  	[tilespmem:s21], [sflag:$0x1] =	stream.indirect_vreg.gather [hbm4b:s19+s2], $0x80, v4, vm0, $0xb8;
	[tilespmem:$0x18300] =	vst v63  }
0x1c4: {  	s30 =	simm.s32 $0x4300  }
0x1c5: {  	[tilespmem:s30], [sflag:$0x1] =	stream.indirect_vreg.gather [hbm4b:s20+s2], $0x80, v4, vm0, $0xb8;
	[tilespmem:$0x18300] =	vst v63  }
0x1c6: {  	s31 =	simm.s32 $0x4B00  }
0x1c7: {  	[tilespmem:s31], [sflag:$0x1] =	stream.indirect_vreg.gather [hbm4b:s5+s2], $0x80, v3, vm0, $0xb8;
	[tilespmem:$0x18300] =	vst v63  }
0x1c8: {  	s21 =	simm.s32 $0x5300  }
0x1c9: {  	[tilespmem:s21], [sflag:$0x1] =	stream.indirect_vreg.gather [hbm4b:s19+s2], $0x80, v3, vm0, $0xb8;
	[tilespmem:$0x18300] =	vst v63  }
0x1ca: {  	s3 =	simm.s32 $0x5B00  }
0x1cb: {  	[tilespmem:s3], [sflag:$0x1] =	stream.indirect_vreg.gather [hbm4b:s20+s2], $0x80, v3, vm0, $0xb8;
	[tilespmem:$0x18300] =	vst v63  }
0x1cc: {  	v3 =	vld [tilespmem:$0x120];
	_ =	sdelay $0x4  }
0x1cd: {  	v28 =	vshrl.u32 v3, $0x3  }
0x1ce: {  	v4 =	vmul.u32 $0x30, v28  }
0x1cf: {  	v3 =	vand.u32 $0x7, v3  }
0x1d0: {  	v3 =	vor.u32 v3, v4  }
0x1d1: {  	v4 =	vperm.xlane v3, v0;
	_ =	sdelay $0x1  }
0x1d2: {  	v4 =	vadd.s32 v1, v4;
	_ =	sdelay $0x3  }
0x1d3: {  	s31 =	simm.s32 $0x6300;
	v3 =	vperm.xlane v3, v2  }
0x1d4: {  	[tilespmem:s31], [sflag:$0x1] =	stream.indirect_vreg.gather [hbm4b:s5+s2], $0x80, v4, vm0, $0xb8;
	[tilespmem:$0x18300] =	vst v63  }
0x1d5: {  	s30 =	simm.s32 $0x6B00;
	v3 =	vadd.s32 v1, v3  }
0x1d6: {  	[tilespmem:s30], [sflag:$0x1] =	stream.indirect_vreg.gather [hbm4b:s19+s2], $0x80, v4, vm0, $0xb8;
	[tilespmem:$0x18300] =	vst v63  }
0x1d7: {  	s30 =	simm.s32 $0x7300  }
0x1d8: {  	[tilespmem:s30], [sflag:$0x1] =	stream.indirect_vreg.gather [hbm4b:s20+s2], $0x80, v4, vm0, $0xb8;
	[tilespmem:$0x18300] =	vst v63  }
0x1d9: {  	s30 =	simm.s32 $0x7B00  }
0x1da: {  	[tilespmem:s30], [sflag:$0x1] =	stream.indirect_vreg.gather [hbm4b:s5+s2], $0x80, v3, vm0, $0xb8;
	[tilespmem:$0x18300] =	vst v63  }
0x1db: {  	s26 =	simm.s32 $0x8300  }
0x1dc: {  	[tilespmem:s26], [sflag:$0x1] =	stream.indirect_vreg.gather [hbm4b:s19+s2], $0x80, v3, vm0, $0xb8;
	[tilespmem:$0x18300] =	vst v63  }
0x1dd: {  	s30 =	simm.s32 $0x8B00  }
0x1de: {  	[tilespmem:s30], [sflag:$0x1] =	stream.indirect_vreg.gather [hbm4b:s20+s2], $0x80, v3, vm0, $0xb8;
	[tilespmem:$0x18300] =	vst v63  }
0x1df: {  	_ =	swait.ge [sflag:s1], $0x9000  }
0x1e0: {  	[sflag:s1] =	ssyncset.done $0x0  }
0x1e1: {  	s26 =	rddreg [dreg:$0xa];
	[sflag:s1] =	ssyncadd.s32 $0xFFFF7000  }
0x1e2: {  	[hbm4b:s26+s2] =	stream.linear.scatter [tilespmem:s0], [sflag:$0x3], $0x9000, $0x38;
	[tilespmem:$0x18300] =	vst v63  }
0x1e3: {  	_ =	swait.ge [sflag:s16], $0x9000  }
0x1e4: {  	[sflag:s16] =	ssyncset.done $0x0  }
0x1e5: {  	[sflag:s16] =	ssyncadd.s32 $0xFFFF7000  }
0x1e6: {  	v3 =	vld [tilespmem:$0x180];
	_ =	sdelay $0x4  }
0x1e7: {  	v29 =	vshrl.u32 v3, $0x3  }
0x1e8: {  	v4 =	vmul.u32 $0x30, v29  }
0x1e9: {  	v3 =	vand.u32 $0x7, v3  }
0x1ea: {  	v3 =	vor.u32 v3, v4  }
0x1eb: {  	v4 =	vperm.xlane v3, v0;
	_ =	sdelay $0x1  }
0x1ec: {  	v4 =	vadd.s32 v1, v4;
	_ =	sdelay $0x3  }
0x1ed: {  	s28 =	simm.s32 $0x9300;
	v3 =	vperm.xlane v3, v2  }
0x1ee: {  	[tilespmem:s28], [sflag:$0x2] =	stream.indirect_vreg.gather [hbm4b:s5+s2], $0x80, v4, vm0, $0xb8;
	[tilespmem:$0x18300] =	vst v63  }
0x1ef: {  	v3 =	vadd.s32 v1, v3  }
0x1f0: {  	[tilespmem:s24], [sflag:$0x2] =	stream.indirect_vreg.gather [hbm4b:s19+s2], $0x80, v4, vm0, $0xb8;
	[tilespmem:$0x18300] =	vst v63  }
0x1f1: {  	s24 =	simm.s32 $0xA300  }
0x1f2: {  	[tilespmem:s24], [sflag:$0x2] =	stream.indirect_vreg.gather [hbm4b:s20+s2], $0x80, v4, vm0, $0xb8;
	[tilespmem:$0x18300] =	vst v63  }
0x1f3: {  	_ = 	snop  }
0x1f4: {  	[tilespmem:s29], [sflag:$0x2] =	stream.indirect_vreg.gather [hbm4b:s5+s2], $0x80, v3, vm0, $0xb8;
	[tilespmem:$0x18300] =	vst v63  }
0x1f5: {  	_ = 	snop  }
0x1f6: {  	[tilespmem:s8], [sflag:$0x2] =	stream.indirect_vreg.gather [hbm4b:s19+s2], $0x80, v3, vm0, $0xb8;
	[tilespmem:$0x18300] =	vst v63  }
0x1f7: {  	s26 =	simm.s32 $0xBB00  }
0x1f8: {  	[tilespmem:s26], [sflag:$0x2] =	stream.indirect_vreg.gather [hbm4b:s20+s2], $0x80, v3, vm0, $0xb8;
	[tilespmem:$0x18300] =	vst v63  }
0x1f9: {  	v3 =	vld [tilespmem:$0x190];
	_ =	sdelay $0x4  }
0x1fa: {  	v30 =	vshrl.u32 v3, $0x3  }
0x1fb: {  	v4 =	vmul.u32 $0x30, v30  }
0x1fc: {  	v3 =	vand.u32 $0x7, v3  }
0x1fd: {  	v3 =	vor.u32 v3, v4  }
0x1fe: {  	v4 =	vperm.xlane v3, v0;
	_ =	sdelay $0x1  }
0x1ff: {  	v4 =	vadd.s32 v1, v4;
	_ =	sdelay $0x3  }
0x200: {  	s30 =	simm.s32 $0xC300;
	v3 =	vperm.xlane v3, v2  }
0x201: {  	[tilespmem:s30], [sflag:$0x2] =	stream.indirect_vreg.gather [hbm4b:s5+s2], $0x80, v4, vm0, $0xb8;
	[tilespmem:$0x18300] =	vst v63  }
0x202: {  	v3 =	vadd.s32 v1, v3  }
0x203: {  	[tilespmem:s11], [sflag:$0x2] =	stream.indirect_vreg.gather [hbm4b:s19+s2], $0x80, v4, vm0, $0xb8;
	[tilespmem:$0x18300] =	vst v63  }
0x204: {  	_ = 	snop  }
0x205: {  	[tilespmem:s12], [sflag:$0x2] =	stream.indirect_vreg.gather [hbm4b:s20+s2], $0x80, v4, vm0, $0xb8;
	[tilespmem:$0x18300] =	vst v63  }
0x206: {  	_ = 	snop  }
0x207: {  	[tilespmem:s13], [sflag:$0x2] =	stream.indirect_vreg.gather [hbm4b:s5+s2], $0x80, v3, vm0, $0xb8;
	[tilespmem:$0x18300] =	vst v63  }
0x208: {  	_ = 	snop  }
0x209: {  	[tilespmem:s25], [sflag:$0x2] =	stream.indirect_vreg.gather [hbm4b:s19+s2], $0x80, v3, vm0, $0xb8;
	[tilespmem:$0x18300] =	vst v63  }
0x20a: {  	s25 =	simm.s32 $0xEB00  }
0x20b: {  	[tilespmem:s25], [sflag:$0x2] =	stream.indirect_vreg.gather [hbm4b:s20+s2], $0x80, v3, vm0, $0xb8;
	[tilespmem:$0x18300] =	vst v63  }
0x20c: {  	v3 =	vld [tilespmem:$0x1A0];
	_ =	sdelay $0x4  }
0x20d: {  	v31 =	vshrl.u32 v3, $0x3  }
0x20e: {  	v4 =	vmul.u32 $0x30, v31  }
0x20f: {  	v3 =	vand.u32 $0x7, v3  }
0x210: {  	v3 =	vor.u32 v3, v4  }
0x211: {  	v4 =	vperm.xlane v3, v0;
	_ =	sdelay $0x1  }
0x212: {  	v4 =	vadd.s32 v1, v4;
	_ =	sdelay $0x3  }
0x213: {  	s29 =	simm.s32 $0xF300;
	v3 =	vperm.xlane v3, v2  }
0x214: {  	[tilespmem:s29], [sflag:$0x2] =	stream.indirect_vreg.gather [hbm4b:s5+s2], $0x80, v4, vm0, $0xb8;
	[tilespmem:$0x18300] =	vst v63  }
0x215: {  	v3 =	vadd.s32 v1, v3  }
0x216: {  	[tilespmem:s22], [sflag:$0x2] =	stream.indirect_vreg.gather [hbm4b:s19+s2], $0x80, v4, vm0, $0xb8;
	[tilespmem:$0x18300] =	vst v63  }
0x217: {  	_ = 	snop  }
0x218: {  	[tilespmem:s23], [sflag:$0x2] =	stream.indirect_vreg.gather [hbm4b:s20+s2], $0x80, v4, vm0, $0xb8;
	[tilespmem:$0x18300] =	vst v63  }
0x219: {  	s23 =	simm.s32 $0x10B00  }
0x21a: {  	[tilespmem:s23], [sflag:$0x2] =	stream.indirect_vreg.gather [hbm4b:s5+s2], $0x80, v3, vm0, $0xb8;
	[tilespmem:$0x18300] =	vst v63  }
0x21b: {  	s30 =	simm.s32 $0x11300  }
0x21c: {  	[tilespmem:s30], [sflag:$0x2] =	stream.indirect_vreg.gather [hbm4b:s19+s2], $0x80, v3, vm0, $0xb8;
	[tilespmem:$0x18300] =	vst v63  }
0x21d: {  	_ = 	snop  }
0x21e: {  	[tilespmem:s10], [sflag:$0x2] =	stream.indirect_vreg.gather [hbm4b:s20+s2], $0x80, v3, vm0, $0xb8;
	[tilespmem:$0x18300] =	vst v63  }
0x21f: {  	_ =	swait.ge [sflag:s14], $0x9000  }
0x220: {  	[sflag:s14] =	ssyncset.done $0x0  }
0x221: {  	s28 =	simm.s32 $0x9300;
	s11 =	rddreg [dreg:$0xb];
	[sflag:s14] =	ssyncadd.s32 $0xFFFF7000  }
0x222: {  	[hbm4b:s11+s2] =	stream.linear.scatter [tilespmem:s28], [sflag:$0x4], $0x9000, $0x38;
	[tilespmem:$0x18300] =	vst v63  }
0x223: {  	_ =	swait.ge [sflag:s15], $0x9000  }
0x224: {  	[sflag:s15] =	ssyncset.done $0x0  }
0x225: {  	[sflag:s15] =	ssyncadd.s32 $0xFFFF7000  }
0x226: {  	v3 =	vld [tilespmem:$0x0];
	_ =	sdelay $0x4  }
0x227: {  	v32 =	vshrl.u32 v3, $0x3  }
0x228: {  	v4 =	vmul.u32 $0x30, v32  }
0x229: {  	v3 =	vand.u32 $0x7, v3  }
0x22a: {  	v3 =	vor.u32 v3, v4  }
0x22b: {  	v4 =	vperm.xlane v3, v0;
	_ =	sdelay $0x1  }
0x22c: {  	v4 =	vadd.s32 v1, v4;
	_ =	sdelay $0x3  }
0x22d: {  	s0 =	simm.s32 $0x300;
	v3 =	vperm.xlane v3, v2  }
0x22e: {  	[tilespmem:s0], [sflag:$0x1] =	stream.indirect_vreg.gather [hbm4b:s7+s2], $0x80, v4, vm0, $0xb8;
	[tilespmem:$0x18300] =	vst v63  }
0x22f: {  	s21 =	sadd.s32 $0x100, s7;
	v3 =	vadd.s32 v1, v3  }
0x230: {  	[tilespmem:s6], [sflag:$0x1] =	stream.indirect_vreg.gather [hbm4b:s21+s2], $0x80, v4, vm0, $0xb8;
	[tilespmem:$0x18300] =	vst v63  }
0x231: {  	s12 =	simm.s32 $0x1300;
	s22 =	sadd.s32 $0x200, s7  }
0x232: {  	[tilespmem:s12], [sflag:$0x1] =	stream.indirect_vreg.gather [hbm4b:s22+s2], $0x80, v4, vm0, $0xb8;
	[tilespmem:$0x18300] =	vst v63  }
0x233: {  	s13 =	simm.s32 $0x1B00  }
0x234: {  	[tilespmem:s13], [sflag:$0x1] =	stream.indirect_vreg.gather [hbm4b:s7+s2], $0x80, v3, vm0, $0xb8;
	[tilespmem:$0x18300] =	vst v63  }
0x235: {  	s28 =	simm.s32 $0x2300  }
0x236: {  	[tilespmem:s28], [sflag:$0x1] =	stream.indirect_vreg.gather [hbm4b:s21+s2], $0x80, v3, vm0, $0xb8;
	[tilespmem:$0x18300] =	vst v63  }
0x237: {  	s8 =	simm.s32 $0x2B00  }
0x238: {  	[tilespmem:s8], [sflag:$0x1] =	stream.indirect_vreg.gather [hbm4b:s22+s2], $0x80, v3, vm0, $0xb8;
	[tilespmem:$0x18300] =	vst v63  }
0x239: {  	v3 =	vld [tilespmem:$0x10];
	_ =	sdelay $0x4  }
0x23a: {  	v33 =	vshrl.u32 v3, $0x3  }
0x23b: {  	v4 =	vmul.u32 $0x30, v33  }
0x23c: {  	v3 =	vand.u32 $0x7, v3  }
0x23d: {  	v3 =	vor.u32 v3, v4  }
0x23e: {  	v4 =	vperm.xlane v3, v0;
	_ =	sdelay $0x1  }
0x23f: {  	v4 =	vadd.s32 v1, v4;
	_ =	sdelay $0x3  }
0x240: {  	s10 =	simm.s32 $0x3300;
	v3 =	vperm.xlane v3, v2  }
0x241: {  	[tilespmem:s10], [sflag:$0x1] =	stream.indirect_vreg.gather [hbm4b:s7+s2], $0x80, v4, vm0, $0xb8;
	[tilespmem:$0x18300] =	vst v63  }
0x242: {  	s11 =	simm.s32 $0x3B00;
	v3 =	vadd.s32 v1, v3  }
0x243: {  	[tilespmem:s11], [sflag:$0x1] =	stream.indirect_vreg.gather [hbm4b:s21+s2], $0x80, v4, vm0, $0xb8;
	[tilespmem:$0x18300] =	vst v63  }
0x244: {  	s12 =	simm.s32 $0x4300  }
0x245: {  	[tilespmem:s12], [sflag:$0x1] =	stream.indirect_vreg.gather [hbm4b:s22+s2], $0x80, v4, vm0, $0xb8;
	[tilespmem:$0x18300] =	vst v63  }
0x246: {  	s13 =	simm.s32 $0x4B00  }
0x247: {  	[tilespmem:s13], [sflag:$0x1] =	stream.indirect_vreg.gather [hbm4b:s7+s2], $0x80, v3, vm0, $0xb8;
	[tilespmem:$0x18300] =	vst v63  }
0x248: {  	s13 =	simm.s32 $0x5300  }
0x249: {  	[tilespmem:s13], [sflag:$0x1] =	stream.indirect_vreg.gather [hbm4b:s21+s2], $0x80, v3, vm0, $0xb8;
	[tilespmem:$0x18300] =	vst v63  }
0x24a: {  	_ = 	snop  }
0x24b: {  	[tilespmem:s3], [sflag:$0x1] =	stream.indirect_vreg.gather [hbm4b:s22+s2], $0x80, v3, vm0, $0xb8;
	[tilespmem:$0x18300] =	vst v63  }
0x24c: {  	v3 =	vld [tilespmem:$0x20];
	_ =	sdelay $0x4  }
0x24d: {  	v34 =	vshrl.u32 v3, $0x3  }
0x24e: {  	v4 =	vmul.u32 $0x30, v34  }
0x24f: {  	v3 =	vand.u32 $0x7, v3  }
0x250: {  	v3 =	vor.u32 v3, v4  }
0x251: {  	v4 =	vperm.xlane v3, v0;
	_ =	sdelay $0x1  }
0x252: {  	v4 =	vadd.s32 v1, v4;
	_ =	sdelay $0x3  }
0x253: {  	v3 =	vperm.xlane v3, v2  }
0x254: {  	[tilespmem:s31], [sflag:$0x1] =	stream.indirect_vreg.gather [hbm4b:s7+s2], $0x80, v4, vm0, $0xb8;
	[tilespmem:$0x18300] =	vst v63  }
0x255: {  	s12 =	simm.s32 $0x6B00;
	v3 =	vadd.s32 v1, v3  }
0x256: {  	[tilespmem:s12], [sflag:$0x1] =	stream.indirect_vreg.gather [hbm4b:s21+s2], $0x80, v4, vm0, $0xb8;
	[tilespmem:$0x18300] =	vst v63  }
0x257: {  	s3 =	simm.s32 $0x7300  }
0x258: {  	[tilespmem:s3], [sflag:$0x1] =	stream.indirect_vreg.gather [hbm4b:s22+s2], $0x80, v4, vm0, $0xb8;
	[tilespmem:$0x18300] =	vst v63  }
0x259: {  	s6 =	simm.s32 $0x7B00  }
0x25a: {  	[tilespmem:s6], [sflag:$0x1] =	stream.indirect_vreg.gather [hbm4b:s7+s2], $0x80, v3, vm0, $0xb8;
	[tilespmem:$0x18300] =	vst v63  }
0x25b: {  	s8 =	simm.s32 $0x8300  }
0x25c: {  	[tilespmem:s8], [sflag:$0x1] =	stream.indirect_vreg.gather [hbm4b:s21+s2], $0x80, v3, vm0, $0xb8;
	[tilespmem:$0x18300] =	vst v63  }
0x25d: {  	s11 =	simm.s32 $0x8B00  }
0x25e: {  	[tilespmem:s11], [sflag:$0x1] =	stream.indirect_vreg.gather [hbm4b:s22+s2], $0x80, v3, vm0, $0xb8;
	[tilespmem:$0x18300] =	vst v63  }
0x25f: {  	_ =	swait.ge [sflag:s1], $0x9000  }
0x260: {  	[sflag:s1] =	ssyncset.done $0x0  }
0x261: {  	s10 =	rddreg [dreg:$0x15];
	[sflag:s1] =	ssyncadd.s32 $0xFFFF7000  }
0x262: {  	[hbm4b:s10+s2] =	stream.linear.scatter [tilespmem:s0], [sflag:$0x3], $0x9000, $0x38;
	[tilespmem:$0x18300] =	vst v63  }
0x263: {  	_ =	swait.ge [sflag:s16], $0x9000  }
0x264: {  	[sflag:s16] =	ssyncset.done $0x0  }
0x265: {  	[sflag:s16] =	ssyncadd.s32 $0xFFFF7000  }
0x266: {  	v3 =	vld [tilespmem:$0x80];
	_ =	sdelay $0x4  }
0x267: {  	v35 =	vshrl.u32 v3, $0x3  }
0x268: {  	v4 =	vmul.u32 $0x30, v35  }
0x269: {  	v3 =	vand.u32 $0x7, v3  }
0x26a: {  	v3 =	vor.u32 v3, v4  }
0x26b: {  	v4 =	vperm.xlane v3, v0;
	_ =	sdelay $0x1  }
0x26c: {  	v4 =	vadd.s32 v1, v4;
	_ =	sdelay $0x3  }
0x26d: {  	s0 =	simm.s32 $0x9300;
	v3 =	vperm.xlane v3, v2  }
0x26e: {  	[tilespmem:s0], [sflag:$0x2] =	stream.indirect_vreg.gather [hbm4b:s7+s2], $0x80, v4, vm0, $0xb8;
	[tilespmem:$0x18300] =	vst v63  }
0x26f: {  	s28 =	simm.s32 $0x9B00;
	v3 =	vadd.s32 v1, v3  }
0x270: {  	[tilespmem:s28], [sflag:$0x2] =	stream.indirect_vreg.gather [hbm4b:s21+s2], $0x80, v4, vm0, $0xb8;
	[tilespmem:$0x18300] =	vst v63  }
0x271: {  	_ = 	snop  }
0x272: {  	[tilespmem:s24], [sflag:$0x2] =	stream.indirect_vreg.gather [hbm4b:s22+s2], $0x80, v4, vm0, $0xb8;
	[tilespmem:$0x18300] =	vst v63  }
0x273: {  	s28 =	simm.s32 $0xAB00  }
0x274: {  	[tilespmem:s28], [sflag:$0x2] =	stream.indirect_vreg.gather [hbm4b:s7+s2], $0x80, v3, vm0, $0xb8;
	[tilespmem:$0x18300] =	vst v63  }
0x275: {  	s28 =	simm.s32 $0xB300  }
0x276: {  	[tilespmem:s28], [sflag:$0x2] =	stream.indirect_vreg.gather [hbm4b:s21+s2], $0x80, v3, vm0, $0xb8;
	[tilespmem:$0x18300] =	vst v63  }
0x277: {  	_ = 	snop  }
0x278: {  	[tilespmem:s26], [sflag:$0x2] =	stream.indirect_vreg.gather [hbm4b:s22+s2], $0x80, v3, vm0, $0xb8;
	[tilespmem:$0x18300] =	vst v63  }
0x279: {  	v3 =	vld [tilespmem:$0x90];
	_ =	sdelay $0x4  }
0x27a: {  	v36 =	vshrl.u32 v3, $0x3  }
0x27b: {  	v4 =	vmul.u32 $0x30, v36  }
0x27c: {  	v3 =	vand.u32 $0x7, v3  }
0x27d: {  	v3 =	vor.u32 v3, v4  }
0x27e: {  	v4 =	vperm.xlane v3, v0;
	_ =	sdelay $0x1  }
0x27f: {  	v4 =	vadd.s32 v1, v4;
	_ =	sdelay $0x3  }
0x280: {  	s28 =	simm.s32 $0xC300;
	v3 =	vperm.xlane v3, v2  }
0x281: {  	[tilespmem:s28], [sflag:$0x2] =	stream.indirect_vreg.gather [hbm4b:s7+s2], $0x80, v4, vm0, $0xb8;
	[tilespmem:$0x18300] =	vst v63  }
0x282: {  	v3 =	vadd.s32 v1, v3;
	s28 =	simm.s32 $0xCB00  }
0x283: {  	[tilespmem:s28], [sflag:$0x2] =	stream.indirect_vreg.gather [hbm4b:s21+s2], $0x80, v4, vm0, $0xb8;
	[tilespmem:$0x18300] =	vst v63  }
0x284: {  	s28 =	simm.s32 $0xD300  }
0x285: {  	[tilespmem:s28], [sflag:$0x2] =	stream.indirect_vreg.gather [hbm4b:s22+s2], $0x80, v4, vm0, $0xb8;
	[tilespmem:$0x18300] =	vst v63  }
0x286: {  	s28 =	simm.s32 $0xDB00  }
0x287: {  	[tilespmem:s28], [sflag:$0x2] =	stream.indirect_vreg.gather [hbm4b:s7+s2], $0x80, v3, vm0, $0xb8;
	[tilespmem:$0x18300] =	vst v63  }
0x288: {  	s28 =	simm.s32 $0xE300  }
0x289: {  	[tilespmem:s28], [sflag:$0x2] =	stream.indirect_vreg.gather [hbm4b:s21+s2], $0x80, v3, vm0, $0xb8;
	[tilespmem:$0x18300] =	vst v63  }
0x28a: {  	_ = 	snop  }
0x28b: {  	[tilespmem:s25], [sflag:$0x2] =	stream.indirect_vreg.gather [hbm4b:s22+s2], $0x80, v3, vm0, $0xb8;
	[tilespmem:$0x18300] =	vst v63  }
0x28c: {  	v3 =	vld [tilespmem:$0xA0];
	_ =	sdelay $0x4  }
0x28d: {  	v37 =	vshrl.u32 v3, $0x3  }
0x28e: {  	v4 =	vmul.u32 $0x30, v37  }
0x28f: {  	v3 =	vand.u32 $0x7, v3  }
0x290: {  	v3 =	vor.u32 v3, v4  }
0x291: {  	v4 =	vperm.xlane v3, v0;
	_ =	sdelay $0x1  }
0x292: {  	v4 =	vadd.s32 v1, v4;
	_ =	sdelay $0x3  }
0x293: {  	v3 =	vperm.xlane v3, v2  }
0x294: {  	[tilespmem:s29], [sflag:$0x2] =	stream.indirect_vreg.gather [hbm4b:s7+s2], $0x80, v4, vm0, $0xb8;
	[tilespmem:$0x18300] =	vst v63  }
0x295: {  	s28 =	simm.s32 $0xFB00;
	v3 =	vadd.s32 v1, v3  }
0x296: {  	[tilespmem:s28], [sflag:$0x2] =	stream.indirect_vreg.gather [hbm4b:s21+s2], $0x80, v4, vm0, $0xb8;
	[tilespmem:$0x18300] =	vst v63  }
0x297: {  	s29 =	simm.s32 $0x10300  }
0x298: {  	[tilespmem:s29], [sflag:$0x2] =	stream.indirect_vreg.gather [hbm4b:s22+s2], $0x80, v4, vm0, $0xb8;
	[tilespmem:$0x18300] =	vst v63  }
0x299: {  	_ = 	snop  }
0x29a: {  	[tilespmem:s23], [sflag:$0x2] =	stream.indirect_vreg.gather [hbm4b:s7+s2], $0x80, v3, vm0, $0xb8;
	[tilespmem:$0x18300] =	vst v63  }
0x29b: {  	_ = 	snop  }
0x29c: {  	[tilespmem:s30], [sflag:$0x2] =	stream.indirect_vreg.gather [hbm4b:s21+s2], $0x80, v3, vm0, $0xb8;
	[tilespmem:$0x18300] =	vst v63  }
0x29d: {  	s30 =	simm.s32 $0x11B00  }
0x29e: {  	[tilespmem:s30], [sflag:$0x2] =	stream.indirect_vreg.gather [hbm4b:s22+s2], $0x80, v3, vm0, $0xb8;
	[tilespmem:$0x18300] =	vst v63  }
0x29f: {  	_ =	swait.ge [sflag:s14], $0x9000  }
0x2a0: {  	[sflag:s14] =	ssyncset.done $0x0  }
0x2a1: {  	s25 =	rddreg [dreg:$0xc];
	[sflag:s14] =	ssyncadd.s32 $0xFFFF7000  }
0x2a2: {  	[hbm4b:s25+s2] =	stream.linear.scatter [tilespmem:s0], [sflag:$0x4], $0x9000, $0x38;
	[tilespmem:$0x18300] =	vst v63  }
0x2a3: {  	_ =	swait.ge [sflag:s15], $0x9000  }
0x2a4: {  	[sflag:s15] =	ssyncset.done $0x0  }
0x2a5: {  	[sflag:s15] =	ssyncadd.s32 $0xFFFF7000  }
0x2a6: {  	v3 =	vld [tilespmem:$0x100];
	_ =	sdelay $0x4  }
0x2a7: {  	v38 =	vshrl.u32 v3, $0x3  }
0x2a8: {  	v4 =	vmul.u32 $0x30, v38  }
0x2a9: {  	v3 =	vand.u32 $0x7, v3  }
0x2aa: {  	v3 =	vor.u32 v3, v4  }
0x2ab: {  	v4 =	vperm.xlane v3, v0;
	_ =	sdelay $0x1  }
0x2ac: {  	v4 =	vadd.s32 v1, v4;
	_ =	sdelay $0x3  }
0x2ad: {  	s31 =	simm.s32 $0x300;
	v3 =	vperm.xlane v3, v2  }
0x2ae: {  	[tilespmem:s31], [sflag:$0x1] =	stream.indirect_vreg.gather [hbm4b:s7+s2], $0x80, v4, vm0, $0xb8;
	[tilespmem:$0x18300] =	vst v63  }
0x2af: {  	s29 =	simm.s32 $0xB00;
	v3 =	vadd.s32 v1, v3  }
0x2b0: {  	[tilespmem:s29], [sflag:$0x1] =	stream.indirect_vreg.gather [hbm4b:s21+s2], $0x80, v4, vm0, $0xb8;
	[tilespmem:$0x18300] =	vst v63  }
0x2b1: {  	s28 =	simm.s32 $0x1300  }
0x2b2: {  	[tilespmem:s28], [sflag:$0x1] =	stream.indirect_vreg.gather [hbm4b:s22+s2], $0x80, v4, vm0, $0xb8;
	[tilespmem:$0x18300] =	vst v63  }
0x2b3: {  	s30 =	simm.s32 $0x1B00  }
0x2b4: {  	[tilespmem:s30], [sflag:$0x1] =	stream.indirect_vreg.gather [hbm4b:s7+s2], $0x80, v3, vm0, $0xb8;
	[tilespmem:$0x18300] =	vst v63  }
0x2b5: {  	s23 =	simm.s32 $0x2300  }
0x2b6: {  	[tilespmem:s23], [sflag:$0x1] =	stream.indirect_vreg.gather [hbm4b:s21+s2], $0x80, v3, vm0, $0xb8;
	[tilespmem:$0x18300] =	vst v63  }
0x2b7: {  	s25 =	simm.s32 $0x2B00  }
0x2b8: {  	[tilespmem:s25], [sflag:$0x1] =	stream.indirect_vreg.gather [hbm4b:s22+s2], $0x80, v3, vm0, $0xb8;
	[tilespmem:$0x18300] =	vst v63  }
0x2b9: {  	v3 =	vld [tilespmem:$0x110];
	_ =	sdelay $0x4  }
0x2ba: {  	v39 =	vshrl.u32 v3, $0x3  }
0x2bb: {  	v4 =	vmul.u32 $0x30, v39  }
0x2bc: {  	v3 =	vand.u32 $0x7, v3  }
0x2bd: {  	v3 =	vor.u32 v3, v4  }
0x2be: {  	v4 =	vperm.xlane v3, v0;
	_ =	sdelay $0x1  }
0x2bf: {  	v4 =	vadd.s32 v1, v4;
	_ =	sdelay $0x3  }
0x2c0: {  	s28 =	simm.s32 $0x3300;
	v3 =	vperm.xlane v3, v2  }
0x2c1: {  	[tilespmem:s28], [sflag:$0x1] =	stream.indirect_vreg.gather [hbm4b:s7+s2], $0x80, v4, vm0, $0xb8;
	[tilespmem:$0x18300] =	vst v63  }
0x2c2: {  	s30 =	simm.s32 $0x3B00;
	v3 =	vadd.s32 v1, v3  }
0x2c3: {  	[tilespmem:s30], [sflag:$0x1] =	stream.indirect_vreg.gather [hbm4b:s21+s2], $0x80, v4, vm0, $0xb8;
	[tilespmem:$0x18300] =	vst v63  }
0x2c4: {  	s23 =	simm.s32 $0x4300  }
0x2c5: {  	[tilespmem:s23], [sflag:$0x1] =	stream.indirect_vreg.gather [hbm4b:s22+s2], $0x80, v4, vm0, $0xb8;
	[tilespmem:$0x18300] =	vst v63  }
0x2c6: {  	s25 =	simm.s32 $0x4B00  }
0x2c7: {  	[tilespmem:s25], [sflag:$0x1] =	stream.indirect_vreg.gather [hbm4b:s7+s2], $0x80, v3, vm0, $0xb8;
	[tilespmem:$0x18300] =	vst v63  }
0x2c8: {  	_ = 	snop  }
0x2c9: {  	[tilespmem:s13], [sflag:$0x1] =	stream.indirect_vreg.gather [hbm4b:s21+s2], $0x80, v3, vm0, $0xb8;
	[tilespmem:$0x18300] =	vst v63  }
0x2ca: {  	s28 =	simm.s32 $0x5B00  }
0x2cb: {  	[tilespmem:s28], [sflag:$0x1] =	stream.indirect_vreg.gather [hbm4b:s22+s2], $0x80, v3, vm0, $0xb8;
	[tilespmem:$0x18300] =	vst v63  }
0x2cc: {  	v3 =	vld [tilespmem:$0x120];
	_ =	sdelay $0x4  }
0x2cd: {  	v40 =	vshrl.u32 v3, $0x3  }
0x2ce: {  	v4 =	vmul.u32 $0x30, v40  }
0x2cf: {  	v3 =	vand.u32 $0x7, v3  }
0x2d0: {  	v3 =	vor.u32 v3, v4  }
0x2d1: {  	v4 =	vperm.xlane v3, v0;
	_ =	sdelay $0x1  }
0x2d2: {  	v4 =	vadd.s32 v1, v4;
	_ =	sdelay $0x3  }
0x2d3: {  	s30 =	simm.s32 $0x6300;
	v3 =	vperm.xlane v3, v2  }
0x2d4: {  	[tilespmem:s30], [sflag:$0x1] =	stream.indirect_vreg.gather [hbm4b:s7+s2], $0x80, v4, vm0, $0xb8;
	[tilespmem:$0x18300] =	vst v63  }
0x2d5: {  	v3 =	vadd.s32 v1, v3  }
0x2d6: {  	[tilespmem:s12], [sflag:$0x1] =	stream.indirect_vreg.gather [hbm4b:s21+s2], $0x80, v4, vm0, $0xb8;
	[tilespmem:$0x18300] =	vst v63  }
0x2d7: {  	_ = 	snop  }
0x2d8: {  	[tilespmem:s3], [sflag:$0x1] =	stream.indirect_vreg.gather [hbm4b:s22+s2], $0x80, v4, vm0, $0xb8;
	[tilespmem:$0x18300] =	vst v63  }
0x2d9: {  	_ = 	snop  }
0x2da: {  	[tilespmem:s6], [sflag:$0x1] =	stream.indirect_vreg.gather [hbm4b:s7+s2], $0x80, v3, vm0, $0xb8;
	[tilespmem:$0x18300] =	vst v63  }
0x2db: {  	_ = 	snop  }
0x2dc: {  	[tilespmem:s8], [sflag:$0x1] =	stream.indirect_vreg.gather [hbm4b:s21+s2], $0x80, v3, vm0, $0xb8;
	[tilespmem:$0x18300] =	vst v63  }
0x2dd: {  	_ = 	snop  }
0x2de: {  	[tilespmem:s11], [sflag:$0x1] =	stream.indirect_vreg.gather [hbm4b:s22+s2], $0x80, v3, vm0, $0xb8;
	[tilespmem:$0x18300] =	vst v63  }
0x2df: {  	_ =	swait.ge [sflag:s1], $0x9000  }
0x2e0: {  	[sflag:s1] =	ssyncset.done $0x0  }
0x2e1: {  	s13 =	rddreg [dreg:$0xd];
	[sflag:s1] =	ssyncadd.s32 $0xFFFF7000  }
0x2e2: {  	[hbm4b:s13+s2] =	stream.linear.scatter [tilespmem:s31], [sflag:$0x3], $0x9000, $0x38;
	[tilespmem:$0x18300] =	vst v63  }
0x2e3: {  	_ =	swait.ge [sflag:s16], $0x9000  }
0x2e4: {  	[sflag:s16] =	ssyncset.done $0x0  }
0x2e5: {  	[sflag:s16] =	ssyncadd.s32 $0xFFFF7000  }
0x2e6: {  	v3 =	vld [tilespmem:$0x180];
	_ =	sdelay $0x4  }
0x2e7: {  	v41 =	vshrl.u32 v3, $0x3  }
0x2e8: {  	v4 =	vmul.u32 $0x30, v41  }
0x2e9: {  	v3 =	vand.u32 $0x7, v3  }
0x2ea: {  	v3 =	vor.u32 v3, v4  }
0x2eb: {  	v4 =	vperm.xlane v3, v0;
	_ =	sdelay $0x1  }
0x2ec: {  	v4 =	vadd.s32 v1, v4;
	_ =	sdelay $0x3  }
0x2ed: {  	s6 =	simm.s32 $0x9300;
	v3 =	vperm.xlane v3, v2  }
0x2ee: {  	[tilespmem:s6], [sflag:$0x2] =	stream.indirect_vreg.gather [hbm4b:s7+s2], $0x80, v4, vm0, $0xb8;
	[tilespmem:$0x18300] =	vst v63  }
0x2ef: {  	s25 =	simm.s32 $0x9B00;
	v3 =	vadd.s32 v1, v3  }
0x2f0: {  	[tilespmem:s25], [sflag:$0x2] =	stream.indirect_vreg.gather [hbm4b:s21+s2], $0x80, v4, vm0, $0xb8;
	[tilespmem:$0x18300] =	vst v63  }
0x2f1: {  	s24 =	simm.s32 $0xA300  }
0x2f2: {  	[tilespmem:s24], [sflag:$0x2] =	stream.indirect_vreg.gather [hbm4b:s22+s2], $0x80, v4, vm0, $0xb8;
	[tilespmem:$0x18300] =	vst v63  }
0x2f3: {  	s0 =	simm.s32 $0xAB00  }
0x2f4: {  	[tilespmem:s0], [sflag:$0x2] =	stream.indirect_vreg.gather [hbm4b:s7+s2], $0x80, v3, vm0, $0xb8;
	[tilespmem:$0x18300] =	vst v63  }
0x2f5: {  	s28 =	simm.s32 $0xB300  }
0x2f6: {  	[tilespmem:s28], [sflag:$0x2] =	stream.indirect_vreg.gather [hbm4b:s21+s2], $0x80, v3, vm0, $0xb8;
	[tilespmem:$0x18300] =	vst v63  }
0x2f7: {  	s23 =	simm.s32 $0xBB00  }
0x2f8: {  	[tilespmem:s23], [sflag:$0x2] =	stream.indirect_vreg.gather [hbm4b:s22+s2], $0x80, v3, vm0, $0xb8;
	[tilespmem:$0x18300] =	vst v63  }
0x2f9: {  	v3 =	vld [tilespmem:$0x190];
	_ =	sdelay $0x4  }
0x2fa: {  	v42 =	vshrl.u32 v3, $0x3  }
0x2fb: {  	v4 =	vmul.u32 $0x30, v42  }
0x2fc: {  	v3 =	vand.u32 $0x7, v3  }
0x2fd: {  	v3 =	vor.u32 v3, v4  }
0x2fe: {  	v4 =	vperm.xlane v3, v0;
	_ =	sdelay $0x1  }
0x2ff: {  	v4 =	vadd.s32 v1, v4;
	_ =	sdelay $0x3  }
0x300: {  	s11 =	simm.s32 $0xC300;
	v3 =	vperm.xlane v3, v2  }
0x301: {  	[tilespmem:s11], [sflag:$0x2] =	stream.indirect_vreg.gather [hbm4b:s7+s2], $0x80, v4, vm0, $0xb8;
	[tilespmem:$0x18300] =	vst v63  }
0x302: {  	s26 =	simm.s32 $0xCB00;
	v3 =	vadd.s32 v1, v3  }
0x303: {  	[tilespmem:s26], [sflag:$0x2] =	stream.indirect_vreg.gather [hbm4b:s21+s2], $0x80, v4, vm0, $0xb8;
	[tilespmem:$0x18300] =	vst v63  }
0x304: {  	s8 =	simm.s32 $0xD300  }
0x305: {  	[tilespmem:s8], [sflag:$0x2] =	stream.indirect_vreg.gather [hbm4b:s22+s2], $0x80, v4, vm0, $0xb8;
	[tilespmem:$0x18300] =	vst v63  }
0x306: {  	s31 =	simm.s32 $0xDB00  }
0x307: {  	[tilespmem:s31], [sflag:$0x2] =	stream.indirect_vreg.gather [hbm4b:s7+s2], $0x80, v3, vm0, $0xb8;
	[tilespmem:$0x18300] =	vst v63  }
0x308: {  	s24 =	simm.s32 $0xE300  }
0x309: {  	[tilespmem:s24], [sflag:$0x2] =	stream.indirect_vreg.gather [hbm4b:s21+s2], $0x80, v3, vm0, $0xb8;
	[tilespmem:$0x18300] =	vst v63  }
0x30a: {  	s12 =	simm.s32 $0xEB00  }
0x30b: {  	[tilespmem:s12], [sflag:$0x2] =	stream.indirect_vreg.gather [hbm4b:s22+s2], $0x80, v3, vm0, $0xb8;
	[tilespmem:$0x18300] =	vst v63  }
0x30c: {  	v3 =	vld [tilespmem:$0x1A0];
	_ =	sdelay $0x4  }
0x30d: {  	v43 =	vshrl.u32 v3, $0x3  }
0x30e: {  	v4 =	vmul.u32 $0x30, v43  }
0x30f: {  	v3 =	vand.u32 $0x7, v3  }
0x310: {  	v3 =	vor.u32 v3, v4  }
0x311: {  	v4 =	vperm.xlane v3, v0;
	_ =	sdelay $0x1  }
0x312: {  	v4 =	vadd.s32 v1, v4;
	_ =	sdelay $0x3  }
0x313: {  	s13 =	simm.s32 $0xF300;
	v3 =	vperm.xlane v3, v2  }
0x314: {  	[tilespmem:s13], [sflag:$0x2] =	stream.indirect_vreg.gather [hbm4b:s7+s2], $0x80, v4, vm0, $0xb8;
	[tilespmem:$0x18300] =	vst v63  }
0x315: {  	s26 =	simm.s32 $0xFB00;
	v3 =	vadd.s32 v1, v3  }
0x316: {  	[tilespmem:s26], [sflag:$0x2] =	stream.indirect_vreg.gather [hbm4b:s21+s2], $0x80, v4, vm0, $0xb8;
	[tilespmem:$0x18300] =	vst v63  }
0x317: {  	s30 =	simm.s32 $0x10300  }
0x318: {  	[tilespmem:s30], [sflag:$0x2] =	stream.indirect_vreg.gather [hbm4b:s22+s2], $0x80, v4, vm0, $0xb8;
	[tilespmem:$0x18300] =	vst v63  }
0x319: {  	s26 =	simm.s32 $0x10B00  }
0x31a: {  	[tilespmem:s26], [sflag:$0x2] =	stream.indirect_vreg.gather [hbm4b:s7+s2], $0x80, v3, vm0, $0xb8;
	[tilespmem:$0x18300] =	vst v63  }
0x31b: {  	s30 =	simm.s32 $0x11300  }
0x31c: {  	[tilespmem:s30], [sflag:$0x2] =	stream.indirect_vreg.gather [hbm4b:s21+s2], $0x80, v3, vm0, $0xb8;
	[tilespmem:$0x18300] =	vst v63  }
0x31d: {  	s23 =	simm.s32 $0x11B00  }
0x31e: {  	[tilespmem:s23], [sflag:$0x2] =	stream.indirect_vreg.gather [hbm4b:s22+s2], $0x80, v3, vm0, $0xb8;
	[tilespmem:$0x18300] =	vst v63  }
0x31f: {  	_ =	swait.ge [sflag:s14], $0x9000  }
0x320: {  	[sflag:s14] =	ssyncset.done $0x0  }
0x321: {  	s24 =	rddreg [dreg:$0xe];
	[sflag:s14] =	ssyncadd.s32 $0xFFFF7000  }
0x322: {  	[hbm4b:s24+s2] =	stream.linear.scatter [tilespmem:s6], [sflag:$0x4], $0x9000, $0x38;
	[tilespmem:$0x18300] =	vst v63  }
0x323: {  	_ =	swait.ge [sflag:s15], $0x9000  }
0x324: {  	[sflag:s15] =	ssyncset.done $0x0  }
0x325: {  	[sflag:s15] =	ssyncadd.s32 $0xFFFF7000  }
0x326: {  	v3 =	vld [tilespmem:$0x0];
	_ =	sdelay $0x4  }
0x327: {  	v44 =	vshrl.u32 v3, $0x3  }
0x328: {  	v4 =	vmul.u32 $0x30, v44  }
0x329: {  	v3 =	vand.u32 $0x7, v3  }
0x32a: {  	v3 =	vor.u32 v3, v4  }
0x32b: {  	v4 =	vperm.xlane v3, v0;
	_ =	sdelay $0x1  }
0x32c: {  	v4 =	vadd.s32 v1, v4;
	_ =	sdelay $0x3  }
0x32d: {  	s6 =	simm.s32 $0x300;
	v3 =	vperm.xlane v3, v2  }
0x32e: {  	[tilespmem:s6], [sflag:$0x1] =	stream.indirect_vreg.gather [hbm4b:s9+s2], $0x80, v4, vm0, $0xb8;
	[tilespmem:$0x18300] =	vst v63  }
0x32f: {  	s23 =	sadd.s32 $0x100, s9;
	v3 =	vadd.s32 v1, v3  }
0x330: {  	[tilespmem:s29], [sflag:$0x1] =	stream.indirect_vreg.gather [hbm4b:s23+s2], $0x80, v4, vm0, $0xb8;
	[tilespmem:$0x18300] =	vst v63  }
0x331: {  	s24 =	sadd.s32 $0x200, s9;
	s29 =	simm.s32 $0x1300  }
0x332: {  	[tilespmem:s29], [sflag:$0x1] =	stream.indirect_vreg.gather [hbm4b:s24+s2], $0x80, v4, vm0, $0xb8;
	[tilespmem:$0x18300] =	vst v63  }
0x333: {  	s29 =	simm.s32 $0x1B00  }
0x334: {  	[tilespmem:s29], [sflag:$0x1] =	stream.indirect_vreg.gather [hbm4b:s9+s2], $0x80, v3, vm0, $0xb8;
	[tilespmem:$0x18300] =	vst v63  }
0x335: {  	s29 =	simm.s32 $0x2300  }
0x336: {  	[tilespmem:s29], [sflag:$0x1] =	stream.indirect_vreg.gather [hbm4b:s23+s2], $0x80, v3, vm0, $0xb8;
	[tilespmem:$0x18300] =	vst v63  }
0x337: {  	s29 =	simm.s32 $0x2B00  }
0x338: {  	[tilespmem:s29], [sflag:$0x1] =	stream.indirect_vreg.gather [hbm4b:s24+s2], $0x80, v3, vm0, $0xb8;
	[tilespmem:$0x18300] =	vst v63  }
0x339: {  	v3 =	vld [tilespmem:$0x10];
	_ =	sdelay $0x4  }
0x33a: {  	v45 =	vshrl.u32 v3, $0x3  }
0x33b: {  	v4 =	vmul.u32 $0x30, v45  }
0x33c: {  	v3 =	vand.u32 $0x7, v3  }
0x33d: {  	v3 =	vor.u32 v3, v4  }
0x33e: {  	v4 =	vperm.xlane v3, v0;
	_ =	sdelay $0x1  }
0x33f: {  	v4 =	vadd.s32 v1, v4;
	_ =	sdelay $0x3  }
0x340: {  	s29 =	simm.s32 $0x3300;
	v3 =	vperm.xlane v3, v2  }
0x341: {  	[tilespmem:s29], [sflag:$0x1] =	stream.indirect_vreg.gather [hbm4b:s9+s2], $0x80, v4, vm0, $0xb8;
	[tilespmem:$0x18300] =	vst v63  }
0x342: {  	v3 =	vadd.s32 v1, v3;
	s29 =	simm.s32 $0x3B00  }
0x343: {  	[tilespmem:s29], [sflag:$0x1] =	stream.indirect_vreg.gather [hbm4b:s23+s2], $0x80, v4, vm0, $0xb8;
	[tilespmem:$0x18300] =	vst v63  }
0x344: {  	s29 =	simm.s32 $0x4300  }
0x345: {  	[tilespmem:s29], [sflag:$0x1] =	stream.indirect_vreg.gather [hbm4b:s24+s2], $0x80, v4, vm0, $0xb8;
	[tilespmem:$0x18300] =	vst v63  }
0x346: {  	s29 =	simm.s32 $0x4B00  }
0x347: {  	[tilespmem:s29], [sflag:$0x1] =	stream.indirect_vreg.gather [hbm4b:s9+s2], $0x80, v3, vm0, $0xb8;
	[tilespmem:$0x18300] =	vst v63  }
0x348: {  	s29 =	simm.s32 $0x5300  }
0x349: {  	[tilespmem:s29], [sflag:$0x1] =	stream.indirect_vreg.gather [hbm4b:s23+s2], $0x80, v3, vm0, $0xb8;
	[tilespmem:$0x18300] =	vst v63  }
0x34a: {  	s29 =	simm.s32 $0x5B00  }
0x34b: {  	[tilespmem:s29], [sflag:$0x1] =	stream.indirect_vreg.gather [hbm4b:s24+s2], $0x80, v3, vm0, $0xb8;
	[tilespmem:$0x18300] =	vst v63  }
0x34c: {  	v3 =	vld [tilespmem:$0x20];
	_ =	sdelay $0x4  }
0x34d: {  	v46 =	vshrl.u32 v3, $0x3  }
0x34e: {  	v4 =	vmul.u32 $0x30, v46  }
0x34f: {  	v3 =	vand.u32 $0x7, v3  }
0x350: {  	v3 =	vor.u32 v3, v4  }
0x351: {  	v4 =	vperm.xlane v3, v0;
	_ =	sdelay $0x1  }
0x352: {  	v4 =	vadd.s32 v1, v4;
	_ =	sdelay $0x3  }
0x353: {  	s29 =	simm.s32 $0x6300;
	v3 =	vperm.xlane v3, v2  }
0x354: {  	[tilespmem:s29], [sflag:$0x1] =	stream.indirect_vreg.gather [hbm4b:s9+s2], $0x80, v4, vm0, $0xb8;
	[tilespmem:$0x18300] =	vst v63  }
0x355: {  	v3 =	vadd.s32 v1, v3;
	s29 =	simm.s32 $0x6B00  }
0x356: {  	[tilespmem:s29], [sflag:$0x1] =	stream.indirect_vreg.gather [hbm4b:s23+s2], $0x80, v4, vm0, $0xb8;
	[tilespmem:$0x18300] =	vst v63  }
0x357: {  	s29 =	simm.s32 $0x7300  }
0x358: {  	[tilespmem:s29], [sflag:$0x1] =	stream.indirect_vreg.gather [hbm4b:s24+s2], $0x80, v4, vm0, $0xb8;
	[tilespmem:$0x18300] =	vst v63  }
0x359: {  	s29 =	simm.s32 $0x7B00  }
0x35a: {  	[tilespmem:s29], [sflag:$0x1] =	stream.indirect_vreg.gather [hbm4b:s9+s2], $0x80, v3, vm0, $0xb8;
	[tilespmem:$0x18300] =	vst v63  }
0x35b: {  	s29 =	simm.s32 $0x8300  }
0x35c: {  	[tilespmem:s29], [sflag:$0x1] =	stream.indirect_vreg.gather [hbm4b:s23+s2], $0x80, v3, vm0, $0xb8;
	[tilespmem:$0x18300] =	vst v63  }
0x35d: {  	s29 =	simm.s32 $0x8B00  }
0x35e: {  	[tilespmem:s29], [sflag:$0x1] =	stream.indirect_vreg.gather [hbm4b:s24+s2], $0x80, v3, vm0, $0xb8;
	[tilespmem:$0x18300] =	vst v63  }
0x35f: {  	_ =	swait.ge [sflag:s1], $0x9000  }
0x360: {  	[sflag:s1] =	ssyncset.done $0x0  }
0x361: {  	s3 =	rddreg [dreg:$0x16];
	[sflag:s1] =	ssyncadd.s32 $0xFFFF7000  }
0x362: {  	[hbm4b:s3+s2] =	stream.linear.scatter [tilespmem:s6], [sflag:$0x3], $0x9000, $0x38;
	[tilespmem:$0x18300] =	vst v63  }
0x363: {  	_ =	swait.ge [sflag:s16], $0x9000  }
0x364: {  	[sflag:s16] =	ssyncset.done $0x0  }
0x365: {  	[sflag:s16] =	ssyncadd.s32 $0xFFFF7000  }
0x366: {  	v3 =	vld [tilespmem:$0x80];
	_ =	sdelay $0x4  }
0x367: {  	v47 =	vshrl.u32 v3, $0x3  }
0x368: {  	v4 =	vmul.u32 $0x30, v47  }
0x369: {  	v3 =	vand.u32 $0x7, v3  }
0x36a: {  	v3 =	vor.u32 v3, v4  }
0x36b: {  	v4 =	vperm.xlane v3, v0;
	_ =	sdelay $0x1  }
0x36c: {  	v4 =	vadd.s32 v1, v4;
	_ =	sdelay $0x3  }
0x36d: {  	s29 =	simm.s32 $0x9300;
	v3 =	vperm.xlane v3, v2  }
0x36e: {  	[tilespmem:s29], [sflag:$0x2] =	stream.indirect_vreg.gather [hbm4b:s9+s2], $0x80, v4, vm0, $0xb8;
	[tilespmem:$0x18300] =	vst v63  }
0x36f: {  	v3 =	vadd.s32 v1, v3  }
0x370: {  	[tilespmem:s25], [sflag:$0x2] =	stream.indirect_vreg.gather [hbm4b:s23+s2], $0x80, v4, vm0, $0xb8;
	[tilespmem:$0x18300] =	vst v63  }
0x371: {  	s29 =	simm.s32 $0xA300  }
0x372: {  	[tilespmem:s29], [sflag:$0x2] =	stream.indirect_vreg.gather [hbm4b:s24+s2], $0x80, v4, vm0, $0xb8;
	[tilespmem:$0x18300] =	vst v63  }
0x373: {  	_ = 	snop  }
0x374: {  	[tilespmem:s0], [sflag:$0x2] =	stream.indirect_vreg.gather [hbm4b:s9+s2], $0x80, v3, vm0, $0xb8;
	[tilespmem:$0x18300] =	vst v63  }
0x375: {  	_ = 	snop  }
0x376: {  	[tilespmem:s28], [sflag:$0x2] =	stream.indirect_vreg.gather [hbm4b:s23+s2], $0x80, v3, vm0, $0xb8;
	[tilespmem:$0x18300] =	vst v63  }
0x377: {  	s25 =	simm.s32 $0xBB00  }
0x378: {  	[tilespmem:s25], [sflag:$0x2] =	stream.indirect_vreg.gather [hbm4b:s24+s2], $0x80, v3, vm0, $0xb8;
	[tilespmem:$0x18300] =	vst v63  }
0x379: {  	v3 =	vld [tilespmem:$0x90];
	_ =	sdelay $0x4  }
0x37a: {  	v48 =	vshrl.u32 v3, $0x3  }
0x37b: {  	v4 =	vmul.u32 $0x30, v48  }
0x37c: {  	v3 =	vand.u32 $0x7, v3  }
0x37d: {  	v3 =	vor.u32 v3, v4  }
0x37e: {  	v4 =	vperm.xlane v3, v0;
	_ =	sdelay $0x1  }
0x37f: {  	v4 =	vadd.s32 v1, v4;
	_ =	sdelay $0x3  }
0x380: {  	v3 =	vperm.xlane v3, v2  }
0x381: {  	[tilespmem:s11], [sflag:$0x2] =	stream.indirect_vreg.gather [hbm4b:s9+s2], $0x80, v4, vm0, $0xb8;
	[tilespmem:$0x18300] =	vst v63  }
0x382: {  	s29 =	simm.s32 $0xCB00;
	v3 =	vadd.s32 v1, v3  }
0x383: {  	[tilespmem:s29], [sflag:$0x2] =	stream.indirect_vreg.gather [hbm4b:s23+s2], $0x80, v4, vm0, $0xb8;
	[tilespmem:$0x18300] =	vst v63  }
0x384: {  	_ = 	snop  }
0x385: {  	[tilespmem:s8], [sflag:$0x2] =	stream.indirect_vreg.gather [hbm4b:s24+s2], $0x80, v4, vm0, $0xb8;
	[tilespmem:$0x18300] =	vst v63  }
0x386: {  	_ = 	snop  }
0x387: {  	[tilespmem:s31], [sflag:$0x2] =	stream.indirect_vreg.gather [hbm4b:s9+s2], $0x80, v3, vm0, $0xb8;
	[tilespmem:$0x18300] =	vst v63  }
0x388: {  	s8 =	simm.s32 $0xE300  }
0x389: {  	[tilespmem:s8], [sflag:$0x2] =	stream.indirect_vreg.gather [hbm4b:s23+s2], $0x80, v3, vm0, $0xb8;
	[tilespmem:$0x18300] =	vst v63  }
0x38a: {  	_ = 	snop  }
0x38b: {  	[tilespmem:s12], [sflag:$0x2] =	stream.indirect_vreg.gather [hbm4b:s24+s2], $0x80, v3, vm0, $0xb8;
	[tilespmem:$0x18300] =	vst v63  }
0x38c: {  	v3 =	vld [tilespmem:$0xA0];
	_ =	sdelay $0x4  }
0x38d: {  	v49 =	vshrl.u32 v3, $0x3  }
0x38e: {  	v4 =	vmul.u32 $0x30, v49  }
0x38f: {  	v3 =	vand.u32 $0x7, v3  }
0x390: {  	v3 =	vor.u32 v3, v4  }
0x391: {  	v4 =	vperm.xlane v3, v0;
	_ =	sdelay $0x1  }
0x392: {  	v4 =	vadd.s32 v1, v4;
	_ =	sdelay $0x3  }
0x393: {  	v3 =	vperm.xlane v3, v2  }
0x394: {  	[tilespmem:s13], [sflag:$0x2] =	stream.indirect_vreg.gather [hbm4b:s9+s2], $0x80, v4, vm0, $0xb8;
	[tilespmem:$0x18300] =	vst v63  }
0x395: {  	s25 =	simm.s32 $0xFB00;
	v3 =	vadd.s32 v1, v3  }
0x396: {  	[tilespmem:s25], [sflag:$0x2] =	stream.indirect_vreg.gather [hbm4b:s23+s2], $0x80, v4, vm0, $0xb8;
	[tilespmem:$0x18300] =	vst v63  }
0x397: {  	s0 =	simm.s32 $0x10300  }
0x398: {  	[tilespmem:s0], [sflag:$0x2] =	stream.indirect_vreg.gather [hbm4b:s24+s2], $0x80, v4, vm0, $0xb8;
	[tilespmem:$0x18300] =	vst v63  }
0x399: {  	_ = 	snop  }
0x39a: {  	[tilespmem:s26], [sflag:$0x2] =	stream.indirect_vreg.gather [hbm4b:s9+s2], $0x80, v3, vm0, $0xb8;
	[tilespmem:$0x18300] =	vst v63  }
0x39b: {  	_ = 	snop  }
0x39c: {  	[tilespmem:s30], [sflag:$0x2] =	stream.indirect_vreg.gather [hbm4b:s23+s2], $0x80, v3, vm0, $0xb8;
	[tilespmem:$0x18300] =	vst v63  }
0x39d: {  	s26 =	simm.s32 $0x11B00  }
0x39e: {  	[tilespmem:s26], [sflag:$0x2] =	stream.indirect_vreg.gather [hbm4b:s24+s2], $0x80, v3, vm0, $0xb8;
	[tilespmem:$0x18300] =	vst v63  }
0x39f: {  	_ =	swait.ge [sflag:s14], $0x9000  }
0x3a0: {  	[sflag:s14] =	ssyncset.done $0x0  }
0x3a1: {  	s26 =	simm.s32 $0x9300;
	s29 =	rddreg [dreg:$0xf];
	[sflag:s14] =	ssyncadd.s32 $0xFFFF7000  }
0x3a2: {  	[hbm4b:s29+s2] =	stream.linear.scatter [tilespmem:s26], [sflag:$0x4], $0x9000, $0x38;
	[tilespmem:$0x18300] =	vst v63  }
0x3a3: {  	_ =	swait.ge [sflag:s15], $0x9000  }
0x3a4: {  	[sflag:s15] =	ssyncset.done $0x0  }
0x3a5: {  	[sflag:s15] =	ssyncadd.s32 $0xFFFF7000  }
0x3a6: {  	v3 =	vld [tilespmem:$0x100];
	_ =	sdelay $0x4  }
0x3a7: {  	v50 =	vshrl.u32 v3, $0x3  }
0x3a8: {  	v4 =	vmul.u32 $0x30, v50  }
0x3a9: {  	v3 =	vand.u32 $0x7, v3  }
0x3aa: {  	v3 =	vor.u32 v3, v4  }
0x3ab: {  	v4 =	vperm.xlane v3, v0;
	_ =	sdelay $0x1  }
0x3ac: {  	v4 =	vadd.s32 v1, v4;
	_ =	sdelay $0x3  }
0x3ad: {  	s6 =	simm.s32 $0x300;
	v3 =	vperm.xlane v3, v2  }
0x3ae: {  	[tilespmem:s6], [sflag:$0x1] =	stream.indirect_vreg.gather [hbm4b:s9+s2], $0x80, v4, vm0, $0xb8;
	[tilespmem:$0x18300] =	vst v63  }
0x3af: {  	s29 =	simm.s32 $0xB00;
	v3 =	vadd.s32 v1, v3  }
0x3b0: {  	[tilespmem:s29], [sflag:$0x1] =	stream.indirect_vreg.gather [hbm4b:s23+s2], $0x80, v4, vm0, $0xb8;
	[tilespmem:$0x18300] =	vst v63  }
0x3b1: {  	s29 =	simm.s32 $0x1300  }
0x3b2: {  	[tilespmem:s29], [sflag:$0x1] =	stream.indirect_vreg.gather [hbm4b:s24+s2], $0x80, v4, vm0, $0xb8;
	[tilespmem:$0x18300] =	vst v63  }
0x3b3: {  	s29 =	simm.s32 $0x1B00  }
0x3b4: {  	[tilespmem:s29], [sflag:$0x1] =	stream.indirect_vreg.gather [hbm4b:s9+s2], $0x80, v3, vm0, $0xb8;
	[tilespmem:$0x18300] =	vst v63  }
0x3b5: {  	s29 =	simm.s32 $0x2300  }
0x3b6: {  	[tilespmem:s29], [sflag:$0x1] =	stream.indirect_vreg.gather [hbm4b:s23+s2], $0x80, v3, vm0, $0xb8;
	[tilespmem:$0x18300] =	vst v63  }
0x3b7: {  	s29 =	simm.s32 $0x2B00  }
0x3b8: {  	[tilespmem:s29], [sflag:$0x1] =	stream.indirect_vreg.gather [hbm4b:s24+s2], $0x80, v3, vm0, $0xb8;
	[tilespmem:$0x18300] =	vst v63  }
0x3b9: {  	v3 =	vld [tilespmem:$0x110];
	_ =	sdelay $0x4  }
0x3ba: {  	v51 =	vshrl.u32 v3, $0x3  }
0x3bb: {  	v4 =	vmul.u32 $0x30, v51  }
0x3bc: {  	v3 =	vand.u32 $0x7, v3  }
0x3bd: {  	v3 =	vor.u32 v3, v4  }
0x3be: {  	v4 =	vperm.xlane v3, v0;
	_ =	sdelay $0x1  }
0x3bf: {  	v4 =	vadd.s32 v1, v4;
	_ =	sdelay $0x3  }
0x3c0: {  	s29 =	simm.s32 $0x3300;
	v3 =	vperm.xlane v3, v2  }
0x3c1: {  	[tilespmem:s29], [sflag:$0x1] =	stream.indirect_vreg.gather [hbm4b:s9+s2], $0x80, v4, vm0, $0xb8;
	[tilespmem:$0x18300] =	vst v63  }
0x3c2: {  	v3 =	vadd.s32 v1, v3;
	s29 =	simm.s32 $0x3B00  }
0x3c3: {  	[tilespmem:s29], [sflag:$0x1] =	stream.indirect_vreg.gather [hbm4b:s23+s2], $0x80, v4, vm0, $0xb8;
	[tilespmem:$0x18300] =	vst v63  }
0x3c4: {  	s29 =	simm.s32 $0x4300  }
0x3c5: {  	[tilespmem:s29], [sflag:$0x1] =	stream.indirect_vreg.gather [hbm4b:s24+s2], $0x80, v4, vm0, $0xb8;
	[tilespmem:$0x18300] =	vst v63  }
0x3c6: {  	s29 =	simm.s32 $0x4B00  }
0x3c7: {  	[tilespmem:s29], [sflag:$0x1] =	stream.indirect_vreg.gather [hbm4b:s9+s2], $0x80, v3, vm0, $0xb8;
	[tilespmem:$0x18300] =	vst v63  }
0x3c8: {  	s29 =	simm.s32 $0x5300  }
0x3c9: {  	[tilespmem:s29], [sflag:$0x1] =	stream.indirect_vreg.gather [hbm4b:s23+s2], $0x80, v3, vm0, $0xb8;
	[tilespmem:$0x18300] =	vst v63  }
0x3ca: {  	s29 =	simm.s32 $0x5B00  }
0x3cb: {  	[tilespmem:s29], [sflag:$0x1] =	stream.indirect_vreg.gather [hbm4b:s24+s2], $0x80, v3, vm0, $0xb8;
	[tilespmem:$0x18300] =	vst v63  }
0x3cc: {  	v3 =	vld [tilespmem:$0x120];
	_ =	sdelay $0x4  }
0x3cd: {  	v52 =	vshrl.u32 v3, $0x3  }
0x3ce: {  	v4 =	vmul.u32 $0x30, v52  }
0x3cf: {  	v3 =	vand.u32 $0x7, v3  }
0x3d0: {  	v3 =	vor.u32 v3, v4  }
0x3d1: {  	v4 =	vperm.xlane v3, v0;
	_ =	sdelay $0x1  }
0x3d2: {  	v4 =	vadd.s32 v1, v4;
	_ =	sdelay $0x3  }
0x3d3: {  	s29 =	simm.s32 $0x6300;
	v3 =	vperm.xlane v3, v2  }
0x3d4: {  	[tilespmem:s29], [sflag:$0x1] =	stream.indirect_vreg.gather [hbm4b:s9+s2], $0x80, v4, vm0, $0xb8;
	[tilespmem:$0x18300] =	vst v63  }
0x3d5: {  	v3 =	vadd.s32 v1, v3;
	s29 =	simm.s32 $0x6B00  }
0x3d6: {  	[tilespmem:s29], [sflag:$0x1] =	stream.indirect_vreg.gather [hbm4b:s23+s2], $0x80, v4, vm0, $0xb8;
	[tilespmem:$0x18300] =	vst v63  }
0x3d7: {  	s29 =	simm.s32 $0x7300  }
0x3d8: {  	[tilespmem:s29], [sflag:$0x1] =	stream.indirect_vreg.gather [hbm4b:s24+s2], $0x80, v4, vm0, $0xb8;
	[tilespmem:$0x18300] =	vst v63  }
0x3d9: {  	s29 =	simm.s32 $0x7B00  }
0x3da: {  	[tilespmem:s29], [sflag:$0x1] =	stream.indirect_vreg.gather [hbm4b:s9+s2], $0x80, v3, vm0, $0xb8;
	[tilespmem:$0x18300] =	vst v63  }
0x3db: {  	s29 =	simm.s32 $0x8300  }
0x3dc: {  	[tilespmem:s29], [sflag:$0x1] =	stream.indirect_vreg.gather [hbm4b:s23+s2], $0x80, v3, vm0, $0xb8;
	[tilespmem:$0x18300] =	vst v63  }
0x3dd: {  	s29 =	simm.s32 $0x8B00  }
0x3de: {  	[tilespmem:s29], [sflag:$0x1] =	stream.indirect_vreg.gather [hbm4b:s24+s2], $0x80, v3, vm0, $0xb8;
	[tilespmem:$0x18300] =	vst v63  }
0x3df: {  	_ =	swait.ge [sflag:s1], $0x9000  }
0x3e0: {  	[sflag:s1] =	ssyncset.done $0x0  }
0x3e1: {  	s29 =	rddreg [dreg:$0x10];
	[sflag:s1] =	ssyncadd.s32 $0xFFFF7000  }
0x3e2: {  	[hbm4b:s29+s2] =	stream.linear.scatter [tilespmem:s6], [sflag:$0x3], $0x9000, $0x38;
	[tilespmem:$0x18300] =	vst v63  }
0x3e3: {  	_ =	swait.ge [sflag:s16], $0x9000  }
0x3e4: {  	[sflag:s16] =	ssyncset.done $0x0  }
0x3e5: {  	[sflag:s16] =	ssyncadd.s32 $0xFFFF7000  }
0x3e6: {  	v3 =	vld [tilespmem:$0x180];
	_ =	sdelay $0x4  }
0x3e7: {  	v53 =	vshrl.u32 v3, $0x3  }
0x3e8: {  	v4 =	vmul.u32 $0x30, v53  }
0x3e9: {  	v3 =	vand.u32 $0x7, v3  }
0x3ea: {  	v3 =	vor.u32 v3, v4  }
0x3eb: {  	v4 =	vperm.xlane v3, v0;
	_ =	sdelay $0x1  }
0x3ec: {  	v4 =	vadd.s32 v1, v4;
	_ =	sdelay $0x3  }
0x3ed: {  	v3 =	vperm.xlane v3, v2  }
0x3ee: {  	[tilespmem:s26], [sflag:$0x2] =	stream.indirect_vreg.gather [hbm4b:s9+s2], $0x80, v4, vm0, $0xb8;
	[tilespmem:$0x18300] =	vst v63  }
0x3ef: {  	v3 =	vadd.s32 v1, v3;
	s26 =	simm.s32 $0x9B00  }
0x3f0: {  	[tilespmem:s26], [sflag:$0x2] =	stream.indirect_vreg.gather [hbm4b:s23+s2], $0x80, v4, vm0, $0xb8;
	[tilespmem:$0x18300] =	vst v63  }
0x3f1: {  	s29 =	simm.s32 $0xA300  }
0x3f2: {  	[tilespmem:s29], [sflag:$0x2] =	stream.indirect_vreg.gather [hbm4b:s24+s2], $0x80, v4, vm0, $0xb8;
	[tilespmem:$0x18300] =	vst v63  }
0x3f3: {  	s26 =	simm.s32 $0xAB00  }
0x3f4: {  	[tilespmem:s26], [sflag:$0x2] =	stream.indirect_vreg.gather [hbm4b:s9+s2], $0x80, v3, vm0, $0xb8;
	[tilespmem:$0x18300] =	vst v63  }
0x3f5: {  	s28 =	simm.s32 $0xB300  }
0x3f6: {  	[tilespmem:s28], [sflag:$0x2] =	stream.indirect_vreg.gather [hbm4b:s23+s2], $0x80, v3, vm0, $0xb8;
	[tilespmem:$0x18300] =	vst v63  }
0x3f7: {  	s29 =	simm.s32 $0xBB00  }
0x3f8: {  	[tilespmem:s29], [sflag:$0x2] =	stream.indirect_vreg.gather [hbm4b:s24+s2], $0x80, v3, vm0, $0xb8;
	[tilespmem:$0x18300] =	vst v63  }
0x3f9: {  	v3 =	vld [tilespmem:$0x190];
	_ =	sdelay $0x4  }
0x3fa: {  	v54 =	vshrl.u32 v3, $0x3  }
0x3fb: {  	v4 =	vmul.u32 $0x30, v54  }
0x3fc: {  	v3 =	vand.u32 $0x7, v3  }
0x3fd: {  	v3 =	vor.u32 v3, v4  }
0x3fe: {  	v4 =	vperm.xlane v3, v0;
	_ =	sdelay $0x1  }
0x3ff: {  	v4 =	vadd.s32 v1, v4;
	_ =	sdelay $0x3  }
0x400: {  	s11 =	simm.s32 $0xC300;
	v3 =	vperm.xlane v3, v2  }
0x401: {  	[tilespmem:s11], [sflag:$0x2] =	stream.indirect_vreg.gather [hbm4b:s9+s2], $0x80, v4, vm0, $0xb8;
	[tilespmem:$0x18300] =	vst v63  }
0x402: {  	s25 =	simm.s32 $0xCB00;
	v3 =	vadd.s32 v1, v3  }
0x403: {  	[tilespmem:s25], [sflag:$0x2] =	stream.indirect_vreg.gather [hbm4b:s23+s2], $0x80, v4, vm0, $0xb8;
	[tilespmem:$0x18300] =	vst v63  }
0x404: {  	s26 =	simm.s32 $0xD300  }
0x405: {  	[tilespmem:s26], [sflag:$0x2] =	stream.indirect_vreg.gather [hbm4b:s24+s2], $0x80, v4, vm0, $0xb8;
	[tilespmem:$0x18300] =	vst v63  }
0x406: {  	s31 =	simm.s32 $0xDB00  }
0x407: {  	[tilespmem:s31], [sflag:$0x2] =	stream.indirect_vreg.gather [hbm4b:s9+s2], $0x80, v3, vm0, $0xb8;
	[tilespmem:$0x18300] =	vst v63  }
0x408: {  	s28 =	simm.s32 $0xE300  }
0x409: {  	[tilespmem:s28], [sflag:$0x2] =	stream.indirect_vreg.gather [hbm4b:s23+s2], $0x80, v3, vm0, $0xb8;
	[tilespmem:$0x18300] =	vst v63  }
0x40a: {  	s12 =	simm.s32 $0xEB00  }
0x40b: {  	[tilespmem:s12], [sflag:$0x2] =	stream.indirect_vreg.gather [hbm4b:s24+s2], $0x80, v3, vm0, $0xb8;
	[tilespmem:$0x18300] =	vst v63  }
0x40c: {  	v3 =	vld [tilespmem:$0x1A0];
	_ =	sdelay $0x4  }
0x40d: {  	v55 =	vshrl.u32 v3, $0x3  }
0x40e: {  	v4 =	vmul.u32 $0x30, v55  }
0x40f: {  	v3 =	vand.u32 $0x7, v3  }
0x410: {  	v3 =	vor.u32 v3, v4  }
0x411: {  	v4 =	vperm.xlane v3, v0;
	_ =	sdelay $0x1  }
0x412: {  	v4 =	vadd.s32 v1, v4;
	_ =	sdelay $0x3  }
0x413: {  	s13 =	simm.s32 $0xF300;
	v3 =	vperm.xlane v3, v2  }
0x414: {  	[tilespmem:s13], [sflag:$0x2] =	stream.indirect_vreg.gather [hbm4b:s9+s2], $0x80, v4, vm0, $0xb8;
	[tilespmem:$0x18300] =	vst v63  }
0x415: {  	s29 =	simm.s32 $0xFB00;
	v3 =	vadd.s32 v1, v3  }
0x416: {  	[tilespmem:s29], [sflag:$0x2] =	stream.indirect_vreg.gather [hbm4b:s23+s2], $0x80, v4, vm0, $0xb8;
	[tilespmem:$0x18300] =	vst v63  }
0x417: {  	_ = 	snop  }
0x418: {  	[tilespmem:s0], [sflag:$0x2] =	stream.indirect_vreg.gather [hbm4b:s24+s2], $0x80, v4, vm0, $0xb8;
	[tilespmem:$0x18300] =	vst v63  }
0x419: {  	s31 =	simm.s32 $0x10B00  }
0x41a: {  	[tilespmem:s31], [sflag:$0x2] =	stream.indirect_vreg.gather [hbm4b:s9+s2], $0x80, v3, vm0, $0xb8;
	[tilespmem:$0x18300] =	vst v63  }
0x41b: {  	s8 =	simm.s32 $0x11300  }
0x41c: {  	[tilespmem:s8], [sflag:$0x2] =	stream.indirect_vreg.gather [hbm4b:s23+s2], $0x80, v3, vm0, $0xb8;
	[tilespmem:$0x18300] =	vst v63  }
0x41d: {  	s30 =	simm.s32 $0x11B00  }
0x41e: {  	[tilespmem:s30], [sflag:$0x2] =	stream.indirect_vreg.gather [hbm4b:s24+s2], $0x80, v3, vm0, $0xb8;
	[tilespmem:$0x18300] =	vst v63  }
0x41f: {  	_ =	swait.ge [sflag:s14], $0x9000  }
0x420: {  	[sflag:s14] =	ssyncset.done $0x0  }
0x421: {  	s6 =	simm.s32 $0x9300;
	s0 =	rddreg [dreg:$0x11];
	[sflag:s14] =	ssyncadd.s32 $0xFFFF7000  }
0x422: {  	[hbm4b:s0+s2] =	stream.linear.scatter [tilespmem:s6], [sflag:$0x4], $0x9000, $0x38;
	[tilespmem:$0x18300] =	vst v63  }
0x423: {  	_ =	swait.ge [sflag:s15], $0x9000  }
0x424: {  	[sflag:s15] =	ssyncset.done $0x0  }
0x425: {  	[sflag:s15] =	ssyncadd.s32 $0xFFFF7000  }
0x426: {  	_ =	swait.ge [sflag:s16], $0x9000  }
0x427: {  	[sflag:s16] =	ssyncset.done $0x0  }
0x428: {  	[sflag:s16] =	ssyncadd.s32 $0xFFFF7000  }
0x429: {  	v3 =	vld [tilespmem:$0x200];
	_ =	sdelay $0x4  }
0x42a: {  	v56 =	vshrl.u32 v3, $0x3  }
0x42b: {  	v4 =	vmul.u32 $0x30, v56  }
0x42c: {  	v3 =	vand.u32 $0x7, v3  }
0x42d: {  	v3 =	vor.u32 v3, v4  }
0x42e: {  	v4 =	vperm.xlane v3, v0;
	_ =	sdelay $0x1  }
0x42f: {  	v4 =	vadd.s32 v1, v4;
	_ =	sdelay $0x3  }
0x430: {  	s12 =	simm.s32 $0x12300;
	v3 =	vperm.xlane v3, v2  }
0x431: {  	[tilespmem:s12], [sflag:$0x1] =	stream.indirect_vreg.gather [hbm4b:s4+s2], $0x80, v4, vm0, $0xb8;
	[tilespmem:$0x18300] =	vst v63  }
0x432: {  	s25 =	simm.s32 $0x12B00;
	v3 =	vadd.s32 v1, v3  }
0x433: {  	[tilespmem:s25], [sflag:$0x1] =	stream.indirect_vreg.gather [hbm4b:s17+s2], $0x80, v4, vm0, $0xb8;
	[tilespmem:$0x18300] =	vst v63  }
0x434: {  	s26 =	simm.s32 $0x13300  }
0x435: {  	[tilespmem:s26], [sflag:$0x1] =	stream.indirect_vreg.gather [hbm4b:s18+s2], $0x80, v4, vm0, $0xb8;
	[tilespmem:$0x18300] =	vst v63  }
0x436: {  	s28 =	simm.s32 $0x13B00  }
0x437: {  	[tilespmem:s28], [sflag:$0x1] =	stream.indirect_vreg.gather [hbm4b:s4+s2], $0x80, v3, vm0, $0xb8;
	[tilespmem:$0x18300] =	vst v63  }
0x438: {  	s29 =	simm.s32 $0x14300  }
0x439: {  	[tilespmem:s29], [sflag:$0x1] =	stream.indirect_vreg.gather [hbm4b:s17+s2], $0x80, v3, vm0, $0xb8;
	[tilespmem:$0x18300] =	vst v63  }
0x43a: {  	s30 =	simm.s32 $0x14B00  }
0x43b: {  	[tilespmem:s30], [sflag:$0x1] =	stream.indirect_vreg.gather [hbm4b:s18+s2], $0x80, v3, vm0, $0xb8;
	[tilespmem:$0x18300] =	vst v63  }
0x43c: {  	_ =	swait.ge [sflag:s1], $0x3000  }
0x43d: {  	[sflag:s1] =	ssyncset.done $0x0  }
0x43e: {  	[sflag:s1] =	ssyncadd.s32 $0xFFFFD000  }
0x43f: {  	v3 =	vld [tilespmem:$0x280];
	_ =	sdelay $0x4  }
0x440: {  	v57 =	vshrl.u32 v3, $0x3  }
0x441: {  	v4 =	vmul.u32 $0x30, v57  }
0x442: {  	v3 =	vand.u32 $0x7, v3  }
0x443: {  	v3 =	vor.u32 v3, v4  }
0x444: {  	v4 =	vperm.xlane v3, v0;
	_ =	sdelay $0x1  }
0x445: {  	v4 =	vadd.s32 v1, v4;
	_ =	sdelay $0x3  }
0x446: {  	s8 =	rddreg [dreg:$0x17];
	v3 =	vperm.xlane v3, v2  }
0x447: {  	[hbm4b:s8+s2] =	stream.indirect_vreg.scatter [tilespmem:s12], [sflag:$0x3], $0x80, v4, vm0, $0xb8;
	[tilespmem:$0x18300] =	vst v63  }
0x448: {  	s11 =	sadd.s32 $0x100, s8;
	v3 =	vadd.s32 v1, v3  }
0x449: {  	[hbm4b:s11+s2] =	stream.indirect_vreg.scatter [tilespmem:s25], [sflag:$0x3], $0x80, v4, vm0, $0xb8;
	[tilespmem:$0x18300] =	vst v63  }
0x44a: {  	s13 =	sadd.s32 $0x200, s8  }
0x44b: {  	[hbm4b:s13+s2] =	stream.indirect_vreg.scatter [tilespmem:s26], [sflag:$0x3], $0x80, v4, vm0, $0xb8;
	[tilespmem:$0x18300] =	vst v63  }
0x44c: {  	_ = 	snop  }
0x44d: {  	[hbm4b:s8+s2] =	stream.indirect_vreg.scatter [tilespmem:s28], [sflag:$0x3], $0x80, v3, vm0, $0xb8;
	[tilespmem:$0x18300] =	vst v63  }
0x44e: {  	_ = 	snop  }
0x44f: {  	[hbm4b:s11+s2] =	stream.indirect_vreg.scatter [tilespmem:s29], [sflag:$0x3], $0x80, v3, vm0, $0xb8;
	[tilespmem:$0x18300] =	vst v63  }
0x450: {  	_ = 	snop  }
0x451: {  	[hbm4b:s13+s2] =	stream.indirect_vreg.scatter [tilespmem:s30], [sflag:$0x3], $0x80, v3, vm0, $0xb8;
	[tilespmem:$0x18300] =	vst v63  }
0x452: {  	v3 =	vld [tilespmem:$0x200];
	_ =	sdelay $0x4  }
0x453: {  	v58 =	vshrl.u32 v3, $0x3  }
0x454: {  	v4 =	vmul.u32 $0x30, v58  }
0x455: {  	v3 =	vand.u32 $0x7, v3  }
0x456: {  	v3 =	vor.u32 v3, v4  }
0x457: {  	v4 =	vperm.xlane v3, v0;
	_ =	sdelay $0x1  }
0x458: {  	v4 =	vadd.s32 v1, v4;
	_ =	sdelay $0x3  }
0x459: {  	s6 =	simm.s32 $0x15300;
	v3 =	vperm.xlane v3, v2  }
0x45a: {  	[tilespmem:s6], [sflag:$0x2] =	stream.indirect_vreg.gather [hbm4b:s5+s2], $0x80, v4, vm0, $0xb8;
	[tilespmem:$0x18300] =	vst v63  }
0x45b: {  	s31 =	simm.s32 $0x15B00;
	v3 =	vadd.s32 v1, v3  }
0x45c: {  	[tilespmem:s31], [sflag:$0x2] =	stream.indirect_vreg.gather [hbm4b:s19+s2], $0x80, v4, vm0, $0xb8;
	[tilespmem:$0x18300] =	vst v63  }
0x45d: {  	s11 =	simm.s32 $0x16300  }
0x45e: {  	[tilespmem:s11], [sflag:$0x2] =	stream.indirect_vreg.gather [hbm4b:s20+s2], $0x80, v4, vm0, $0xb8;
	[tilespmem:$0x18300] =	vst v63  }
0x45f: {  	s13 =	simm.s32 $0x16B00  }
0x460: {  	[tilespmem:s13], [sflag:$0x2] =	stream.indirect_vreg.gather [hbm4b:s5+s2], $0x80, v3, vm0, $0xb8;
	[tilespmem:$0x18300] =	vst v63  }
0x461: {  	s0 =	simm.s32 $0x17300  }
0x462: {  	[tilespmem:s0], [sflag:$0x2] =	stream.indirect_vreg.gather [hbm4b:s19+s2], $0x80, v3, vm0, $0xb8;
	[tilespmem:$0x18300] =	vst v63  }
0x463: {  	s19 =	simm.s32 $0x17B00  }
0x464: {  	[tilespmem:s19], [sflag:$0x2] =	stream.indirect_vreg.gather [hbm4b:s20+s2], $0x80, v3, vm0, $0xb8;
	[tilespmem:$0x18300] =	vst v63  }
0x465: {  	_ =	swait.ge [sflag:s14], $0x3000  }
0x466: {  	[sflag:s14] =	ssyncset.done $0x0  }
0x467: {  	[sflag:s14] =	ssyncadd.s32 $0xFFFFD000  }
0x468: {  	v3 =	vld [tilespmem:$0x280];
	_ =	sdelay $0x4  }
0x469: {  	v59 =	vshrl.u32 v3, $0x3  }
0x46a: {  	v4 =	vmul.u32 $0x30, v59  }
0x46b: {  	v3 =	vand.u32 $0x7, v3  }
0x46c: {  	v3 =	vor.u32 v3, v4  }
0x46d: {  	v4 =	vperm.xlane v3, v0;
	_ =	sdelay $0x1  }
0x46e: {  	v4 =	vadd.s32 v1, v4;
	_ =	sdelay $0x3  }
0x46f: {  	s17 =	rddreg [dreg:$0x14];
	v3 =	vperm.xlane v3, v2  }
0x470: {  	[hbm4b:s17+s2] =	stream.indirect_vreg.scatter [tilespmem:s6], [sflag:$0x4], $0x80, v4, vm0, $0xb8;
	[tilespmem:$0x18300] =	vst v63  }
0x471: {  	s18 =	sadd.s32 $0x100, s17;
	v3 =	vadd.s32 v1, v3  }
0x472: {  	[hbm4b:s18+s2] =	stream.indirect_vreg.scatter [tilespmem:s31], [sflag:$0x4], $0x80, v4, vm0, $0xb8;
	[tilespmem:$0x18300] =	vst v63  }
0x473: {  	s20 =	sadd.s32 $0x200, s17  }
0x474: {  	[hbm4b:s20+s2] =	stream.indirect_vreg.scatter [tilespmem:s11], [sflag:$0x4], $0x80, v4, vm0, $0xb8;
	[tilespmem:$0x18300] =	vst v63  }
0x475: {  	_ = 	snop  }
0x476: {  	[hbm4b:s17+s2] =	stream.indirect_vreg.scatter [tilespmem:s13], [sflag:$0x4], $0x80, v3, vm0, $0xb8;
	[tilespmem:$0x18300] =	vst v63  }
0x477: {  	_ = 	snop  }
0x478: {  	[hbm4b:s18+s2] =	stream.indirect_vreg.scatter [tilespmem:s0], [sflag:$0x4], $0x80, v3, vm0, $0xb8;
	[tilespmem:$0x18300] =	vst v63  }
0x479: {  	_ = 	snop  }
0x47a: {  	[hbm4b:s20+s2] =	stream.indirect_vreg.scatter [tilespmem:s19], [sflag:$0x4], $0x80, v3, vm0, $0xb8;
	[tilespmem:$0x18300] =	vst v63  }
0x47b: {  	_ =	swait.ge [sflag:s15], $0x3000  }
0x47c: {  	[sflag:s15] =	ssyncset.done $0x0  }
0x47d: {  	[sflag:s15] =	ssyncadd.s32 $0xFFFFD000  }
0x47e: {  	v3 =	vld [tilespmem:$0x200];
	_ =	sdelay $0x4  }
0x47f: {  	v60 =	vshrl.u32 v3, $0x3  }
0x480: {  	v4 =	vmul.u32 $0x30, v60  }
0x481: {  	v3 =	vand.u32 $0x7, v3  }
0x482: {  	v3 =	vor.u32 v3, v4  }
0x483: {  	v4 =	vperm.xlane v3, v0;
	_ =	sdelay $0x1  }
0x484: {  	v4 =	vadd.s32 v1, v4;
	_ =	sdelay $0x3  }
0x485: {  	v3 =	vperm.xlane v3, v2  }
0x486: {  	[tilespmem:s12], [sflag:$0x1] =	stream.indirect_vreg.gather [hbm4b:s7+s2], $0x80, v4, vm0, $0xb8;
	[tilespmem:$0x18300] =	vst v63  }
0x487: {  	v3 =	vadd.s32 v1, v3  }
0x488: {  	[tilespmem:s25], [sflag:$0x1] =	stream.indirect_vreg.gather [hbm4b:s21+s2], $0x80, v4, vm0, $0xb8;
	[tilespmem:$0x18300] =	vst v63  }
0x489: {  	_ = 	snop  }
0x48a: {  	[tilespmem:s26], [sflag:$0x1] =	stream.indirect_vreg.gather [hbm4b:s22+s2], $0x80, v4, vm0, $0xb8;
	[tilespmem:$0x18300] =	vst v63  }
0x48b: {  	_ = 	snop  }
0x48c: {  	[tilespmem:s28], [sflag:$0x1] =	stream.indirect_vreg.gather [hbm4b:s7+s2], $0x80, v3, vm0, $0xb8;
	[tilespmem:$0x18300] =	vst v63  }
0x48d: {  	_ = 	snop  }
0x48e: {  	[tilespmem:s29], [sflag:$0x1] =	stream.indirect_vreg.gather [hbm4b:s21+s2], $0x80, v3, vm0, $0xb8;
	[tilespmem:$0x18300] =	vst v63  }
0x48f: {  	_ = 	snop  }
0x490: {  	[tilespmem:s30], [sflag:$0x1] =	stream.indirect_vreg.gather [hbm4b:s22+s2], $0x80, v3, vm0, $0xb8;
	[tilespmem:$0x18300] =	vst v63  }
0x491: {  	_ =	swait.ge [sflag:s1], $0x3000  }
0x492: {  	[sflag:s1] =	ssyncset.done $0x0  }
0x493: {  	[sflag:s1] =	ssyncadd.s32 $0xFFFFD000  }
0x494: {  	v3 =	vld [tilespmem:$0x280];
	_ =	sdelay $0x4  }
0x495: {  	v61 =	vshrl.u32 v3, $0x3  }
0x496: {  	v4 =	vmul.u32 $0x30, v61  }
0x497: {  	v3 =	vand.u32 $0x7, v3  }
0x498: {  	v3 =	vor.u32 v3, v4  }
0x499: {  	v4 =	vperm.xlane v3, v0;
	_ =	sdelay $0x1  }
0x49a: {  	v4 =	vadd.s32 v1, v4;
	_ =	sdelay $0x3  }
0x49b: {  	v3 =	vperm.xlane v3, v2  }
0x49c: {  	[hbm4b:s10+s2] =	stream.indirect_vreg.scatter [tilespmem:s12], [sflag:$0x3], $0x80, v4, vm0, $0xb8;
	[tilespmem:$0x18300] =	vst v63  }
0x49d: {  	s22 =	sadd.s32 $0x100, s10;
	v3 =	vadd.s32 v1, v3  }
0x49e: {  	[hbm4b:s22+s2] =	stream.indirect_vreg.scatter [tilespmem:s25], [sflag:$0x3], $0x80, v4, vm0, $0xb8;
	[tilespmem:$0x18300] =	vst v63  }
0x49f: {  	s25 =	sadd.s32 $0x200, s10  }
0x4a0: {  	[hbm4b:s25+s2] =	stream.indirect_vreg.scatter [tilespmem:s26], [sflag:$0x3], $0x80, v4, vm0, $0xb8;
	[tilespmem:$0x18300] =	vst v63  }
0x4a1: {  	_ = 	snop  }
0x4a2: {  	[hbm4b:s10+s2] =	stream.indirect_vreg.scatter [tilespmem:s28], [sflag:$0x3], $0x80, v3, vm0, $0xb8;
	[tilespmem:$0x18300] =	vst v63  }
0x4a3: {  	_ = 	snop  }
0x4a4: {  	[hbm4b:s22+s2] =	stream.indirect_vreg.scatter [tilespmem:s29], [sflag:$0x3], $0x80, v3, vm0, $0xb8;
	[tilespmem:$0x18300] =	vst v63  }
0x4a5: {  	_ = 	snop  }
0x4a6: {  	[hbm4b:s25+s2] =	stream.indirect_vreg.scatter [tilespmem:s30], [sflag:$0x3], $0x80, v3, vm0, $0xb8;
	[tilespmem:$0x18300] =	vst v63  }
0x4a7: {  	_ =	swait.ge [sflag:s16], $0x3000  }
0x4a8: {  	[sflag:s16] =	ssyncset.done $0x0  }
0x4a9: {  	[sflag:s16] =	ssyncadd.s32 $0xFFFFD000  }
0x4aa: {  	v3 =	vld [tilespmem:$0x200];
	_ =	sdelay $0x4  }
0x4ab: {  	v62 =	vshrl.u32 v3, $0x3  }
0x4ac: {  	v4 =	vmul.u32 $0x30, v62  }
0x4ad: {  	v3 =	vand.u32 $0x7, v3  }
0x4ae: {  	v3 =	vor.u32 v3, v4  }
0x4af: {  	v4 =	vperm.xlane v3, v0;
	_ =	sdelay $0x1  }
0x4b0: {  	v4 =	vadd.s32 v1, v4;
	_ =	sdelay $0x3  }
0x4b1: {  	v3 =	vperm.xlane v3, v2  }
0x4b2: {  	[tilespmem:s6], [sflag:$0x2] =	stream.indirect_vreg.gather [hbm4b:s9+s2], $0x80, v4, vm0, $0xb8;
	[tilespmem:$0x18300] =	vst v63  }
0x4b3: {  	v3 =	vadd.s32 v1, v3  }
0x4b4: {  	[tilespmem:s31], [sflag:$0x2] =	stream.indirect_vreg.gather [hbm4b:s23+s2], $0x80, v4, vm0, $0xb8;
	[tilespmem:$0x18300] =	vst v63  }
0x4b5: {  	_ = 	snop  }
0x4b6: {  	[tilespmem:s11], [sflag:$0x2] =	stream.indirect_vreg.gather [hbm4b:s24+s2], $0x80, v4, vm0, $0xb8;
	[tilespmem:$0x18300] =	vst v63  }
0x4b7: {  	_ = 	snop  }
0x4b8: {  	[tilespmem:s13], [sflag:$0x2] =	stream.indirect_vreg.gather [hbm4b:s9+s2], $0x80, v3, vm0, $0xb8;
	[tilespmem:$0x18300] =	vst v63  }
0x4b9: {  	_ = 	snop  }
0x4ba: {  	[tilespmem:s0], [sflag:$0x2] =	stream.indirect_vreg.gather [hbm4b:s23+s2], $0x80, v3, vm0, $0xb8;
	[tilespmem:$0x18300] =	vst v63  }
0x4bb: {  	_ = 	snop  }
0x4bc: {  	[tilespmem:s19], [sflag:$0x2] =	stream.indirect_vreg.gather [hbm4b:s24+s2], $0x80, v3, vm0, $0xb8;
	[tilespmem:$0x18300] =	vst v63  }
0x4bd: {  	_ =	swait.ge [sflag:s14], $0x3000  }
0x4be: {  	[sflag:s14] =	ssyncset.done $0x0  }
0x4bf: {  	[sflag:s14] =	ssyncadd.s32 $0xFFFFD000  }
0x4c0: {  	v3 =	vld [tilespmem:$0x280];
	_ =	sdelay $0x4  }
0x4c1: {  	v63 =	vshrl.u32 v3, $0x3  }
0x4c2: {  	v4 =	vmul.u32 $0x30, v63  }
0x4c3: {  	v3 =	vand.u32 $0x7, v3  }
0x4c4: {  	v3 =	vor.u32 v3, v4  }
0x4c5: {  	v4 =	vperm.xlane v3, v0;
	_ =	sdelay $0x1  }
0x4c6: {  	v4 =	vadd.s32 v1, v4;
	_ =	sdelay $0x3  }
0x4c7: {  	v3 =	vperm.xlane v3, v2  }
0x4c8: {  	[hbm4b:s3+s2] =	stream.indirect_vreg.scatter [tilespmem:s6], [sflag:$0x4], $0x80, v4, vm0, $0xb8;
	[tilespmem:$0x18300] =	vst v63  }
0x4c9: {  	s29 =	sadd.s32 $0x100, s3;
	v3 =	vadd.s32 v1, v3  }
0x4ca: {  	[hbm4b:s29+s2] =	stream.indirect_vreg.scatter [tilespmem:s31], [sflag:$0x4], $0x80, v4, vm0, $0xb8;
	[tilespmem:$0x18300] =	vst v63  }
0x4cb: {  	s30 =	sadd.s32 $0x200, s3  }
0x4cc: {  	[hbm4b:s30+s2] =	stream.indirect_vreg.scatter [tilespmem:s11], [sflag:$0x4], $0x80, v4, vm0, $0xb8;
	[tilespmem:$0x18300] =	vst v63  }
0x4cd: {  	_ = 	snop  }
0x4ce: {  	[hbm4b:s3+s2] =	stream.indirect_vreg.scatter [tilespmem:s13], [sflag:$0x4], $0x80, v3, vm0, $0xb8;
	[tilespmem:$0x18300] =	vst v63  }
0x4cf: {  	_ = 	snop  }
0x4d0: {  	[hbm4b:s29+s2] =	stream.indirect_vreg.scatter [tilespmem:s0], [sflag:$0x4], $0x80, v3, vm0, $0xb8;
	[tilespmem:$0x18300] =	vst v63  }
0x4d1: {  	s31 =	rddreg [dreg:$0x18]  }
0x4d2: {  	[hbm4b:s30+s2] =	stream.indirect_vreg.scatter [tilespmem:s19], [sflag:$0x4], $0x80, v3, vm0, $0xb8;
	[tilespmem:$0x18300] =	vst v63  }
0x4d3: {  	p0 =	sne.s32 s31, $0x1;
	_ =	swait.ge [sflag:s15], $0x3000  }
.Ltmp0:
0x4d4: {  	[sflag:s15] =	ssyncset.done $0x0;
	(pc) =	sbr.rel @p0 .LBB2_1-.Ltmp0, $4  }
0x4d5: {  	[sflag:s15] =	ssyncadd.s32 $0xFFFFD000  }
0x4d6: {  	_ =	swait.ge [sflag:s16], $0x3000  }
0x4d7: {  	[sflag:s16] =	ssyncset.done $0x0  }
0x4d8: {  	s3 =	sadd.s32 $0xFFFFFFFF, s31;
	[sflag:s16] =	ssyncadd.s32 $0xFFFFD000  }
0x4d9: {  	_ =	sfence.sel $0x180000  }
0x4da: {  	[bflag:$0x0] =	sbarrier.arrive $0xFFFF  }
0x4db: {  	_ =	strace $0x90000047  }
0x4dc: {  	s0 =	stileid.u32;
	[bflag:$0x2] =	sbarrier.arrive $0xFFFF  }
0x4dd: {  	p0 =	sne.s32 s0, $0x0;
	s0 =	rddreg [dreg:$0x2]  }
0x4de: {  	s0 =	sadd.s32 @!p0 $0x100000, s0  }
0x4df: {  	[sflag:s0] =	ssyncadd.tile.s32 @!p0 $0x1;
	_ =	shalt  }
.Lfunc_end2:
_tile_overlayer_lowered:
.L_overlay_start_2:
0x4e0: {  	(tag) =	ssettag $0x2  }
0x4e1: {  	s0 =	rddreg [dreg:$0x0];
	s2 =	stileid.u32  }
0x4e2: {  	s1 =	rddreg [dreg:$0x1];
	p0 =	sne.s32 s2, $0x0  }
0x4e3: {  	s3 =	rddreg [dreg:$0x2];
	[bflag:$0x3] =	sbarrier.arrive $0xFFFF;
	s2 =	simm.s32 @!p0 $0x1C05  }
0x4e4: {  	[timem:s3], [sflag:s2] =	dma.local @!p0 [hbm:s0], s1  }
0x4e5: {  	s0 =	simm.s32 @!p0 $0x5  }
0x4e6: {  	_ =	swait.ge @!p0 [sflag:s0], s1  }
0x4e7: {  	s1 =	ssub.s32 @!p0 $0x0, s1;
	[sflag:s0] =	ssyncset.done @!p0 $0x0  }
0x4e8: {  	[sflag:s0] =	ssyncadd.s32 @!p0 s1  }
0x4e9: {  	[bflag:$0x3] =	sbarrier.arrive $0xFFFF  }
0x4ea: {  	_ =	shalt  }

</sc_bundles>
